<compile_context>
chip_gen: v7x
topology: tpu7x:2x2x1
jax: 0.10.2.dev20260603
libtpu: 0.0.44.dev20260713+nightly
codegen_flags: <defaults>
</compile_context>

<pallas_src>
import functools

import jax
import jax.numpy as jnp
from jax import lax
from jax.experimental import pallas as pl
from jax.experimental.pallas import tpu as pltpu
from jax.experimental.pallas import tpu_sc as plsc

T = 2048
H = 768
F = 1024
E = 16
BLK = 288
BT = 256
NBLK = -(-T * 2 // BLK) + E
NSLOTS = NBLK * BLK

NC, NS = 2, 16
NW = NC * NS



def _router_body(x_ref, rw_ref, rb_ref,
                 slot_ref, w_ref, eob_ref, act_ref,
                 scan_ref):
    x = x_ref[...]
    logits = lax.dot_general(
        x, rw_ref[...], (((1,), (1,)), ((), ())),
        preferred_element_type=jnp.float32) + rb_ref[...]

    ids = lax.broadcasted_iota(jnp.int32, (T, E), 1)
    m1 = jnp.max(logits, axis=1, keepdims=True)
    i1 = jnp.min(jnp.where(logits == m1, ids, E), axis=1, keepdims=True)
    masked = jnp.where(ids == i1, -jnp.inf, logits)
    m2 = jnp.max(masked, axis=1, keepdims=True)
    i2 = jnp.min(jnp.where(masked == m2, ids, E), axis=1, keepdims=True)

    e2 = jnp.exp(m2 - m1)
    p1 = 1.0 / (1.0 + e2)
    p2 = 1.0 - p1
    w_ref[0:T, :] = jnp.broadcast_to(p1, (T, E))
    w_ref[T:2 * T, :] = jnp.broadcast_to(p2, (T, E))

    h1 = (ids == i1).astype(jnp.float32)
    h2 = (ids == i2).astype(jnp.float32)
    hsum = h1 + h2

    rr = lax.broadcasted_iota(jnp.int32, (BT, BT), 0)
    cc = lax.broadcasted_iota(jnp.int32, (BT, BT), 1)
    tril = (rr > cc).astype(jnp.float32)
    carry = jnp.zeros((1, E), jnp.float32)
    for b in range(T // BT):
        hb = hsum[b * BT:(b + 1) * BT, :]
        scan_ref[b * BT:(b + 1) * BT, :] = carry + lax.dot_general(
            tril, hb, (((1,), (0,)), ((), ())),
            preferred_element_type=jnp.float32)
        carry = carry + jnp.sum(hb, axis=0, keepdims=True)

    counts = carry.astype(jnp.int32)
    pc = ((counts + (BLK - 1)) // BLK) * BLK
    pc_f = pc.astype(jnp.float32)
    ee = lax.broadcasted_iota(jnp.int32, (E, E), 0)
    ff = lax.broadcasted_iota(jnp.int32, (E, E), 1)
    le = (ff < ee).astype(jnp.float32)
    poff_f = lax.dot_general(pc_f, le, (((1,), (1,)), ((), ())),
                             preferred_element_type=jnp.float32)
    poff = poff_f.astype(jnp.int32)
    ends = poff + pc
    total = jnp.sum(pc, axis=1, keepdims=True)

    poss = lax.broadcasted_iota(jnp.int32, (NBLK, E), 0) * BLK
    eob = jnp.sum((jnp.broadcast_to(ends, (NBLK, E)) <= poss).astype(jnp.int32),
                  axis=1, keepdims=True)
    eob_ref[...] = jnp.minimum(eob, E - 1)
    act_ref[...] = (poss[:, 0:1] < total).astype(jnp.int32)

    for b in range(T // BT):
        sl = slice(b * BT, (b + 1) * BT)
        sb = scan_ref[sl, :]
        h1b, h2b = h1[sl, :], h2[sl, :]
        base0 = jnp.sum(h1b * poff_f, axis=1, keepdims=True)
        base1 = jnp.sum(h2b * poff_f, axis=1, keepdims=True)
        r0 = jnp.sum(h1b * sb, axis=1, keepdims=True)
        r1 = jnp.sum(h2b * sb, axis=1, keepdims=True)
        slot_ref[b * BT:(b + 1) * BT, :] = (base0 + r0).astype(jnp.int32)
        slot_ref[T + b * BT:T + (b + 1) * BT, :] = (base1 + r1).astype(jnp.int32)


def _run_router(x2d, rw, rb2d):
    out_shapes = (
        jax.ShapeDtypeStruct((2 * T, 1), jnp.int32),
        jax.ShapeDtypeStruct((2 * T, E), jnp.float32),
        jax.ShapeDtypeStruct((NBLK, 1), jnp.int32),
        jax.ShapeDtypeStruct((NBLK, 1), jnp.int32),
    )
    return pl.pallas_call(
        _router_body,
        out_shape=out_shapes,
        scratch_shapes=[pltpu.VMEM((T, E), jnp.float32)],
    )(x2d, rw, rb2d)



@functools.cache
def _sc_mesh():
    return plsc.VectorSubcoreMesh(core_axis_name="c", subcore_axis_name="s",
                                  num_cores=NC, num_subcores=NS)


_PAIRS_PER_W = 2 * T // NW


_HALF = _PAIRS_PER_W // 2


def _dispatch_body(x_hbm, slot_hbm, xs_hbm, slot_v0, slot_v1, rows_v0,
                   rows_v1, rsem, wsem):
    wid = lax.axis_index("s") * NC + lax.axis_index("c")
    base = wid * _PAIRS_PER_W
    tok_base = base % T
    pltpu.sync_copy(slot_hbm.at[pl.ds(base, _HALF)], slot_v0)
    pltpu.sync_copy(slot_hbm.at[pl.ds(base + _HALF, _HALF)], slot_v1)
    r0 = pltpu.async_copy(x_hbm.at[pl.ds(tok_base, _HALF)], rows_v0, rsem)
    r1 = pltpu.async_copy(x_hbm.at[pl.ds(tok_base + _HALF, _HALF)], rows_v1,
                          rsem)
    r0.wait()
    w0 = pltpu.async_copy(rows_v0, xs_hbm.at[slot_v0], wsem)
    r1.wait()
    w1 = pltpu.async_copy(rows_v1, xs_hbm.at[slot_v1], wsem)
    w0.wait()
    w1.wait()


def _run_dispatch(x2d, slot_cat):
    k = pl.kernel(
        _dispatch_body,
        out_type=jax.ShapeDtypeStruct((NSLOTS, H), jnp.float32),
        mesh=_sc_mesh(),
        scratch_types=[
            pltpu.VMEM((_HALF,), jnp.int32),
            pltpu.VMEM((_HALF,), jnp.int32),
            pltpu.VMEM((_HALF, H), jnp.float32),
            pltpu.VMEM((_HALF, H), jnp.float32),
            pltpu.SemaphoreType.DMA,
            pltpu.SemaphoreType.DMA,
        ],
    )
    return k(x2d, slot_cat)



def _expert_body(eob_ref, act_ref, x_ref, gw_ref, gb_ref, uw_ref, ub_ref,
                 dw_ref, db_ref, y_ref):
    b = pl.program_id(0)

    @pl.when(act_ref[b] == 1)
    def _():
        x = x_ref[...]
        g = lax.dot_general(x, gw_ref[0], (((1,), (1,)), ((), ())),
                            preferred_element_type=jnp.float32) + gb_ref[0]
        u = lax.dot_general(x, uw_ref[0], (((1,), (1,)), ((), ())),
                            preferred_element_type=jnp.float32) + ub_ref[0]
        a = g * jax.nn.sigmoid(g) * u
        y_ref[...] = lax.dot_general(
            a, dw_ref[0], (((1,), (1,)), ((), ())),
            preferred_element_type=jnp.float32) + db_ref[0]


def _run_experts(xs, gate_w, gate_b, up_w, up_b, down_w, down_b, eob, act):
    grid_spec = pltpu.PrefetchScalarGridSpec(
        num_scalar_prefetch=2,
        grid=(NBLK,),
        in_specs=[
            pl.BlockSpec((BLK, H), lambda b, eob, act: (act[b] * b, 0)),
            pl.BlockSpec((1, F, H), lambda b, eob, act: (eob[b], 0, 0)),
            pl.BlockSpec((1, 1, F), lambda b, eob, act: (eob[b], 0, 0)),
            pl.BlockSpec((1, F, H), lambda b, eob, act: (eob[b], 0, 0)),
            pl.BlockSpec((1, 1, F), lambda b, eob, act: (eob[b], 0, 0)),
            pl.BlockSpec((1, H, F), lambda b, eob, act: (eob[b], 0, 0)),
            pl.BlockSpec((1, 1, H), lambda b, eob, act: (eob[b], 0, 0)),
        ],
        out_specs=pl.BlockSpec(
            (BLK, H),
            lambda b, eob, act: (act[b] * b + (1 - act[b]) * NBLK, 0)),
    )
    return pl.pallas_call(
        _expert_body,
        grid_spec=grid_spec,
        out_shape=jax.ShapeDtypeStruct((NSLOTS + BLK, H), jnp.float32),
        compiler_params=pltpu.CompilerParams(
            vmem_limit_bytes=128 * 1024 * 1024),
    )(eob, act, xs, gate_w, gate_b.reshape(E, 1, F), up_w,
      up_b.reshape(E, 1, F), down_w, down_b.reshape(E, 1, H))



_TOK_PER_W = T // NW
_CHUNK = 32
_NVEC = H // 16


def _combine_body(ys_hbm, slot_hbm, w_hbm, out_hbm,
                  s0_v, s1_v, a_v, b_v, w0_v, w1_v, gsem, osem):
    wid = lax.axis_index("s") * NC + lax.axis_index("c")
    nchunk = _TOK_PER_W // _CHUNK

    def fetch(c):
        base = wid * _TOK_PER_W + c * _CHUNK
        r = c % 2
        pltpu.sync_copy(slot_hbm.at[pl.ds(base, _CHUNK)], s0_v[r])
        pltpu.sync_copy(slot_hbm.at[pl.ds(T + base, _CHUNK)], s1_v[r])
        pltpu.sync_copy(w_hbm.at[pl.ds(base, _CHUNK)], w0_v[r])
        pltpu.sync_copy(w_hbm.at[pl.ds(T + base, _CHUNK)], w1_v[r])
        return (pltpu.async_copy(ys_hbm.at[s0_v[r]], a_v[r], gsem),
                pltpu.async_copy(ys_hbm.at[s1_v[r]], b_v[r], gsem))

    pend = fetch(0)
    wb = None
    for c in range(nchunk):
        r = c % 2
        if c + 1 < nchunk:
            nxt = fetch(c + 1)
        pend[0].wait()
        pend[1].wait()
        if c + 1 < nchunk:
            pend = nxt

        def row(i, _):
            wa = w0_v[r][i]
            wb_ = w1_v[r][i]
            for k in range(_NVEC):
                cs = pl.ds(k * 16, 16)
                a_v[r][i, cs] = wa * a_v[r][i, cs] + wb_ * b_v[r][i, cs]
            return 0

        lax.fori_loop(0, _CHUNK, row, 0)
        if wb is not None:
            wb.wait()
        base = wid * _TOK_PER_W + c * _CHUNK
        wb = pltpu.async_copy(a_v[r], out_hbm.at[pl.ds(base, _CHUNK)], osem)
    wb.wait()


def _run_combine(ys, slot_cat, wcat):
    k = pl.kernel(
        _combine_body,
        out_type=jax.ShapeDtypeStruct((T, H), jnp.float32),
        mesh=_sc_mesh(),
        scratch_types=[
            [pltpu.VMEM((_CHUNK,), jnp.int32)] * 2,
            [pltpu.VMEM((_CHUNK,), jnp.int32)] * 2,
            [pltpu.VMEM((_CHUNK, H), jnp.float32)] * 2,
            [pltpu.VMEM((_CHUNK, H), jnp.float32)] * 2,
            [pltpu.VMEM((_CHUNK, E), jnp.float32)] * 2,
            [pltpu.VMEM((_CHUNK, E), jnp.float32)] * 2,
            pltpu.SemaphoreType.DMA,
            pltpu.SemaphoreType.DMA,
        ],
    )
    return k(ys, slot_cat, wcat)



@jax.jit
def kernel(hidden_states, router_w, router_b, gate_w, gate_b, up_w, up_b,
           down_w, down_b):
    x2d = hidden_states.reshape(T, H)
    slot, wcat, eob, act = _run_router(x2d, router_w, router_b.reshape(1, E))
    slot_cat = slot.reshape(2 * T)
    xs = _run_dispatch(x2d, slot_cat)
    ys = _run_experts(xs, gate_w, gate_b, up_w, up_b, down_w, down_b,
                      eob.reshape(NBLK), act.reshape(NBLK))
    out = _run_combine(ys, slot_cat, wcat)
    return out.reshape(hidden_states.shape)

# --- scband reference (transcript-rebuilt; emitter-appended) ---
"""Pipeline reference for scband-mo-elayer-12850542149814 (READ-ONLY COPY).

The authoritative reference and input builder live on the scoring server;
editing this copy changes nothing except your own understanding.
"""

import jax, jax.numpy as jnp
import numpy as np

B, S, H = 1, 2048, 768
F = 1024
E = 16
K = 2


def _lin_init(key, shape, fan_in):
    return jax.random.uniform(key, shape, jnp.float32, -1.0, 1.0) / np.sqrt(fan_in)


def setup_inputs(seed: int = 0) -> dict:
    key = jax.random.key(seed)
    ks = jax.random.split(key, 10)
    return {
        "hidden_states": jax.random.normal(ks[0], (B, S, H), jnp.float32),
        "router_w": _lin_init(ks[1], (E, H), H),
        "router_b": _lin_init(ks[2], (E,), H),
        "gate_w": _lin_init(ks[3], (E, F, H), H),
        "gate_b": _lin_init(ks[4], (E, F), H),
        "up_w": _lin_init(ks[5], (E, F, H), H),
        "up_b": _lin_init(ks[6], (E, F), H),
        "down_w": _lin_init(ks[7], (E, H, F), F),
        "down_b": _lin_init(ks[8], (E, H), F),
    }


def _moe(x, router_w, router_b, gate_w, gate_b, up_w, up_b, down_w, down_b):
    b, s, h = x.shape
    xt = x.reshape(-1, h)
    T = xt.shape[0]
    # router
    logits = xt @ router_w.T + router_b
    top_v, top_i = jax.lax.top_k(logits, K)
    probs = jax.nn.softmax(top_v, axis=-1)
    # combine weights: [T, E], zero for unselected experts.
    # Mathematically identical to the torch per-expert masked accumulation:
    # output[t] = sum_e combine[t, e] * expert_e(x[t])
    combine = jnp.zeros((T, E), xt.dtype).at[jnp.arange(T)[:, None], top_i].add(probs)
    # SwiGLU experts, computed densely then weighted by (mostly-zero) combine
    g = jnp.einsum('td,efd->tef', xt, gate_w) + gate_b
    u = jnp.einsum('td,efd->tef', xt, up_w) + up_b
    a = jax.nn.silu(g) * u
    y = jnp.einsum('tef,edf->ted', a, down_w) + down_b
    out = jnp.einsum('ted,te->td', y, combine)
    return out.reshape(b, s, h)


def reference(hidden_states, router_w, router_b, gate_w, gate_b, up_w, up_b, down_w, down_b):
    return _moe(hidden_states, router_w, router_b, gate_w, gate_b, up_w, up_b, down_w, down_b)

if __name__ == "__main__":
    import jax
    _d = setup_inputs()
    print(jax.jit(kernel)(*tuple(_d.values())))

</pallas_src>

<mosaic_0001>
#map = affine_map<(d0, d1) -> (0, 0)>
#map1 = affine_map<(d0, d1) -> (0)>
module attributes {stable_mosaic.version = 14 : i64} {
  func.func @_combine_body(%arg0: i32, %arg1: i32, %arg2: memref<9216x768xf32, #tpu.memory_space<hbm>>, %arg3: memref<4096xi32, #tpu.memory_space<hbm>>, %arg4: memref<4096x16xf32, #tpu.memory_space<hbm>>, %arg5: memref<2048x768xf32, #tpu.memory_space<hbm>>, %arg6: memref<32xi32, #tpu.memory_space<vmem>>, %arg7: memref<32xi32, #tpu.memory_space<vmem>>, %arg8: memref<32xi32, #tpu.memory_space<vmem>>, %arg9: memref<32xi32, #tpu.memory_space<vmem>>, %arg10: memref<32x768xf32, #tpu.memory_space<vmem>>, %arg11: memref<32x768xf32, #tpu.memory_space<vmem>>, %arg12: memref<32x768xf32, #tpu.memory_space<vmem>>, %arg13: memref<32x768xf32, #tpu.memory_space<vmem>>, %arg14: memref<32x16xf32, #tpu.memory_space<vmem>>, %arg15: memref<32x16xf32, #tpu.memory_space<vmem>>, %arg16: memref<32x16xf32, #tpu.memory_space<vmem>>, %arg17: memref<32x16xf32, #tpu.memory_space<vmem>>, %arg18: memref<!tpu.dma_semaphore, #tpu.memory_space<semaphore_mem>>, %arg19: memref<!tpu.dma_semaphore, #tpu.memory_space<semaphore_mem>>) attributes {dimension_semantics = [#tpu.dimension_semantics<core_parallel>, #tpu.dimension_semantics<subcore_parallel>], iteration_bounds = array<i64: 2, 16>, scalar_prefetch = 0 : i64, scratch_operands = 14 : i64, tpu.core_type = #tpu.core_type<sc_vector_subcore>, window_params = [{transform_indices = #map}, {transform_indices = #map1}, {transform_indices = #map}, {transform_indices = #map}]} {
    %mul3A = arith.constant 2 : i32
    %mul3A_0 = arith.muli %arg1, %mul3A : i32
    %add3A = arith.addi %mul3A_0, %arg0 : i32
    %mul3A_1 = arith.constant 64 : i32
    %mul3A_2 = arith.muli %add3A, %mul3A_1 : i32
    %add3A_3 = arith.constant 0 : i32
    %add3A_4 = arith.addi %mul3A_2, %add3A_3 : i32
    "tpu.region"() ({
      %run_scoped3A = tpu.sem_alloc : memref<!tpu.dma_semaphore, #tpu.memory_space<semaphore_mem>>
      %dma_start3A_76 = tpu.memref_slice %arg3[%add3A_4] : memref<4096xi32, #tpu.memory_space<hbm>> -> memref<32xi32, #tpu.memory_space<hbm>>
      %dma_start3A_77 = tpu.memref_slice %arg3[%add3A_4] : memref<4096xi32, #tpu.memory_space<hbm>> -> memref<32xi32, #tpu.memory_space<hbm>>
      tpu.enqueue_dma source(%dma_start3A_77 : memref<32xi32, #tpu.memory_space<hbm>>) target(%arg6 : memref<32xi32, #tpu.memory_space<vmem>>) target_semaphore(%run_scoped3A : memref<!tpu.dma_semaphore, #tpu.memory_space<semaphore_mem>>)
      %dma_wait3A_78 = tpu.memref_slice %arg3[%add3A_4] : memref<4096xi32, #tpu.memory_space<hbm>> -> memref<32xi32, #tpu.memory_space<hbm>>
      %dma_wait3A_79 = tpu.memref_slice %arg3[%add3A_4] : memref<4096xi32, #tpu.memory_space<hbm>> -> memref<32xi32, #tpu.memory_space<hbm>>
      tpu.wait_dma2 semaphore(%run_scoped3A : memref<!tpu.dma_semaphore, #tpu.memory_space<semaphore_mem>>) src(%dma_wait3A_79 : memref<32xi32, #tpu.memory_space<hbm>>) dst(%arg6 : memref<32xi32, #tpu.memory_space<vmem>>)
      tpu.yield
    }) : () -> ()
    %add3A_5 = arith.constant 2048 : i32
    %add3A_6 = arith.addi %add3A_5, %add3A_4 : i32
    "tpu.region"() ({
      %run_scoped3A = tpu.sem_alloc : memref<!tpu.dma_semaphore, #tpu.memory_space<semaphore_mem>>
      %dma_start3A_76 = tpu.memref_slice %arg3[%add3A_6] : memref<4096xi32, #tpu.memory_space<hbm>> -> memref<32xi32, #tpu.memory_space<hbm>>
      %dma_start3A_77 = tpu.memref_slice %arg3[%add3A_6] : memref<4096xi32, #tpu.memory_space<hbm>> -> memref<32xi32, #tpu.memory_space<hbm>>
      tpu.enqueue_dma source(%dma_start3A_77 : memref<32xi32, #tpu.memory_space<hbm>>) target(%arg8 : memref<32xi32, #tpu.memory_space<vmem>>) target_semaphore(%run_scoped3A : memref<!tpu.dma_semaphore, #tpu.memory_space<semaphore_mem>>)
      %dma_wait3A_78 = tpu.memref_slice %arg3[%add3A_6] : memref<4096xi32, #tpu.memory_space<hbm>> -> memref<32xi32, #tpu.memory_space<hbm>>
      %dma_wait3A_79 = tpu.memref_slice %arg3[%add3A_6] : memref<4096xi32, #tpu.memory_space<hbm>> -> memref<32xi32, #tpu.memory_space<hbm>>
      tpu.wait_dma2 semaphore(%run_scoped3A : memref<!tpu.dma_semaphore, #tpu.memory_space<semaphore_mem>>) src(%dma_wait3A_79 : memref<32xi32, #tpu.memory_space<hbm>>) dst(%arg8 : memref<32xi32, #tpu.memory_space<vmem>>)
      tpu.yield
    }) : () -> ()
    "tpu.region"() ({
      %run_scoped3A = tpu.sem_alloc : memref<!tpu.dma_semaphore, #tpu.memory_space<semaphore_mem>>
      %dma_start3A_76 = arith.constant 0 : i32
      %dma_start3A_77 = tpu.memref_slice %arg4[%add3A_4, %dma_start3A_76] : memref<4096x16xf32, #tpu.memory_space<hbm>> -> memref<32x16xf32, #tpu.memory_space<hbm>>
      %dma_start3A_78 = arith.constant 0 : i32
      %dma_start3A_79 = tpu.memref_slice %arg4[%add3A_4, %dma_start3A_78] : memref<4096x16xf32, #tpu.memory_space<hbm>> -> memref<32x16xf32, #tpu.memory_space<hbm>>
      tpu.enqueue_dma source(%dma_start3A_79 : memref<32x16xf32, #tpu.memory_space<hbm>>) target(%arg14 : memref<32x16xf32, #tpu.memory_space<vmem>>) target_semaphore(%run_scoped3A : memref<!tpu.dma_semaphore, #tpu.memory_space<semaphore_mem>>)
      %dma_wait3A_80 = arith.constant 0 : i32
      %dma_wait3A_81 = tpu.memref_slice %arg4[%add3A_4, %dma_wait3A_80] : memref<4096x16xf32, #tpu.memory_space<hbm>> -> memref<32x16xf32, #tpu.memory_space<hbm>>
      %dma_wait3A_82 = arith.constant 0 : i32
      %dma_wait3A_83 = tpu.memref_slice %arg4[%add3A_4, %dma_wait3A_82] : memref<4096x16xf32, #tpu.memory_space<hbm>> -> memref<32x16xf32, #tpu.memory_space<hbm>>
      tpu.wait_dma2 semaphore(%run_scoped3A : memref<!tpu.dma_semaphore, #tpu.memory_space<semaphore_mem>>) src(%dma_wait3A_83 : memref<32x16xf32, #tpu.memory_space<hbm>>) dst(%arg14 : memref<32x16xf32, #tpu.memory_space<vmem>>)
      tpu.yield
    }) : () -> ()
    %add3A_7 = arith.constant 2048 : i32
    %add3A_8 = arith.addi %add3A_7, %add3A_4 : i32
    "tpu.region"() ({
      %run_scoped3A = tpu.sem_alloc : memref<!tpu.dma_semaphore, #tpu.memory_space<semaphore_mem>>
      %dma_start3A_76 = arith.constant 0 : i32
      %dma_start3A_77 = tpu.memref_slice %arg4[%add3A_8, %dma_start3A_76] : memref<4096x16xf32, #tpu.memory_space<hbm>> -> memref<32x16xf32, #tpu.memory_space<hbm>>
      %dma_start3A_78 = arith.constant 0 : i32
      %dma_start3A_79 = tpu.memref_slice %arg4[%add3A_8, %dma_start3A_78] : memref<4096x16xf32, #tpu.memory_space<hbm>> -> memref<32x16xf32, #tpu.memory_space<hbm>>
      tpu.enqueue_dma source(%dma_start3A_79 : memref<32x16xf32, #tpu.memory_space<hbm>>) target(%arg16 : memref<32x16xf32, #tpu.memory_space<vmem>>) target_semaphore(%run_scoped3A : memref<!tpu.dma_semaphore, #tpu.memory_space<semaphore_mem>>)
      %dma_wait3A_80 = arith.constant 0 : i32
      %dma_wait3A_81 = tpu.memref_slice %arg4[%add3A_8, %dma_wait3A_80] : memref<4096x16xf32, #tpu.memory_space<hbm>> -> memref<32x16xf32, #tpu.memory_space<hbm>>
      %dma_wait3A_82 = arith.constant 0 : i32
      %dma_wait3A_83 = tpu.memref_slice %arg4[%add3A_8, %dma_wait3A_82] : memref<4096x16xf32, #tpu.memory_space<hbm>> -> memref<32x16xf32, #tpu.memory_space<hbm>>
      tpu.wait_dma2 semaphore(%run_scoped3A : memref<!tpu.dma_semaphore, #tpu.memory_space<semaphore_mem>>) src(%dma_wait3A_83 : memref<32x16xf32, #tpu.memory_space<hbm>>) dst(%arg16 : memref<32x16xf32, #tpu.memory_space<vmem>>)
      tpu.yield
    }) : () -> ()
    %dma_start3A = arith.constant 0 : i32
    %dma_start3A_9 = arith.constant 0 : i32
    %dma_start3A_10 = tpu.memref_slice %arg2[%dma_start3A, %dma_start3A_9] : memref<9216x768xf32, #tpu.memory_space<hbm>> -> memref<9216x768xf32, #tpu.memory_space<hbm>>
    tpu.enqueue_indirect_dma source(%dma_start3A_10 : memref<9216x768xf32, #tpu.memory_space<hbm>>) target(%arg10 : memref<32x768xf32, #tpu.memory_space<vmem>>) offsets(%arg6 : memref<32xi32, #tpu.memory_space<vmem>>) semaphore(%arg18 : memref<!tpu.dma_semaphore, #tpu.memory_space<semaphore_mem>>)
    %dma_start3A_11 = arith.constant 0 : i32
    %dma_start3A_12 = arith.constant 0 : i32
    %dma_start3A_13 = tpu.memref_slice %arg2[%dma_start3A_11, %dma_start3A_12] : memref<9216x768xf32, #tpu.memory_space<hbm>> -> memref<9216x768xf32, #tpu.memory_space<hbm>>
    tpu.enqueue_indirect_dma source(%dma_start3A_13 : memref<9216x768xf32, #tpu.memory_space<hbm>>) target(%arg12 : memref<32x768xf32, #tpu.memory_space<vmem>>) offsets(%arg8 : memref<32xi32, #tpu.memory_space<vmem>>) semaphore(%arg18 : memref<!tpu.dma_semaphore, #tpu.memory_space<semaphore_mem>>)
    %mul3A_14 = arith.constant 64 : i32
    %mul3A_15 = arith.muli %add3A, %mul3A_14 : i32
    %add3A_16 = arith.constant 32 : i32
    %add3A_17 = arith.addi %mul3A_15, %add3A_16 : i32
    "tpu.region"() ({
      %run_scoped3A = tpu.sem_alloc : memref<!tpu.dma_semaphore, #tpu.memory_space<semaphore_mem>>
      %dma_start3A_76 = tpu.memref_slice %arg3[%add3A_17] : memref<4096xi32, #tpu.memory_space<hbm>> -> memref<32xi32, #tpu.memory_space<hbm>>
      %dma_start3A_77 = tpu.memref_slice %arg3[%add3A_17] : memref<4096xi32, #tpu.memory_space<hbm>> -> memref<32xi32, #tpu.memory_space<hbm>>
      tpu.enqueue_dma source(%dma_start3A_77 : memref<32xi32, #tpu.memory_space<hbm>>) target(%arg7 : memref<32xi32, #tpu.memory_space<vmem>>) target_semaphore(%run_scoped3A : memref<!tpu.dma_semaphore, #tpu.memory_space<semaphore_mem>>)
      %dma_wait3A_78 = tpu.memref_slice %arg3[%add3A_17] : memref<4096xi32, #tpu.memory_space<hbm>> -> memref<32xi32, #tpu.memory_space<hbm>>
      %dma_wait3A_79 = tpu.memref_slice %arg3[%add3A_17] : memref<4096xi32, #tpu.memory_space<hbm>> -> memref<32xi32, #tpu.memory_space<hbm>>
      tpu.wait_dma2 semaphore(%run_scoped3A : memref<!tpu.dma_semaphore, #tpu.memory_space<semaphore_mem>>) src(%dma_wait3A_79 : memref<32xi32, #tpu.memory_space<hbm>>) dst(%arg7 : memref<32xi32, #tpu.memory_space<vmem>>)
      tpu.yield
    }) : () -> ()
    %add3A_18 = arith.constant 2048 : i32
    %add3A_19 = arith.addi %add3A_18, %add3A_17 : i32
    "tpu.region"() ({
      %run_scoped3A = tpu.sem_alloc : memref<!tpu.dma_semaphore, #tpu.memory_space<semaphore_mem>>
      %dma_start3A_76 = tpu.memref_slice %arg3[%add3A_19] : memref<4096xi32, #tpu.memory_space<hbm>> -> memref<32xi32, #tpu.memory_space<hbm>>
      %dma_start3A_77 = tpu.memref_slice %arg3[%add3A_19] : memref<4096xi32, #tpu.memory_space<hbm>> -> memref<32xi32, #tpu.memory_space<hbm>>
      tpu.enqueue_dma source(%dma_start3A_77 : memref<32xi32, #tpu.memory_space<hbm>>) target(%arg9 : memref<32xi32, #tpu.memory_space<vmem>>) target_semaphore(%run_scoped3A : memref<!tpu.dma_semaphore, #tpu.memory_space<semaphore_mem>>)
      %dma_wait3A_78 = tpu.memref_slice %arg3[%add3A_19] : memref<4096xi32, #tpu.memory_space<hbm>> -> memref<32xi32, #tpu.memory_space<hbm>>
      %dma_wait3A_79 = tpu.memref_slice %arg3[%add3A_19] : memref<4096xi32, #tpu.memory_space<hbm>> -> memref<32xi32, #tpu.memory_space<hbm>>
      tpu.wait_dma2 semaphore(%run_scoped3A : memref<!tpu.dma_semaphore, #tpu.memory_space<semaphore_mem>>) src(%dma_wait3A_79 : memref<32xi32, #tpu.memory_space<hbm>>) dst(%arg9 : memref<32xi32, #tpu.memory_space<vmem>>)
      tpu.yield
    }) : () -> ()
    "tpu.region"() ({
      %run_scoped3A = tpu.sem_alloc : memref<!tpu.dma_semaphore, #tpu.memory_space<semaphore_mem>>
      %dma_start3A_76 = arith.constant 0 : i32
      %dma_start3A_77 = tpu.memref_slice %arg4[%add3A_17, %dma_start3A_76] : memref<4096x16xf32, #tpu.memory_space<hbm>> -> memref<32x16xf32, #tpu.memory_space<hbm>>
      %dma_start3A_78 = arith.constant 0 : i32
      %dma_start3A_79 = tpu.memref_slice %arg4[%add3A_17, %dma_start3A_78] : memref<4096x16xf32, #tpu.memory_space<hbm>> -> memref<32x16xf32, #tpu.memory_space<hbm>>
      tpu.enqueue_dma source(%dma_start3A_79 : memref<32x16xf32, #tpu.memory_space<hbm>>) target(%arg15 : memref<32x16xf32, #tpu.memory_space<vmem>>) target_semaphore(%run_scoped3A : memref<!tpu.dma_semaphore, #tpu.memory_space<semaphore_mem>>)
      %dma_wait3A_80 = arith.constant 0 : i32
      %dma_wait3A_81 = tpu.memref_slice %arg4[%add3A_17, %dma_wait3A_80] : memref<4096x16xf32, #tpu.memory_space<hbm>> -> memref<32x16xf32, #tpu.memory_space<hbm>>
      %dma_wait3A_82 = arith.constant 0 : i32
      %dma_wait3A_83 = tpu.memref_slice %arg4[%add3A_17, %dma_wait3A_82] : memref<4096x16xf32, #tpu.memory_space<hbm>> -> memref<32x16xf32, #tpu.memory_space<hbm>>
      tpu.wait_dma2 semaphore(%run_scoped3A : memref<!tpu.dma_semaphore, #tpu.memory_space<semaphore_mem>>) src(%dma_wait3A_83 : memref<32x16xf32, #tpu.memory_space<hbm>>) dst(%arg15 : memref<32x16xf32, #tpu.memory_space<vmem>>)
      tpu.yield
    }) : () -> ()
    %add3A_20 = arith.constant 2048 : i32
    %add3A_21 = arith.addi %add3A_20, %add3A_17 : i32
    "tpu.region"() ({
      %run_scoped3A = tpu.sem_alloc : memref<!tpu.dma_semaphore, #tpu.memory_space<semaphore_mem>>
      %dma_start3A_76 = arith.constant 0 : i32
      %dma_start3A_77 = tpu.memref_slice %arg4[%add3A_21, %dma_start3A_76] : memref<4096x16xf32, #tpu.memory_space<hbm>> -> memref<32x16xf32, #tpu.memory_space<hbm>>
      %dma_start3A_78 = arith.constant 0 : i32
      %dma_start3A_79 = tpu.memref_slice %arg4[%add3A_21, %dma_start3A_78] : memref<4096x16xf32, #tpu.memory_space<hbm>> -> memref<32x16xf32, #tpu.memory_space<hbm>>
      tpu.enqueue_dma source(%dma_start3A_79 : memref<32x16xf32, #tpu.memory_space<hbm>>) target(%arg17 : memref<32x16xf32, #tpu.memory_space<vmem>>) target_semaphore(%run_scoped3A : memref<!tpu.dma_semaphore, #tpu.memory_space<semaphore_mem>>)
      %dma_wait3A_80 = arith.constant 0 : i32
      %dma_wait3A_81 = tpu.memref_slice %arg4[%add3A_21, %dma_wait3A_80] : memref<4096x16xf32, #tpu.memory_space<hbm>> -> memref<32x16xf32, #tpu.memory_space<hbm>>
      %dma_wait3A_82 = arith.constant 0 : i32
      %dma_wait3A_83 = tpu.memref_slice %arg4[%add3A_21, %dma_wait3A_82] : memref<4096x16xf32, #tpu.memory_space<hbm>> -> memref<32x16xf32, #tpu.memory_space<hbm>>
      tpu.wait_dma2 semaphore(%run_scoped3A : memref<!tpu.dma_semaphore, #tpu.memory_space<semaphore_mem>>) src(%dma_wait3A_83 : memref<32x16xf32, #tpu.memory_space<hbm>>) dst(%arg17 : memref<32x16xf32, #tpu.memory_space<vmem>>)
      tpu.yield
    }) : () -> ()
    %dma_start3A_22 = arith.constant 0 : i32
    %dma_start3A_23 = arith.constant 0 : i32
    %dma_start3A_24 = tpu.memref_slice %arg2[%dma_start3A_22, %dma_start3A_23] : memref<9216x768xf32, #tpu.memory_space<hbm>> -> memref<9216x768xf32, #tpu.memory_space<hbm>>
    tpu.enqueue_indirect_dma source(%dma_start3A_24 : memref<9216x768xf32, #tpu.memory_space<hbm>>) target(%arg11 : memref<32x768xf32, #tpu.memory_space<vmem>>) offsets(%arg7 : memref<32xi32, #tpu.memory_space<vmem>>) semaphore(%arg18 : memref<!tpu.dma_semaphore, #tpu.memory_space<semaphore_mem>>)
    %dma_start3A_25 = arith.constant 0 : i32
    %dma_start3A_26 = arith.constant 0 : i32
    %dma_start3A_27 = tpu.memref_slice %arg2[%dma_start3A_25, %dma_start3A_26] : memref<9216x768xf32, #tpu.memory_space<hbm>> -> memref<9216x768xf32, #tpu.memory_space<hbm>>
    tpu.enqueue_indirect_dma source(%dma_start3A_27 : memref<9216x768xf32, #tpu.memory_space<hbm>>) target(%arg13 : memref<32x768xf32, #tpu.memory_space<vmem>>) offsets(%arg9 : memref<32xi32, #tpu.memory_space<vmem>>) semaphore(%arg18 : memref<!tpu.dma_semaphore, #tpu.memory_space<semaphore_mem>>)
    %dma_wait3A = arith.constant 0 : i32
    %dma_wait3A_28 = arith.constant 0 : i32
    %dma_wait3A_29 = tpu.memref_slice %arg2[%dma_wait3A, %dma_wait3A_28] : memref<9216x768xf32, #tpu.memory_space<hbm>> -> memref<9216x768xf32, #tpu.memory_space<hbm>>
    tpu.wait_indirect_dma semaphore(%arg18 : memref<!tpu.dma_semaphore, #tpu.memory_space<semaphore_mem>>) src(%dma_wait3A_29 : memref<9216x768xf32, #tpu.memory_space<hbm>>) dst(%arg10 : memref<32x768xf32, #tpu.memory_space<vmem>>)
    %dma_wait3A_30 = arith.constant 0 : i32
    %dma_wait3A_31 = arith.constant 0 : i32
    %dma_wait3A_32 = tpu.memref_slice %arg2[%dma_wait3A_30, %dma_wait3A_31] : memref<9216x768xf32, #tpu.memory_space<hbm>> -> memref<9216x768xf32, #tpu.memory_space<hbm>>
    tpu.wait_indirect_dma semaphore(%arg18 : memref<!tpu.dma_semaphore, #tpu.memory_space<semaphore_mem>>) src(%dma_wait3A_32 : memref<9216x768xf32, #tpu.memory_space<hbm>>) dst(%arg12 : memref<32x768xf32, #tpu.memory_space<vmem>>)
    %scan3A = arith.constant 0 : i32
    %scan3A_33 = arith.constant 0 : i32
    %scan3A_34 = arith.constant 32 : i32
    %scan3A_35 = arith.addi %scan3A_33, %scan3A_34 : i32
    %scan3A_36 = arith.constant 1 : i32
    %scan3A_37 = scf.for %scan3A_76 = %scan3A_33 to %scan3A_35 step %scan3A_36 iter_args(%scan3A_77 = %scan3A) -> (i32)  : i32 {
      %get3A = arith.index_cast %scan3A_76 : i32 to index
      %get3A_78 = arith.constant 0 : index
      %get3A_79 = tpu.vector_load %arg14[%get3A, %get3A_78] {strides = array<i32>} : memref<32x16xf32, #tpu.memory_space<vmem>>, vector<1x16xf32>,
      %get3A_80 = vector.shape_cast %get3A_79 : vector<1x16xf32> to vector<16xf32>
      %get3A_81 = arith.index_cast %scan3A_76 : i32 to index
      %get3A_82 = arith.constant 0 : index
      %get3A_83 = tpu.vector_load %arg16[%get3A_81, %get3A_82] {strides = array<i32>} : memref<32x16xf32, #tpu.memory_space<vmem>>, vector<1x16xf32>,
      %get3A_84 = vector.shape_cast %get3A_83 : vector<1x16xf32> to vector<16xf32>
      %get3A_85 = arith.index_cast %scan3A_76 : i32 to index
      %get3A_86 = arith.constant 0 : index
      %get3A_87 = tpu.vector_load %arg10[%get3A_85, %get3A_86] {strides = array<i32>} : memref<32x768xf32, #tpu.memory_space<vmem>>, vector<1x16xf32>,
      %get3A_88 = vector.shape_cast %get3A_87 : vector<1x16xf32> to vector<16xf32>
      %mul3A_89 = arith.mulf %get3A_80, %get3A_88 : vector<16xf32>
      %get3A_90 = arith.index_cast %scan3A_76 : i32 to index
      %get3A_91 = arith.constant 0 : index
      %get3A_92 = tpu.vector_load %arg12[%get3A_90, %get3A_91] {strides = array<i32>} : memref<32x768xf32, #tpu.memory_space<vmem>>, vector<1x16xf32>,
      %get3A_93 = vector.shape_cast %get3A_92 : vector<1x16xf32> to vector<16xf32>
      %mul3A_94 = arith.mulf %get3A_84, %get3A_93 : vector<16xf32>
      %add3A_95 = arith.addf %mul3A_89, %mul3A_94 : vector<16xf32>
      %swap3A = arith.index_cast %scan3A_76 : i32 to index
      %swap3A_96 = arith.constant 0 : index
      %swap3A_97 = tpu.vector_load %arg10[%swap3A, %swap3A_96] {strides = array<i32>} : memref<32x768xf32, #tpu.memory_space<vmem>>, vector<1x16xf32>,
      %swap3A_98 = vector.shape_cast %swap3A_97 : vector<1x16xf32> to vector<16xf32>
      %swap3A_99 = vector.shape_cast %add3A_95 : vector<16xf32> to vector<1x16xf32>
      tpu.vector_store %arg10[%swap3A, %swap3A_96], %swap3A_99 {strides = array<i32>} : memref<32x768xf32, #tpu.memory_space<vmem>>, vector<1x16xf32>,
      %get3A_100 = arith.index_cast %scan3A_76 : i32 to index
      %get3A_101 = arith.constant 16 : index
      %get3A_102 = tpu.vector_load %arg10[%get3A_100, %get3A_101] {strides = array<i32>} : memref<32x768xf32, #tpu.memory_space<vmem>>, vector<1x16xf32>,
      %get3A_103 = vector.shape_cast %get3A_102 : vector<1x16xf32> to vector<16xf32>
      %mul3A_104 = arith.mulf %get3A_80, %get3A_103 : vector<16xf32>
      %get3A_105 = arith.index_cast %scan3A_76 : i32 to index
      %get3A_106 = arith.constant 16 : index
      %get3A_107 = tpu.vector_load %arg12[%get3A_105, %get3A_106] {strides = array<i32>} : memref<32x768xf32, #tpu.memory_space<vmem>>, vector<1x16xf32>,
      %get3A_108 = vector.shape_cast %get3A_107 : vector<1x16xf32> to vector<16xf32>
      %mul3A_109 = arith.mulf %get3A_84, %get3A_108 : vector<16xf32>
      %add3A_110 = arith.addf %mul3A_104, %mul3A_109 : vector<16xf32>
      %swap3A_111 = arith.index_cast %scan3A_76 : i32 to index
      %swap3A_112 = arith.constant 16 : index
      %swap3A_113 = tpu.vector_load %arg10[%swap3A_111, %swap3A_112] {strides = array<i32>} : memref<32x768xf32, #tpu.memory_space<vmem>>, vector<1x16xf32>,
      %swap3A_114 = vector.shape_cast %swap3A_113 : vector<1x16xf32> to vector<16xf32>
      %swap3A_115 = vector.shape_cast %add3A_110 : vector<16xf32> to vector<1x16xf32>
      tpu.vector_store %arg10[%swap3A_111, %swap3A_112], %swap3A_115 {strides = array<i32>} : memref<32x768xf32, #tpu.memory_space<vmem>>, vector<1x16xf32>,
      %get3A_116 = arith.index_cast %scan3A_76 : i32 to index
      %get3A_117 = arith.constant 32 : index
      %get3A_118 = tpu.vector_load %arg10[%get3A_116, %get3A_117] {strides = array<i32>} : memref<32x768xf32, #tpu.memory_space<vmem>>, vector<1x16xf32>,
      %get3A_119 = vector.shape_cast %get3A_118 : vector<1x16xf32> to vector<16xf32>
      %mul3A_120 = arith.mulf %get3A_80, %get3A_119 : vector<16xf32>
      %get3A_121 = arith.index_cast %scan3A_76 : i32 to index
      %get3A_122 = arith.constant 32 : index
      %get3A_123 = tpu.vector_load %arg12[%get3A_121, %get3A_122] {strides = array<i32>} : memref<32x768xf32, #tpu.memory_space<vmem>>, vector<1x16xf32>,
      %get3A_124 = vector.shape_cast %get3A_123 : vector<1x16xf32> to vector<16xf32>
      %mul3A_125 = arith.mulf %get3A_84, %get3A_124 : vector<16xf32>
      %add3A_126 = arith.addf %mul3A_120, %mul3A_125 : vector<16xf32>
      %swap3A_127 = arith.index_cast %scan3A_76 : i32 to index
      %swap3A_128 = arith.constant 32 : index
      %swap3A_129 = tpu.vector_load %arg10[%swap3A_127, %swap3A_128] {strides = array<i32>} : memref<32x768xf32, #tpu.memory_space<vmem>>, vector<1x16xf32>,
      %swap3A_130 = vector.shape_cast %swap3A_129 : vector<1x16xf32> to vector<16xf32>
      %swap3A_131 = vector.shape_cast %add3A_126 : vector<16xf32> to vector<1x16xf32>
      tpu.vector_store %arg10[%swap3A_127, %swap3A_128], %swap3A_131 {strides = array<i32>} : memref<32x768xf32, #tpu.memory_space<vmem>>, vector<1x16xf32>,
      %get3A_132 = arith.index_cast %scan3A_76 : i32 to index
      %get3A_133 = arith.constant 48 : index
      %get3A_134 = tpu.vector_load %arg10[%get3A_132, %get3A_133] {strides = array<i32>} : memref<32x768xf32, #tpu.memory_space<vmem>>, vector<1x16xf32>,
      %get3A_135 = vector.shape_cast %get3A_134 : vector<1x16xf32> to vector<16xf32>
      %mul3A_136 = arith.mulf %get3A_80, %get3A_135 : vector<16xf32>
      %get3A_137 = arith.index_cast %scan3A_76 : i32 to index
      %get3A_138 = arith.constant 48 : index
      %get3A_139 = tpu.vector_load %arg12[%get3A_137, %get3A_138] {strides = array<i32>} : memref<32x768xf32, #tpu.memory_space<vmem>>, vector<1x16xf32>,
      %get3A_140 = vector.shape_cast %get3A_139 : vector<1x16xf32> to vector<16xf32>
      %mul3A_141 = arith.mulf %get3A_84, %get3A_140 : vector<16xf32>
      %add3A_142 = arith.addf %mul3A_136, %mul3A_141 : vector<16xf32>
      %swap3A_143 = arith.index_cast %scan3A_76 : i32 to index
      %swap3A_144 = arith.constant 48 : index
      %swap3A_145 = tpu.vector_load %arg10[%swap3A_143, %swap3A_144] {strides = array<i32>} : memref<32x768xf32, #tpu.memory_space<vmem>>, vector<1x16xf32>,
      %swap3A_146 = vector.shape_cast %swap3A_145 : vector<1x16xf32> to vector<16xf32>
      %swap3A_147 = vector.shape_cast %add3A_142 : vector<16xf32> to vector<1x16xf32>
      tpu.vector_store %arg10[%swap3A_143, %swap3A_144], %swap3A_147 {strides = array<i32>} : memref<32x768xf32, #tpu.memory_space<vmem>>, vector<1x16xf32>,
      %get3A_148 = arith.index_cast %scan3A_76 : i32 to index
      %get3A_149 = arith.constant 64 : index
      %get3A_150 = tpu.vector_load %arg10[%get3A_148, %get3A_149] {strides = array<i32>} : memref<32x768xf32, #tpu.memory_space<vmem>>, vector<1x16xf32>,
      %get3A_151 = vector.shape_cast %get3A_150 : vector<1x16xf32> to vector<16xf32>
      %mul3A_152 = arith.mulf %get3A_80, %get3A_151 : vector<16xf32>
      %get3A_153 = arith.index_cast %scan3A_76 : i32 to index
      %get3A_154 = arith.constant 64 : index
      %get3A_155 = tpu.vector_load %arg12[%get3A_153, %get3A_154] {strides = array<i32>} : memref<32x768xf32, #tpu.memory_space<vmem>>, vector<1x16xf32>,
      %get3A_156 = vector.shape_cast %get3A_155 : vector<1x16xf32> to vector<16xf32>
      %mul3A_157 = arith.mulf %get3A_84, %get3A_156 : vector<16xf32>
      %add3A_158 = arith.addf %mul3A_152, %mul3A_157 : vector<16xf32>
      %swap3A_159 = arith.index_cast %scan3A_76 : i32 to index
      %swap3A_160 = arith.constant 64 : index
      %swap3A_161 = tpu.vector_load %arg10[%swap3A_159, %swap3A_160] {strides = array<i32>} : memref<32x768xf32, #tpu.memory_space<vmem>>, vector<1x16xf32>,
      %swap3A_162 = vector.shape_cast %swap3A_161 : vector<1x16xf32> to vector<16xf32>
      %swap3A_163 = vector.shape_cast %add3A_158 : vector<16xf32> to vector<1x16xf32>
      tpu.vector_store %arg10[%swap3A_159, %swap3A_160], %swap3A_163 {strides = array<i32>} : memref<32x768xf32, #tpu.memory_space<vmem>>, vector<1x16xf32>,
      %get3A_164 = arith.index_cast %scan3A_76 : i32 to index
      %get3A_165 = arith.constant 80 : index
      %get3A_166 = tpu.vector_load %arg10[%get3A_164, %get3A_165] {strides = array<i32>} : memref<32x768xf32, #tpu.memory_space<vmem>>, vector<1x16xf32>,
      %get3A_167 = vector.shape_cast %get3A_166 : vector<1x16xf32> to vector<16xf32>
      %mul3A_168 = arith.mulf %get3A_80, %get3A_167 : vector<16xf32>
      %get3A_169 = arith.index_cast %scan3A_76 : i32 to index
      %get3A_170 = arith.constant 80 : index
      %get3A_171 = tpu.vector_load %arg12[%get3A_169, %get3A_170] {strides = array<i32>} : memref<32x768xf32, #tpu.memory_space<vmem>>, vector<1x16xf32>,
      %get3A_172 = vector.shape_cast %get3A_171 : vector<1x16xf32> to vector<16xf32>
      %mul3A_173 = arith.mulf %get3A_84, %get3A_172 : vector<16xf32>
      %add3A_174 = arith.addf %mul3A_168, %mul3A_173 : vector<16xf32>
      %swap3A_175 = arith.index_cast %scan3A_76 : i32 to index
      %swap3A_176 = arith.constant 80 : index
      %swap3A_177 = tpu.vector_load %arg10[%swap3A_175, %swap3A_176] {strides = array<i32>} : memref<32x768xf32, #tpu.memory_space<vmem>>, vector<1x16xf32>,
      %swap3A_178 = vector.shape_cast %swap3A_177 : vector<1x16xf32> to vector<16xf32>
      %swap3A_179 = vector.shape_cast %add3A_174 : vector<16xf32> to vector<1x16xf32>
      tpu.vector_store %arg10[%swap3A_175, %swap3A_176], %swap3A_179 {strides = array<i32>} : memref<32x768xf32, #tpu.memory_space<vmem>>, vector<1x16xf32>,
      %get3A_180 = arith.index_cast %scan3A_76 : i32 to index
      %get3A_181 = arith.constant 96 : index
      %get3A_182 = tpu.vector_load %arg10[%get3A_180, %get3A_181] {strides = array<i32>} : memref<32x768xf32, #tpu.memory_space<vmem>>, vector<1x16xf32>,
      %get3A_183 = vector.shape_cast %get3A_182 : vector<1x16xf32> to vector<16xf32>
      %mul3A_184 = arith.mulf %get3A_80, %get3A_183 : vector<16xf32>
      %get3A_185 = arith.index_cast %scan3A_76 : i32 to index
      %get3A_186 = arith.constant 96 : index
      %get3A_187 = tpu.vector_load %arg12[%get3A_185, %get3A_186] {strides = array<i32>} : memref<32x768xf32, #tpu.memory_space<vmem>>, vector<1x16xf32>,
      %get3A_188 = vector.shape_cast %get3A_187 : vector<1x16xf32> to vector<16xf32>
      %mul3A_189 = arith.mulf %get3A_84, %get3A_188 : vector<16xf32>
      %add3A_190 = arith.addf %mul3A_184, %mul3A_189 : vector<16xf32>
      %swap3A_191 = arith.index_cast %scan3A_76 : i32 to index
      %swap3A_192 = arith.constant 96 : index
      %swap3A_193 = tpu.vector_load %arg10[%swap3A_191, %swap3A_192] {strides = array<i32>} : memref<32x768xf32, #tpu.memory_space<vmem>>, vector<1x16xf32>,
      %swap3A_194 = vector.shape_cast %swap3A_193 : vector<1x16xf32> to vector<16xf32>
      %swap3A_195 = vector.shape_cast %add3A_190 : vector<16xf32> to vector<1x16xf32>
      tpu.vector_store %arg10[%swap3A_191, %swap3A_192], %swap3A_195 {strides = array<i32>} : memref<32x768xf32, #tpu.memory_space<vmem>>, vector<1x16xf32>,
      %get3A_196 = arith.index_cast %scan3A_76 : i32 to index
      %get3A_197 = arith.constant 112 : index
      %get3A_198 = tpu.vector_load %arg10[%get3A_196, %get3A_197] {strides = array<i32>} : memref<32x768xf32, #tpu.memory_space<vmem>>, vector<1x16xf32>,
      %get3A_199 = vector.shape_cast %get3A_198 : vector<1x16xf32> to vector<16xf32>
      %mul3A_200 = arith.mulf %get3A_80, %get3A_199 : vector<16xf32>
      %get3A_201 = arith.index_cast %scan3A_76 : i32 to index
      %get3A_202 = arith.constant 112 : index
      %get3A_203 = tpu.vector_load %arg12[%get3A_201, %get3A_202] {strides = array<i32>} : memref<32x768xf32, #tpu.memory_space<vmem>>, vector<1x16xf32>,
      %get3A_204 = vector.shape_cast %get3A_203 : vector<1x16xf32> to vector<16xf32>
      %mul3A_205 = arith.mulf %get3A_84, %get3A_204 : vector<16xf32>
      %add3A_206 = arith.addf %mul3A_200, %mul3A_205 : vector<16xf32>
      %swap3A_207 = arith.index_cast %scan3A_76 : i32 to index
      %swap3A_208 = arith.constant 112 : index
      %swap3A_209 = tpu.vector_load %arg10[%swap3A_207, %swap3A_208] {strides = array<i32>} : memref<32x768xf32, #tpu.memory_space<vmem>>, vector<1x16xf32>,
      %swap3A_210 = vector.shape_cast %swap3A_209 : vector<1x16xf32> to vector<16xf32>
      %swap3A_211 = vector.shape_cast %add3A_206 : vector<16xf32> to vector<1x16xf32>
      tpu.vector_store %arg10[%swap3A_207, %swap3A_208], %swap3A_211 {strides = array<i32>} : memref<32x768xf32, #tpu.memory_space<vmem>>, vector<1x16xf32>,
      %get3A_212 = arith.index_cast %scan3A_76 : i32 to index
      %get3A_213 = arith.constant 128 : index
      %get3A_214 = tpu.vector_load %arg10[%get3A_212, %get3A_213] {strides = array<i32>} : memref<32x768xf32, #tpu.memory_space<vmem>>, vector<1x16xf32>,
      %get3A_215 = vector.shape_cast %get3A_214 : vector<1x16xf32> to vector<16xf32>
      %mul3A_216 = arith.mulf %get3A_80, %get3A_215 : vector<16xf32>
      %get3A_217 = arith.index_cast %scan3A_76 : i32 to index
      %get3A_218 = arith.constant 128 : index
      %get3A_219 = tpu.vector_load %arg12[%get3A_217, %get3A_218] {strides = array<i32>} : memref<32x768xf32, #tpu.memory_space<vmem>>, vector<1x16xf32>,
      %get3A_220 = vector.shape_cast %get3A_219 : vector<1x16xf32> to vector<16xf32>
      %mul3A_221 = arith.mulf %get3A_84, %get3A_220 : vector<16xf32>
      %add3A_222 = arith.addf %mul3A_216, %mul3A_221 : vector<16xf32>
      %swap3A_223 = arith.index_cast %scan3A_76 : i32 to index
      %swap3A_224 = arith.constant 128 : index
      %swap3A_225 = tpu.vector_load %arg10[%swap3A_223, %swap3A_224] {strides = array<i32>} : memref<32x768xf32, #tpu.memory_space<vmem>>, vector<1x16xf32>,
      %swap3A_226 = vector.shape_cast %swap3A_225 : vector<1x16xf32> to vector<16xf32>
      %swap3A_227 = vector.shape_cast %add3A_222 : vector<16xf32> to vector<1x16xf32>
      tpu.vector_store %arg10[%swap3A_223, %swap3A_224], %swap3A_227 {strides = array<i32>} : memref<32x768xf32, #tpu.memory_space<vmem>>, vector<1x16xf32>,
      %get3A_228 = arith.index_cast %scan3A_76 : i32 to index
      %get3A_229 = arith.constant 144 : index
      %get3A_230 = tpu.vector_load %arg10[%get3A_228, %get3A_229] {strides = array<i32>} : memref<32x768xf32, #tpu.memory_space<vmem>>, vector<1x16xf32>,
      %get3A_231 = vector.shape_cast %get3A_230 : vector<1x16xf32> to vector<16xf32>
      %mul3A_232 = arith.mulf %get3A_80, %get3A_231 : vector<16xf32>
      %get3A_233 = arith.index_cast %scan3A_76 : i32 to index
      %get3A_234 = arith.constant 144 : index
      %get3A_235 = tpu.vector_load %arg12[%get3A_233, %get3A_234] {strides = array<i32>} : memref<32x768xf32, #tpu.memory_space<vmem>>, vector<1x16xf32>,
      %get3A_236 = vector.shape_cast %get3A_235 : vector<1x16xf32> to vector<16xf32>
      %mul3A_237 = arith.mulf %get3A_84, %get3A_236 : vector<16xf32>
      %add3A_238 = arith.addf %mul3A_232, %mul3A_237 : vector<16xf32>
      %swap3A_239 = arith.index_cast %scan3A_76 : i32 to index
      %swap3A_240 = arith.constant 144 : index
      %swap3A_241 = tpu.vector_load %arg10[%swap3A_239, %swap3A_240] {strides = array<i32>} : memref<32x768xf32, #tpu.memory_space<vmem>>, vector<1x16xf32>,
      %swap3A_242 = vector.shape_cast %swap3A_241 : vector<1x16xf32> to vector<16xf32>
      %swap3A_243 = vector.shape_cast %add3A_238 : vector<16xf32> to vector<1x16xf32>
      tpu.vector_store %arg10[%swap3A_239, %swap3A_240], %swap3A_243 {strides = array<i32>} : memref<32x768xf32, #tpu.memory_space<vmem>>, vector<1x16xf32>,
      %get3A_244 = arith.index_cast %scan3A_76 : i32 to index
      %get3A_245 = arith.constant 160 : index
      %get3A_246 = tpu.vector_load %arg10[%get3A_244, %get3A_245] {strides = array<i32>} : memref<32x768xf32, #tpu.memory_space<vmem>>, vector<1x16xf32>,
      %get3A_247 = vector.shape_cast %get3A_246 : vector<1x16xf32> to vector<16xf32>
      %mul3A_248 = arith.mulf %get3A_80, %get3A_247 : vector<16xf32>
      %get3A_249 = arith.index_cast %scan3A_76 : i32 to index
      %get3A_250 = arith.constant 160 : index
      %get3A_251 = tpu.vector_load %arg12[%get3A_249, %get3A_250] {strides = array<i32>} : memref<32x768xf32, #tpu.memory_space<vmem>>, vector<1x16xf32>,
      %get3A_252 = vector.shape_cast %get3A_251 : vector<1x16xf32> to vector<16xf32>
      %mul3A_253 = arith.mulf %get3A_84, %get3A_252 : vector<16xf32>
      %add3A_254 = arith.addf %mul3A_248, %mul3A_253 : vector<16xf32>
      %swap3A_255 = arith.index_cast %scan3A_76 : i32 to index
      %swap3A_256 = arith.constant 160 : index
      %swap3A_257 = tpu.vector_load %arg10[%swap3A_255, %swap3A_256] {strides = array<i32>} : memref<32x768xf32, #tpu.memory_space<vmem>>, vector<1x16xf32>,
      %swap3A_258 = vector.shape_cast %swap3A_257 : vector<1x16xf32> to vector<16xf32>
      %swap3A_259 = vector.shape_cast %add3A_254 : vector<16xf32> to vector<1x16xf32>
      tpu.vector_store %arg10[%swap3A_255, %swap3A_256], %swap3A_259 {strides = array<i32>} : memref<32x768xf32, #tpu.memory_space<vmem>>, vector<1x16xf32>,
      %get3A_260 = arith.index_cast %scan3A_76 : i32 to index
      %get3A_261 = arith.constant 176 : index
      %get3A_262 = tpu.vector_load %arg10[%get3A_260, %get3A_261] {strides = array<i32>} : memref<32x768xf32, #tpu.memory_space<vmem>>, vector<1x16xf32>,
      %get3A_263 = vector.shape_cast %get3A_262 : vector<1x16xf32> to vector<16xf32>
      %mul3A_264 = arith.mulf %get3A_80, %get3A_263 : vector<16xf32>
      %get3A_265 = arith.index_cast %scan3A_76 : i32 to index
      %get3A_266 = arith.constant 176 : index
      %get3A_267 = tpu.vector_load %arg12[%get3A_265, %get3A_266] {strides = array<i32>} : memref<32x768xf32, #tpu.memory_space<vmem>>, vector<1x16xf32>,
      %get3A_268 = vector.shape_cast %get3A_267 : vector<1x16xf32> to vector<16xf32>
      %mul3A_269 = arith.mulf %get3A_84, %get3A_268 : vector<16xf32>
      %add3A_270 = arith.addf %mul3A_264, %mul3A_269 : vector<16xf32>
      %swap3A_271 = arith.index_cast %scan3A_76 : i32 to index
      %swap3A_272 = arith.constant 176 : index
      %swap3A_273 = tpu.vector_load %arg10[%swap3A_271, %swap3A_272] {strides = array<i32>} : memref<32x768xf32, #tpu.memory_space<vmem>>, vector<1x16xf32>,
      %swap3A_274 = vector.shape_cast %swap3A_273 : vector<1x16xf32> to vector<16xf32>
      %swap3A_275 = vector.shape_cast %add3A_270 : vector<16xf32> to vector<1x16xf32>
      tpu.vector_store %arg10[%swap3A_271, %swap3A_272], %swap3A_275 {strides = array<i32>} : memref<32x768xf32, #tpu.memory_space<vmem>>, vector<1x16xf32>,
      %get3A_276 = arith.index_cast %scan3A_76 : i32 to index
      %get3A_277 = arith.constant 192 : index
      %get3A_278 = tpu.vector_load %arg10[%get3A_276, %get3A_277] {strides = array<i32>} : memref<32x768xf32, #tpu.memory_space<vmem>>, vector<1x16xf32>,
      %get3A_279 = vector.shape_cast %get3A_278 : vector<1x16xf32> to vector<16xf32>
      %mul3A_280 = arith.mulf %get3A_80, %get3A_279 : vector<16xf32>
      %get3A_281 = arith.index_cast %scan3A_76 : i32 to index
      %get3A_282 = arith.constant 192 : index
      %get3A_283 = tpu.vector_load %arg12[%get3A_281, %get3A_282] {strides = array<i32>} : memref<32x768xf32, #tpu.memory_space<vmem>>, vector<1x16xf32>,
      %get3A_284 = vector.shape_cast %get3A_283 : vector<1x16xf32> to vector<16xf32>
      %mul3A_285 = arith.mulf %get3A_84, %get3A_284 : vector<16xf32>
      %add3A_286 = arith.addf %mul3A_280, %mul3A_285 : vector<16xf32>
      %swap3A_287 = arith.index_cast %scan3A_76 : i32 to index
      %swap3A_288 = arith.constant 192 : index
      %swap3A_289 = tpu.vector_load %arg10[%swap3A_287, %swap3A_288] {strides = array<i32>} : memref<32x768xf32, #tpu.memory_space<vmem>>, vector<1x16xf32>,
      %swap3A_290 = vector.shape_cast %swap3A_289 : vector<1x16xf32> to vector<16xf32>
      %swap3A_291 = vector.shape_cast %add3A_286 : vector<16xf32> to vector<1x16xf32>
      tpu.vector_store %arg10[%swap3A_287, %swap3A_288], %swap3A_291 {strides = array<i32>} : memref<32x768xf32, #tpu.memory_space<vmem>>, vector<1x16xf32>,
      %get3A_292 = arith.index_cast %scan3A_76 : i32 to index
      %get3A_293 = arith.constant 208 : index
      %get3A_294 = tpu.vector_load %arg10[%get3A_292, %get3A_293] {strides = array<i32>} : memref<32x768xf32, #tpu.memory_space<vmem>>, vector<1x16xf32>,
      %get3A_295 = vector.shape_cast %get3A_294 : vector<1x16xf32> to vector<16xf32>
      %mul3A_296 = arith.mulf %get3A_80, %get3A_295 : vector<16xf32>
      %get3A_297 = arith.index_cast %scan3A_76 : i32 to index
      %get3A_298 = arith.constant 208 : index
      %get3A_299 = tpu.vector_load %arg12[%get3A_297, %get3A_298] {strides = array<i32>} : memref<32x768xf32, #tpu.memory_space<vmem>>, vector<1x16xf32>,
      %get3A_300 = vector.shape_cast %get3A_299 : vector<1x16xf32> to vector<16xf32>
      %mul3A_301 = arith.mulf %get3A_84, %get3A_300 : vector<16xf32>
      %add3A_302 = arith.addf %mul3A_296, %mul3A_301 : vector<16xf32>
      %swap3A_303 = arith.index_cast %scan3A_76 : i32 to index
      %swap3A_304 = arith.constant 208 : index
      %swap3A_305 = tpu.vector_load %arg10[%swap3A_303, %swap3A_304] {strides = array<i32>} : memref<32x768xf32, #tpu.memory_space<vmem>>, vector<1x16xf32>,
      %swap3A_306 = vector.shape_cast %swap3A_305 : vector<1x16xf32> to vector<16xf32>
      %swap3A_307 = vector.shape_cast %add3A_302 : vector<16xf32> to vector<1x16xf32>
      tpu.vector_store %arg10[%swap3A_303, %swap3A_304], %swap3A_307 {strides = array<i32>} : memref<32x768xf32, #tpu.memory_space<vmem>>, vector<1x16xf32>,
      %get3A_308 = arith.index_cast %scan3A_76 : i32 to index
      %get3A_309 = arith.constant 224 : index
      %get3A_310 = tpu.vector_load %arg10[%get3A_308, %get3A_309] {strides = array<i32>} : memref<32x768xf32, #tpu.memory_space<vmem>>, vector<1x16xf32>,
      %get3A_311 = vector.shape_cast %get3A_310 : vector<1x16xf32> to vector<16xf32>
      %mul3A_312 = arith.mulf %get3A_80, %get3A_311 : vector<16xf32>
      %get3A_313 = arith.index_cast %scan3A_76 : i32 to index
      %get3A_314 = arith.constant 224 : index
      %get3A_315 = tpu.vector_load %arg12[%get3A_313, %get3A_314] {strides = array<i32>} : memref<32x768xf32, #tpu.memory_space<vmem>>, vector<1x16xf32>,
      %get3A_316 = vector.shape_cast %get3A_315 : vector<1x16xf32> to vector<16xf32>
      %mul3A_317 = arith.mulf %get3A_84, %get3A_316 : vector<16xf32>
      %add3A_318 = arith.addf %mul3A_312, %mul3A_317 : vector<16xf32>
      %swap3A_319 = arith.index_cast %scan3A_76 : i32 to index
      %swap3A_320 = arith.constant 224 : index
      %swap3A_321 = tpu.vector_load %arg10[%swap3A_319, %swap3A_320] {strides = array<i32>} : memref<32x768xf32, #tpu.memory_space<vmem>>, vector<1x16xf32>,
      %swap3A_322 = vector.shape_cast %swap3A_321 : vector<1x16xf32> to vector<16xf32>
      %swap3A_323 = vector.shape_cast %add3A_318 : vector<16xf32> to vector<1x16xf32>
      tpu.vector_store %arg10[%swap3A_319, %swap3A_320], %swap3A_323 {strides = array<i32>} : memref<32x768xf32, #tpu.memory_space<vmem>>, vector<1x16xf32>,
      %get3A_324 = arith.index_cast %scan3A_76 : i32 to index
      %get3A_325 = arith.constant 240 : index
      %get3A_326 = tpu.vector_load %arg10[%get3A_324, %get3A_325] {strides = array<i32>} : memref<32x768xf32, #tpu.memory_space<vmem>>, vector<1x16xf32>,
      %get3A_327 = vector.shape_cast %get3A_326 : vector<1x16xf32> to vector<16xf32>
      %mul3A_328 = arith.mulf %get3A_80, %get3A_327 : vector<16xf32>
      %get3A_329 = arith.index_cast %scan3A_76 : i32 to index
      %get3A_330 = arith.constant 240 : index
      %get3A_331 = tpu.vector_load %arg12[%get3A_329, %get3A_330] {strides = array<i32>} : memref<32x768xf32, #tpu.memory_space<vmem>>, vector<1x16xf32>,
      %get3A_332 = vector.shape_cast %get3A_331 : vector<1x16xf32> to vector<16xf32>
      %mul3A_333 = arith.mulf %get3A_84, %get3A_332 : vector<16xf32>
      %add3A_334 = arith.addf %mul3A_328, %mul3A_333 : vector<16xf32>
      %swap3A_335 = arith.index_cast %scan3A_76 : i32 to index
      %swap3A_336 = arith.constant 240 : index
      %swap3A_337 = tpu.vector_load %arg10[%swap3A_335, %swap3A_336] {strides = array<i32>} : memref<32x768xf32, #tpu.memory_space<vmem>>, vector<1x16xf32>,
      %swap3A_338 = vector.shape_cast %swap3A_337 : vector<1x16xf32> to vector<16xf32>
      %swap3A_339 = vector.shape_cast %add3A_334 : vector<16xf32> to vector<1x16xf32>
      tpu.vector_store %arg10[%swap3A_335, %swap3A_336], %swap3A_339 {strides = array<i32>} : memref<32x768xf32, #tpu.memory_space<vmem>>, vector<1x16xf32>,
      %get3A_340 = arith.index_cast %scan3A_76 : i32 to index
      %get3A_341 = arith.constant 256 : index
      %get3A_342 = tpu.vector_load %arg10[%get3A_340, %get3A_341] {strides = array<i32>} : memref<32x768xf32, #tpu.memory_space<vmem>>, vector<1x16xf32>,
      %get3A_343 = vector.shape_cast %get3A_342 : vector<1x16xf32> to vector<16xf32>
      %mul3A_344 = arith.mulf %get3A_80, %get3A_343 : vector<16xf32>
      %get3A_345 = arith.index_cast %scan3A_76 : i32 to index
      %get3A_346 = arith.constant 256 : index
      %get3A_347 = tpu.vector_load %arg12[%get3A_345, %get3A_346] {strides = array<i32>} : memref<32x768xf32, #tpu.memory_space<vmem>>, vector<1x16xf32>,
      %get3A_348 = vector.shape_cast %get3A_347 : vector<1x16xf32> to vector<16xf32>
      %mul3A_349 = arith.mulf %get3A_84, %get3A_348 : vector<16xf32>
      %add3A_350 = arith.addf %mul3A_344, %mul3A_349 : vector<16xf32>
      %swap3A_351 = arith.index_cast %scan3A_76 : i32 to index
      %swap3A_352 = arith.constant 256 : index
      %swap3A_353 = tpu.vector_load %arg10[%swap3A_351, %swap3A_352] {strides = array<i32>} : memref<32x768xf32, #tpu.memory_space<vmem>>, vector<1x16xf32>,
      %swap3A_354 = vector.shape_cast %swap3A_353 : vector<1x16xf32> to vector<16xf32>
      %swap3A_355 = vector.shape_cast %add3A_350 : vector<16xf32> to vector<1x16xf32>
      tpu.vector_store %arg10[%swap3A_351, %swap3A_352], %swap3A_355 {strides = array<i32>} : memref<32x768xf32, #tpu.memory_space<vmem>>, vector<1x16xf32>,
      %get3A_356 = arith.index_cast %scan3A_76 : i32 to index
      %get3A_357 = arith.constant 272 : index
      %get3A_358 = tpu.vector_load %arg10[%get3A_356, %get3A_357] {strides = array<i32>} : memref<32x768xf32, #tpu.memory_space<vmem>>, vector<1x16xf32>,
      %get3A_359 = vector.shape_cast %get3A_358 : vector<1x16xf32> to vector<16xf32>
      %mul3A_360 = arith.mulf %get3A_80, %get3A_359 : vector<16xf32>
      %get3A_361 = arith.index_cast %scan3A_76 : i32 to index
      %get3A_362 = arith.constant 272 : index
      %get3A_363 = tpu.vector_load %arg12[%get3A_361, %get3A_362] {strides = array<i32>} : memref<32x768xf32, #tpu.memory_space<vmem>>, vector<1x16xf32>,
      %get3A_364 = vector.shape_cast %get3A_363 : vector<1x16xf32> to vector<16xf32>
      %mul3A_365 = arith.mulf %get3A_84, %get3A_364 : vector<16xf32>
      %add3A_366 = arith.addf %mul3A_360, %mul3A_365 : vector<16xf32>
      %swap3A_367 = arith.index_cast %scan3A_76 : i32 to index
      %swap3A_368 = arith.constant 272 : index
      %swap3A_369 = tpu.vector_load %arg10[%swap3A_367, %swap3A_368] {strides = array<i32>} : memref<32x768xf32, #tpu.memory_space<vmem>>, vector<1x16xf32>,
      %swap3A_370 = vector.shape_cast %swap3A_369 : vector<1x16xf32> to vector<16xf32>
      %swap3A_371 = vector.shape_cast %add3A_366 : vector<16xf32> to vector<1x16xf32>
      tpu.vector_store %arg10[%swap3A_367, %swap3A_368], %swap3A_371 {strides = array<i32>} : memref<32x768xf32, #tpu.memory_space<vmem>>, vector<1x16xf32>,
      %get3A_372 = arith.index_cast %scan3A_76 : i32 to index
      %get3A_373 = arith.constant 288 : index
      %get3A_374 = tpu.vector_load %arg10[%get3A_372, %get3A_373] {strides = array<i32>} : memref<32x768xf32, #tpu.memory_space<vmem>>, vector<1x16xf32>,
      %get3A_375 = vector.shape_cast %get3A_374 : vector<1x16xf32> to vector<16xf32>
      %mul3A_376 = arith.mulf %get3A_80, %get3A_375 : vector<16xf32>
      %get3A_377 = arith.index_cast %scan3A_76 : i32 to index
      %get3A_378 = arith.constant 288 : index
      %get3A_379 = tpu.vector_load %arg12[%get3A_377, %get3A_378] {strides = array<i32>} : memref<32x768xf32, #tpu.memory_space<vmem>>, vector<1x16xf32>,
      %get3A_380 = vector.shape_cast %get3A_379 : vector<1x16xf32> to vector<16xf32>
      %mul3A_381 = arith.mulf %get3A_84, %get3A_380 : vector<16xf32>
      %add3A_382 = arith.addf %mul3A_376, %mul3A_381 : vector<16xf32>
      %swap3A_383 = arith.index_cast %scan3A_76 : i32 to index
      %swap3A_384 = arith.constant 288 : index
      %swap3A_385 = tpu.vector_load %arg10[%swap3A_383, %swap3A_384] {strides = array<i32>} : memref<32x768xf32, #tpu.memory_space<vmem>>, vector<1x16xf32>,
      %swap3A_386 = vector.shape_cast %swap3A_385 : vector<1x16xf32> to vector<16xf32>
      %swap3A_387 = vector.shape_cast %add3A_382 : vector<16xf32> to vector<1x16xf32>
      tpu.vector_store %arg10[%swap3A_383, %swap3A_384], %swap3A_387 {strides = array<i32>} : memref<32x768xf32, #tpu.memory_space<vmem>>, vector<1x16xf32>,
      %get3A_388 = arith.index_cast %scan3A_76 : i32 to index
      %get3A_389 = arith.constant 304 : index
      %get3A_390 = tpu.vector_load %arg10[%get3A_388, %get3A_389] {strides = array<i32>} : memref<32x768xf32, #tpu.memory_space<vmem>>, vector<1x16xf32>,
      %get3A_391 = vector.shape_cast %get3A_390 : vector<1x16xf32> to vector<16xf32>
      %mul3A_392 = arith.mulf %get3A_80, %get3A_391 : vector<16xf32>
      %get3A_393 = arith.index_cast %scan3A_76 : i32 to index
      %get3A_394 = arith.constant 304 : index
      %get3A_395 = tpu.vector_load %arg12[%get3A_393, %get3A_394] {strides = array<i32>} : memref<32x768xf32, #tpu.memory_space<vmem>>, vector<1x16xf32>,
      %get3A_396 = vector.shape_cast %get3A_395 : vector<1x16xf32> to vector<16xf32>
      %mul3A_397 = arith.mulf %get3A_84, %get3A_396 : vector<16xf32>
      %add3A_398 = arith.addf %mul3A_392, %mul3A_397 : vector<16xf32>
      %swap3A_399 = arith.index_cast %scan3A_76 : i32 to index
      %swap3A_400 = arith.constant 304 : index
      %swap3A_401 = tpu.vector_load %arg10[%swap3A_399, %swap3A_400] {strides = array<i32>} : memref<32x768xf32, #tpu.memory_space<vmem>>, vector<1x16xf32>,
      %swap3A_402 = vector.shape_cast %swap3A_401 : vector<1x16xf32> to vector<16xf32>
      %swap3A_403 = vector.shape_cast %add3A_398 : vector<16xf32> to vector<1x16xf32>
      tpu.vector_store %arg10[%swap3A_399, %swap3A_400], %swap3A_403 {strides = array<i32>} : memref<32x768xf32, #tpu.memory_space<vmem>>, vector<1x16xf32>,
      %get3A_404 = arith.index_cast %scan3A_76 : i32 to index
      %get3A_405 = arith.constant 320 : index
      %get3A_406 = tpu.vector_load %arg10[%get3A_404, %get3A_405] {strides = array<i32>} : memref<32x768xf32, #tpu.memory_space<vmem>>, vector<1x16xf32>,
      %get3A_407 = vector.shape_cast %get3A_406 : vector<1x16xf32> to vector<16xf32>
      %mul3A_408 = arith.mulf %get3A_80, %get3A_407 : vector<16xf32>
      %get3A_409 = arith.index_cast %scan3A_76 : i32 to index
      %get3A_410 = arith.constant 320 : index
      %get3A_411 = tpu.vector_load %arg12[%get3A_409, %get3A_410] {strides = array<i32>} : memref<32x768xf32, #tpu.memory_space<vmem>>, vector<1x16xf32>,
      %get3A_412 = vector.shape_cast %get3A_411 : vector<1x16xf32> to vector<16xf32>
      %mul3A_413 = arith.mulf %get3A_84, %get3A_412 : vector<16xf32>
      %add3A_414 = arith.addf %mul3A_408, %mul3A_413 : vector<16xf32>
      %swap3A_415 = arith.index_cast %scan3A_76 : i32 to index
      %swap3A_416 = arith.constant 320 : index
      %swap3A_417 = tpu.vector_load %arg10[%swap3A_415, %swap3A_416] {strides = array<i32>} : memref<32x768xf32, #tpu.memory_space<vmem>>, vector<1x16xf32>,
      %swap3A_418 = vector.shape_cast %swap3A_417 : vector<1x16xf32> to vector<16xf32>
      %swap3A_419 = vector.shape_cast %add3A_414 : vector<16xf32> to vector<1x16xf32>
      tpu.vector_store %arg10[%swap3A_415, %swap3A_416], %swap3A_419 {strides = array<i32>} : memref<32x768xf32, #tpu.memory_space<vmem>>, vector<1x16xf32>,
      %get3A_420 = arith.index_cast %scan3A_76 : i32 to index
      %get3A_421 = arith.constant 336 : index
      %get3A_422 = tpu.vector_load %arg10[%get3A_420, %get3A_421] {strides = array<i32>} : memref<32x768xf32, #tpu.memory_space<vmem>>, vector<1x16xf32>,
      %get3A_423 = vector.shape_cast %get3A_422 : vector<1x16xf32> to vector<16xf32>
      %mul3A_424 = arith.mulf %get3A_80, %get3A_423 : vector<16xf32>
      %get3A_425 = arith.index_cast %scan3A_76 : i32 to index
      %get3A_426 = arith.constant 336 : index
      %get3A_427 = tpu.vector_load %arg12[%get3A_425, %get3A_426] {strides = array<i32>} : memref<32x768xf32, #tpu.memory_space<vmem>>, vector<1x16xf32>,
      %get3A_428 = vector.shape_cast %get3A_427 : vector<1x16xf32> to vector<16xf32>
      %mul3A_429 = arith.mulf %get3A_84, %get3A_428 : vector<16xf32>
      %add3A_430 = arith.addf %mul3A_424, %mul3A_429 : vector<16xf32>
      %swap3A_431 = arith.index_cast %scan3A_76 : i32 to index
      %swap3A_432 = arith.constant 336 : index
      %swap3A_433 = tpu.vector_load %arg10[%swap3A_431, %swap3A_432] {strides = array<i32>} : memref<32x768xf32, #tpu.memory_space<vmem>>, vector<1x16xf32>,
      %swap3A_434 = vector.shape_cast %swap3A_433 : vector<1x16xf32> to vector<16xf32>
      %swap3A_435 = vector.shape_cast %add3A_430 : vector<16xf32> to vector<1x16xf32>
      tpu.vector_store %arg10[%swap3A_431, %swap3A_432], %swap3A_435 {strides = array<i32>} : memref<32x768xf32, #tpu.memory_space<vmem>>, vector<1x16xf32>,
      %get3A_436 = arith.index_cast %scan3A_76 : i32 to index
      %get3A_437 = arith.constant 352 : index
      %get3A_438 = tpu.vector_load %arg10[%get3A_436, %get3A_437] {strides = array<i32>} : memref<32x768xf32, #tpu.memory_space<vmem>>, vector<1x16xf32>,
      %get3A_439 = vector.shape_cast %get3A_438 : vector<1x16xf32> to vector<16xf32>
      %mul3A_440 = arith.mulf %get3A_80, %get3A_439 : vector<16xf32>
      %get3A_441 = arith.index_cast %scan3A_76 : i32 to index
      %get3A_442 = arith.constant 352 : index
      %get3A_443 = tpu.vector_load %arg12[%get3A_441, %get3A_442] {strides = array<i32>} : memref<32x768xf32, #tpu.memory_space<vmem>>, vector<1x16xf32>,
      %get3A_444 = vector.shape_cast %get3A_443 : vector<1x16xf32> to vector<16xf32>
      %mul3A_445 = arith.mulf %get3A_84, %get3A_444 : vector<16xf32>
      %add3A_446 = arith.addf %mul3A_440, %mul3A_445 : vector<16xf32>
      %swap3A_447 = arith.index_cast %scan3A_76 : i32 to index
      %swap3A_448 = arith.constant 352 : index
      %swap3A_449 = tpu.vector_load %arg10[%swap3A_447, %swap3A_448] {strides = array<i32>} : memref<32x768xf32, #tpu.memory_space<vmem>>, vector<1x16xf32>,
      %swap3A_450 = vector.shape_cast %swap3A_449 : vector<1x16xf32> to vector<16xf32>
      %swap3A_451 = vector.shape_cast %add3A_446 : vector<16xf32> to vector<1x16xf32>
      tpu.vector_store %arg10[%swap3A_447, %swap3A_448], %swap3A_451 {strides = array<i32>} : memref<32x768xf32, #tpu.memory_space<vmem>>, vector<1x16xf32>,
      %get3A_452 = arith.index_cast %scan3A_76 : i32 to index
      %get3A_453 = arith.constant 368 : index
      %get3A_454 = tpu.vector_load %arg10[%get3A_452, %get3A_453] {strides = array<i32>} : memref<32x768xf32, #tpu.memory_space<vmem>>, vector<1x16xf32>,
      %get3A_455 = vector.shape_cast %get3A_454 : vector<1x16xf32> to vector<16xf32>
      %mul3A_456 = arith.mulf %get3A_80, %get3A_455 : vector<16xf32>
      %get3A_457 = arith.index_cast %scan3A_76 : i32 to index
      %get3A_458 = arith.constant 368 : index
      %get3A_459 = tpu.vector_load %arg12[%get3A_457, %get3A_458] {strides = array<i32>} : memref<32x768xf32, #tpu.memory_space<vmem>>, vector<1x16xf32>,
      %get3A_460 = vector.shape_cast %get3A_459 : vector<1x16xf32> to vector<16xf32>
      %mul3A_461 = arith.mulf %get3A_84, %get3A_460 : vector<16xf32>
      %add3A_462 = arith.addf %mul3A_456, %mul3A_461 : vector<16xf32>
      %swap3A_463 = arith.index_cast %scan3A_76 : i32 to index
      %swap3A_464 = arith.constant 368 : index
      %swap3A_465 = tpu.vector_load %arg10[%swap3A_463, %swap3A_464] {strides = array<i32>} : memref<32x768xf32, #tpu.memory_space<vmem>>, vector<1x16xf32>,
      %swap3A_466 = vector.shape_cast %swap3A_465 : vector<1x16xf32> to vector<16xf32>
      %swap3A_467 = vector.shape_cast %add3A_462 : vector<16xf32> to vector<1x16xf32>
      tpu.vector_store %arg10[%swap3A_463, %swap3A_464], %swap3A_467 {strides = array<i32>} : memref<32x768xf32, #tpu.memory_space<vmem>>, vector<1x16xf32>,
      %get3A_468 = arith.index_cast %scan3A_76 : i32 to index
      %get3A_469 = arith.constant 384 : index
      %get3A_470 = tpu.vector_load %arg10[%get3A_468, %get3A_469] {strides = array<i32>} : memref<32x768xf32, #tpu.memory_space<vmem>>, vector<1x16xf32>,
      %get3A_471 = vector.shape_cast %get3A_470 : vector<1x16xf32> to vector<16xf32>
      %mul3A_472 = arith.mulf %get3A_80, %get3A_471 : vector<16xf32>
      %get3A_473 = arith.index_cast %scan3A_76 : i32 to index
      %get3A_474 = arith.constant 384 : index
      %get3A_475 = tpu.vector_load %arg12[%get3A_473, %get3A_474] {strides = array<i32>} : memref<32x768xf32, #tpu.memory_space<vmem>>, vector<1x16xf32>,
      %get3A_476 = vector.shape_cast %get3A_475 : vector<1x16xf32> to vector<16xf32>
      %mul3A_477 = arith.mulf %get3A_84, %get3A_476 : vector<16xf32>
      %add3A_478 = arith.addf %mul3A_472, %mul3A_477 : vector<16xf32>
      %swap3A_479 = arith.index_cast %scan3A_76 : i32 to index
      %swap3A_480 = arith.constant 384 : index
      %swap3A_481 = tpu.vector_load %arg10[%swap3A_479, %swap3A_480] {strides = array<i32>} : memref<32x768xf32, #tpu.memory_space<vmem>>, vector<1x16xf32>,
      %swap3A_482 = vector.shape_cast %swap3A_481 : vector<1x16xf32> to vector<16xf32>
      %swap3A_483 = vector.shape_cast %add3A_478 : vector<16xf32> to vector<1x16xf32>
      tpu.vector_store %arg10[%swap3A_479, %swap3A_480], %swap3A_483 {strides = array<i32>} : memref<32x768xf32, #tpu.memory_space<vmem>>, vector<1x16xf32>,
      %get3A_484 = arith.index_cast %scan3A_76 : i32 to index
      %get3A_485 = arith.constant 400 : index
      %get3A_486 = tpu.vector_load %arg10[%get3A_484, %get3A_485] {strides = array<i32>} : memref<32x768xf32, #tpu.memory_space<vmem>>, vector<1x16xf32>,
      %get3A_487 = vector.shape_cast %get3A_486 : vector<1x16xf32> to vector<16xf32>
      %mul3A_488 = arith.mulf %get3A_80, %get3A_487 : vector<16xf32>
      %get3A_489 = arith.index_cast %scan3A_76 : i32 to index
      %get3A_490 = arith.constant 400 : index
      %get3A_491 = tpu.vector_load %arg12[%get3A_489, %get3A_490] {strides = array<i32>} : memref<32x768xf32, #tpu.memory_space<vmem>>, vector<1x16xf32>,
      %get3A_492 = vector.shape_cast %get3A_491 : vector<1x16xf32> to vector<16xf32>
      %mul3A_493 = arith.mulf %get3A_84, %get3A_492 : vector<16xf32>
      %add3A_494 = arith.addf %mul3A_488, %mul3A_493 : vector<16xf32>
      %swap3A_495 = arith.index_cast %scan3A_76 : i32 to index
      %swap3A_496 = arith.constant 400 : index
      %swap3A_497 = tpu.vector_load %arg10[%swap3A_495, %swap3A_496] {strides = array<i32>} : memref<32x768xf32, #tpu.memory_space<vmem>>, vector<1x16xf32>,
      %swap3A_498 = vector.shape_cast %swap3A_497 : vector<1x16xf32> to vector<16xf32>
      %swap3A_499 = vector.shape_cast %add3A_494 : vector<16xf32> to vector<1x16xf32>
      tpu.vector_store %arg10[%swap3A_495, %swap3A_496], %swap3A_499 {strides = array<i32>} : memref<32x768xf32, #tpu.memory_space<vmem>>, vector<1x16xf32>,
      %get3A_500 = arith.index_cast %scan3A_76 : i32 to index
      %get3A_501 = arith.constant 416 : index
      %get3A_502 = tpu.vector_load %arg10[%get3A_500, %get3A_501] {strides = array<i32>} : memref<32x768xf32, #tpu.memory_space<vmem>>, vector<1x16xf32>,
      %get3A_503 = vector.shape_cast %get3A_502 : vector<1x16xf32> to vector<16xf32>
      %mul3A_504 = arith.mulf %get3A_80, %get3A_503 : vector<16xf32>
      %get3A_505 = arith.index_cast %scan3A_76 : i32 to index
      %get3A_506 = arith.constant 416 : index
      %get3A_507 = tpu.vector_load %arg12[%get3A_505, %get3A_506] {strides = array<i32>} : memref<32x768xf32, #tpu.memory_space<vmem>>, vector<1x16xf32>,
      %get3A_508 = vector.shape_cast %get3A_507 : vector<1x16xf32> to vector<16xf32>
      %mul3A_509 = arith.mulf %get3A_84, %get3A_508 : vector<16xf32>
      %add3A_510 = arith.addf %mul3A_504, %mul3A_509 : vector<16xf32>
      %swap3A_511 = arith.index_cast %scan3A_76 : i32 to index
      %swap3A_512 = arith.constant 416 : index
      %swap3A_513 = tpu.vector_load %arg10[%swap3A_511, %swap3A_512] {strides = array<i32>} : memref<32x768xf32, #tpu.memory_space<vmem>>, vector<1x16xf32>,
      %swap3A_514 = vector.shape_cast %swap3A_513 : vector<1x16xf32> to vector<16xf32>
      %swap3A_515 = vector.shape_cast %add3A_510 : vector<16xf32> to vector<1x16xf32>
      tpu.vector_store %arg10[%swap3A_511, %swap3A_512], %swap3A_515 {strides = array<i32>} : memref<32x768xf32, #tpu.memory_space<vmem>>, vector<1x16xf32>,
      %get3A_516 = arith.index_cast %scan3A_76 : i32 to index
      %get3A_517 = arith.constant 432 : index
      %get3A_518 = tpu.vector_load %arg10[%get3A_516, %get3A_517] {strides = array<i32>} : memref<32x768xf32, #tpu.memory_space<vmem>>, vector<1x16xf32>,
      %get3A_519 = vector.shape_cast %get3A_518 : vector<1x16xf32> to vector<16xf32>
      %mul3A_520 = arith.mulf %get3A_80, %get3A_519 : vector<16xf32>
      %get3A_521 = arith.index_cast %scan3A_76 : i32 to index
      %get3A_522 = arith.constant 432 : index
      %get3A_523 = tpu.vector_load %arg12[%get3A_521, %get3A_522] {strides = array<i32>} : memref<32x768xf32, #tpu.memory_space<vmem>>, vector<1x16xf32>,
      %get3A_524 = vector.shape_cast %get3A_523 : vector<1x16xf32> to vector<16xf32>
      %mul3A_525 = arith.mulf %get3A_84, %get3A_524 : vector<16xf32>
      %add3A_526 = arith.addf %mul3A_520, %mul3A_525 : vector<16xf32>
      %swap3A_527 = arith.index_cast %scan3A_76 : i32 to index
      %swap3A_528 = arith.constant 432 : index
      %swap3A_529 = tpu.vector_load %arg10[%swap3A_527, %swap3A_528] {strides = array<i32>} : memref<32x768xf32, #tpu.memory_space<vmem>>, vector<1x16xf32>,
      %swap3A_530 = vector.shape_cast %swap3A_529 : vector<1x16xf32> to vector<16xf32>
      %swap3A_531 = vector.shape_cast %add3A_526 : vector<16xf32> to vector<1x16xf32>
      tpu.vector_store %arg10[%swap3A_527, %swap3A_528], %swap3A_531 {strides = array<i32>} : memref<32x768xf32, #tpu.memory_space<vmem>>, vector<1x16xf32>,
      %get3A_532 = arith.index_cast %scan3A_76 : i32 to index
      %get3A_533 = arith.constant 448 : index
      %get3A_534 = tpu.vector_load %arg10[%get3A_532, %get3A_533] {strides = array<i32>} : memref<32x768xf32, #tpu.memory_space<vmem>>, vector<1x16xf32>,
      %get3A_535 = vector.shape_cast %get3A_534 : vector<1x16xf32> to vector<16xf32>
      %mul3A_536 = arith.mulf %get3A_80, %get3A_535 : vector<16xf32>
      %get3A_537 = arith.index_cast %scan3A_76 : i32 to index
      %get3A_538 = arith.constant 448 : index
      %get3A_539 = tpu.vector_load %arg12[%get3A_537, %get3A_538] {strides = array<i32>} : memref<32x768xf32, #tpu.memory_space<vmem>>, vector<1x16xf32>,
      %get3A_540 = vector.shape_cast %get3A_539 : vector<1x16xf32> to vector<16xf32>
      %mul3A_541 = arith.mulf %get3A_84, %get3A_540 : vector<16xf32>
      %add3A_542 = arith.addf %mul3A_536, %mul3A_541 : vector<16xf32>
      %swap3A_543 = arith.index_cast %scan3A_76 : i32 to index
      %swap3A_544 = arith.constant 448 : index
      %swap3A_545 = tpu.vector_load %arg10[%swap3A_543, %swap3A_544] {strides = array<i32>} : memref<32x768xf32, #tpu.memory_space<vmem>>, vector<1x16xf32>,
      %swap3A_546 = vector.shape_cast %swap3A_545 : vector<1x16xf32> to vector<16xf32>
      %swap3A_547 = vector.shape_cast %add3A_542 : vector<16xf32> to vector<1x16xf32>
      tpu.vector_store %arg10[%swap3A_543, %swap3A_544], %swap3A_547 {strides = array<i32>} : memref<32x768xf32, #tpu.memory_space<vmem>>, vector<1x16xf32>,
      %get3A_548 = arith.index_cast %scan3A_76 : i32 to index
      %get3A_549 = arith.constant 464 : index
      %get3A_550 = tpu.vector_load %arg10[%get3A_548, %get3A_549] {strides = array<i32>} : memref<32x768xf32, #tpu.memory_space<vmem>>, vector<1x16xf32>,
      %get3A_551 = vector.shape_cast %get3A_550 : vector<1x16xf32> to vector<16xf32>
      %mul3A_552 = arith.mulf %get3A_80, %get3A_551 : vector<16xf32>
      %get3A_553 = arith.index_cast %scan3A_76 : i32 to index
      %get3A_554 = arith.constant 464 : index
      %get3A_555 = tpu.vector_load %arg12[%get3A_553, %get3A_554] {strides = array<i32>} : memref<32x768xf32, #tpu.memory_space<vmem>>, vector<1x16xf32>,
      %get3A_556 = vector.shape_cast %get3A_555 : vector<1x16xf32> to vector<16xf32>
      %mul3A_557 = arith.mulf %get3A_84, %get3A_556 : vector<16xf32>
      %add3A_558 = arith.addf %mul3A_552, %mul3A_557 : vector<16xf32>
      %swap3A_559 = arith.index_cast %scan3A_76 : i32 to index
      %swap3A_560 = arith.constant 464 : index
      %swap3A_561 = tpu.vector_load %arg10[%swap3A_559, %swap3A_560] {strides = array<i32>} : memref<32x768xf32, #tpu.memory_space<vmem>>, vector<1x16xf32>,
      %swap3A_562 = vector.shape_cast %swap3A_561 : vector<1x16xf32> to vector<16xf32>
      %swap3A_563 = vector.shape_cast %add3A_558 : vector<16xf32> to vector<1x16xf32>
      tpu.vector_store %arg10[%swap3A_559, %swap3A_560], %swap3A_563 {strides = array<i32>} : memref<32x768xf32, #tpu.memory_space<vmem>>, vector<1x16xf32>,
      %get3A_564 = arith.index_cast %scan3A_76 : i32 to index
      %get3A_565 = arith.constant 480 : index
      %get3A_566 = tpu.vector_load %arg10[%get3A_564, %get3A_565] {strides = array<i32>} : memref<32x768xf32, #tpu.memory_space<vmem>>, vector<1x16xf32>,
      %get3A_567 = vector.shape_cast %get3A_566 : vector<1x16xf32> to vector<16xf32>
      %mul3A_568 = arith.mulf %get3A_80, %get3A_567 : vector<16xf32>
      %get3A_569 = arith.index_cast %scan3A_76 : i32 to index
      %get3A_570 = arith.constant 480 : index
      %get3A_571 = tpu.vector_load %arg12[%get3A_569, %get3A_570] {strides = array<i32>} : memref<32x768xf32, #tpu.memory_space<vmem>>, vector<1x16xf32>,
      %get3A_572 = vector.shape_cast %get3A_571 : vector<1x16xf32> to vector<16xf32>
      %mul3A_573 = arith.mulf %get3A_84, %get3A_572 : vector<16xf32>
      %add3A_574 = arith.addf %mul3A_568, %mul3A_573 : vector<16xf32>
      %swap3A_575 = arith.index_cast %scan3A_76 : i32 to index
      %swap3A_576 = arith.constant 480 : index
      %swap3A_577 = tpu.vector_load %arg10[%swap3A_575, %swap3A_576] {strides = array<i32>} : memref<32x768xf32, #tpu.memory_space<vmem>>, vector<1x16xf32>,
      %swap3A_578 = vector.shape_cast %swap3A_577 : vector<1x16xf32> to vector<16xf32>
      %swap3A_579 = vector.shape_cast %add3A_574 : vector<16xf32> to vector<1x16xf32>
      tpu.vector_store %arg10[%swap3A_575, %swap3A_576], %swap3A_579 {strides = array<i32>} : memref<32x768xf32, #tpu.memory_space<vmem>>, vector<1x16xf32>,
      %get3A_580 = arith.index_cast %scan3A_76 : i32 to index
      %get3A_581 = arith.constant 496 : index
      %get3A_582 = tpu.vector_load %arg10[%get3A_580, %get3A_581] {strides = array<i32>} : memref<32x768xf32, #tpu.memory_space<vmem>>, vector<1x16xf32>,
      %get3A_583 = vector.shape_cast %get3A_582 : vector<1x16xf32> to vector<16xf32>
      %mul3A_584 = arith.mulf %get3A_80, %get3A_583 : vector<16xf32>
      %get3A_585 = arith.index_cast %scan3A_76 : i32 to index
      %get3A_586 = arith.constant 496 : index
      %get3A_587 = tpu.vector_load %arg12[%get3A_585, %get3A_586] {strides = array<i32>} : memref<32x768xf32, #tpu.memory_space<vmem>>, vector<1x16xf32>,
      %get3A_588 = vector.shape_cast %get3A_587 : vector<1x16xf32> to vector<16xf32>
      %mul3A_589 = arith.mulf %get3A_84, %get3A_588 : vector<16xf32>
      %add3A_590 = arith.addf %mul3A_584, %mul3A_589 : vector<16xf32>
      %swap3A_591 = arith.index_cast %scan3A_76 : i32 to index
      %swap3A_592 = arith.constant 496 : index
      %swap3A_593 = tpu.vector_load %arg10[%swap3A_591, %swap3A_592] {strides = array<i32>} : memref<32x768xf32, #tpu.memory_space<vmem>>, vector<1x16xf32>,
      %swap3A_594 = vector.shape_cast %swap3A_593 : vector<1x16xf32> to vector<16xf32>
      %swap3A_595 = vector.shape_cast %add3A_590 : vector<16xf32> to vector<1x16xf32>
      tpu.vector_store %arg10[%swap3A_591, %swap3A_592], %swap3A_595 {strides = array<i32>} : memref<32x768xf32, #tpu.memory_space<vmem>>, vector<1x16xf32>,
      %get3A_596 = arith.index_cast %scan3A_76 : i32 to index
      %get3A_597 = arith.constant 512 : index
      %get3A_598 = tpu.vector_load %arg10[%get3A_596, %get3A_597] {strides = array<i32>} : memref<32x768xf32, #tpu.memory_space<vmem>>, vector<1x16xf32>,
      %get3A_599 = vector.shape_cast %get3A_598 : vector<1x16xf32> to vector<16xf32>
      %mul3A_600 = arith.mulf %get3A_80, %get3A_599 : vector<16xf32>
      %get3A_601 = arith.index_cast %scan3A_76 : i32 to index
      %get3A_602 = arith.constant 512 : index
      %get3A_603 = tpu.vector_load %arg12[%get3A_601, %get3A_602] {strides = array<i32>} : memref<32x768xf32, #tpu.memory_space<vmem>>, vector<1x16xf32>,
      %get3A_604 = vector.shape_cast %get3A_603 : vector<1x16xf32> to vector<16xf32>
      %mul3A_605 = arith.mulf %get3A_84, %get3A_604 : vector<16xf32>
      %add3A_606 = arith.addf %mul3A_600, %mul3A_605 : vector<16xf32>
      %swap3A_607 = arith.index_cast %scan3A_76 : i32 to index
      %swap3A_608 = arith.constant 512 : index
      %swap3A_609 = tpu.vector_load %arg10[%swap3A_607, %swap3A_608] {strides = array<i32>} : memref<32x768xf32, #tpu.memory_space<vmem>>, vector<1x16xf32>,
      %swap3A_610 = vector.shape_cast %swap3A_609 : vector<1x16xf32> to vector<16xf32>
      %swap3A_611 = vector.shape_cast %add3A_606 : vector<16xf32> to vector<1x16xf32>
      tpu.vector_store %arg10[%swap3A_607, %swap3A_608], %swap3A_611 {strides = array<i32>} : memref<32x768xf32, #tpu.memory_space<vmem>>, vector<1x16xf32>,
      %get3A_612 = arith.index_cast %scan3A_76 : i32 to index
      %get3A_613 = arith.constant 528 : index
      %get3A_614 = tpu.vector_load %arg10[%get3A_612, %get3A_613] {strides = array<i32>} : memref<32x768xf32, #tpu.memory_space<vmem>>, vector<1x16xf32>,
      %get3A_615 = vector.shape_cast %get3A_614 : vector<1x16xf32> to vector<16xf32>
      %mul3A_616 = arith.mulf %get3A_80, %get3A_615 : vector<16xf32>
      %get3A_617 = arith.index_cast %scan3A_76 : i32 to index
      %get3A_618 = arith.constant 528 : index
      %get3A_619 = tpu.vector_load %arg12[%get3A_617, %get3A_618] {strides = array<i32>} : memref<32x768xf32, #tpu.memory_space<vmem>>, vector<1x16xf32>,
      %get3A_620 = vector.shape_cast %get3A_619 : vector<1x16xf32> to vector<16xf32>
      %mul3A_621 = arith.mulf %get3A_84, %get3A_620 : vector<16xf32>
      %add3A_622 = arith.addf %mul3A_616, %mul3A_621 : vector<16xf32>
      %swap3A_623 = arith.index_cast %scan3A_76 : i32 to index
      %swap3A_624 = arith.constant 528 : index
      %swap3A_625 = tpu.vector_load %arg10[%swap3A_623, %swap3A_624] {strides = array<i32>} : memref<32x768xf32, #tpu.memory_space<vmem>>, vector<1x16xf32>,
      %swap3A_626 = vector.shape_cast %swap3A_625 : vector<1x16xf32> to vector<16xf32>
      %swap3A_627 = vector.shape_cast %add3A_622 : vector<16xf32> to vector<1x16xf32>
      tpu.vector_store %arg10[%swap3A_623, %swap3A_624], %swap3A_627 {strides = array<i32>} : memref<32x768xf32, #tpu.memory_space<vmem>>, vector<1x16xf32>,
      %get3A_628 = arith.index_cast %scan3A_76 : i32 to index
      %get3A_629 = arith.constant 544 : index
      %get3A_630 = tpu.vector_load %arg10[%get3A_628, %get3A_629] {strides = array<i32>} : memref<32x768xf32, #tpu.memory_space<vmem>>, vector<1x16xf32>,
      %get3A_631 = vector.shape_cast %get3A_630 : vector<1x16xf32> to vector<16xf32>
      %mul3A_632 = arith.mulf %get3A_80, %get3A_631 : vector<16xf32>
      %get3A_633 = arith.index_cast %scan3A_76 : i32 to index
      %get3A_634 = arith.constant 544 : index
      %get3A_635 = tpu.vector_load %arg12[%get3A_633, %get3A_634] {strides = array<i32>} : memref<32x768xf32, #tpu.memory_space<vmem>>, vector<1x16xf32>,
      %get3A_636 = vector.shape_cast %get3A_635 : vector<1x16xf32> to vector<16xf32>
      %mul3A_637 = arith.mulf %get3A_84, %get3A_636 : vector<16xf32>
      %add3A_638 = arith.addf %mul3A_632, %mul3A_637 : vector<16xf32>
      %swap3A_639 = arith.index_cast %scan3A_76 : i32 to index
      %swap3A_640 = arith.constant 544 : index
      %swap3A_641 = tpu.vector_load %arg10[%swap3A_639, %swap3A_640] {strides = array<i32>} : memref<32x768xf32, #tpu.memory_space<vmem>>, vector<1x16xf32>,
      %swap3A_642 = vector.shape_cast %swap3A_641 : vector<1x16xf32> to vector<16xf32>
      %swap3A_643 = vector.shape_cast %add3A_638 : vector<16xf32> to vector<1x16xf32>
      tpu.vector_store %arg10[%swap3A_639, %swap3A_640], %swap3A_643 {strides = array<i32>} : memref<32x768xf32, #tpu.memory_space<vmem>>, vector<1x16xf32>,
      %get3A_644 = arith.index_cast %scan3A_76 : i32 to index
      %get3A_645 = arith.constant 560 : index
      %get3A_646 = tpu.vector_load %arg10[%get3A_644, %get3A_645] {strides = array<i32>} : memref<32x768xf32, #tpu.memory_space<vmem>>, vector<1x16xf32>,
      %get3A_647 = vector.shape_cast %get3A_646 : vector<1x16xf32> to vector<16xf32>
      %mul3A_648 = arith.mulf %get3A_80, %get3A_647 : vector<16xf32>
      %get3A_649 = arith.index_cast %scan3A_76 : i32 to index
      %get3A_650 = arith.constant 560 : index
      %get3A_651 = tpu.vector_load %arg12[%get3A_649, %get3A_650] {strides = array<i32>} : memref<32x768xf32, #tpu.memory_space<vmem>>, vector<1x16xf32>,
      %get3A_652 = vector.shape_cast %get3A_651 : vector<1x16xf32> to vector<16xf32>
      %mul3A_653 = arith.mulf %get3A_84, %get3A_652 : vector<16xf32>
      %add3A_654 = arith.addf %mul3A_648, %mul3A_653 : vector<16xf32>
      %swap3A_655 = arith.index_cast %scan3A_76 : i32 to index
      %swap3A_656 = arith.constant 560 : index
      %swap3A_657 = tpu.vector_load %arg10[%swap3A_655, %swap3A_656] {strides = array<i32>} : memref<32x768xf32, #tpu.memory_space<vmem>>, vector<1x16xf32>,
      %swap3A_658 = vector.shape_cast %swap3A_657 : vector<1x16xf32> to vector<16xf32>
      %swap3A_659 = vector.shape_cast %add3A_654 : vector<16xf32> to vector<1x16xf32>
      tpu.vector_store %arg10[%swap3A_655, %swap3A_656], %swap3A_659 {strides = array<i32>} : memref<32x768xf32, #tpu.memory_space<vmem>>, vector<1x16xf32>,
      %get3A_660 = arith.index_cast %scan3A_76 : i32 to index
      %get3A_661 = arith.constant 576 : index
      %get3A_662 = tpu.vector_load %arg10[%get3A_660, %get3A_661] {strides = array<i32>} : memref<32x768xf32, #tpu.memory_space<vmem>>, vector<1x16xf32>,
      %get3A_663 = vector.shape_cast %get3A_662 : vector<1x16xf32> to vector<16xf32>
      %mul3A_664 = arith.mulf %get3A_80, %get3A_663 : vector<16xf32>
      %get3A_665 = arith.index_cast %scan3A_76 : i32 to index
      %get3A_666 = arith.constant 576 : index
      %get3A_667 = tpu.vector_load %arg12[%get3A_665, %get3A_666] {strides = array<i32>} : memref<32x768xf32, #tpu.memory_space<vmem>>, vector<1x16xf32>,
      %get3A_668 = vector.shape_cast %get3A_667 : vector<1x16xf32> to vector<16xf32>
      %mul3A_669 = arith.mulf %get3A_84, %get3A_668 : vector<16xf32>
      %add3A_670 = arith.addf %mul3A_664, %mul3A_669 : vector<16xf32>
      %swap3A_671 = arith.index_cast %scan3A_76 : i32 to index
      %swap3A_672 = arith.constant 576 : index
      %swap3A_673 = tpu.vector_load %arg10[%swap3A_671, %swap3A_672] {strides = array<i32>} : memref<32x768xf32, #tpu.memory_space<vmem>>, vector<1x16xf32>,
      %swap3A_674 = vector.shape_cast %swap3A_673 : vector<1x16xf32> to vector<16xf32>
      %swap3A_675 = vector.shape_cast %add3A_670 : vector<16xf32> to vector<1x16xf32>
      tpu.vector_store %arg10[%swap3A_671, %swap3A_672], %swap3A_675 {strides = array<i32>} : memref<32x768xf32, #tpu.memory_space<vmem>>, vector<1x16xf32>,
      %get3A_676 = arith.index_cast %scan3A_76 : i32 to index
      %get3A_677 = arith.constant 592 : index
      %get3A_678 = tpu.vector_load %arg10[%get3A_676, %get3A_677] {strides = array<i32>} : memref<32x768xf32, #tpu.memory_space<vmem>>, vector<1x16xf32>,
      %get3A_679 = vector.shape_cast %get3A_678 : vector<1x16xf32> to vector<16xf32>
      %mul3A_680 = arith.mulf %get3A_80, %get3A_679 : vector<16xf32>
      %get3A_681 = arith.index_cast %scan3A_76 : i32 to index
      %get3A_682 = arith.constant 592 : index
      %get3A_683 = tpu.vector_load %arg12[%get3A_681, %get3A_682] {strides = array<i32>} : memref<32x768xf32, #tpu.memory_space<vmem>>, vector<1x16xf32>,
      %get3A_684 = vector.shape_cast %get3A_683 : vector<1x16xf32> to vector<16xf32>
      %mul3A_685 = arith.mulf %get3A_84, %get3A_684 : vector<16xf32>
      %add3A_686 = arith.addf %mul3A_680, %mul3A_685 : vector<16xf32>
      %swap3A_687 = arith.index_cast %scan3A_76 : i32 to index
      %swap3A_688 = arith.constant 592 : index
      %swap3A_689 = tpu.vector_load %arg10[%swap3A_687, %swap3A_688] {strides = array<i32>} : memref<32x768xf32, #tpu.memory_space<vmem>>, vector<1x16xf32>,
      %swap3A_690 = vector.shape_cast %swap3A_689 : vector<1x16xf32> to vector<16xf32>
      %swap3A_691 = vector.shape_cast %add3A_686 : vector<16xf32> to vector<1x16xf32>
      tpu.vector_store %arg10[%swap3A_687, %swap3A_688], %swap3A_691 {strides = array<i32>} : memref<32x768xf32, #tpu.memory_space<vmem>>, vector<1x16xf32>,
      %get3A_692 = arith.index_cast %scan3A_76 : i32 to index
      %get3A_693 = arith.constant 608 : index
      %get3A_694 = tpu.vector_load %arg10[%get3A_692, %get3A_693] {strides = array<i32>} : memref<32x768xf32, #tpu.memory_space<vmem>>, vector<1x16xf32>,
      %get3A_695 = vector.shape_cast %get3A_694 : vector<1x16xf32> to vector<16xf32>
      %mul3A_696 = arith.mulf %get3A_80, %get3A_695 : vector<16xf32>
      %get3A_697 = arith.index_cast %scan3A_76 : i32 to index
      %get3A_698 = arith.constant 608 : index
      %get3A_699 = tpu.vector_load %arg12[%get3A_697, %get3A_698] {strides = array<i32>} : memref<32x768xf32, #tpu.memory_space<vmem>>, vector<1x16xf32>,
      %get3A_700 = vector.shape_cast %get3A_699 : vector<1x16xf32> to vector<16xf32>
      %mul3A_701 = arith.mulf %get3A_84, %get3A_700 : vector<16xf32>
      %add3A_702 = arith.addf %mul3A_696, %mul3A_701 : vector<16xf32>
      %swap3A_703 = arith.index_cast %scan3A_76 : i32 to index
      %swap3A_704 = arith.constant 608 : index
      %swap3A_705 = tpu.vector_load %arg10[%swap3A_703, %swap3A_704] {strides = array<i32>} : memref<32x768xf32, #tpu.memory_space<vmem>>, vector<1x16xf32>,
      %swap3A_706 = vector.shape_cast %swap3A_705 : vector<1x16xf32> to vector<16xf32>
      %swap3A_707 = vector.shape_cast %add3A_702 : vector<16xf32> to vector<1x16xf32>
      tpu.vector_store %arg10[%swap3A_703, %swap3A_704], %swap3A_707 {strides = array<i32>} : memref<32x768xf32, #tpu.memory_space<vmem>>, vector<1x16xf32>,
      %get3A_708 = arith.index_cast %scan3A_76 : i32 to index
      %get3A_709 = arith.constant 624 : index
      %get3A_710 = tpu.vector_load %arg10[%get3A_708, %get3A_709] {strides = array<i32>} : memref<32x768xf32, #tpu.memory_space<vmem>>, vector<1x16xf32>,
      %get3A_711 = vector.shape_cast %get3A_710 : vector<1x16xf32> to vector<16xf32>
      %mul3A_712 = arith.mulf %get3A_80, %get3A_711 : vector<16xf32>
      %get3A_713 = arith.index_cast %scan3A_76 : i32 to index
      %get3A_714 = arith.constant 624 : index
      %get3A_715 = tpu.vector_load %arg12[%get3A_713, %get3A_714] {strides = array<i32>} : memref<32x768xf32, #tpu.memory_space<vmem>>, vector<1x16xf32>,
      %get3A_716 = vector.shape_cast %get3A_715 : vector<1x16xf32> to vector<16xf32>
      %mul3A_717 = arith.mulf %get3A_84, %get3A_716 : vector<16xf32>
      %add3A_718 = arith.addf %mul3A_712, %mul3A_717 : vector<16xf32>
      %swap3A_719 = arith.index_cast %scan3A_76 : i32 to index
      %swap3A_720 = arith.constant 624 : index
      %swap3A_721 = tpu.vector_load %arg10[%swap3A_719, %swap3A_720] {strides = array<i32>} : memref<32x768xf32, #tpu.memory_space<vmem>>, vector<1x16xf32>,
      %swap3A_722 = vector.shape_cast %swap3A_721 : vector<1x16xf32> to vector<16xf32>
      %swap3A_723 = vector.shape_cast %add3A_718 : vector<16xf32> to vector<1x16xf32>
      tpu.vector_store %arg10[%swap3A_719, %swap3A_720], %swap3A_723 {strides = array<i32>} : memref<32x768xf32, #tpu.memory_space<vmem>>, vector<1x16xf32>,
      %get3A_724 = arith.index_cast %scan3A_76 : i32 to index
      %get3A_725 = arith.constant 640 : index
      %get3A_726 = tpu.vector_load %arg10[%get3A_724, %get3A_725] {strides = array<i32>} : memref<32x768xf32, #tpu.memory_space<vmem>>, vector<1x16xf32>,
      %get3A_727 = vector.shape_cast %get3A_726 : vector<1x16xf32> to vector<16xf32>
      %mul3A_728 = arith.mulf %get3A_80, %get3A_727 : vector<16xf32>
      %get3A_729 = arith.index_cast %scan3A_76 : i32 to index
      %get3A_730 = arith.constant 640 : index
      %get3A_731 = tpu.vector_load %arg12[%get3A_729, %get3A_730] {strides = array<i32>} : memref<32x768xf32, #tpu.memory_space<vmem>>, vector<1x16xf32>,
      %get3A_732 = vector.shape_cast %get3A_731 : vector<1x16xf32> to vector<16xf32>
      %mul3A_733 = arith.mulf %get3A_84, %get3A_732 : vector<16xf32>
      %add3A_734 = arith.addf %mul3A_728, %mul3A_733 : vector<16xf32>
      %swap3A_735 = arith.index_cast %scan3A_76 : i32 to index
      %swap3A_736 = arith.constant 640 : index
      %swap3A_737 = tpu.vector_load %arg10[%swap3A_735, %swap3A_736] {strides = array<i32>} : memref<32x768xf32, #tpu.memory_space<vmem>>, vector<1x16xf32>,
      %swap3A_738 = vector.shape_cast %swap3A_737 : vector<1x16xf32> to vector<16xf32>
      %swap3A_739 = vector.shape_cast %add3A_734 : vector<16xf32> to vector<1x16xf32>
      tpu.vector_store %arg10[%swap3A_735, %swap3A_736], %swap3A_739 {strides = array<i32>} : memref<32x768xf32, #tpu.memory_space<vmem>>, vector<1x16xf32>,
      %get3A_740 = arith.index_cast %scan3A_76 : i32 to index
      %get3A_741 = arith.constant 656 : index
      %get3A_742 = tpu.vector_load %arg10[%get3A_740, %get3A_741] {strides = array<i32>} : memref<32x768xf32, #tpu.memory_space<vmem>>, vector<1x16xf32>,
      %get3A_743 = vector.shape_cast %get3A_742 : vector<1x16xf32> to vector<16xf32>
      %mul3A_744 = arith.mulf %get3A_80, %get3A_743 : vector<16xf32>
      %get3A_745 = arith.index_cast %scan3A_76 : i32 to index
      %get3A_746 = arith.constant 656 : index
      %get3A_747 = tpu.vector_load %arg12[%get3A_745, %get3A_746] {strides = array<i32>} : memref<32x768xf32, #tpu.memory_space<vmem>>, vector<1x16xf32>,
      %get3A_748 = vector.shape_cast %get3A_747 : vector<1x16xf32> to vector<16xf32>
      %mul3A_749 = arith.mulf %get3A_84, %get3A_748 : vector<16xf32>
      %add3A_750 = arith.addf %mul3A_744, %mul3A_749 : vector<16xf32>
      %swap3A_751 = arith.index_cast %scan3A_76 : i32 to index
      %swap3A_752 = arith.constant 656 : index
      %swap3A_753 = tpu.vector_load %arg10[%swap3A_751, %swap3A_752] {strides = array<i32>} : memref<32x768xf32, #tpu.memory_space<vmem>>, vector<1x16xf32>,
      %swap3A_754 = vector.shape_cast %swap3A_753 : vector<1x16xf32> to vector<16xf32>
      %swap3A_755 = vector.shape_cast %add3A_750 : vector<16xf32> to vector<1x16xf32>
      tpu.vector_store %arg10[%swap3A_751, %swap3A_752], %swap3A_755 {strides = array<i32>} : memref<32x768xf32, #tpu.memory_space<vmem>>, vector<1x16xf32>,
      %get3A_756 = arith.index_cast %scan3A_76 : i32 to index
      %get3A_757 = arith.constant 672 : index
      %get3A_758 = tpu.vector_load %arg10[%get3A_756, %get3A_757] {strides = array<i32>} : memref<32x768xf32, #tpu.memory_space<vmem>>, vector<1x16xf32>,
      %get3A_759 = vector.shape_cast %get3A_758 : vector<1x16xf32> to vector<16xf32>
      %mul3A_760 = arith.mulf %get3A_80, %get3A_759 : vector<16xf32>
      %get3A_761 = arith.index_cast %scan3A_76 : i32 to index
      %get3A_762 = arith.constant 672 : index
      %get3A_763 = tpu.vector_load %arg12[%get3A_761, %get3A_762] {strides = array<i32>} : memref<32x768xf32, #tpu.memory_space<vmem>>, vector<1x16xf32>,
      %get3A_764 = vector.shape_cast %get3A_763 : vector<1x16xf32> to vector<16xf32>
      %mul3A_765 = arith.mulf %get3A_84, %get3A_764 : vector<16xf32>
      %add3A_766 = arith.addf %mul3A_760, %mul3A_765 : vector<16xf32>
      %swap3A_767 = arith.index_cast %scan3A_76 : i32 to index
      %swap3A_768 = arith.constant 672 : index
      %swap3A_769 = tpu.vector_load %arg10[%swap3A_767, %swap3A_768] {strides = array<i32>} : memref<32x768xf32, #tpu.memory_space<vmem>>, vector<1x16xf32>,
      %swap3A_770 = vector.shape_cast %swap3A_769 : vector<1x16xf32> to vector<16xf32>
      %swap3A_771 = vector.shape_cast %add3A_766 : vector<16xf32> to vector<1x16xf32>
      tpu.vector_store %arg10[%swap3A_767, %swap3A_768], %swap3A_771 {strides = array<i32>} : memref<32x768xf32, #tpu.memory_space<vmem>>, vector<1x16xf32>,
      %get3A_772 = arith.index_cast %scan3A_76 : i32 to index
      %get3A_773 = arith.constant 688 : index
      %get3A_774 = tpu.vector_load %arg10[%get3A_772, %get3A_773] {strides = array<i32>} : memref<32x768xf32, #tpu.memory_space<vmem>>, vector<1x16xf32>,
      %get3A_775 = vector.shape_cast %get3A_774 : vector<1x16xf32> to vector<16xf32>
      %mul3A_776 = arith.mulf %get3A_80, %get3A_775 : vector<16xf32>
      %get3A_777 = arith.index_cast %scan3A_76 : i32 to index
      %get3A_778 = arith.constant 688 : index
      %get3A_779 = tpu.vector_load %arg12[%get3A_777, %get3A_778] {strides = array<i32>} : memref<32x768xf32, #tpu.memory_space<vmem>>, vector<1x16xf32>,
      %get3A_780 = vector.shape_cast %get3A_779 : vector<1x16xf32> to vector<16xf32>
      %mul3A_781 = arith.mulf %get3A_84, %get3A_780 : vector<16xf32>
      %add3A_782 = arith.addf %mul3A_776, %mul3A_781 : vector<16xf32>
      %swap3A_783 = arith.index_cast %scan3A_76 : i32 to index
      %swap3A_784 = arith.constant 688 : index
      %swap3A_785 = tpu.vector_load %arg10[%swap3A_783, %swap3A_784] {strides = array<i32>} : memref<32x768xf32, #tpu.memory_space<vmem>>, vector<1x16xf32>,
      %swap3A_786 = vector.shape_cast %swap3A_785 : vector<1x16xf32> to vector<16xf32>
      %swap3A_787 = vector.shape_cast %add3A_782 : vector<16xf32> to vector<1x16xf32>
      tpu.vector_store %arg10[%swap3A_783, %swap3A_784], %swap3A_787 {strides = array<i32>} : memref<32x768xf32, #tpu.memory_space<vmem>>, vector<1x16xf32>,
      %get3A_788 = arith.index_cast %scan3A_76 : i32 to index
      %get3A_789 = arith.constant 704 : index
      %get3A_790 = tpu.vector_load %arg10[%get3A_788, %get3A_789] {strides = array<i32>} : memref<32x768xf32, #tpu.memory_space<vmem>>, vector<1x16xf32>,
      %get3A_791 = vector.shape_cast %get3A_790 : vector<1x16xf32> to vector<16xf32>
      %mul3A_792 = arith.mulf %get3A_80, %get3A_791 : vector<16xf32>
      %get3A_793 = arith.index_cast %scan3A_76 : i32 to index
      %get3A_794 = arith.constant 704 : index
      %get3A_795 = tpu.vector_load %arg12[%get3A_793, %get3A_794] {strides = array<i32>} : memref<32x768xf32, #tpu.memory_space<vmem>>, vector<1x16xf32>,
      %get3A_796 = vector.shape_cast %get3A_795 : vector<1x16xf32> to vector<16xf32>
      %mul3A_797 = arith.mulf %get3A_84, %get3A_796 : vector<16xf32>
      %add3A_798 = arith.addf %mul3A_792, %mul3A_797 : vector<16xf32>
      %swap3A_799 = arith.index_cast %scan3A_76 : i32 to index
      %swap3A_800 = arith.constant 704 : index
      %swap3A_801 = tpu.vector_load %arg10[%swap3A_799, %swap3A_800] {strides = array<i32>} : memref<32x768xf32, #tpu.memory_space<vmem>>, vector<1x16xf32>,
      %swap3A_802 = vector.shape_cast %swap3A_801 : vector<1x16xf32> to vector<16xf32>
      %swap3A_803 = vector.shape_cast %add3A_798 : vector<16xf32> to vector<1x16xf32>
      tpu.vector_store %arg10[%swap3A_799, %swap3A_800], %swap3A_803 {strides = array<i32>} : memref<32x768xf32, #tpu.memory_space<vmem>>, vector<1x16xf32>,
      %get3A_804 = arith.index_cast %scan3A_76 : i32 to index
      %get3A_805 = arith.constant 720 : index
      %get3A_806 = tpu.vector_load %arg10[%get3A_804, %get3A_805] {strides = array<i32>} : memref<32x768xf32, #tpu.memory_space<vmem>>, vector<1x16xf32>,
      %get3A_807 = vector.shape_cast %get3A_806 : vector<1x16xf32> to vector<16xf32>
      %mul3A_808 = arith.mulf %get3A_80, %get3A_807 : vector<16xf32>
      %get3A_809 = arith.index_cast %scan3A_76 : i32 to index
      %get3A_810 = arith.constant 720 : index
      %get3A_811 = tpu.vector_load %arg12[%get3A_809, %get3A_810] {strides = array<i32>} : memref<32x768xf32, #tpu.memory_space<vmem>>, vector<1x16xf32>,
      %get3A_812 = vector.shape_cast %get3A_811 : vector<1x16xf32> to vector<16xf32>
      %mul3A_813 = arith.mulf %get3A_84, %get3A_812 : vector<16xf32>
      %add3A_814 = arith.addf %mul3A_808, %mul3A_813 : vector<16xf32>
      %swap3A_815 = arith.index_cast %scan3A_76 : i32 to index
      %swap3A_816 = arith.constant 720 : index
      %swap3A_817 = tpu.vector_load %arg10[%swap3A_815, %swap3A_816] {strides = array<i32>} : memref<32x768xf32, #tpu.memory_space<vmem>>, vector<1x16xf32>,
      %swap3A_818 = vector.shape_cast %swap3A_817 : vector<1x16xf32> to vector<16xf32>
      %swap3A_819 = vector.shape_cast %add3A_814 : vector<16xf32> to vector<1x16xf32>
      tpu.vector_store %arg10[%swap3A_815, %swap3A_816], %swap3A_819 {strides = array<i32>} : memref<32x768xf32, #tpu.memory_space<vmem>>, vector<1x16xf32>,
      %get3A_820 = arith.index_cast %scan3A_76 : i32 to index
      %get3A_821 = arith.constant 736 : index
      %get3A_822 = tpu.vector_load %arg10[%get3A_820, %get3A_821] {strides = array<i32>} : memref<32x768xf32, #tpu.memory_space<vmem>>, vector<1x16xf32>,
      %get3A_823 = vector.shape_cast %get3A_822 : vector<1x16xf32> to vector<16xf32>
      %mul3A_824 = arith.mulf %get3A_80, %get3A_823 : vector<16xf32>
      %get3A_825 = arith.index_cast %scan3A_76 : i32 to index
      %get3A_826 = arith.constant 736 : index
      %get3A_827 = tpu.vector_load %arg12[%get3A_825, %get3A_826] {strides = array<i32>} : memref<32x768xf32, #tpu.memory_space<vmem>>, vector<1x16xf32>,
      %get3A_828 = vector.shape_cast %get3A_827 : vector<1x16xf32> to vector<16xf32>
      %mul3A_829 = arith.mulf %get3A_84, %get3A_828 : vector<16xf32>
      %add3A_830 = arith.addf %mul3A_824, %mul3A_829 : vector<16xf32>
      %swap3A_831 = arith.index_cast %scan3A_76 : i32 to index
      %swap3A_832 = arith.constant 736 : index
      %swap3A_833 = tpu.vector_load %arg10[%swap3A_831, %swap3A_832] {strides = array<i32>} : memref<32x768xf32, #tpu.memory_space<vmem>>, vector<1x16xf32>,
      %swap3A_834 = vector.shape_cast %swap3A_833 : vector<1x16xf32> to vector<16xf32>
      %swap3A_835 = vector.shape_cast %add3A_830 : vector<16xf32> to vector<1x16xf32>
      tpu.vector_store %arg10[%swap3A_831, %swap3A_832], %swap3A_835 {strides = array<i32>} : memref<32x768xf32, #tpu.memory_space<vmem>>, vector<1x16xf32>,
      %get3A_836 = arith.index_cast %scan3A_76 : i32 to index
      %get3A_837 = arith.constant 752 : index
      %get3A_838 = tpu.vector_load %arg10[%get3A_836, %get3A_837] {strides = array<i32>} : memref<32x768xf32, #tpu.memory_space<vmem>>, vector<1x16xf32>,
      %get3A_839 = vector.shape_cast %get3A_838 : vector<1x16xf32> to vector<16xf32>
      %mul3A_840 = arith.mulf %get3A_80, %get3A_839 : vector<16xf32>
      %get3A_841 = arith.index_cast %scan3A_76 : i32 to index
      %get3A_842 = arith.constant 752 : index
      %get3A_843 = tpu.vector_load %arg12[%get3A_841, %get3A_842] {strides = array<i32>} : memref<32x768xf32, #tpu.memory_space<vmem>>, vector<1x16xf32>,
      %get3A_844 = vector.shape_cast %get3A_843 : vector<1x16xf32> to vector<16xf32>
      %mul3A_845 = arith.mulf %get3A_84, %get3A_844 : vector<16xf32>
      %add3A_846 = arith.addf %mul3A_840, %mul3A_845 : vector<16xf32>
      %swap3A_847 = arith.index_cast %scan3A_76 : i32 to index
      %swap3A_848 = arith.constant 752 : index
      %swap3A_849 = tpu.vector_load %arg10[%swap3A_847, %swap3A_848] {strides = array<i32>} : memref<32x768xf32, #tpu.memory_space<vmem>>, vector<1x16xf32>,
      %swap3A_850 = vector.shape_cast %swap3A_849 : vector<1x16xf32> to vector<16xf32>
      %swap3A_851 = vector.shape_cast %add3A_846 : vector<16xf32> to vector<1x16xf32>
      tpu.vector_store %arg10[%swap3A_847, %swap3A_848], %swap3A_851 {strides = array<i32>} : memref<32x768xf32, #tpu.memory_space<vmem>>, vector<1x16xf32>,
      %scan3A_852 = arith.constant 0 : i32
      scf.yield %scan3A_852 : i32
    }
    %scan3A_38 = arith.constant 32 : i32
    %mul3A_39 = arith.constant 64 : i32
    %mul3A_40 = arith.muli %add3A, %mul3A_39 : i32
    %add3A_41 = arith.constant 0 : i32
    %add3A_42 = arith.addi %mul3A_40, %add3A_41 : i32
    %dma_start3A_43 = arith.constant 0 : i32
    %dma_start3A_44 = tpu.memref_slice %arg5[%add3A_42, %dma_start3A_43] : memref<2048x768xf32, #tpu.memory_space<hbm>> -> memref<32x768xf32, #tpu.memory_space<hbm>>
    %dma_start3A_45 = arith.constant 0 : i32
    %dma_start3A_46 = tpu.memref_slice %arg5[%add3A_42, %dma_start3A_45] : memref<2048x768xf32, #tpu.memory_space<hbm>> -> memref<32x768xf32, #tpu.memory_space<hbm>>
    tpu.enqueue_dma source(%arg10 : memref<32x768xf32, #tpu.memory_space<vmem>>) target(%dma_start3A_46 : memref<32x768xf32, #tpu.memory_space<hbm>>) target_semaphore(%arg19 : memref<!tpu.dma_semaphore, #tpu.memory_space<semaphore_mem>>)
    %dma_wait3A_47 = arith.constant 0 : i32
    %dma_wait3A_48 = arith.constant 0 : i32
    %dma_wait3A_49 = tpu.memref_slice %arg2[%dma_wait3A_47, %dma_wait3A_48] : memref<9216x768xf32, #tpu.memory_space<hbm>> -> memref<9216x768xf32, #tpu.memory_space<hbm>>
    tpu.wait_indirect_dma semaphore(%arg18 : memref<!tpu.dma_semaphore, #tpu.memory_space<semaphore_mem>>) src(%dma_wait3A_49 : memref<9216x768xf32, #tpu.memory_space<hbm>>) dst(%arg11 : memref<32x768xf32, #tpu.memory_space<vmem>>)
    %dma_wait3A_50 = arith.constant 0 : i32
    %dma_wait3A_51 = arith.constant 0 : i32
    %dma_wait3A_52 = tpu.memref_slice %arg2[%dma_wait3A_50, %dma_wait3A_51] : memref<9216x768xf32, #tpu.memory_space<hbm>> -> memref<9216x768xf32, #tpu.memory_space<hbm>>
    tpu.wait_indirect_dma semaphore(%arg18 : memref<!tpu.dma_semaphore, #tpu.memory_space<semaphore_mem>>) src(%dma_wait3A_52 : memref<9216x768xf32, #tpu.memory_space<hbm>>) dst(%arg13 : memref<32x768xf32, #tpu.memory_space<vmem>>)
    %scan3A_53 = arith.constant 0 : i32
    %scan3A_54 = arith.constant 0 : i32
    %scan3A_55 = arith.constant 32 : i32
    %scan3A_56 = arith.addi %scan3A_54, %scan3A_55 : i32
    %scan3A_57 = arith.constant 1 : i32
    %scan3A_58 = scf.for %scan3A_76 = %scan3A_54 to %scan3A_56 step %scan3A_57 iter_args(%scan3A_77 = %scan3A_53) -> (i32)  : i32 {
      %get3A = arith.index_cast %scan3A_76 : i32 to index
      %get3A_78 = arith.constant 0 : index
      %get3A_79 = tpu.vector_load %arg15[%get3A, %get3A_78] {strides = array<i32>} : memref<32x16xf32, #tpu.memory_space<vmem>>, vector<1x16xf32>,
      %get3A_80 = vector.shape_cast %get3A_79 : vector<1x16xf32> to vector<16xf32>
      %get3A_81 = arith.index_cast %scan3A_76 : i32 to index
      %get3A_82 = arith.constant 0 : index
      %get3A_83 = tpu.vector_load %arg17[%get3A_81, %get3A_82] {strides = array<i32>} : memref<32x16xf32, #tpu.memory_space<vmem>>, vector<1x16xf32>,
      %get3A_84 = vector.shape_cast %get3A_83 : vector<1x16xf32> to vector<16xf32>
      %get3A_85 = arith.index_cast %scan3A_76 : i32 to index
      %get3A_86 = arith.constant 0 : index
      %get3A_87 = tpu.vector_load %arg11[%get3A_85, %get3A_86] {strides = array<i32>} : memref<32x768xf32, #tpu.memory_space<vmem>>, vector<1x16xf32>,
      %get3A_88 = vector.shape_cast %get3A_87 : vector<1x16xf32> to vector<16xf32>
      %mul3A_89 = arith.mulf %get3A_80, %get3A_88 : vector<16xf32>
      %get3A_90 = arith.index_cast %scan3A_76 : i32 to index
      %get3A_91 = arith.constant 0 : index
      %get3A_92 = tpu.vector_load %arg13[%get3A_90, %get3A_91] {strides = array<i32>} : memref<32x768xf32, #tpu.memory_space<vmem>>, vector<1x16xf32>,
      %get3A_93 = vector.shape_cast %get3A_92 : vector<1x16xf32> to vector<16xf32>
      %mul3A_94 = arith.mulf %get3A_84, %get3A_93 : vector<16xf32>
      %add3A_95 = arith.addf %mul3A_89, %mul3A_94 : vector<16xf32>
      %swap3A = arith.index_cast %scan3A_76 : i32 to index
      %swap3A_96 = arith.constant 0 : index
      %swap3A_97 = tpu.vector_load %arg11[%swap3A, %swap3A_96] {strides = array<i32>} : memref<32x768xf32, #tpu.memory_space<vmem>>, vector<1x16xf32>,
      %swap3A_98 = vector.shape_cast %swap3A_97 : vector<1x16xf32> to vector<16xf32>
      %swap3A_99 = vector.shape_cast %add3A_95 : vector<16xf32> to vector<1x16xf32>
      tpu.vector_store %arg11[%swap3A, %swap3A_96], %swap3A_99 {strides = array<i32>} : memref<32x768xf32, #tpu.memory_space<vmem>>, vector<1x16xf32>,
      %get3A_100 = arith.index_cast %scan3A_76 : i32 to index
      %get3A_101 = arith.constant 16 : index
      %get3A_102 = tpu.vector_load %arg11[%get3A_100, %get3A_101] {strides = array<i32>} : memref<32x768xf32, #tpu.memory_space<vmem>>, vector<1x16xf32>,
      %get3A_103 = vector.shape_cast %get3A_102 : vector<1x16xf32> to vector<16xf32>
      %mul3A_104 = arith.mulf %get3A_80, %get3A_103 : vector<16xf32>
      %get3A_105 = arith.index_cast %scan3A_76 : i32 to index
      %get3A_106 = arith.constant 16 : index
      %get3A_107 = tpu.vector_load %arg13[%get3A_105, %get3A_106] {strides = array<i32>} : memref<32x768xf32, #tpu.memory_space<vmem>>, vector<1x16xf32>,
      %get3A_108 = vector.shape_cast %get3A_107 : vector<1x16xf32> to vector<16xf32>
      %mul3A_109 = arith.mulf %get3A_84, %get3A_108 : vector<16xf32>
      %add3A_110 = arith.addf %mul3A_104, %mul3A_109 : vector<16xf32>
      %swap3A_111 = arith.index_cast %scan3A_76 : i32 to index
      %swap3A_112 = arith.constant 16 : index
      %swap3A_113 = tpu.vector_load %arg11[%swap3A_111, %swap3A_112] {strides = array<i32>} : memref<32x768xf32, #tpu.memory_space<vmem>>, vector<1x16xf32>,
      %swap3A_114 = vector.shape_cast %swap3A_113 : vector<1x16xf32> to vector<16xf32>
      %swap3A_115 = vector.shape_cast %add3A_110 : vector<16xf32> to vector<1x16xf32>
      tpu.vector_store %arg11[%swap3A_111, %swap3A_112], %swap3A_115 {strides = array<i32>} : memref<32x768xf32, #tpu.memory_space<vmem>>, vector<1x16xf32>,
      %get3A_116 = arith.index_cast %scan3A_76 : i32 to index
      %get3A_117 = arith.constant 32 : index
      %get3A_118 = tpu.vector_load %arg11[%get3A_116, %get3A_117] {strides = array<i32>} : memref<32x768xf32, #tpu.memory_space<vmem>>, vector<1x16xf32>,
      %get3A_119 = vector.shape_cast %get3A_118 : vector<1x16xf32> to vector<16xf32>
      %mul3A_120 = arith.mulf %get3A_80, %get3A_119 : vector<16xf32>
      %get3A_121 = arith.index_cast %scan3A_76 : i32 to index
      %get3A_122 = arith.constant 32 : index
      %get3A_123 = tpu.vector_load %arg13[%get3A_121, %get3A_122] {strides = array<i32>} : memref<32x768xf32, #tpu.memory_space<vmem>>, vector<1x16xf32>,
      %get3A_124 = vector.shape_cast %get3A_123 : vector<1x16xf32> to vector<16xf32>
      %mul3A_125 = arith.mulf %get3A_84, %get3A_124 : vector<16xf32>
      %add3A_126 = arith.addf %mul3A_120, %mul3A_125 : vector<16xf32>
      %swap3A_127 = arith.index_cast %scan3A_76 : i32 to index
      %swap3A_128 = arith.constant 32 : index
      %swap3A_129 = tpu.vector_load %arg11[%swap3A_127, %swap3A_128] {strides = array<i32>} : memref<32x768xf32, #tpu.memory_space<vmem>>, vector<1x16xf32>,
      %swap3A_130 = vector.shape_cast %swap3A_129 : vector<1x16xf32> to vector<16xf32>
      %swap3A_131 = vector.shape_cast %add3A_126 : vector<16xf32> to vector<1x16xf32>
      tpu.vector_store %arg11[%swap3A_127, %swap3A_128], %swap3A_131 {strides = array<i32>} : memref<32x768xf32, #tpu.memory_space<vmem>>, vector<1x16xf32>,
      %get3A_132 = arith.index_cast %scan3A_76 : i32 to index
      %get3A_133 = arith.constant 48 : index
      %get3A_134 = tpu.vector_load %arg11[%get3A_132, %get3A_133] {strides = array<i32>} : memref<32x768xf32, #tpu.memory_space<vmem>>, vector<1x16xf32>,
      %get3A_135 = vector.shape_cast %get3A_134 : vector<1x16xf32> to vector<16xf32>
      %mul3A_136 = arith.mulf %get3A_80, %get3A_135 : vector<16xf32>
      %get3A_137 = arith.index_cast %scan3A_76 : i32 to index
      %get3A_138 = arith.constant 48 : index
      %get3A_139 = tpu.vector_load %arg13[%get3A_137, %get3A_138] {strides = array<i32>} : memref<32x768xf32, #tpu.memory_space<vmem>>, vector<1x16xf32>,
      %get3A_140 = vector.shape_cast %get3A_139 : vector<1x16xf32> to vector<16xf32>
      %mul3A_141 = arith.mulf %get3A_84, %get3A_140 : vector<16xf32>
      %add3A_142 = arith.addf %mul3A_136, %mul3A_141 : vector<16xf32>
      %swap3A_143 = arith.index_cast %scan3A_76 : i32 to index
      %swap3A_144 = arith.constant 48 : index
      %swap3A_145 = tpu.vector_load %arg11[%swap3A_143, %swap3A_144] {strides = array<i32>} : memref<32x768xf32, #tpu.memory_space<vmem>>, vector<1x16xf32>,
      %swap3A_146 = vector.shape_cast %swap3A_145 : vector<1x16xf32> to vector<16xf32>
      %swap3A_147 = vector.shape_cast %add3A_142 : vector<16xf32> to vector<1x16xf32>
      tpu.vector_store %arg11[%swap3A_143, %swap3A_144], %swap3A_147 {strides = array<i32>} : memref<32x768xf32, #tpu.memory_space<vmem>>, vector<1x16xf32>,
      %get3A_148 = arith.index_cast %scan3A_76 : i32 to index
      %get3A_149 = arith.constant 64 : index
      %get3A_150 = tpu.vector_load %arg11[%get3A_148, %get3A_149] {strides = array<i32>} : memref<32x768xf32, #tpu.memory_space<vmem>>, vector<1x16xf32>,
      %get3A_151 = vector.shape_cast %get3A_150 : vector<1x16xf32> to vector<16xf32>
      %mul3A_152 = arith.mulf %get3A_80, %get3A_151 : vector<16xf32>
      %get3A_153 = arith.index_cast %scan3A_76 : i32 to index
      %get3A_154 = arith.constant 64 : index
      %get3A_155 = tpu.vector_load %arg13[%get3A_153, %get3A_154] {strides = array<i32>} : memref<32x768xf32, #tpu.memory_space<vmem>>, vector<1x16xf32>,
      %get3A_156 = vector.shape_cast %get3A_155 : vector<1x16xf32> to vector<16xf32>
      %mul3A_157 = arith.mulf %get3A_84, %get3A_156 : vector<16xf32>
      %add3A_158 = arith.addf %mul3A_152, %mul3A_157 : vector<16xf32>
      %swap3A_159 = arith.index_cast %scan3A_76 : i32 to index
      %swap3A_160 = arith.constant 64 : index
      %swap3A_161 = tpu.vector_load %arg11[%swap3A_159, %swap3A_160] {strides = array<i32>} : memref<32x768xf32, #tpu.memory_space<vmem>>, vector<1x16xf32>,
      %swap3A_162 = vector.shape_cast %swap3A_161 : vector<1x16xf32> to vector<16xf32>
      %swap3A_163 = vector.shape_cast %add3A_158 : vector<16xf32> to vector<1x16xf32>
      tpu.vector_store %arg11[%swap3A_159, %swap3A_160], %swap3A_163 {strides = array<i32>} : memref<32x768xf32, #tpu.memory_space<vmem>>, vector<1x16xf32>,
      %get3A_164 = arith.index_cast %scan3A_76 : i32 to index
      %get3A_165 = arith.constant 80 : index
      %get3A_166 = tpu.vector_load %arg11[%get3A_164, %get3A_165] {strides = array<i32>} : memref<32x768xf32, #tpu.memory_space<vmem>>, vector<1x16xf32>,
      %get3A_167 = vector.shape_cast %get3A_166 : vector<1x16xf32> to vector<16xf32>
      %mul3A_168 = arith.mulf %get3A_80, %get3A_167 : vector<16xf32>
      %get3A_169 = arith.index_cast %scan3A_76 : i32 to index
      %get3A_170 = arith.constant 80 : index
      %get3A_171 = tpu.vector_load %arg13[%get3A_169, %get3A_170] {strides = array<i32>} : memref<32x768xf32, #tpu.memory_space<vmem>>, vector<1x16xf32>,
      %get3A_172 = vector.shape_cast %get3A_171 : vector<1x16xf32> to vector<16xf32>
      %mul3A_173 = arith.mulf %get3A_84, %get3A_172 : vector<16xf32>
      %add3A_174 = arith.addf %mul3A_168, %mul3A_173 : vector<16xf32>
      %swap3A_175 = arith.index_cast %scan3A_76 : i32 to index
      %swap3A_176 = arith.constant 80 : index
      %swap3A_177 = tpu.vector_load %arg11[%swap3A_175, %swap3A_176] {strides = array<i32>} : memref<32x768xf32, #tpu.memory_space<vmem>>, vector<1x16xf32>,
      %swap3A_178 = vector.shape_cast %swap3A_177 : vector<1x16xf32> to vector<16xf32>
      %swap3A_179 = vector.shape_cast %add3A_174 : vector<16xf32> to vector<1x16xf32>
      tpu.vector_store %arg11[%swap3A_175, %swap3A_176], %swap3A_179 {strides = array<i32>} : memref<32x768xf32, #tpu.memory_space<vmem>>, vector<1x16xf32>,
      %get3A_180 = arith.index_cast %scan3A_76 : i32 to index
      %get3A_181 = arith.constant 96 : index
      %get3A_182 = tpu.vector_load %arg11[%get3A_180, %get3A_181] {strides = array<i32>} : memref<32x768xf32, #tpu.memory_space<vmem>>, vector<1x16xf32>,
      %get3A_183 = vector.shape_cast %get3A_182 : vector<1x16xf32> to vector<16xf32>
      %mul3A_184 = arith.mulf %get3A_80, %get3A_183 : vector<16xf32>
      %get3A_185 = arith.index_cast %scan3A_76 : i32 to index
      %get3A_186 = arith.constant 96 : index
      %get3A_187 = tpu.vector_load %arg13[%get3A_185, %get3A_186] {strides = array<i32>} : memref<32x768xf32, #tpu.memory_space<vmem>>, vector<1x16xf32>,
      %get3A_188 = vector.shape_cast %get3A_187 : vector<1x16xf32> to vector<16xf32>
      %mul3A_189 = arith.mulf %get3A_84, %get3A_188 : vector<16xf32>
      %add3A_190 = arith.addf %mul3A_184, %mul3A_189 : vector<16xf32>
      %swap3A_191 = arith.index_cast %scan3A_76 : i32 to index
      %swap3A_192 = arith.constant 96 : index
      %swap3A_193 = tpu.vector_load %arg11[%swap3A_191, %swap3A_192] {strides = array<i32>} : memref<32x768xf32, #tpu.memory_space<vmem>>, vector<1x16xf32>,
      %swap3A_194 = vector.shape_cast %swap3A_193 : vector<1x16xf32> to vector<16xf32>
      %swap3A_195 = vector.shape_cast %add3A_190 : vector<16xf32> to vector<1x16xf32>
      tpu.vector_store %arg11[%swap3A_191, %swap3A_192], %swap3A_195 {strides = array<i32>} : memref<32x768xf32, #tpu.memory_space<vmem>>, vector<1x16xf32>,
      %get3A_196 = arith.index_cast %scan3A_76 : i32 to index
      %get3A_197 = arith.constant 112 : index
      %get3A_198 = tpu.vector_load %arg11[%get3A_196, %get3A_197] {strides = array<i32>} : memref<32x768xf32, #tpu.memory_space<vmem>>, vector<1x16xf32>,
      %get3A_199 = vector.shape_cast %get3A_198 : vector<1x16xf32> to vector<16xf32>
      %mul3A_200 = arith.mulf %get3A_80, %get3A_199 : vector<16xf32>
      %get3A_201 = arith.index_cast %scan3A_76 : i32 to index
      %get3A_202 = arith.constant 112 : index
      %get3A_203 = tpu.vector_load %arg13[%get3A_201, %get3A_202] {strides = array<i32>} : memref<32x768xf32, #tpu.memory_space<vmem>>, vector<1x16xf32>,
      %get3A_204 = vector.shape_cast %get3A_203 : vector<1x16xf32> to vector<16xf32>
      %mul3A_205 = arith.mulf %get3A_84, %get3A_204 : vector<16xf32>
      %add3A_206 = arith.addf %mul3A_200, %mul3A_205 : vector<16xf32>
      %swap3A_207 = arith.index_cast %scan3A_76 : i32 to index
      %swap3A_208 = arith.constant 112 : index
      %swap3A_209 = tpu.vector_load %arg11[%swap3A_207, %swap3A_208] {strides = array<i32>} : memref<32x768xf32, #tpu.memory_space<vmem>>, vector<1x16xf32>,
      %swap3A_210 = vector.shape_cast %swap3A_209 : vector<1x16xf32> to vector<16xf32>
      %swap3A_211 = vector.shape_cast %add3A_206 : vector<16xf32> to vector<1x16xf32>
      tpu.vector_store %arg11[%swap3A_207, %swap3A_208], %swap3A_211 {strides = array<i32>} : memref<32x768xf32, #tpu.memory_space<vmem>>, vector<1x16xf32>,
      %get3A_212 = arith.index_cast %scan3A_76 : i32 to index
      %get3A_213 = arith.constant 128 : index
      %get3A_214 = tpu.vector_load %arg11[%get3A_212, %get3A_213] {strides = array<i32>} : memref<32x768xf32, #tpu.memory_space<vmem>>, vector<1x16xf32>,
      %get3A_215 = vector.shape_cast %get3A_214 : vector<1x16xf32> to vector<16xf32>
      %mul3A_216 = arith.mulf %get3A_80, %get3A_215 : vector<16xf32>
      %get3A_217 = arith.index_cast %scan3A_76 : i32 to index
      %get3A_218 = arith.constant 128 : index
      %get3A_219 = tpu.vector_load %arg13[%get3A_217, %get3A_218] {strides = array<i32>} : memref<32x768xf32, #tpu.memory_space<vmem>>, vector<1x16xf32>,
      %get3A_220 = vector.shape_cast %get3A_219 : vector<1x16xf32> to vector<16xf32>
      %mul3A_221 = arith.mulf %get3A_84, %get3A_220 : vector<16xf32>
      %add3A_222 = arith.addf %mul3A_216, %mul3A_221 : vector<16xf32>
      %swap3A_223 = arith.index_cast %scan3A_76 : i32 to index
      %swap3A_224 = arith.constant 128 : index
      %swap3A_225 = tpu.vector_load %arg11[%swap3A_223, %swap3A_224] {strides = array<i32>} : memref<32x768xf32, #tpu.memory_space<vmem>>, vector<1x16xf32>,
      %swap3A_226 = vector.shape_cast %swap3A_225 : vector<1x16xf32> to vector<16xf32>
      %swap3A_227 = vector.shape_cast %add3A_222 : vector<16xf32> to vector<1x16xf32>
      tpu.vector_store %arg11[%swap3A_223, %swap3A_224], %swap3A_227 {strides = array<i32>} : memref<32x768xf32, #tpu.memory_space<vmem>>, vector<1x16xf32>,
      %get3A_228 = arith.index_cast %scan3A_76 : i32 to index
      %get3A_229 = arith.constant 144 : index
      %get3A_230 = tpu.vector_load %arg11[%get3A_228, %get3A_229] {strides = array<i32>} : memref<32x768xf32, #tpu.memory_space<vmem>>, vector<1x16xf32>,
      %get3A_231 = vector.shape_cast %get3A_230 : vector<1x16xf32> to vector<16xf32>
      %mul3A_232 = arith.mulf %get3A_80, %get3A_231 : vector<16xf32>
      %get3A_233 = arith.index_cast %scan3A_76 : i32 to index
      %get3A_234 = arith.constant 144 : index
      %get3A_235 = tpu.vector_load %arg13[%get3A_233, %get3A_234] {strides = array<i32>} : memref<32x768xf32, #tpu.memory_space<vmem>>, vector<1x16xf32>,
      %get3A_236 = vector.shape_cast %get3A_235 : vector<1x16xf32> to vector<16xf32>
      %mul3A_237 = arith.mulf %get3A_84, %get3A_236 : vector<16xf32>
      %add3A_238 = arith.addf %mul3A_232, %mul3A_237 : vector<16xf32>
      %swap3A_239 = arith.index_cast %scan3A_76 : i32 to index
      %swap3A_240 = arith.constant 144 : index
      %swap3A_241 = tpu.vector_load %arg11[%swap3A_239, %swap3A_240] {strides = array<i32>} : memref<32x768xf32, #tpu.memory_space<vmem>>, vector<1x16xf32>,
      %swap3A_242 = vector.shape_cast %swap3A_241 : vector<1x16xf32> to vector<16xf32>
      %swap3A_243 = vector.shape_cast %add3A_238 : vector<16xf32> to vector<1x16xf32>
      tpu.vector_store %arg11[%swap3A_239, %swap3A_240], %swap3A_243 {strides = array<i32>} : memref<32x768xf32, #tpu.memory_space<vmem>>, vector<1x16xf32>,
      %get3A_244 = arith.index_cast %scan3A_76 : i32 to index
      %get3A_245 = arith.constant 160 : index
      %get3A_246 = tpu.vector_load %arg11[%get3A_244, %get3A_245] {strides = array<i32>} : memref<32x768xf32, #tpu.memory_space<vmem>>, vector<1x16xf32>,
      %get3A_247 = vector.shape_cast %get3A_246 : vector<1x16xf32> to vector<16xf32>
      %mul3A_248 = arith.mulf %get3A_80, %get3A_247 : vector<16xf32>
      %get3A_249 = arith.index_cast %scan3A_76 : i32 to index
      %get3A_250 = arith.constant 160 : index
      %get3A_251 = tpu.vector_load %arg13[%get3A_249, %get3A_250] {strides = array<i32>} : memref<32x768xf32, #tpu.memory_space<vmem>>, vector<1x16xf32>,
      %get3A_252 = vector.shape_cast %get3A_251 : vector<1x16xf32> to vector<16xf32>
      %mul3A_253 = arith.mulf %get3A_84, %get3A_252 : vector<16xf32>
      %add3A_254 = arith.addf %mul3A_248, %mul3A_253 : vector<16xf32>
      %swap3A_255 = arith.index_cast %scan3A_76 : i32 to index
      %swap3A_256 = arith.constant 160 : index
      %swap3A_257 = tpu.vector_load %arg11[%swap3A_255, %swap3A_256] {strides = array<i32>} : memref<32x768xf32, #tpu.memory_space<vmem>>, vector<1x16xf32>,
      %swap3A_258 = vector.shape_cast %swap3A_257 : vector<1x16xf32> to vector<16xf32>
      %swap3A_259 = vector.shape_cast %add3A_254 : vector<16xf32> to vector<1x16xf32>
      tpu.vector_store %arg11[%swap3A_255, %swap3A_256], %swap3A_259 {strides = array<i32>} : memref<32x768xf32, #tpu.memory_space<vmem>>, vector<1x16xf32>,
      %get3A_260 = arith.index_cast %scan3A_76 : i32 to index
      %get3A_261 = arith.constant 176 : index
      %get3A_262 = tpu.vector_load %arg11[%get3A_260, %get3A_261] {strides = array<i32>} : memref<32x768xf32, #tpu.memory_space<vmem>>, vector<1x16xf32>,
      %get3A_263 = vector.shape_cast %get3A_262 : vector<1x16xf32> to vector<16xf32>
      %mul3A_264 = arith.mulf %get3A_80, %get3A_263 : vector<16xf32>
      %get3A_265 = arith.index_cast %scan3A_76 : i32 to index
      %get3A_266 = arith.constant 176 : index
      %get3A_267 = tpu.vector_load %arg13[%get3A_265, %get3A_266] {strides = array<i32>} : memref<32x768xf32, #tpu.memory_space<vmem>>, vector<1x16xf32>,
      %get3A_268 = vector.shape_cast %get3A_267 : vector<1x16xf32> to vector<16xf32>
      %mul3A_269 = arith.mulf %get3A_84, %get3A_268 : vector<16xf32>
      %add3A_270 = arith.addf %mul3A_264, %mul3A_269 : vector<16xf32>
      %swap3A_271 = arith.index_cast %scan3A_76 : i32 to index
      %swap3A_272 = arith.constant 176 : index
      %swap3A_273 = tpu.vector_load %arg11[%swap3A_271, %swap3A_272] {strides = array<i32>} : memref<32x768xf32, #tpu.memory_space<vmem>>, vector<1x16xf32>,
      %swap3A_274 = vector.shape_cast %swap3A_273 : vector<1x16xf32> to vector<16xf32>
      %swap3A_275 = vector.shape_cast %add3A_270 : vector<16xf32> to vector<1x16xf32>
      tpu.vector_store %arg11[%swap3A_271, %swap3A_272], %swap3A_275 {strides = array<i32>} : memref<32x768xf32, #tpu.memory_space<vmem>>, vector<1x16xf32>,
      %get3A_276 = arith.index_cast %scan3A_76 : i32 to index
      %get3A_277 = arith.constant 192 : index
      %get3A_278 = tpu.vector_load %arg11[%get3A_276, %get3A_277] {strides = array<i32>} : memref<32x768xf32, #tpu.memory_space<vmem>>, vector<1x16xf32>,
      %get3A_279 = vector.shape_cast %get3A_278 : vector<1x16xf32> to vector<16xf32>
      %mul3A_280 = arith.mulf %get3A_80, %get3A_279 : vector<16xf32>
      %get3A_281 = arith.index_cast %scan3A_76 : i32 to index
      %get3A_282 = arith.constant 192 : index
      %get3A_283 = tpu.vector_load %arg13[%get3A_281, %get3A_282] {strides = array<i32>} : memref<32x768xf32, #tpu.memory_space<vmem>>, vector<1x16xf32>,
      %get3A_284 = vector.shape_cast %get3A_283 : vector<1x16xf32> to vector<16xf32>
      %mul3A_285 = arith.mulf %get3A_84, %get3A_284 : vector<16xf32>
      %add3A_286 = arith.addf %mul3A_280, %mul3A_285 : vector<16xf32>
      %swap3A_287 = arith.index_cast %scan3A_76 : i32 to index
      %swap3A_288 = arith.constant 192 : index
      %swap3A_289 = tpu.vector_load %arg11[%swap3A_287, %swap3A_288] {strides = array<i32>} : memref<32x768xf32, #tpu.memory_space<vmem>>, vector<1x16xf32>,
      %swap3A_290 = vector.shape_cast %swap3A_289 : vector<1x16xf32> to vector<16xf32>
      %swap3A_291 = vector.shape_cast %add3A_286 : vector<16xf32> to vector<1x16xf32>
      tpu.vector_store %arg11[%swap3A_287, %swap3A_288], %swap3A_291 {strides = array<i32>} : memref<32x768xf32, #tpu.memory_space<vmem>>, vector<1x16xf32>,
      %get3A_292 = arith.index_cast %scan3A_76 : i32 to index
      %get3A_293 = arith.constant 208 : index
      %get3A_294 = tpu.vector_load %arg11[%get3A_292, %get3A_293] {strides = array<i32>} : memref<32x768xf32, #tpu.memory_space<vmem>>, vector<1x16xf32>,
      %get3A_295 = vector.shape_cast %get3A_294 : vector<1x16xf32> to vector<16xf32>
      %mul3A_296 = arith.mulf %get3A_80, %get3A_295 : vector<16xf32>
      %get3A_297 = arith.index_cast %scan3A_76 : i32 to index
      %get3A_298 = arith.constant 208 : index
      %get3A_299 = tpu.vector_load %arg13[%get3A_297, %get3A_298] {strides = array<i32>} : memref<32x768xf32, #tpu.memory_space<vmem>>, vector<1x16xf32>,
      %get3A_300 = vector.shape_cast %get3A_299 : vector<1x16xf32> to vector<16xf32>
      %mul3A_301 = arith.mulf %get3A_84, %get3A_300 : vector<16xf32>
      %add3A_302 = arith.addf %mul3A_296, %mul3A_301 : vector<16xf32>
      %swap3A_303 = arith.index_cast %scan3A_76 : i32 to index
      %swap3A_304 = arith.constant 208 : index
      %swap3A_305 = tpu.vector_load %arg11[%swap3A_303, %swap3A_304] {strides = array<i32>} : memref<32x768xf32, #tpu.memory_space<vmem>>, vector<1x16xf32>,
      %swap3A_306 = vector.shape_cast %swap3A_305 : vector<1x16xf32> to vector<16xf32>
      %swap3A_307 = vector.shape_cast %add3A_302 : vector<16xf32> to vector<1x16xf32>
      tpu.vector_store %arg11[%swap3A_303, %swap3A_304], %swap3A_307 {strides = array<i32>} : memref<32x768xf32, #tpu.memory_space<vmem>>, vector<1x16xf32>,
      %get3A_308 = arith.index_cast %scan3A_76 : i32 to index
      %get3A_309 = arith.constant 224 : index
      %get3A_310 = tpu.vector_load %arg11[%get3A_308, %get3A_309] {strides = array<i32>} : memref<32x768xf32, #tpu.memory_space<vmem>>, vector<1x16xf32>,
      %get3A_311 = vector.shape_cast %get3A_310 : vector<1x16xf32> to vector<16xf32>
      %mul3A_312 = arith.mulf %get3A_80, %get3A_311 : vector<16xf32>
      %get3A_313 = arith.index_cast %scan3A_76 : i32 to index
      %get3A_314 = arith.constant 224 : index
      %get3A_315 = tpu.vector_load %arg13[%get3A_313, %get3A_314] {strides = array<i32>} : memref<32x768xf32, #tpu.memory_space<vmem>>, vector<1x16xf32>,
      %get3A_316 = vector.shape_cast %get3A_315 : vector<1x16xf32> to vector<16xf32>
      %mul3A_317 = arith.mulf %get3A_84, %get3A_316 : vector<16xf32>
      %add3A_318 = arith.addf %mul3A_312, %mul3A_317 : vector<16xf32>
      %swap3A_319 = arith.index_cast %scan3A_76 : i32 to index
      %swap3A_320 = arith.constant 224 : index
      %swap3A_321 = tpu.vector_load %arg11[%swap3A_319, %swap3A_320] {strides = array<i32>} : memref<32x768xf32, #tpu.memory_space<vmem>>, vector<1x16xf32>,
      %swap3A_322 = vector.shape_cast %swap3A_321 : vector<1x16xf32> to vector<16xf32>
      %swap3A_323 = vector.shape_cast %add3A_318 : vector<16xf32> to vector<1x16xf32>
      tpu.vector_store %arg11[%swap3A_319, %swap3A_320], %swap3A_323 {strides = array<i32>} : memref<32x768xf32, #tpu.memory_space<vmem>>, vector<1x16xf32>,
      %get3A_324 = arith.index_cast %scan3A_76 : i32 to index
      %get3A_325 = arith.constant 240 : index
      %get3A_326 = tpu.vector_load %arg11[%get3A_324, %get3A_325] {strides = array<i32>} : memref<32x768xf32, #tpu.memory_space<vmem>>, vector<1x16xf32>,
      %get3A_327 = vector.shape_cast %get3A_326 : vector<1x16xf32> to vector<16xf32>
      %mul3A_328 = arith.mulf %get3A_80, %get3A_327 : vector<16xf32>
      %get3A_329 = arith.index_cast %scan3A_76 : i32 to index
      %get3A_330 = arith.constant 240 : index
      %get3A_331 = tpu.vector_load %arg13[%get3A_329, %get3A_330] {strides = array<i32>} : memref<32x768xf32, #tpu.memory_space<vmem>>, vector<1x16xf32>,
      %get3A_332 = vector.shape_cast %get3A_331 : vector<1x16xf32> to vector<16xf32>
      %mul3A_333 = arith.mulf %get3A_84, %get3A_332 : vector<16xf32>
      %add3A_334 = arith.addf %mul3A_328, %mul3A_333 : vector<16xf32>
      %swap3A_335 = arith.index_cast %scan3A_76 : i32 to index
      %swap3A_336 = arith.constant 240 : index
      %swap3A_337 = tpu.vector_load %arg11[%swap3A_335, %swap3A_336] {strides = array<i32>} : memref<32x768xf32, #tpu.memory_space<vmem>>, vector<1x16xf32>,
      %swap3A_338 = vector.shape_cast %swap3A_337 : vector<1x16xf32> to vector<16xf32>
      %swap3A_339 = vector.shape_cast %add3A_334 : vector<16xf32> to vector<1x16xf32>
      tpu.vector_store %arg11[%swap3A_335, %swap3A_336], %swap3A_339 {strides = array<i32>} : memref<32x768xf32, #tpu.memory_space<vmem>>, vector<1x16xf32>,
      %get3A_340 = arith.index_cast %scan3A_76 : i32 to index
      %get3A_341 = arith.constant 256 : index
      %get3A_342 = tpu.vector_load %arg11[%get3A_340, %get3A_341] {strides = array<i32>} : memref<32x768xf32, #tpu.memory_space<vmem>>, vector<1x16xf32>,
      %get3A_343 = vector.shape_cast %get3A_342 : vector<1x16xf32> to vector<16xf32>
      %mul3A_344 = arith.mulf %get3A_80, %get3A_343 : vector<16xf32>
      %get3A_345 = arith.index_cast %scan3A_76 : i32 to index
      %get3A_346 = arith.constant 256 : index
      %get3A_347 = tpu.vector_load %arg13[%get3A_345, %get3A_346] {strides = array<i32>} : memref<32x768xf32, #tpu.memory_space<vmem>>, vector<1x16xf32>,
      %get3A_348 = vector.shape_cast %get3A_347 : vector<1x16xf32> to vector<16xf32>
      %mul3A_349 = arith.mulf %get3A_84, %get3A_348 : vector<16xf32>
      %add3A_350 = arith.addf %mul3A_344, %mul3A_349 : vector<16xf32>
      %swap3A_351 = arith.index_cast %scan3A_76 : i32 to index
      %swap3A_352 = arith.constant 256 : index
      %swap3A_353 = tpu.vector_load %arg11[%swap3A_351, %swap3A_352] {strides = array<i32>} : memref<32x768xf32, #tpu.memory_space<vmem>>, vector<1x16xf32>,
      %swap3A_354 = vector.shape_cast %swap3A_353 : vector<1x16xf32> to vector<16xf32>
      %swap3A_355 = vector.shape_cast %add3A_350 : vector<16xf32> to vector<1x16xf32>
      tpu.vector_store %arg11[%swap3A_351, %swap3A_352], %swap3A_355 {strides = array<i32>} : memref<32x768xf32, #tpu.memory_space<vmem>>, vector<1x16xf32>,
      %get3A_356 = arith.index_cast %scan3A_76 : i32 to index
      %get3A_357 = arith.constant 272 : index
      %get3A_358 = tpu.vector_load %arg11[%get3A_356, %get3A_357] {strides = array<i32>} : memref<32x768xf32, #tpu.memory_space<vmem>>, vector<1x16xf32>,
      %get3A_359 = vector.shape_cast %get3A_358 : vector<1x16xf32> to vector<16xf32>
      %mul3A_360 = arith.mulf %get3A_80, %get3A_359 : vector<16xf32>
      %get3A_361 = arith.index_cast %scan3A_76 : i32 to index
      %get3A_362 = arith.constant 272 : index
      %get3A_363 = tpu.vector_load %arg13[%get3A_361, %get3A_362] {strides = array<i32>} : memref<32x768xf32, #tpu.memory_space<vmem>>, vector<1x16xf32>,
      %get3A_364 = vector.shape_cast %get3A_363 : vector<1x16xf32> to vector<16xf32>
      %mul3A_365 = arith.mulf %get3A_84, %get3A_364 : vector<16xf32>
      %add3A_366 = arith.addf %mul3A_360, %mul3A_365 : vector<16xf32>
      %swap3A_367 = arith.index_cast %scan3A_76 : i32 to index
      %swap3A_368 = arith.constant 272 : index
      %swap3A_369 = tpu.vector_load %arg11[%swap3A_367, %swap3A_368] {strides = array<i32>} : memref<32x768xf32, #tpu.memory_space<vmem>>, vector<1x16xf32>,
      %swap3A_370 = vector.shape_cast %swap3A_369 : vector<1x16xf32> to vector<16xf32>
      %swap3A_371 = vector.shape_cast %add3A_366 : vector<16xf32> to vector<1x16xf32>
      tpu.vector_store %arg11[%swap3A_367, %swap3A_368], %swap3A_371 {strides = array<i32>} : memref<32x768xf32, #tpu.memory_space<vmem>>, vector<1x16xf32>,
      %get3A_372 = arith.index_cast %scan3A_76 : i32 to index
      %get3A_373 = arith.constant 288 : index
      %get3A_374 = tpu.vector_load %arg11[%get3A_372, %get3A_373] {strides = array<i32>} : memref<32x768xf32, #tpu.memory_space<vmem>>, vector<1x16xf32>,
      %get3A_375 = vector.shape_cast %get3A_374 : vector<1x16xf32> to vector<16xf32>
      %mul3A_376 = arith.mulf %get3A_80, %get3A_375 : vector<16xf32>
      %get3A_377 = arith.index_cast %scan3A_76 : i32 to index
      %get3A_378 = arith.constant 288 : index
      %get3A_379 = tpu.vector_load %arg13[%get3A_377, %get3A_378] {strides = array<i32>} : memref<32x768xf32, #tpu.memory_space<vmem>>, vector<1x16xf32>,
      %get3A_380 = vector.shape_cast %get3A_379 : vector<1x16xf32> to vector<16xf32>
      %mul3A_381 = arith.mulf %get3A_84, %get3A_380 : vector<16xf32>
      %add3A_382 = arith.addf %mul3A_376, %mul3A_381 : vector<16xf32>
      %swap3A_383 = arith.index_cast %scan3A_76 : i32 to index
      %swap3A_384 = arith.constant 288 : index
      %swap3A_385 = tpu.vector_load %arg11[%swap3A_383, %swap3A_384] {strides = array<i32>} : memref<32x768xf32, #tpu.memory_space<vmem>>, vector<1x16xf32>,
      %swap3A_386 = vector.shape_cast %swap3A_385 : vector<1x16xf32> to vector<16xf32>
      %swap3A_387 = vector.shape_cast %add3A_382 : vector<16xf32> to vector<1x16xf32>
      tpu.vector_store %arg11[%swap3A_383, %swap3A_384], %swap3A_387 {strides = array<i32>} : memref<32x768xf32, #tpu.memory_space<vmem>>, vector<1x16xf32>,
      %get3A_388 = arith.index_cast %scan3A_76 : i32 to index
      %get3A_389 = arith.constant 304 : index
      %get3A_390 = tpu.vector_load %arg11[%get3A_388, %get3A_389] {strides = array<i32>} : memref<32x768xf32, #tpu.memory_space<vmem>>, vector<1x16xf32>,
      %get3A_391 = vector.shape_cast %get3A_390 : vector<1x16xf32> to vector<16xf32>
      %mul3A_392 = arith.mulf %get3A_80, %get3A_391 : vector<16xf32>
      %get3A_393 = arith.index_cast %scan3A_76 : i32 to index
      %get3A_394 = arith.constant 304 : index
      %get3A_395 = tpu.vector_load %arg13[%get3A_393, %get3A_394] {strides = array<i32>} : memref<32x768xf32, #tpu.memory_space<vmem>>, vector<1x16xf32>,
      %get3A_396 = vector.shape_cast %get3A_395 : vector<1x16xf32> to vector<16xf32>
      %mul3A_397 = arith.mulf %get3A_84, %get3A_396 : vector<16xf32>
      %add3A_398 = arith.addf %mul3A_392, %mul3A_397 : vector<16xf32>
      %swap3A_399 = arith.index_cast %scan3A_76 : i32 to index
      %swap3A_400 = arith.constant 304 : index
      %swap3A_401 = tpu.vector_load %arg11[%swap3A_399, %swap3A_400] {strides = array<i32>} : memref<32x768xf32, #tpu.memory_space<vmem>>, vector<1x16xf32>,
      %swap3A_402 = vector.shape_cast %swap3A_401 : vector<1x16xf32> to vector<16xf32>
      %swap3A_403 = vector.shape_cast %add3A_398 : vector<16xf32> to vector<1x16xf32>
      tpu.vector_store %arg11[%swap3A_399, %swap3A_400], %swap3A_403 {strides = array<i32>} : memref<32x768xf32, #tpu.memory_space<vmem>>, vector<1x16xf32>,
      %get3A_404 = arith.index_cast %scan3A_76 : i32 to index
      %get3A_405 = arith.constant 320 : index
      %get3A_406 = tpu.vector_load %arg11[%get3A_404, %get3A_405] {strides = array<i32>} : memref<32x768xf32, #tpu.memory_space<vmem>>, vector<1x16xf32>,
      %get3A_407 = vector.shape_cast %get3A_406 : vector<1x16xf32> to vector<16xf32>
      %mul3A_408 = arith.mulf %get3A_80, %get3A_407 : vector<16xf32>
      %get3A_409 = arith.index_cast %scan3A_76 : i32 to index
      %get3A_410 = arith.constant 320 : index
      %get3A_411 = tpu.vector_load %arg13[%get3A_409, %get3A_410] {strides = array<i32>} : memref<32x768xf32, #tpu.memory_space<vmem>>, vector<1x16xf32>,
      %get3A_412 = vector.shape_cast %get3A_411 : vector<1x16xf32> to vector<16xf32>
      %mul3A_413 = arith.mulf %get3A_84, %get3A_412 : vector<16xf32>
      %add3A_414 = arith.addf %mul3A_408, %mul3A_413 : vector<16xf32>
      %swap3A_415 = arith.index_cast %scan3A_76 : i32 to index
      %swap3A_416 = arith.constant 320 : index
      %swap3A_417 = tpu.vector_load %arg11[%swap3A_415, %swap3A_416] {strides = array<i32>} : memref<32x768xf32, #tpu.memory_space<vmem>>, vector<1x16xf32>,
      %swap3A_418 = vector.shape_cast %swap3A_417 : vector<1x16xf32> to vector<16xf32>
      %swap3A_419 = vector.shape_cast %add3A_414 : vector<16xf32> to vector<1x16xf32>
      tpu.vector_store %arg11[%swap3A_415, %swap3A_416], %swap3A_419 {strides = array<i32>} : memref<32x768xf32, #tpu.memory_space<vmem>>, vector<1x16xf32>,
      %get3A_420 = arith.index_cast %scan3A_76 : i32 to index
      %get3A_421 = arith.constant 336 : index
      %get3A_422 = tpu.vector_load %arg11[%get3A_420, %get3A_421] {strides = array<i32>} : memref<32x768xf32, #tpu.memory_space<vmem>>, vector<1x16xf32>,
      %get3A_423 = vector.shape_cast %get3A_422 : vector<1x16xf32> to vector<16xf32>
      %mul3A_424 = arith.mulf %get3A_80, %get3A_423 : vector<16xf32>
      %get3A_425 = arith.index_cast %scan3A_76 : i32 to index
      %get3A_426 = arith.constant 336 : index
      %get3A_427 = tpu.vector_load %arg13[%get3A_425, %get3A_426] {strides = array<i32>} : memref<32x768xf32, #tpu.memory_space<vmem>>, vector<1x16xf32>,
      %get3A_428 = vector.shape_cast %get3A_427 : vector<1x16xf32> to vector<16xf32>
      %mul3A_429 = arith.mulf %get3A_84, %get3A_428 : vector<16xf32>
      %add3A_430 = arith.addf %mul3A_424, %mul3A_429 : vector<16xf32>
      %swap3A_431 = arith.index_cast %scan3A_76 : i32 to index
      %swap3A_432 = arith.constant 336 : index
      %swap3A_433 = tpu.vector_load %arg11[%swap3A_431, %swap3A_432] {strides = array<i32>} : memref<32x768xf32, #tpu.memory_space<vmem>>, vector<1x16xf32>,
      %swap3A_434 = vector.shape_cast %swap3A_433 : vector<1x16xf32> to vector<16xf32>
      %swap3A_435 = vector.shape_cast %add3A_430 : vector<16xf32> to vector<1x16xf32>
      tpu.vector_store %arg11[%swap3A_431, %swap3A_432], %swap3A_435 {strides = array<i32>} : memref<32x768xf32, #tpu.memory_space<vmem>>, vector<1x16xf32>,
      %get3A_436 = arith.index_cast %scan3A_76 : i32 to index
      %get3A_437 = arith.constant 352 : index
      %get3A_438 = tpu.vector_load %arg11[%get3A_436, %get3A_437] {strides = array<i32>} : memref<32x768xf32, #tpu.memory_space<vmem>>, vector<1x16xf32>,
      %get3A_439 = vector.shape_cast %get3A_438 : vector<1x16xf32> to vector<16xf32>
      %mul3A_440 = arith.mulf %get3A_80, %get3A_439 : vector<16xf32>
      %get3A_441 = arith.index_cast %scan3A_76 : i32 to index
      %get3A_442 = arith.constant 352 : index
      %get3A_443 = tpu.vector_load %arg13[%get3A_441, %get3A_442] {strides = array<i32>} : memref<32x768xf32, #tpu.memory_space<vmem>>, vector<1x16xf32>,
      %get3A_444 = vector.shape_cast %get3A_443 : vector<1x16xf32> to vector<16xf32>
      %mul3A_445 = arith.mulf %get3A_84, %get3A_444 : vector<16xf32>
      %add3A_446 = arith.addf %mul3A_440, %mul3A_445 : vector<16xf32>
      %swap3A_447 = arith.index_cast %scan3A_76 : i32 to index
      %swap3A_448 = arith.constant 352 : index
      %swap3A_449 = tpu.vector_load %arg11[%swap3A_447, %swap3A_448] {strides = array<i32>} : memref<32x768xf32, #tpu.memory_space<vmem>>, vector<1x16xf32>,
      %swap3A_450 = vector.shape_cast %swap3A_449 : vector<1x16xf32> to vector<16xf32>
      %swap3A_451 = vector.shape_cast %add3A_446 : vector<16xf32> to vector<1x16xf32>
      tpu.vector_store %arg11[%swap3A_447, %swap3A_448], %swap3A_451 {strides = array<i32>} : memref<32x768xf32, #tpu.memory_space<vmem>>, vector<1x16xf32>,
      %get3A_452 = arith.index_cast %scan3A_76 : i32 to index
      %get3A_453 = arith.constant 368 : index
      %get3A_454 = tpu.vector_load %arg11[%get3A_452, %get3A_453] {strides = array<i32>} : memref<32x768xf32, #tpu.memory_space<vmem>>, vector<1x16xf32>,
      %get3A_455 = vector.shape_cast %get3A_454 : vector<1x16xf32> to vector<16xf32>
      %mul3A_456 = arith.mulf %get3A_80, %get3A_455 : vector<16xf32>
      %get3A_457 = arith.index_cast %scan3A_76 : i32 to index
      %get3A_458 = arith.constant 368 : index
      %get3A_459 = tpu.vector_load %arg13[%get3A_457, %get3A_458] {strides = array<i32>} : memref<32x768xf32, #tpu.memory_space<vmem>>, vector<1x16xf32>,
      %get3A_460 = vector.shape_cast %get3A_459 : vector<1x16xf32> to vector<16xf32>
      %mul3A_461 = arith.mulf %get3A_84, %get3A_460 : vector<16xf32>
      %add3A_462 = arith.addf %mul3A_456, %mul3A_461 : vector<16xf32>
      %swap3A_463 = arith.index_cast %scan3A_76 : i32 to index
      %swap3A_464 = arith.constant 368 : index
      %swap3A_465 = tpu.vector_load %arg11[%swap3A_463, %swap3A_464] {strides = array<i32>} : memref<32x768xf32, #tpu.memory_space<vmem>>, vector<1x16xf32>,
      %swap3A_466 = vector.shape_cast %swap3A_465 : vector<1x16xf32> to vector<16xf32>
      %swap3A_467 = vector.shape_cast %add3A_462 : vector<16xf32> to vector<1x16xf32>
      tpu.vector_store %arg11[%swap3A_463, %swap3A_464], %swap3A_467 {strides = array<i32>} : memref<32x768xf32, #tpu.memory_space<vmem>>, vector<1x16xf32>,
      %get3A_468 = arith.index_cast %scan3A_76 : i32 to index
      %get3A_469 = arith.constant 384 : index
      %get3A_470 = tpu.vector_load %arg11[%get3A_468, %get3A_469] {strides = array<i32>} : memref<32x768xf32, #tpu.memory_space<vmem>>, vector<1x16xf32>,
      %get3A_471 = vector.shape_cast %get3A_470 : vector<1x16xf32> to vector<16xf32>
      %mul3A_472 = arith.mulf %get3A_80, %get3A_471 : vector<16xf32>
      %get3A_473 = arith.index_cast %scan3A_76 : i32 to index
      %get3A_474 = arith.constant 384 : index
      %get3A_475 = tpu.vector_load %arg13[%get3A_473, %get3A_474] {strides = array<i32>} : memref<32x768xf32, #tpu.memory_space<vmem>>, vector<1x16xf32>,
      %get3A_476 = vector.shape_cast %get3A_475 : vector<1x16xf32> to vector<16xf32>
      %mul3A_477 = arith.mulf %get3A_84, %get3A_476 : vector<16xf32>
      %add3A_478 = arith.addf %mul3A_472, %mul3A_477 : vector<16xf32>
      %swap3A_479 = arith.index_cast %scan3A_76 : i32 to index
      %swap3A_480 = arith.constant 384 : index
      %swap3A_481 = tpu.vector_load %arg11[%swap3A_479, %swap3A_480] {strides = array<i32>} : memref<32x768xf32, #tpu.memory_space<vmem>>, vector<1x16xf32>,
      %swap3A_482 = vector.shape_cast %swap3A_481 : vector<1x16xf32> to vector<16xf32>
      %swap3A_483 = vector.shape_cast %add3A_478 : vector<16xf32> to vector<1x16xf32>
      tpu.vector_store %arg11[%swap3A_479, %swap3A_480], %swap3A_483 {strides = array<i32>} : memref<32x768xf32, #tpu.memory_space<vmem>>, vector<1x16xf32>,
      %get3A_484 = arith.index_cast %scan3A_76 : i32 to index
      %get3A_485 = arith.constant 400 : index
      %get3A_486 = tpu.vector_load %arg11[%get3A_484, %get3A_485] {strides = array<i32>} : memref<32x768xf32, #tpu.memory_space<vmem>>, vector<1x16xf32>,
      %get3A_487 = vector.shape_cast %get3A_486 : vector<1x16xf32> to vector<16xf32>
      %mul3A_488 = arith.mulf %get3A_80, %get3A_487 : vector<16xf32>
      %get3A_489 = arith.index_cast %scan3A_76 : i32 to index
      %get3A_490 = arith.constant 400 : index
      %get3A_491 = tpu.vector_load %arg13[%get3A_489, %get3A_490] {strides = array<i32>} : memref<32x768xf32, #tpu.memory_space<vmem>>, vector<1x16xf32>,
      %get3A_492 = vector.shape_cast %get3A_491 : vector<1x16xf32> to vector<16xf32>
      %mul3A_493 = arith.mulf %get3A_84, %get3A_492 : vector<16xf32>
      %add3A_494 = arith.addf %mul3A_488, %mul3A_493 : vector<16xf32>
      %swap3A_495 = arith.index_cast %scan3A_76 : i32 to index
      %swap3A_496 = arith.constant 400 : index
      %swap3A_497 = tpu.vector_load %arg11[%swap3A_495, %swap3A_496] {strides = array<i32>} : memref<32x768xf32, #tpu.memory_space<vmem>>, vector<1x16xf32>,
      %swap3A_498 = vector.shape_cast %swap3A_497 : vector<1x16xf32> to vector<16xf32>
      %swap3A_499 = vector.shape_cast %add3A_494 : vector<16xf32> to vector<1x16xf32>
      tpu.vector_store %arg11[%swap3A_495, %swap3A_496], %swap3A_499 {strides = array<i32>} : memref<32x768xf32, #tpu.memory_space<vmem>>, vector<1x16xf32>,
      %get3A_500 = arith.index_cast %scan3A_76 : i32 to index
      %get3A_501 = arith.constant 416 : index
      %get3A_502 = tpu.vector_load %arg11[%get3A_500, %get3A_501] {strides = array<i32>} : memref<32x768xf32, #tpu.memory_space<vmem>>, vector<1x16xf32>,
      %get3A_503 = vector.shape_cast %get3A_502 : vector<1x16xf32> to vector<16xf32>
      %mul3A_504 = arith.mulf %get3A_80, %get3A_503 : vector<16xf32>
      %get3A_505 = arith.index_cast %scan3A_76 : i32 to index
      %get3A_506 = arith.constant 416 : index
      %get3A_507 = tpu.vector_load %arg13[%get3A_505, %get3A_506] {strides = array<i32>} : memref<32x768xf32, #tpu.memory_space<vmem>>, vector<1x16xf32>,
      %get3A_508 = vector.shape_cast %get3A_507 : vector<1x16xf32> to vector<16xf32>
      %mul3A_509 = arith.mulf %get3A_84, %get3A_508 : vector<16xf32>
      %add3A_510 = arith.addf %mul3A_504, %mul3A_509 : vector<16xf32>
      %swap3A_511 = arith.index_cast %scan3A_76 : i32 to index
      %swap3A_512 = arith.constant 416 : index
      %swap3A_513 = tpu.vector_load %arg11[%swap3A_511, %swap3A_512] {strides = array<i32>} : memref<32x768xf32, #tpu.memory_space<vmem>>, vector<1x16xf32>,
      %swap3A_514 = vector.shape_cast %swap3A_513 : vector<1x16xf32> to vector<16xf32>
      %swap3A_515 = vector.shape_cast %add3A_510 : vector<16xf32> to vector<1x16xf32>
      tpu.vector_store %arg11[%swap3A_511, %swap3A_512], %swap3A_515 {strides = array<i32>} : memref<32x768xf32, #tpu.memory_space<vmem>>, vector<1x16xf32>,
      %get3A_516 = arith.index_cast %scan3A_76 : i32 to index
      %get3A_517 = arith.constant 432 : index
      %get3A_518 = tpu.vector_load %arg11[%get3A_516, %get3A_517] {strides = array<i32>} : memref<32x768xf32, #tpu.memory_space<vmem>>, vector<1x16xf32>,
      %get3A_519 = vector.shape_cast %get3A_518 : vector<1x16xf32> to vector<16xf32>
      %mul3A_520 = arith.mulf %get3A_80, %get3A_519 : vector<16xf32>
      %get3A_521 = arith.index_cast %scan3A_76 : i32 to index
      %get3A_522 = arith.constant 432 : index
      %get3A_523 = tpu.vector_load %arg13[%get3A_521, %get3A_522] {strides = array<i32>} : memref<32x768xf32, #tpu.memory_space<vmem>>, vector<1x16xf32>,
      %get3A_524 = vector.shape_cast %get3A_523 : vector<1x16xf32> to vector<16xf32>
      %mul3A_525 = arith.mulf %get3A_84, %get3A_524 : vector<16xf32>
      %add3A_526 = arith.addf %mul3A_520, %mul3A_525 : vector<16xf32>
      %swap3A_527 = arith.index_cast %scan3A_76 : i32 to index
      %swap3A_528 = arith.constant 432 : index
      %swap3A_529 = tpu.vector_load %arg11[%swap3A_527, %swap3A_528] {strides = array<i32>} : memref<32x768xf32, #tpu.memory_space<vmem>>, vector<1x16xf32>,
      %swap3A_530 = vector.shape_cast %swap3A_529 : vector<1x16xf32> to vector<16xf32>
      %swap3A_531 = vector.shape_cast %add3A_526 : vector<16xf32> to vector<1x16xf32>
      tpu.vector_store %arg11[%swap3A_527, %swap3A_528], %swap3A_531 {strides = array<i32>} : memref<32x768xf32, #tpu.memory_space<vmem>>, vector<1x16xf32>,
      %get3A_532 = arith.index_cast %scan3A_76 : i32 to index
      %get3A_533 = arith.constant 448 : index
      %get3A_534 = tpu.vector_load %arg11[%get3A_532, %get3A_533] {strides = array<i32>} : memref<32x768xf32, #tpu.memory_space<vmem>>, vector<1x16xf32>,
      %get3A_535 = vector.shape_cast %get3A_534 : vector<1x16xf32> to vector<16xf32>
      %mul3A_536 = arith.mulf %get3A_80, %get3A_535 : vector<16xf32>
      %get3A_537 = arith.index_cast %scan3A_76 : i32 to index
      %get3A_538 = arith.constant 448 : index
      %get3A_539 = tpu.vector_load %arg13[%get3A_537, %get3A_538] {strides = array<i32>} : memref<32x768xf32, #tpu.memory_space<vmem>>, vector<1x16xf32>,
      %get3A_540 = vector.shape_cast %get3A_539 : vector<1x16xf32> to vector<16xf32>
      %mul3A_541 = arith.mulf %get3A_84, %get3A_540 : vector<16xf32>
      %add3A_542 = arith.addf %mul3A_536, %mul3A_541 : vector<16xf32>
      %swap3A_543 = arith.index_cast %scan3A_76 : i32 to index
      %swap3A_544 = arith.constant 448 : index
      %swap3A_545 = tpu.vector_load %arg11[%swap3A_543, %swap3A_544] {strides = array<i32>} : memref<32x768xf32, #tpu.memory_space<vmem>>, vector<1x16xf32>,
      %swap3A_546 = vector.shape_cast %swap3A_545 : vector<1x16xf32> to vector<16xf32>
      %swap3A_547 = vector.shape_cast %add3A_542 : vector<16xf32> to vector<1x16xf32>
      tpu.vector_store %arg11[%swap3A_543, %swap3A_544], %swap3A_547 {strides = array<i32>} : memref<32x768xf32, #tpu.memory_space<vmem>>, vector<1x16xf32>,
      %get3A_548 = arith.index_cast %scan3A_76 : i32 to index
      %get3A_549 = arith.constant 464 : index
      %get3A_550 = tpu.vector_load %arg11[%get3A_548, %get3A_549] {strides = array<i32>} : memref<32x768xf32, #tpu.memory_space<vmem>>, vector<1x16xf32>,
      %get3A_551 = vector.shape_cast %get3A_550 : vector<1x16xf32> to vector<16xf32>
      %mul3A_552 = arith.mulf %get3A_80, %get3A_551 : vector<16xf32>
      %get3A_553 = arith.index_cast %scan3A_76 : i32 to index
      %get3A_554 = arith.constant 464 : index
      %get3A_555 = tpu.vector_load %arg13[%get3A_553, %get3A_554] {strides = array<i32>} : memref<32x768xf32, #tpu.memory_space<vmem>>, vector<1x16xf32>,
      %get3A_556 = vector.shape_cast %get3A_555 : vector<1x16xf32> to vector<16xf32>
      %mul3A_557 = arith.mulf %get3A_84, %get3A_556 : vector<16xf32>
      %add3A_558 = arith.addf %mul3A_552, %mul3A_557 : vector<16xf32>
      %swap3A_559 = arith.index_cast %scan3A_76 : i32 to index
      %swap3A_560 = arith.constant 464 : index
      %swap3A_561 = tpu.vector_load %arg11[%swap3A_559, %swap3A_560] {strides = array<i32>} : memref<32x768xf32, #tpu.memory_space<vmem>>, vector<1x16xf32>,
      %swap3A_562 = vector.shape_cast %swap3A_561 : vector<1x16xf32> to vector<16xf32>
      %swap3A_563 = vector.shape_cast %add3A_558 : vector<16xf32> to vector<1x16xf32>
      tpu.vector_store %arg11[%swap3A_559, %swap3A_560], %swap3A_563 {strides = array<i32>} : memref<32x768xf32, #tpu.memory_space<vmem>>, vector<1x16xf32>,
      %get3A_564 = arith.index_cast %scan3A_76 : i32 to index
      %get3A_565 = arith.constant 480 : index
      %get3A_566 = tpu.vector_load %arg11[%get3A_564, %get3A_565] {strides = array<i32>} : memref<32x768xf32, #tpu.memory_space<vmem>>, vector<1x16xf32>,
      %get3A_567 = vector.shape_cast %get3A_566 : vector<1x16xf32> to vector<16xf32>
      %mul3A_568 = arith.mulf %get3A_80, %get3A_567 : vector<16xf32>
      %get3A_569 = arith.index_cast %scan3A_76 : i32 to index
      %get3A_570 = arith.constant 480 : index
      %get3A_571 = tpu.vector_load %arg13[%get3A_569, %get3A_570] {strides = array<i32>} : memref<32x768xf32, #tpu.memory_space<vmem>>, vector<1x16xf32>,
      %get3A_572 = vector.shape_cast %get3A_571 : vector<1x16xf32> to vector<16xf32>
      %mul3A_573 = arith.mulf %get3A_84, %get3A_572 : vector<16xf32>
      %add3A_574 = arith.addf %mul3A_568, %mul3A_573 : vector<16xf32>
      %swap3A_575 = arith.index_cast %scan3A_76 : i32 to index
      %swap3A_576 = arith.constant 480 : index
      %swap3A_577 = tpu.vector_load %arg11[%swap3A_575, %swap3A_576] {strides = array<i32>} : memref<32x768xf32, #tpu.memory_space<vmem>>, vector<1x16xf32>,
      %swap3A_578 = vector.shape_cast %swap3A_577 : vector<1x16xf32> to vector<16xf32>
      %swap3A_579 = vector.shape_cast %add3A_574 : vector<16xf32> to vector<1x16xf32>
      tpu.vector_store %arg11[%swap3A_575, %swap3A_576], %swap3A_579 {strides = array<i32>} : memref<32x768xf32, #tpu.memory_space<vmem>>, vector<1x16xf32>,
      %get3A_580 = arith.index_cast %scan3A_76 : i32 to index
      %get3A_581 = arith.constant 496 : index
      %get3A_582 = tpu.vector_load %arg11[%get3A_580, %get3A_581] {strides = array<i32>} : memref<32x768xf32, #tpu.memory_space<vmem>>, vector<1x16xf32>,
      %get3A_583 = vector.shape_cast %get3A_582 : vector<1x16xf32> to vector<16xf32>
      %mul3A_584 = arith.mulf %get3A_80, %get3A_583 : vector<16xf32>
      %get3A_585 = arith.index_cast %scan3A_76 : i32 to index
      %get3A_586 = arith.constant 496 : index
      %get3A_587 = tpu.vector_load %arg13[%get3A_585, %get3A_586] {strides = array<i32>} : memref<32x768xf32, #tpu.memory_space<vmem>>, vector<1x16xf32>,
      %get3A_588 = vector.shape_cast %get3A_587 : vector<1x16xf32> to vector<16xf32>
      %mul3A_589 = arith.mulf %get3A_84, %get3A_588 : vector<16xf32>
      %add3A_590 = arith.addf %mul3A_584, %mul3A_589 : vector<16xf32>
      %swap3A_591 = arith.index_cast %scan3A_76 : i32 to index
      %swap3A_592 = arith.constant 496 : index
      %swap3A_593 = tpu.vector_load %arg11[%swap3A_591, %swap3A_592] {strides = array<i32>} : memref<32x768xf32, #tpu.memory_space<vmem>>, vector<1x16xf32>,
      %swap3A_594 = vector.shape_cast %swap3A_593 : vector<1x16xf32> to vector<16xf32>
      %swap3A_595 = vector.shape_cast %add3A_590 : vector<16xf32> to vector<1x16xf32>
      tpu.vector_store %arg11[%swap3A_591, %swap3A_592], %swap3A_595 {strides = array<i32>} : memref<32x768xf32, #tpu.memory_space<vmem>>, vector<1x16xf32>,
      %get3A_596 = arith.index_cast %scan3A_76 : i32 to index
      %get3A_597 = arith.constant 512 : index
      %get3A_598 = tpu.vector_load %arg11[%get3A_596, %get3A_597] {strides = array<i32>} : memref<32x768xf32, #tpu.memory_space<vmem>>, vector<1x16xf32>,
      %get3A_599 = vector.shape_cast %get3A_598 : vector<1x16xf32> to vector<16xf32>
      %mul3A_600 = arith.mulf %get3A_80, %get3A_599 : vector<16xf32>
      %get3A_601 = arith.index_cast %scan3A_76 : i32 to index
      %get3A_602 = arith.constant 512 : index
      %get3A_603 = tpu.vector_load %arg13[%get3A_601, %get3A_602] {strides = array<i32>} : memref<32x768xf32, #tpu.memory_space<vmem>>, vector<1x16xf32>,
      %get3A_604 = vector.shape_cast %get3A_603 : vector<1x16xf32> to vector<16xf32>
      %mul3A_605 = arith.mulf %get3A_84, %get3A_604 : vector<16xf32>
      %add3A_606 = arith.addf %mul3A_600, %mul3A_605 : vector<16xf32>
      %swap3A_607 = arith.index_cast %scan3A_76 : i32 to index
      %swap3A_608 = arith.constant 512 : index
      %swap3A_609 = tpu.vector_load %arg11[%swap3A_607, %swap3A_608] {strides = array<i32>} : memref<32x768xf32, #tpu.memory_space<vmem>>, vector<1x16xf32>,
      %swap3A_610 = vector.shape_cast %swap3A_609 : vector<1x16xf32> to vector<16xf32>
      %swap3A_611 = vector.shape_cast %add3A_606 : vector<16xf32> to vector<1x16xf32>
      tpu.vector_store %arg11[%swap3A_607, %swap3A_608], %swap3A_611 {strides = array<i32>} : memref<32x768xf32, #tpu.memory_space<vmem>>, vector<1x16xf32>,
      %get3A_612 = arith.index_cast %scan3A_76 : i32 to index
      %get3A_613 = arith.constant 528 : index
      %get3A_614 = tpu.vector_load %arg11[%get3A_612, %get3A_613] {strides = array<i32>} : memref<32x768xf32, #tpu.memory_space<vmem>>, vector<1x16xf32>,
      %get3A_615 = vector.shape_cast %get3A_614 : vector<1x16xf32> to vector<16xf32>
      %mul3A_616 = arith.mulf %get3A_80, %get3A_615 : vector<16xf32>
      %get3A_617 = arith.index_cast %scan3A_76 : i32 to index
      %get3A_618 = arith.constant 528 : index
      %get3A_619 = tpu.vector_load %arg13[%get3A_617, %get3A_618] {strides = array<i32>} : memref<32x768xf32, #tpu.memory_space<vmem>>, vector<1x16xf32>,
      %get3A_620 = vector.shape_cast %get3A_619 : vector<1x16xf32> to vector<16xf32>
      %mul3A_621 = arith.mulf %get3A_84, %get3A_620 : vector<16xf32>
      %add3A_622 = arith.addf %mul3A_616, %mul3A_621 : vector<16xf32>
      %swap3A_623 = arith.index_cast %scan3A_76 : i32 to index
      %swap3A_624 = arith.constant 528 : index
      %swap3A_625 = tpu.vector_load %arg11[%swap3A_623, %swap3A_624] {strides = array<i32>} : memref<32x768xf32, #tpu.memory_space<vmem>>, vector<1x16xf32>,
      %swap3A_626 = vector.shape_cast %swap3A_625 : vector<1x16xf32> to vector<16xf32>
      %swap3A_627 = vector.shape_cast %add3A_622 : vector<16xf32> to vector<1x16xf32>
      tpu.vector_store %arg11[%swap3A_623, %swap3A_624], %swap3A_627 {strides = array<i32>} : memref<32x768xf32, #tpu.memory_space<vmem>>, vector<1x16xf32>,
      %get3A_628 = arith.index_cast %scan3A_76 : i32 to index
      %get3A_629 = arith.constant 544 : index
      %get3A_630 = tpu.vector_load %arg11[%get3A_628, %get3A_629] {strides = array<i32>} : memref<32x768xf32, #tpu.memory_space<vmem>>, vector<1x16xf32>,
      %get3A_631 = vector.shape_cast %get3A_630 : vector<1x16xf32> to vector<16xf32>
      %mul3A_632 = arith.mulf %get3A_80, %get3A_631 : vector<16xf32>
      %get3A_633 = arith.index_cast %scan3A_76 : i32 to index
      %get3A_634 = arith.constant 544 : index
      %get3A_635 = tpu.vector_load %arg13[%get3A_633, %get3A_634] {strides = array<i32>} : memref<32x768xf32, #tpu.memory_space<vmem>>, vector<1x16xf32>,
      %get3A_636 = vector.shape_cast %get3A_635 : vector<1x16xf32> to vector<16xf32>
      %mul3A_637 = arith.mulf %get3A_84, %get3A_636 : vector<16xf32>
      %add3A_638 = arith.addf %mul3A_632, %mul3A_637 : vector<16xf32>
      %swap3A_639 = arith.index_cast %scan3A_76 : i32 to index
      %swap3A_640 = arith.constant 544 : index
      %swap3A_641 = tpu.vector_load %arg11[%swap3A_639, %swap3A_640] {strides = array<i32>} : memref<32x768xf32, #tpu.memory_space<vmem>>, vector<1x16xf32>,
      %swap3A_642 = vector.shape_cast %swap3A_641 : vector<1x16xf32> to vector<16xf32>
      %swap3A_643 = vector.shape_cast %add3A_638 : vector<16xf32> to vector<1x16xf32>
      tpu.vector_store %arg11[%swap3A_639, %swap3A_640], %swap3A_643 {strides = array<i32>} : memref<32x768xf32, #tpu.memory_space<vmem>>, vector<1x16xf32>,
      %get3A_644 = arith.index_cast %scan3A_76 : i32 to index
      %get3A_645 = arith.constant 560 : index
      %get3A_646 = tpu.vector_load %arg11[%get3A_644, %get3A_645] {strides = array<i32>} : memref<32x768xf32, #tpu.memory_space<vmem>>, vector<1x16xf32>,
      %get3A_647 = vector.shape_cast %get3A_646 : vector<1x16xf32> to vector<16xf32>
      %mul3A_648 = arith.mulf %get3A_80, %get3A_647 : vector<16xf32>
      %get3A_649 = arith.index_cast %scan3A_76 : i32 to index
      %get3A_650 = arith.constant 560 : index
      %get3A_651 = tpu.vector_load %arg13[%get3A_649, %get3A_650] {strides = array<i32>} : memref<32x768xf32, #tpu.memory_space<vmem>>, vector<1x16xf32>,
      %get3A_652 = vector.shape_cast %get3A_651 : vector<1x16xf32> to vector<16xf32>
      %mul3A_653 = arith.mulf %get3A_84, %get3A_652 : vector<16xf32>
      %add3A_654 = arith.addf %mul3A_648, %mul3A_653 : vector<16xf32>
      %swap3A_655 = arith.index_cast %scan3A_76 : i32 to index
      %swap3A_656 = arith.constant 560 : index
      %swap3A_657 = tpu.vector_load %arg11[%swap3A_655, %swap3A_656] {strides = array<i32>} : memref<32x768xf32, #tpu.memory_space<vmem>>, vector<1x16xf32>,
      %swap3A_658 = vector.shape_cast %swap3A_657 : vector<1x16xf32> to vector<16xf32>
      %swap3A_659 = vector.shape_cast %add3A_654 : vector<16xf32> to vector<1x16xf32>
      tpu.vector_store %arg11[%swap3A_655, %swap3A_656], %swap3A_659 {strides = array<i32>} : memref<32x768xf32, #tpu.memory_space<vmem>>, vector<1x16xf32>,
      %get3A_660 = arith.index_cast %scan3A_76 : i32 to index
      %get3A_661 = arith.constant 576 : index
      %get3A_662 = tpu.vector_load %arg11[%get3A_660, %get3A_661] {strides = array<i32>} : memref<32x768xf32, #tpu.memory_space<vmem>>, vector<1x16xf32>,
      %get3A_663 = vector.shape_cast %get3A_662 : vector<1x16xf32> to vector<16xf32>
      %mul3A_664 = arith.mulf %get3A_80, %get3A_663 : vector<16xf32>
      %get3A_665 = arith.index_cast %scan3A_76 : i32 to index
      %get3A_666 = arith.constant 576 : index
      %get3A_667 = tpu.vector_load %arg13[%get3A_665, %get3A_666] {strides = array<i32>} : memref<32x768xf32, #tpu.memory_space<vmem>>, vector<1x16xf32>,
      %get3A_668 = vector.shape_cast %get3A_667 : vector<1x16xf32> to vector<16xf32>
      %mul3A_669 = arith.mulf %get3A_84, %get3A_668 : vector<16xf32>
      %add3A_670 = arith.addf %mul3A_664, %mul3A_669 : vector<16xf32>
      %swap3A_671 = arith.index_cast %scan3A_76 : i32 to index
      %swap3A_672 = arith.constant 576 : index
      %swap3A_673 = tpu.vector_load %arg11[%swap3A_671, %swap3A_672] {strides = array<i32>} : memref<32x768xf32, #tpu.memory_space<vmem>>, vector<1x16xf32>,
      %swap3A_674 = vector.shape_cast %swap3A_673 : vector<1x16xf32> to vector<16xf32>
      %swap3A_675 = vector.shape_cast %add3A_670 : vector<16xf32> to vector<1x16xf32>
      tpu.vector_store %arg11[%swap3A_671, %swap3A_672], %swap3A_675 {strides = array<i32>} : memref<32x768xf32, #tpu.memory_space<vmem>>, vector<1x16xf32>,
      %get3A_676 = arith.index_cast %scan3A_76 : i32 to index
      %get3A_677 = arith.constant 592 : index
      %get3A_678 = tpu.vector_load %arg11[%get3A_676, %get3A_677] {strides = array<i32>} : memref<32x768xf32, #tpu.memory_space<vmem>>, vector<1x16xf32>,
      %get3A_679 = vector.shape_cast %get3A_678 : vector<1x16xf32> to vector<16xf32>
      %mul3A_680 = arith.mulf %get3A_80, %get3A_679 : vector<16xf32>
      %get3A_681 = arith.index_cast %scan3A_76 : i32 to index
      %get3A_682 = arith.constant 592 : index
      %get3A_683 = tpu.vector_load %arg13[%get3A_681, %get3A_682] {strides = array<i32>} : memref<32x768xf32, #tpu.memory_space<vmem>>, vector<1x16xf32>,
      %get3A_684 = vector.shape_cast %get3A_683 : vector<1x16xf32> to vector<16xf32>
      %mul3A_685 = arith.mulf %get3A_84, %get3A_684 : vector<16xf32>
      %add3A_686 = arith.addf %mul3A_680, %mul3A_685 : vector<16xf32>
      %swap3A_687 = arith.index_cast %scan3A_76 : i32 to index
      %swap3A_688 = arith.constant 592 : index
      %swap3A_689 = tpu.vector_load %arg11[%swap3A_687, %swap3A_688] {strides = array<i32>} : memref<32x768xf32, #tpu.memory_space<vmem>>, vector<1x16xf32>,
      %swap3A_690 = vector.shape_cast %swap3A_689 : vector<1x16xf32> to vector<16xf32>
      %swap3A_691 = vector.shape_cast %add3A_686 : vector<16xf32> to vector<1x16xf32>
      tpu.vector_store %arg11[%swap3A_687, %swap3A_688], %swap3A_691 {strides = array<i32>} : memref<32x768xf32, #tpu.memory_space<vmem>>, vector<1x16xf32>,
      %get3A_692 = arith.index_cast %scan3A_76 : i32 to index
      %get3A_693 = arith.constant 608 : index
      %get3A_694 = tpu.vector_load %arg11[%get3A_692, %get3A_693] {strides = array<i32>} : memref<32x768xf32, #tpu.memory_space<vmem>>, vector<1x16xf32>,
      %get3A_695 = vector.shape_cast %get3A_694 : vector<1x16xf32> to vector<16xf32>
      %mul3A_696 = arith.mulf %get3A_80, %get3A_695 : vector<16xf32>
      %get3A_697 = arith.index_cast %scan3A_76 : i32 to index
      %get3A_698 = arith.constant 608 : index
      %get3A_699 = tpu.vector_load %arg13[%get3A_697, %get3A_698] {strides = array<i32>} : memref<32x768xf32, #tpu.memory_space<vmem>>, vector<1x16xf32>,
      %get3A_700 = vector.shape_cast %get3A_699 : vector<1x16xf32> to vector<16xf32>
      %mul3A_701 = arith.mulf %get3A_84, %get3A_700 : vector<16xf32>
      %add3A_702 = arith.addf %mul3A_696, %mul3A_701 : vector<16xf32>
      %swap3A_703 = arith.index_cast %scan3A_76 : i32 to index
      %swap3A_704 = arith.constant 608 : index
      %swap3A_705 = tpu.vector_load %arg11[%swap3A_703, %swap3A_704] {strides = array<i32>} : memref<32x768xf32, #tpu.memory_space<vmem>>, vector<1x16xf32>,
      %swap3A_706 = vector.shape_cast %swap3A_705 : vector<1x16xf32> to vector<16xf32>
      %swap3A_707 = vector.shape_cast %add3A_702 : vector<16xf32> to vector<1x16xf32>
      tpu.vector_store %arg11[%swap3A_703, %swap3A_704], %swap3A_707 {strides = array<i32>} : memref<32x768xf32, #tpu.memory_space<vmem>>, vector<1x16xf32>,
      %get3A_708 = arith.index_cast %scan3A_76 : i32 to index
      %get3A_709 = arith.constant 624 : index
      %get3A_710 = tpu.vector_load %arg11[%get3A_708, %get3A_709] {strides = array<i32>} : memref<32x768xf32, #tpu.memory_space<vmem>>, vector<1x16xf32>,
      %get3A_711 = vector.shape_cast %get3A_710 : vector<1x16xf32> to vector<16xf32>
      %mul3A_712 = arith.mulf %get3A_80, %get3A_711 : vector<16xf32>
      %get3A_713 = arith.index_cast %scan3A_76 : i32 to index
      %get3A_714 = arith.constant 624 : index
      %get3A_715 = tpu.vector_load %arg13[%get3A_713, %get3A_714] {strides = array<i32>} : memref<32x768xf32, #tpu.memory_space<vmem>>, vector<1x16xf32>,
      %get3A_716 = vector.shape_cast %get3A_715 : vector<1x16xf32> to vector<16xf32>
      %mul3A_717 = arith.mulf %get3A_84, %get3A_716 : vector<16xf32>
      %add3A_718 = arith.addf %mul3A_712, %mul3A_717 : vector<16xf32>
      %swap3A_719 = arith.index_cast %scan3A_76 : i32 to index
      %swap3A_720 = arith.constant 624 : index
      %swap3A_721 = tpu.vector_load %arg11[%swap3A_719, %swap3A_720] {strides = array<i32>} : memref<32x768xf32, #tpu.memory_space<vmem>>, vector<1x16xf32>,
      %swap3A_722 = vector.shape_cast %swap3A_721 : vector<1x16xf32> to vector<16xf32>
      %swap3A_723 = vector.shape_cast %add3A_718 : vector<16xf32> to vector<1x16xf32>
      tpu.vector_store %arg11[%swap3A_719, %swap3A_720], %swap3A_723 {strides = array<i32>} : memref<32x768xf32, #tpu.memory_space<vmem>>, vector<1x16xf32>,
      %get3A_724 = arith.index_cast %scan3A_76 : i32 to index
      %get3A_725 = arith.constant 640 : index
      %get3A_726 = tpu.vector_load %arg11[%get3A_724, %get3A_725] {strides = array<i32>} : memref<32x768xf32, #tpu.memory_space<vmem>>, vector<1x16xf32>,
      %get3A_727 = vector.shape_cast %get3A_726 : vector<1x16xf32> to vector<16xf32>
      %mul3A_728 = arith.mulf %get3A_80, %get3A_727 : vector<16xf32>
      %get3A_729 = arith.index_cast %scan3A_76 : i32 to index
      %get3A_730 = arith.constant 640 : index
      %get3A_731 = tpu.vector_load %arg13[%get3A_729, %get3A_730] {strides = array<i32>} : memref<32x768xf32, #tpu.memory_space<vmem>>, vector<1x16xf32>,
      %get3A_732 = vector.shape_cast %get3A_731 : vector<1x16xf32> to vector<16xf32>
      %mul3A_733 = arith.mulf %get3A_84, %get3A_732 : vector<16xf32>
      %add3A_734 = arith.addf %mul3A_728, %mul3A_733 : vector<16xf32>
      %swap3A_735 = arith.index_cast %scan3A_76 : i32 to index
      %swap3A_736 = arith.constant 640 : index
      %swap3A_737 = tpu.vector_load %arg11[%swap3A_735, %swap3A_736] {strides = array<i32>} : memref<32x768xf32, #tpu.memory_space<vmem>>, vector<1x16xf32>,
      %swap3A_738 = vector.shape_cast %swap3A_737 : vector<1x16xf32> to vector<16xf32>
      %swap3A_739 = vector.shape_cast %add3A_734 : vector<16xf32> to vector<1x16xf32>
      tpu.vector_store %arg11[%swap3A_735, %swap3A_736], %swap3A_739 {strides = array<i32>} : memref<32x768xf32, #tpu.memory_space<vmem>>, vector<1x16xf32>,
      %get3A_740 = arith.index_cast %scan3A_76 : i32 to index
      %get3A_741 = arith.constant 656 : index
      %get3A_742 = tpu.vector_load %arg11[%get3A_740, %get3A_741] {strides = array<i32>} : memref<32x768xf32, #tpu.memory_space<vmem>>, vector<1x16xf32>,
      %get3A_743 = vector.shape_cast %get3A_742 : vector<1x16xf32> to vector<16xf32>
      %mul3A_744 = arith.mulf %get3A_80, %get3A_743 : vector<16xf32>
      %get3A_745 = arith.index_cast %scan3A_76 : i32 to index
      %get3A_746 = arith.constant 656 : index
      %get3A_747 = tpu.vector_load %arg13[%get3A_745, %get3A_746] {strides = array<i32>} : memref<32x768xf32, #tpu.memory_space<vmem>>, vector<1x16xf32>,
      %get3A_748 = vector.shape_cast %get3A_747 : vector<1x16xf32> to vector<16xf32>
      %mul3A_749 = arith.mulf %get3A_84, %get3A_748 : vector<16xf32>
      %add3A_750 = arith.addf %mul3A_744, %mul3A_749 : vector<16xf32>
      %swap3A_751 = arith.index_cast %scan3A_76 : i32 to index
      %swap3A_752 = arith.constant 656 : index
      %swap3A_753 = tpu.vector_load %arg11[%swap3A_751, %swap3A_752] {strides = array<i32>} : memref<32x768xf32, #tpu.memory_space<vmem>>, vector<1x16xf32>,
      %swap3A_754 = vector.shape_cast %swap3A_753 : vector<1x16xf32> to vector<16xf32>
      %swap3A_755 = vector.shape_cast %add3A_750 : vector<16xf32> to vector<1x16xf32>
      tpu.vector_store %arg11[%swap3A_751, %swap3A_752], %swap3A_755 {strides = array<i32>} : memref<32x768xf32, #tpu.memory_space<vmem>>, vector<1x16xf32>,
      %get3A_756 = arith.index_cast %scan3A_76 : i32 to index
      %get3A_757 = arith.constant 672 : index
      %get3A_758 = tpu.vector_load %arg11[%get3A_756, %get3A_757] {strides = array<i32>} : memref<32x768xf32, #tpu.memory_space<vmem>>, vector<1x16xf32>,
      %get3A_759 = vector.shape_cast %get3A_758 : vector<1x16xf32> to vector<16xf32>
      %mul3A_760 = arith.mulf %get3A_80, %get3A_759 : vector<16xf32>
      %get3A_761 = arith.index_cast %scan3A_76 : i32 to index
      %get3A_762 = arith.constant 672 : index
      %get3A_763 = tpu.vector_load %arg13[%get3A_761, %get3A_762] {strides = array<i32>} : memref<32x768xf32, #tpu.memory_space<vmem>>, vector<1x16xf32>,
      %get3A_764 = vector.shape_cast %get3A_763 : vector<1x16xf32> to vector<16xf32>
      %mul3A_765 = arith.mulf %get3A_84, %get3A_764 : vector<16xf32>
      %add3A_766 = arith.addf %mul3A_760, %mul3A_765 : vector<16xf32>
      %swap3A_767 = arith.index_cast %scan3A_76 : i32 to index
      %swap3A_768 = arith.constant 672 : index
      %swap3A_769 = tpu.vector_load %arg11[%swap3A_767, %swap3A_768] {strides = array<i32>} : memref<32x768xf32, #tpu.memory_space<vmem>>, vector<1x16xf32>,
      %swap3A_770 = vector.shape_cast %swap3A_769 : vector<1x16xf32> to vector<16xf32>
      %swap3A_771 = vector.shape_cast %add3A_766 : vector<16xf32> to vector<1x16xf32>
      tpu.vector_store %arg11[%swap3A_767, %swap3A_768], %swap3A_771 {strides = array<i32>} : memref<32x768xf32, #tpu.memory_space<vmem>>, vector<1x16xf32>,
      %get3A_772 = arith.index_cast %scan3A_76 : i32 to index
      %get3A_773 = arith.constant 688 : index
      %get3A_774 = tpu.vector_load %arg11[%get3A_772, %get3A_773] {strides = array<i32>} : memref<32x768xf32, #tpu.memory_space<vmem>>, vector<1x16xf32>,
      %get3A_775 = vector.shape_cast %get3A_774 : vector<1x16xf32> to vector<16xf32>
      %mul3A_776 = arith.mulf %get3A_80, %get3A_775 : vector<16xf32>
      %get3A_777 = arith.index_cast %scan3A_76 : i32 to index
      %get3A_778 = arith.constant 688 : index
      %get3A_779 = tpu.vector_load %arg13[%get3A_777, %get3A_778] {strides = array<i32>} : memref<32x768xf32, #tpu.memory_space<vmem>>, vector<1x16xf32>,
      %get3A_780 = vector.shape_cast %get3A_779 : vector<1x16xf32> to vector<16xf32>
      %mul3A_781 = arith.mulf %get3A_84, %get3A_780 : vector<16xf32>
      %add3A_782 = arith.addf %mul3A_776, %mul3A_781 : vector<16xf32>
      %swap3A_783 = arith.index_cast %scan3A_76 : i32 to index
      %swap3A_784 = arith.constant 688 : index
      %swap3A_785 = tpu.vector_load %arg11[%swap3A_783, %swap3A_784] {strides = array<i32>} : memref<32x768xf32, #tpu.memory_space<vmem>>, vector<1x16xf32>,
      %swap3A_786 = vector.shape_cast %swap3A_785 : vector<1x16xf32> to vector<16xf32>
      %swap3A_787 = vector.shape_cast %add3A_782 : vector<16xf32> to vector<1x16xf32>
      tpu.vector_store %arg11[%swap3A_783, %swap3A_784], %swap3A_787 {strides = array<i32>} : memref<32x768xf32, #tpu.memory_space<vmem>>, vector<1x16xf32>,
      %get3A_788 = arith.index_cast %scan3A_76 : i32 to index
      %get3A_789 = arith.constant 704 : index
      %get3A_790 = tpu.vector_load %arg11[%get3A_788, %get3A_789] {strides = array<i32>} : memref<32x768xf32, #tpu.memory_space<vmem>>, vector<1x16xf32>,
      %get3A_791 = vector.shape_cast %get3A_790 : vector<1x16xf32> to vector<16xf32>
      %mul3A_792 = arith.mulf %get3A_80, %get3A_791 : vector<16xf32>
      %get3A_793 = arith.index_cast %scan3A_76 : i32 to index
      %get3A_794 = arith.constant 704 : index
      %get3A_795 = tpu.vector_load %arg13[%get3A_793, %get3A_794] {strides = array<i32>} : memref<32x768xf32, #tpu.memory_space<vmem>>, vector<1x16xf32>,
      %get3A_796 = vector.shape_cast %get3A_795 : vector<1x16xf32> to vector<16xf32>
      %mul3A_797 = arith.mulf %get3A_84, %get3A_796 : vector<16xf32>
      %add3A_798 = arith.addf %mul3A_792, %mul3A_797 : vector<16xf32>
      %swap3A_799 = arith.index_cast %scan3A_76 : i32 to index
      %swap3A_800 = arith.constant 704 : index
      %swap3A_801 = tpu.vector_load %arg11[%swap3A_799, %swap3A_800] {strides = array<i32>} : memref<32x768xf32, #tpu.memory_space<vmem>>, vector<1x16xf32>,
      %swap3A_802 = vector.shape_cast %swap3A_801 : vector<1x16xf32> to vector<16xf32>
      %swap3A_803 = vector.shape_cast %add3A_798 : vector<16xf32> to vector<1x16xf32>
      tpu.vector_store %arg11[%swap3A_799, %swap3A_800], %swap3A_803 {strides = array<i32>} : memref<32x768xf32, #tpu.memory_space<vmem>>, vector<1x16xf32>,
      %get3A_804 = arith.index_cast %scan3A_76 : i32 to index
      %get3A_805 = arith.constant 720 : index
      %get3A_806 = tpu.vector_load %arg11[%get3A_804, %get3A_805] {strides = array<i32>} : memref<32x768xf32, #tpu.memory_space<vmem>>, vector<1x16xf32>,
      %get3A_807 = vector.shape_cast %get3A_806 : vector<1x16xf32> to vector<16xf32>
      %mul3A_808 = arith.mulf %get3A_80, %get3A_807 : vector<16xf32>
      %get3A_809 = arith.index_cast %scan3A_76 : i32 to index
      %get3A_810 = arith.constant 720 : index
      %get3A_811 = tpu.vector_load %arg13[%get3A_809, %get3A_810] {strides = array<i32>} : memref<32x768xf32, #tpu.memory_space<vmem>>, vector<1x16xf32>,
      %get3A_812 = vector.shape_cast %get3A_811 : vector<1x16xf32> to vector<16xf32>
      %mul3A_813 = arith.mulf %get3A_84, %get3A_812 : vector<16xf32>
      %add3A_814 = arith.addf %mul3A_808, %mul3A_813 : vector<16xf32>
      %swap3A_815 = arith.index_cast %scan3A_76 : i32 to index
      %swap3A_816 = arith.constant 720 : index
      %swap3A_817 = tpu.vector_load %arg11[%swap3A_815, %swap3A_816] {strides = array<i32>} : memref<32x768xf32, #tpu.memory_space<vmem>>, vector<1x16xf32>,
      %swap3A_818 = vector.shape_cast %swap3A_817 : vector<1x16xf32> to vector<16xf32>
      %swap3A_819 = vector.shape_cast %add3A_814 : vector<16xf32> to vector<1x16xf32>
      tpu.vector_store %arg11[%swap3A_815, %swap3A_816], %swap3A_819 {strides = array<i32>} : memref<32x768xf32, #tpu.memory_space<vmem>>, vector<1x16xf32>,
      %get3A_820 = arith.index_cast %scan3A_76 : i32 to index
      %get3A_821 = arith.constant 736 : index
      %get3A_822 = tpu.vector_load %arg11[%get3A_820, %get3A_821] {strides = array<i32>} : memref<32x768xf32, #tpu.memory_space<vmem>>, vector<1x16xf32>,
      %get3A_823 = vector.shape_cast %get3A_822 : vector<1x16xf32> to vector<16xf32>
      %mul3A_824 = arith.mulf %get3A_80, %get3A_823 : vector<16xf32>
      %get3A_825 = arith.index_cast %scan3A_76 : i32 to index
      %get3A_826 = arith.constant 736 : index
      %get3A_827 = tpu.vector_load %arg13[%get3A_825, %get3A_826] {strides = array<i32>} : memref<32x768xf32, #tpu.memory_space<vmem>>, vector<1x16xf32>,
      %get3A_828 = vector.shape_cast %get3A_827 : vector<1x16xf32> to vector<16xf32>
      %mul3A_829 = arith.mulf %get3A_84, %get3A_828 : vector<16xf32>
      %add3A_830 = arith.addf %mul3A_824, %mul3A_829 : vector<16xf32>
      %swap3A_831 = arith.index_cast %scan3A_76 : i32 to index
      %swap3A_832 = arith.constant 736 : index
      %swap3A_833 = tpu.vector_load %arg11[%swap3A_831, %swap3A_832] {strides = array<i32>} : memref<32x768xf32, #tpu.memory_space<vmem>>, vector<1x16xf32>,
      %swap3A_834 = vector.shape_cast %swap3A_833 : vector<1x16xf32> to vector<16xf32>
      %swap3A_835 = vector.shape_cast %add3A_830 : vector<16xf32> to vector<1x16xf32>
      tpu.vector_store %arg11[%swap3A_831, %swap3A_832], %swap3A_835 {strides = array<i32>} : memref<32x768xf32, #tpu.memory_space<vmem>>, vector<1x16xf32>,
      %get3A_836 = arith.index_cast %scan3A_76 : i32 to index
      %get3A_837 = arith.constant 752 : index
      %get3A_838 = tpu.vector_load %arg11[%get3A_836, %get3A_837] {strides = array<i32>} : memref<32x768xf32, #tpu.memory_space<vmem>>, vector<1x16xf32>,
      %get3A_839 = vector.shape_cast %get3A_838 : vector<1x16xf32> to vector<16xf32>
      %mul3A_840 = arith.mulf %get3A_80, %get3A_839 : vector<16xf32>
      %get3A_841 = arith.index_cast %scan3A_76 : i32 to index
      %get3A_842 = arith.constant 752 : index
      %get3A_843 = tpu.vector_load %arg13[%get3A_841, %get3A_842] {strides = array<i32>} : memref<32x768xf32, #tpu.memory_space<vmem>>, vector<1x16xf32>,
      %get3A_844 = vector.shape_cast %get3A_843 : vector<1x16xf32> to vector<16xf32>
      %mul3A_845 = arith.mulf %get3A_84, %get3A_844 : vector<16xf32>
      %add3A_846 = arith.addf %mul3A_840, %mul3A_845 : vector<16xf32>
      %swap3A_847 = arith.index_cast %scan3A_76 : i32 to index
      %swap3A_848 = arith.constant 752 : index
      %swap3A_849 = tpu.vector_load %arg11[%swap3A_847, %swap3A_848] {strides = array<i32>} : memref<32x768xf32, #tpu.memory_space<vmem>>, vector<1x16xf32>,
      %swap3A_850 = vector.shape_cast %swap3A_849 : vector<1x16xf32> to vector<16xf32>
      %swap3A_851 = vector.shape_cast %add3A_846 : vector<16xf32> to vector<1x16xf32>
      tpu.vector_store %arg11[%swap3A_847, %swap3A_848], %swap3A_851 {strides = array<i32>} : memref<32x768xf32, #tpu.memory_space<vmem>>, vector<1x16xf32>,
      %scan3A_852 = arith.constant 0 : i32
      scf.yield %scan3A_852 : i32
    }
    %scan3A_59 = arith.constant 32 : i32
    %dma_wait3A_60 = arith.constant 0 : i32
    %dma_wait3A_61 = tpu.memref_slice %arg5[%add3A_42, %dma_wait3A_60] : memref<2048x768xf32, #tpu.memory_space<hbm>> -> memref<32x768xf32, #tpu.memory_space<hbm>>
    %dma_wait3A_62 = arith.constant 0 : i32
    %dma_wait3A_63 = tpu.memref_slice %arg5[%add3A_42, %dma_wait3A_62] : memref<2048x768xf32, #tpu.memory_space<hbm>> -> memref<32x768xf32, #tpu.memory_space<hbm>>
    tpu.wait_dma2 semaphore(%arg19 : memref<!tpu.dma_semaphore, #tpu.memory_space<semaphore_mem>>) src(%arg10 : memref<32x768xf32, #tpu.memory_space<vmem>>) dst(%dma_wait3A_63 : memref<32x768xf32, #tpu.memory_space<hbm>>)
    %mul3A_64 = arith.constant 64 : i32
    %mul3A_65 = arith.muli %add3A, %mul3A_64 : i32
    %add3A_66 = arith.constant 32 : i32
    %add3A_67 = arith.addi %mul3A_65, %add3A_66 : i32
    %dma_start3A_68 = arith.constant 0 : i32
    %dma_start3A_69 = tpu.memref_slice %arg5[%add3A_67, %dma_start3A_68] : memref<2048x768xf32, #tpu.memory_space<hbm>> -> memref<32x768xf32, #tpu.memory_space<hbm>>
    %dma_start3A_70 = arith.constant 0 : i32
    %dma_start3A_71 = tpu.memref_slice %arg5[%add3A_67, %dma_start3A_70] : memref<2048x768xf32, #tpu.memory_space<hbm>> -> memref<32x768xf32, #tpu.memory_space<hbm>>
    tpu.enqueue_dma source(%arg11 : memref<32x768xf32, #tpu.memory_space<vmem>>) target(%dma_start3A_71 : memref<32x768xf32, #tpu.memory_space<hbm>>) target_semaphore(%arg19 : memref<!tpu.dma_semaphore, #tpu.memory_space<semaphore_mem>>)
    %dma_wait3A_72 = arith.constant 0 : i32
    %dma_wait3A_73 = tpu.memref_slice %arg5[%add3A_67, %dma_wait3A_72] : memref<2048x768xf32, #tpu.memory_space<hbm>> -> memref<32x768xf32, #tpu.memory_space<hbm>>
    %dma_wait3A_74 = arith.constant 0 : i32
    %dma_wait3A_75 = tpu.memref_slice %arg5[%add3A_67, %dma_wait3A_74] : memref<2048x768xf32, #tpu.memory_space<hbm>> -> memref<32x768xf32, #tpu.memory_space<hbm>>
    tpu.wait_dma2 semaphore(%arg19 : memref<!tpu.dma_semaphore, #tpu.memory_space<semaphore_mem>>) src(%arg11 : memref<32x768xf32, #tpu.memory_space<vmem>>) dst(%dma_wait3A_75 : memref<32x768xf32, #tpu.memory_space<hbm>>)
    return
  }
}

#map = affine_map<(d0, d1) -> (0, 0)>
#map1 = affine_map<(d0, d1) -> (0)>
module attributes {stable_mosaic.version = 14 : i64} {
  func.func @_dispatch_body(%arg0: i32, %arg1: i32, %arg2: memref<2048x768xf32, #tpu.memory_space<hbm>>, %arg3: memref<4096xi32, #tpu.memory_space<hbm>>, %arg4: memref<8928x768xf32, #tpu.memory_space<hbm>>, %arg5: memref<64xi32, #tpu.memory_space<vmem>>, %arg6: memref<64xi32, #tpu.memory_space<vmem>>, %arg7: memref<64x768xf32, #tpu.memory_space<vmem>>, %arg8: memref<64x768xf32, #tpu.memory_space<vmem>>, %arg9: memref<!tpu.dma_semaphore, #tpu.memory_space<semaphore_mem>>, %arg10: memref<!tpu.dma_semaphore, #tpu.memory_space<semaphore_mem>>) attributes {dimension_semantics = [#tpu.dimension_semantics<core_parallel>, #tpu.dimension_semantics<subcore_parallel>], iteration_bounds = array<i64: 2, 16>, scalar_prefetch = 0 : i64, scratch_operands = 6 : i64, tpu.core_type = #tpu.core_type<sc_vector_subcore>, window_params = [{transform_indices = #map}, {transform_indices = #map1}, {transform_indices = #map}]} {
    %mul3A = arith.constant 2 : i32
    %mul3A_0 = arith.muli %arg1, %mul3A : i32
    %add3A = arith.addi %mul3A_0, %arg0 : i32
    %mul3A_1 = arith.constant 128 : i32
    %mul3A_2 = arith.muli %add3A, %mul3A_1 : i32
    %jit3A = arith.constant 2048 : i32
    %eq3A = arith.constant 0 : i32
    %eq3A_3 = arith.cmpi eq, %jit3A, %eq3A : i32
    %jit3A_4 = arith.constant 1 : i32
    %select_n3A = arith.select %eq3A_3, %jit3A_4, %jit3A : i32
    %rem3A = arith.remsi %mul3A_2, %select_n3A : i32
    %ne3A = arith.constant 0 : i32
    %ne3A_5 = arith.cmpi ne, %rem3A, %ne3A : i32
    %lt3A = arith.constant 0 : i32
    %lt3A_6 = arith.cmpi slt, %rem3A, %lt3A : i32
    %lt3A_7 = arith.constant 0 : i32
    %lt3A_8 = arith.cmpi slt, %select_n3A, %lt3A_7 : i32
    %ne3A_9 = arith.xori %lt3A_6, %lt3A_8 : i1
    %and3A = arith.andi %ne3A_9, %ne3A_5 : i1
    %add3A_10 = arith.addi %rem3A, %select_n3A : i32
    %select_n3A_11 = arith.select %and3A, %add3A_10, %rem3A : i32
    "tpu.region"() ({
      %run_scoped3A = tpu.sem_alloc : memref<!tpu.dma_semaphore, #tpu.memory_space<semaphore_mem>>
      %dma_start3A_42 = tpu.memref_slice %arg3[%mul3A_2] : memref<4096xi32, #tpu.memory_space<hbm>> -> memref<64xi32, #tpu.memory_space<hbm>>
      %dma_start3A_43 = tpu.memref_slice %arg3[%mul3A_2] : memref<4096xi32, #tpu.memory_space<hbm>> -> memref<64xi32, #tpu.memory_space<hbm>>
      tpu.enqueue_dma source(%dma_start3A_43 : memref<64xi32, #tpu.memory_space<hbm>>) target(%arg5 : memref<64xi32, #tpu.memory_space<vmem>>) target_semaphore(%run_scoped3A : memref<!tpu.dma_semaphore, #tpu.memory_space<semaphore_mem>>)
      %dma_wait3A_44 = tpu.memref_slice %arg3[%mul3A_2] : memref<4096xi32, #tpu.memory_space<hbm>> -> memref<64xi32, #tpu.memory_space<hbm>>
      %dma_wait3A_45 = tpu.memref_slice %arg3[%mul3A_2] : memref<4096xi32, #tpu.memory_space<hbm>> -> memref<64xi32, #tpu.memory_space<hbm>>
      tpu.wait_dma2 semaphore(%run_scoped3A : memref<!tpu.dma_semaphore, #tpu.memory_space<semaphore_mem>>) src(%dma_wait3A_45 : memref<64xi32, #tpu.memory_space<hbm>>) dst(%arg5 : memref<64xi32, #tpu.memory_space<vmem>>)
      tpu.yield
    }) : () -> ()
    %add3A_12 = arith.constant 64 : i32
    %add3A_13 = arith.addi %mul3A_2, %add3A_12 : i32
    "tpu.region"() ({
      %run_scoped3A = tpu.sem_alloc : memref<!tpu.dma_semaphore, #tpu.memory_space<semaphore_mem>>
      %dma_start3A_42 = tpu.memref_slice %arg3[%add3A_13] : memref<4096xi32, #tpu.memory_space<hbm>> -> memref<64xi32, #tpu.memory_space<hbm>>
      %dma_start3A_43 = tpu.memref_slice %arg3[%add3A_13] : memref<4096xi32, #tpu.memory_space<hbm>> -> memref<64xi32, #tpu.memory_space<hbm>>
      tpu.enqueue_dma source(%dma_start3A_43 : memref<64xi32, #tpu.memory_space<hbm>>) target(%arg6 : memref<64xi32, #tpu.memory_space<vmem>>) target_semaphore(%run_scoped3A : memref<!tpu.dma_semaphore, #tpu.memory_space<semaphore_mem>>)
      %dma_wait3A_44 = tpu.memref_slice %arg3[%add3A_13] : memref<4096xi32, #tpu.memory_space<hbm>> -> memref<64xi32, #tpu.memory_space<hbm>>
      %dma_wait3A_45 = tpu.memref_slice %arg3[%add3A_13] : memref<4096xi32, #tpu.memory_space<hbm>> -> memref<64xi32, #tpu.memory_space<hbm>>
      tpu.wait_dma2 semaphore(%run_scoped3A : memref<!tpu.dma_semaphore, #tpu.memory_space<semaphore_mem>>) src(%dma_wait3A_45 : memref<64xi32, #tpu.memory_space<hbm>>) dst(%arg6 : memref<64xi32, #tpu.memory_space<vmem>>)
      tpu.yield
    }) : () -> ()
    %dma_start3A = arith.constant 0 : i32
    %dma_start3A_14 = tpu.memref_slice %arg2[%select_n3A_11, %dma_start3A] : memref<2048x768xf32, #tpu.memory_space<hbm>> -> memref<64x768xf32, #tpu.memory_space<hbm>>
    %dma_start3A_15 = arith.constant 0 : i32
    %dma_start3A_16 = tpu.memref_slice %arg2[%select_n3A_11, %dma_start3A_15] : memref<2048x768xf32, #tpu.memory_space<hbm>> -> memref<64x768xf32, #tpu.memory_space<hbm>>
    tpu.enqueue_dma source(%dma_start3A_16 : memref<64x768xf32, #tpu.memory_space<hbm>>) target(%arg7 : memref<64x768xf32, #tpu.memory_space<vmem>>) target_semaphore(%arg9 : memref<!tpu.dma_semaphore, #tpu.memory_space<semaphore_mem>>)
    %add3A_17 = arith.constant 64 : i32
    %add3A_18 = arith.addi %select_n3A_11, %add3A_17 : i32
    %dma_start3A_19 = arith.constant 0 : i32
    %dma_start3A_20 = tpu.memref_slice %arg2[%add3A_18, %dma_start3A_19] : memref<2048x768xf32, #tpu.memory_space<hbm>> -> memref<64x768xf32, #tpu.memory_space<hbm>>
    %dma_start3A_21 = arith.constant 0 : i32
    %dma_start3A_22 = tpu.memref_slice %arg2[%add3A_18, %dma_start3A_21] : memref<2048x768xf32, #tpu.memory_space<hbm>> -> memref<64x768xf32, #tpu.memory_space<hbm>>
    tpu.enqueue_dma source(%dma_start3A_22 : memref<64x768xf32, #tpu.memory_space<hbm>>) target(%arg8 : memref<64x768xf32, #tpu.memory_space<vmem>>) target_semaphore(%arg9 : memref<!tpu.dma_semaphore, #tpu.memory_space<semaphore_mem>>)
    %dma_wait3A = arith.constant 0 : i32
    %dma_wait3A_23 = tpu.memref_slice %arg2[%select_n3A_11, %dma_wait3A] : memref<2048x768xf32, #tpu.memory_space<hbm>> -> memref<64x768xf32, #tpu.memory_space<hbm>>
    %dma_wait3A_24 = arith.constant 0 : i32
    %dma_wait3A_25 = tpu.memref_slice %arg2[%select_n3A_11, %dma_wait3A_24] : memref<2048x768xf32, #tpu.memory_space<hbm>> -> memref<64x768xf32, #tpu.memory_space<hbm>>
    tpu.wait_dma2 semaphore(%arg9 : memref<!tpu.dma_semaphore, #tpu.memory_space<semaphore_mem>>) src(%dma_wait3A_25 : memref<64x768xf32, #tpu.memory_space<hbm>>) dst(%arg7 : memref<64x768xf32, #tpu.memory_space<vmem>>)
    %dma_start3A_26 = arith.constant 0 : i32
    %dma_start3A_27 = arith.constant 0 : i32
    %dma_start3A_28 = tpu.memref_slice %arg4[%dma_start3A_26, %dma_start3A_27] : memref<8928x768xf32, #tpu.memory_space<hbm>> -> memref<8928x768xf32, #tpu.memory_space<hbm>>
    tpu.enqueue_indirect_dma source(%arg7 : memref<64x768xf32, #tpu.memory_space<vmem>>) target(%dma_start3A_28 : memref<8928x768xf32, #tpu.memory_space<hbm>>) offsets(%arg5 : memref<64xi32, #tpu.memory_space<vmem>>) semaphore(%arg10 : memref<!tpu.dma_semaphore, #tpu.memory_space<semaphore_mem>>)
    %dma_wait3A_29 = arith.constant 0 : i32
    %dma_wait3A_30 = tpu.memref_slice %arg2[%add3A_18, %dma_wait3A_29] : memref<2048x768xf32, #tpu.memory_space<hbm>> -> memref<64x768xf32, #tpu.memory_space<hbm>>
    %dma_wait3A_31 = arith.constant 0 : i32
    %dma_wait3A_32 = tpu.memref_slice %arg2[%add3A_18, %dma_wait3A_31] : memref<2048x768xf32, #tpu.memory_space<hbm>> -> memref<64x768xf32, #tpu.memory_space<hbm>>
    tpu.wait_dma2 semaphore(%arg9 : memref<!tpu.dma_semaphore, #tpu.memory_space<semaphore_mem>>) src(%dma_wait3A_32 : memref<64x768xf32, #tpu.memory_space<hbm>>) dst(%arg8 : memref<64x768xf32, #tpu.memory_space<vmem>>)
    %dma_start3A_33 = arith.constant 0 : i32
    %dma_start3A_34 = arith.constant 0 : i32
    %dma_start3A_35 = tpu.memref_slice %arg4[%dma_start3A_33, %dma_start3A_34] : memref<8928x768xf32, #tpu.memory_space<hbm>> -> memref<8928x768xf32, #tpu.memory_space<hbm>>
    tpu.enqueue_indirect_dma source(%arg8 : memref<64x768xf32, #tpu.memory_space<vmem>>) target(%dma_start3A_35 : memref<8928x768xf32, #tpu.memory_space<hbm>>) offsets(%arg6 : memref<64xi32, #tpu.memory_space<vmem>>) semaphore(%arg10 : memref<!tpu.dma_semaphore, #tpu.memory_space<semaphore_mem>>)
    %dma_wait3A_36 = arith.constant 0 : i32
    %dma_wait3A_37 = arith.constant 0 : i32
    %dma_wait3A_38 = tpu.memref_slice %arg4[%dma_wait3A_36, %dma_wait3A_37] : memref<8928x768xf32, #tpu.memory_space<hbm>> -> memref<8928x768xf32, #tpu.memory_space<hbm>>
    tpu.wait_indirect_dma semaphore(%arg10 : memref<!tpu.dma_semaphore, #tpu.memory_space<semaphore_mem>>) src(%arg7 : memref<64x768xf32, #tpu.memory_space<vmem>>) dst(%dma_wait3A_38 : memref<8928x768xf32, #tpu.memory_space<hbm>>)
    %dma_wait3A_39 = arith.constant 0 : i32
    %dma_wait3A_40 = arith.constant 0 : i32
    %dma_wait3A_41 = tpu.memref_slice %arg4[%dma_wait3A_39, %dma_wait3A_40] : memref<8928x768xf32, #tpu.memory_space<hbm>> -> memref<8928x768xf32, #tpu.memory_space<hbm>>
    tpu.wait_indirect_dma semaphore(%arg10 : memref<!tpu.dma_semaphore, #tpu.memory_space<semaphore_mem>>) src(%arg8 : memref<64x768xf32, #tpu.memory_space<vmem>>) dst(%dma_wait3A_41 : memref<8928x768xf32, #tpu.memory_space<hbm>>)
    return
  }
}

module attributes {stable_mosaic.version = 14 : i64} {
  func.func @_router_body(%arg0: memref<2048x768xf32, #tpu.memory_space<vmem>>, %arg1: memref<16x768xf32, #tpu.memory_space<vmem>>, %arg2: memref<1x16xf32, #tpu.memory_space<vmem>>, %arg3: memref<4096x1xi32, #tpu.memory_space<vmem>>, %arg4: memref<4096x16xf32, #tpu.memory_space<vmem>>, %arg5: memref<31x1xi32, #tpu.memory_space<vmem>>, %arg6: memref<31x1xi32, #tpu.memory_space<vmem>>, %arg7: memref<2048x16xf32, #tpu.memory_space<vmem>>) attributes {dimension_semantics = [], scalar_prefetch = 0 : i64, scratch_operands = 1 : i64, tpu.core_type = #tpu.core_type<tc>} {
    %get3A = arith.constant 0 : index
    %get3A_0 = arith.constant 0 : index
    %get3A_1 = vector.load %arg0[%get3A, %get3A_0] : memref<2048x768xf32, #tpu.memory_space<vmem>>, vector<2048x768xf32>
    %get3A_2 = arith.constant 0 : index
    %get3A_3 = arith.constant 0 : index
    %get3A_4 = vector.load %arg1[%get3A_2, %get3A_3] : memref<16x768xf32, #tpu.memory_space<vmem>>, vector<16x768xf32>
    %dot_general3A = arith.constant dense<0.000000e+00> : vector<2048x16xf32>
    %dot_general3A_5 = tpu.matmul %get3A_1, %get3A_4, %dot_general3A {dimension_numbers = #tpu.dot_dimension_numbers<[1], [1], [0], [0], [0, 0, 1, 0], [], []>, transpose_lhs_hint = false} : vector<2048x768xf32>, vector<16x768xf32>, vector<2048x16xf32> -> vector<2048x16xf32>
    %get3A_6 = arith.constant 0 : index
    %get3A_7 = arith.constant 0 : index
    %get3A_8 = vector.load %arg2[%get3A_6, %get3A_7] : memref<1x16xf32, #tpu.memory_space<vmem>>, vector<1x16xf32>
    %add3A = vector.broadcast %get3A_8 : vector<1x16xf32> to vector<2048x16xf32>
    %add3A_9 = arith.addf %dot_general3A_5, %add3A : vector<2048x16xf32>
    %iota3A = tpu.iota {dimensions = array<i32: 1>} : vector<2048x16xi32>
    %reduce_max3A = arith.constant dense<0xFF800000> : vector<2048xf32>
    %reduce_max3A_10 = vector.multi_reduction <maximumf>, %add3A_9, %reduce_max3A [1] : vector<2048x16xf32> to vector<2048xf32>
    %broadcast_in_dim3A = vector.shape_cast %reduce_max3A_10 : vector<2048xf32> to vector<2048x1xf32>
    %eq3A = vector.broadcast %broadcast_in_dim3A : vector<2048x1xf32> to vector<2048x16xf32>
    %eq3A_11 = arith.cmpf oeq, %add3A_9, %eq3A : vector<2048x16xf32>
    %jit3A = arith.constant 16 : i32
    %broadcast_in_dim3A_12 = vector.broadcast %jit3A : i32 to vector<2048x16xi32>
    %select_n3A = arith.select %eq3A_11, %iota3A, %broadcast_in_dim3A_12 : vector<2048x16xi1>, vector<2048x16xi32>
    %reduce_min3A = arith.constant dense<2147483647> : vector<2048xi32>
    %reduce_min3A_13 = vector.multi_reduction <minsi>, %select_n3A, %reduce_min3A [1] : vector<2048x16xi32> to vector<2048xi32>
    %broadcast_in_dim3A_14 = vector.shape_cast %reduce_min3A_13 : vector<2048xi32> to vector<2048x1xi32>
    %eq3A_15 = vector.broadcast %broadcast_in_dim3A_14 : vector<2048x1xi32> to vector<2048x16xi32>
    %eq3A_16 = arith.cmpi eq, %iota3A, %eq3A_15 : vector<2048x16xi32>
    %jit3A_17 = arith.constant 0xFF800000 : f32
    %broadcast_in_dim3A_18 = vector.broadcast %jit3A_17 : f32 to vector<2048x16xf32>
    %select_n3A_19 = arith.select %eq3A_16, %broadcast_in_dim3A_18, %add3A_9 : vector<2048x16xi1>, vector<2048x16xf32>
    %reduce_max3A_20 = arith.constant dense<0xFF800000> : vector<2048xf32>
    %reduce_max3A_21 = vector.multi_reduction <maximumf>, %select_n3A_19, %reduce_max3A_20 [1] : vector<2048x16xf32> to vector<2048xf32>
    %broadcast_in_dim3A_22 = vector.shape_cast %reduce_max3A_21 : vector<2048xf32> to vector<2048x1xf32>
    %eq3A_23 = vector.broadcast %broadcast_in_dim3A_22 : vector<2048x1xf32> to vector<2048x16xf32>
    %eq3A_24 = arith.cmpf oeq, %select_n3A_19, %eq3A_23 : vector<2048x16xf32>
    %jit3A_25 = arith.constant 16 : i32
    %broadcast_in_dim3A_26 = vector.broadcast %jit3A_25 : i32 to vector<2048x16xi32>
    %select_n3A_27 = arith.select %eq3A_24, %iota3A, %broadcast_in_dim3A_26 : vector<2048x16xi1>, vector<2048x16xi32>
    %reduce_min3A_28 = arith.constant dense<2147483647> : vector<2048xi32>
    %reduce_min3A_29 = vector.multi_reduction <minsi>, %select_n3A_27, %reduce_min3A_28 [1] : vector<2048x16xi32> to vector<2048xi32>
    %broadcast_in_dim3A_30 = vector.shape_cast %reduce_min3A_29 : vector<2048xi32> to vector<2048x1xi32>
    %sub3A = arith.subf %broadcast_in_dim3A_22, %broadcast_in_dim3A : vector<2048x1xf32>
    %exp3A = math.exp %sub3A : vector<2048x1xf32>
    %add3A_31 = arith.constant 1.000000e+00 : f32
    %add3A_32 = vector.broadcast %add3A_31 : f32 to vector<2048x1xf32>
    %add3A_33 = arith.addf %add3A_32, %exp3A : vector<2048x1xf32>
    %div3A = arith.constant 1.000000e+00 : f32
    %div3A_34 = vector.broadcast %div3A : f32 to vector<2048x1xf32>
    %div3A_35 = arith.divf %div3A_34, %add3A_33 : vector<2048x1xf32>
    %sub3A_36 = arith.constant 1.000000e+00 : f32
    %sub3A_37 = vector.broadcast %sub3A_36 : f32 to vector<2048x1xf32>
    %sub3A_38 = arith.subf %sub3A_37, %div3A_35 : vector<2048x1xf32>
    %broadcast_in_dim3A_39 = vector.shape_cast %div3A_35 : vector<2048x1xf32> to vector<2048x1xf32>
    %broadcast_in_dim3A_40 = vector.broadcast %broadcast_in_dim3A_39 : vector<2048x1xf32> to vector<2048x16xf32>
    %swap3A = arith.constant 0 : index
    %swap3A_41 = arith.constant 0 : index
    %swap3A_42 = vector.load %arg4[%swap3A, %swap3A_41] : memref<4096x16xf32, #tpu.memory_space<vmem>>, vector<2048x16xf32>
    tpu.vector_store %arg4[%swap3A, %swap3A_41], %broadcast_in_dim3A_40 {strides = array<i32>} : memref<4096x16xf32, #tpu.memory_space<vmem>>, vector<2048x16xf32>,
    %broadcast_in_dim3A_43 = vector.shape_cast %sub3A_38 : vector<2048x1xf32> to vector<2048x1xf32>
    %broadcast_in_dim3A_44 = vector.broadcast %broadcast_in_dim3A_43 : vector<2048x1xf32> to vector<2048x16xf32>
    %swap3A_45 = arith.constant 2048 : index
    %swap3A_46 = arith.constant 0 : index
    %swap3A_47 = vector.load %arg4[%swap3A_45, %swap3A_46] : memref<4096x16xf32, #tpu.memory_space<vmem>>, vector<2048x16xf32>
    tpu.vector_store %arg4[%swap3A_45, %swap3A_46], %broadcast_in_dim3A_44 {strides = array<i32>} : memref<4096x16xf32, #tpu.memory_space<vmem>>, vector<2048x16xf32>,
    %eq3A_48 = vector.broadcast %broadcast_in_dim3A_14 : vector<2048x1xi32> to vector<2048x16xi32>
    %eq3A_49 = arith.cmpi eq, %iota3A, %eq3A_48 : vector<2048x16xi32>
    %convert_element_type3A = arith.extui %eq3A_49 : vector<2048x16xi1> to vector<2048x16xi32>
    %convert_element_type3A_50 = arith.sitofp %convert_element_type3A : vector<2048x16xi32> to vector<2048x16xf32>
    %eq3A_51 = vector.broadcast %broadcast_in_dim3A_30 : vector<2048x1xi32> to vector<2048x16xi32>
    %eq3A_52 = arith.cmpi eq, %iota3A, %eq3A_51 : vector<2048x16xi32>
    %convert_element_type3A_53 = arith.extui %eq3A_52 : vector<2048x16xi1> to vector<2048x16xi32>
    %convert_element_type3A_54 = arith.sitofp %convert_element_type3A_53 : vector<2048x16xi32> to vector<2048x16xf32>
    %add3A_55 = arith.addf %convert_element_type3A_50, %convert_element_type3A_54 : vector<2048x16xf32>
    %iota3A_56 = tpu.iota {dimensions = array<i32: 0>} : vector<256x256xi32>
    %iota3A_57 = tpu.iota {dimensions = array<i32: 1>} : vector<256x256xi32>
    %gt3A = arith.cmpi sgt, %iota3A_56, %iota3A_57 : vector<256x256xi32>
    %convert_element_type3A_58 = arith.extui %gt3A : vector<256x256xi1> to vector<256x256xi32>
    %convert_element_type3A_59 = arith.sitofp %convert_element_type3A_58 : vector<256x256xi32> to vector<256x256xf32>
    %broadcast_in_dim3A_60 = arith.constant 0.000000e+00 : f32
    %broadcast_in_dim3A_61 = vector.broadcast %broadcast_in_dim3A_60 : f32 to vector<1x16xf32>
    %slice3A = vector.extract_strided_slice %add3A_55 {offsets = [0, 0], sizes = [256, 16], strides = [1, 1]} : vector<2048x16xf32> to vector<256x16xf32>
    %dot_general3A_62 = arith.constant dense<0.000000e+00> : vector<256x16xf32>
    %dot_general3A_63 = tpu.matmul %convert_element_type3A_59, %slice3A, %dot_general3A_62 {dimension_numbers = #tpu.dot_dimension_numbers<[1], [0], [0], [1], [0, 0, 1, 1], [], []>, transpose_lhs_hint = false} : vector<256x256xf32>, vector<256x16xf32>, vector<256x16xf32> -> vector<256x16xf32>
    %add3A_64 = vector.broadcast %broadcast_in_dim3A_61 : vector<1x16xf32> to vector<256x16xf32>
    %add3A_65 = arith.addf %add3A_64, %dot_general3A_63 : vector<256x16xf32>
    %swap3A_66 = arith.constant 0 : index
    %swap3A_67 = arith.constant 0 : index
    %swap3A_68 = vector.load %arg7[%swap3A_66, %swap3A_67] : memref<2048x16xf32, #tpu.memory_space<vmem>>, vector<256x16xf32>
    tpu.vector_store %arg7[%swap3A_66, %swap3A_67], %add3A_65 {strides = array<i32>} : memref<2048x16xf32, #tpu.memory_space<vmem>>, vector<256x16xf32>,
    %reduce_sum3A = arith.constant dense<0.000000e+00> : vector<16xf32>
    %reduce_sum3A_69 = vector.multi_reduction <add>, %slice3A, %reduce_sum3A [0] : vector<256x16xf32> to vector<16xf32>
    %broadcast_in_dim3A_70 = vector.shape_cast %reduce_sum3A_69 : vector<16xf32> to vector<1x16xf32>
    %add3A_71 = arith.addf %broadcast_in_dim3A_61, %broadcast_in_dim3A_70 : vector<1x16xf32>
    %slice3A_72 = vector.extract_strided_slice %add3A_55 {offsets = [256, 0], sizes = [256, 16], strides = [1, 1]} : vector<2048x16xf32> to vector<256x16xf32>
    %dot_general3A_73 = arith.constant dense<0.000000e+00> : vector<256x16xf32>
    %dot_general3A_74 = tpu.matmul %convert_element_type3A_59, %slice3A_72, %dot_general3A_73 {dimension_numbers = #tpu.dot_dimension_numbers<[1], [0], [0], [1], [0, 0, 1, 1], [], []>, transpose_lhs_hint = false} : vector<256x256xf32>, vector<256x16xf32>, vector<256x16xf32> -> vector<256x16xf32>
    %add3A_75 = vector.broadcast %add3A_71 : vector<1x16xf32> to vector<256x16xf32>
    %add3A_76 = arith.addf %add3A_75, %dot_general3A_74 : vector<256x16xf32>
    %swap3A_77 = arith.constant 256 : index
    %swap3A_78 = arith.constant 0 : index
    %swap3A_79 = vector.load %arg7[%swap3A_77, %swap3A_78] : memref<2048x16xf32, #tpu.memory_space<vmem>>, vector<256x16xf32>
    tpu.vector_store %arg7[%swap3A_77, %swap3A_78], %add3A_76 {strides = array<i32>} : memref<2048x16xf32, #tpu.memory_space<vmem>>, vector<256x16xf32>,
    %reduce_sum3A_80 = arith.constant dense<0.000000e+00> : vector<16xf32>
    %reduce_sum3A_81 = vector.multi_reduction <add>, %slice3A_72, %reduce_sum3A_80 [0] : vector<256x16xf32> to vector<16xf32>
    %broadcast_in_dim3A_82 = vector.shape_cast %reduce_sum3A_81 : vector<16xf32> to vector<1x16xf32>
    %add3A_83 = arith.addf %add3A_71, %broadcast_in_dim3A_82 : vector<1x16xf32>
    %slice3A_84 = vector.extract_strided_slice %add3A_55 {offsets = [512, 0], sizes = [256, 16], strides = [1, 1]} : vector<2048x16xf32> to vector<256x16xf32>
    %dot_general3A_85 = arith.constant dense<0.000000e+00> : vector<256x16xf32>
    %dot_general3A_86 = tpu.matmul %convert_element_type3A_59, %slice3A_84, %dot_general3A_85 {dimension_numbers = #tpu.dot_dimension_numbers<[1], [0], [0], [1], [0, 0, 1, 1], [], []>, transpose_lhs_hint = false} : vector<256x256xf32>, vector<256x16xf32>, vector<256x16xf32> -> vector<256x16xf32>
    %add3A_87 = vector.broadcast %add3A_83 : vector<1x16xf32> to vector<256x16xf32>
    %add3A_88 = arith.addf %add3A_87, %dot_general3A_86 : vector<256x16xf32>
    %swap3A_89 = arith.constant 512 : index
    %swap3A_90 = arith.constant 0 : index
    %swap3A_91 = vector.load %arg7[%swap3A_89, %swap3A_90] : memref<2048x16xf32, #tpu.memory_space<vmem>>, vector<256x16xf32>
    tpu.vector_store %arg7[%swap3A_89, %swap3A_90], %add3A_88 {strides = array<i32>} : memref<2048x16xf32, #tpu.memory_space<vmem>>, vector<256x16xf32>,
    %reduce_sum3A_92 = arith.constant dense<0.000000e+00> : vector<16xf32>
    %reduce_sum3A_93 = vector.multi_reduction <add>, %slice3A_84, %reduce_sum3A_92 [0] : vector<256x16xf32> to vector<16xf32>
    %broadcast_in_dim3A_94 = vector.shape_cast %reduce_sum3A_93 : vector<16xf32> to vector<1x16xf32>
    %add3A_95 = arith.addf %add3A_83, %broadcast_in_dim3A_94 : vector<1x16xf32>
    %slice3A_96 = vector.extract_strided_slice %add3A_55 {offsets = [768, 0], sizes = [256, 16], strides = [1, 1]} : vector<2048x16xf32> to vector<256x16xf32>
    %dot_general3A_97 = arith.constant dense<0.000000e+00> : vector<256x16xf32>
    %dot_general3A_98 = tpu.matmul %convert_element_type3A_59, %slice3A_96, %dot_general3A_97 {dimension_numbers = #tpu.dot_dimension_numbers<[1], [0], [0], [1], [0, 0, 1, 1], [], []>, transpose_lhs_hint = false} : vector<256x256xf32>, vector<256x16xf32>, vector<256x16xf32> -> vector<256x16xf32>
    %add3A_99 = vector.broadcast %add3A_95 : vector<1x16xf32> to vector<256x16xf32>
    %add3A_100 = arith.addf %add3A_99, %dot_general3A_98 : vector<256x16xf32>
    %swap3A_101 = arith.constant 768 : index
    %swap3A_102 = arith.constant 0 : index
    %swap3A_103 = vector.load %arg7[%swap3A_101, %swap3A_102] : memref<2048x16xf32, #tpu.memory_space<vmem>>, vector<256x16xf32>
    tpu.vector_store %arg7[%swap3A_101, %swap3A_102], %add3A_100 {strides = array<i32>} : memref<2048x16xf32, #tpu.memory_space<vmem>>, vector<256x16xf32>,
    %reduce_sum3A_104 = arith.constant dense<0.000000e+00> : vector<16xf32>
    %reduce_sum3A_105 = vector.multi_reduction <add>, %slice3A_96, %reduce_sum3A_104 [0] : vector<256x16xf32> to vector<16xf32>
    %broadcast_in_dim3A_106 = vector.shape_cast %reduce_sum3A_105 : vector<16xf32> to vector<1x16xf32>
    %add3A_107 = arith.addf %add3A_95, %broadcast_in_dim3A_106 : vector<1x16xf32>
    %slice3A_108 = vector.extract_strided_slice %add3A_55 {offsets = [1024, 0], sizes = [256, 16], strides = [1, 1]} : vector<2048x16xf32> to vector<256x16xf32>
    %dot_general3A_109 = arith.constant dense<0.000000e+00> : vector<256x16xf32>
    %dot_general3A_110 = tpu.matmul %convert_element_type3A_59, %slice3A_108, %dot_general3A_109 {dimension_numbers = #tpu.dot_dimension_numbers<[1], [0], [0], [1], [0, 0, 1, 1], [], []>, transpose_lhs_hint = false} : vector<256x256xf32>, vector<256x16xf32>, vector<256x16xf32> -> vector<256x16xf32>
    %add3A_111 = vector.broadcast %add3A_107 : vector<1x16xf32> to vector<256x16xf32>
    %add3A_112 = arith.addf %add3A_111, %dot_general3A_110 : vector<256x16xf32>
    %swap3A_113 = arith.constant 1024 : index
    %swap3A_114 = arith.constant 0 : index
    %swap3A_115 = vector.load %arg7[%swap3A_113, %swap3A_114] : memref<2048x16xf32, #tpu.memory_space<vmem>>, vector<256x16xf32>
    tpu.vector_store %arg7[%swap3A_113, %swap3A_114], %add3A_112 {strides = array<i32>} : memref<2048x16xf32, #tpu.memory_space<vmem>>, vector<256x16xf32>,
    %reduce_sum3A_116 = arith.constant dense<0.000000e+00> : vector<16xf32>
    %reduce_sum3A_117 = vector.multi_reduction <add>, %slice3A_108, %reduce_sum3A_116 [0] : vector<256x16xf32> to vector<16xf32>
    %broadcast_in_dim3A_118 = vector.shape_cast %reduce_sum3A_117 : vector<16xf32> to vector<1x16xf32>
    %add3A_119 = arith.addf %add3A_107, %broadcast_in_dim3A_118 : vector<1x16xf32>
    %slice3A_120 = vector.extract_strided_slice %add3A_55 {offsets = [1280, 0], sizes = [256, 16], strides = [1, 1]} : vector<2048x16xf32> to vector<256x16xf32>
    %dot_general3A_121 = arith.constant dense<0.000000e+00> : vector<256x16xf32>
    %dot_general3A_122 = tpu.matmul %convert_element_type3A_59, %slice3A_120, %dot_general3A_121 {dimension_numbers = #tpu.dot_dimension_numbers<[1], [0], [0], [1], [0, 0, 1, 1], [], []>, transpose_lhs_hint = false} : vector<256x256xf32>, vector<256x16xf32>, vector<256x16xf32> -> vector<256x16xf32>
    %add3A_123 = vector.broadcast %add3A_119 : vector<1x16xf32> to vector<256x16xf32>
    %add3A_124 = arith.addf %add3A_123, %dot_general3A_122 : vector<256x16xf32>
    %swap3A_125 = arith.constant 1280 : index
    %swap3A_126 = arith.constant 0 : index
    %swap3A_127 = vector.load %arg7[%swap3A_125, %swap3A_126] : memref<2048x16xf32, #tpu.memory_space<vmem>>, vector<256x16xf32>
    tpu.vector_store %arg7[%swap3A_125, %swap3A_126], %add3A_124 {strides = array<i32>} : memref<2048x16xf32, #tpu.memory_space<vmem>>, vector<256x16xf32>,
    %reduce_sum3A_128 = arith.constant dense<0.000000e+00> : vector<16xf32>
    %reduce_sum3A_129 = vector.multi_reduction <add>, %slice3A_120, %reduce_sum3A_128 [0] : vector<256x16xf32> to vector<16xf32>
    %broadcast_in_dim3A_130 = vector.shape_cast %reduce_sum3A_129 : vector<16xf32> to vector<1x16xf32>
    %add3A_131 = arith.addf %add3A_119, %broadcast_in_dim3A_130 : vector<1x16xf32>
    %slice3A_132 = vector.extract_strided_slice %add3A_55 {offsets = [1536, 0], sizes = [256, 16], strides = [1, 1]} : vector<2048x16xf32> to vector<256x16xf32>
    %dot_general3A_133 = arith.constant dense<0.000000e+00> : vector<256x16xf32>
    %dot_general3A_134 = tpu.matmul %convert_element_type3A_59, %slice3A_132, %dot_general3A_133 {dimension_numbers = #tpu.dot_dimension_numbers<[1], [0], [0], [1], [0, 0, 1, 1], [], []>, transpose_lhs_hint = false} : vector<256x256xf32>, vector<256x16xf32>, vector<256x16xf32> -> vector<256x16xf32>
    %add3A_135 = vector.broadcast %add3A_131 : vector<1x16xf32> to vector<256x16xf32>
    %add3A_136 = arith.addf %add3A_135, %dot_general3A_134 : vector<256x16xf32>
    %swap3A_137 = arith.constant 1536 : index
    %swap3A_138 = arith.constant 0 : index
    %swap3A_139 = vector.load %arg7[%swap3A_137, %swap3A_138] : memref<2048x16xf32, #tpu.memory_space<vmem>>, vector<256x16xf32>
    tpu.vector_store %arg7[%swap3A_137, %swap3A_138], %add3A_136 {strides = array<i32>} : memref<2048x16xf32, #tpu.memory_space<vmem>>, vector<256x16xf32>,
    %reduce_sum3A_140 = arith.constant dense<0.000000e+00> : vector<16xf32>
    %reduce_sum3A_141 = vector.multi_reduction <add>, %slice3A_132, %reduce_sum3A_140 [0] : vector<256x16xf32> to vector<16xf32>
    %broadcast_in_dim3A_142 = vector.shape_cast %reduce_sum3A_141 : vector<16xf32> to vector<1x16xf32>
    %add3A_143 = arith.addf %add3A_131, %broadcast_in_dim3A_142 : vector<1x16xf32>
    %slice3A_144 = vector.extract_strided_slice %add3A_55 {offsets = [1792, 0], sizes = [256, 16], strides = [1, 1]} : vector<2048x16xf32> to vector<256x16xf32>
    %dot_general3A_145 = arith.constant dense<0.000000e+00> : vector<256x16xf32>
    %dot_general3A_146 = tpu.matmul %convert_element_type3A_59, %slice3A_144, %dot_general3A_145 {dimension_numbers = #tpu.dot_dimension_numbers<[1], [0], [0], [1], [0, 0, 1, 1], [], []>, transpose_lhs_hint = false} : vector<256x256xf32>, vector<256x16xf32>, vector<256x16xf32> -> vector<256x16xf32>
    %add3A_147 = vector.broadcast %add3A_143 : vector<1x16xf32> to vector<256x16xf32>
    %add3A_148 = arith.addf %add3A_147, %dot_general3A_146 : vector<256x16xf32>
    %swap3A_149 = arith.constant 1792 : index
    %swap3A_150 = arith.constant 0 : index
    %swap3A_151 = vector.load %arg7[%swap3A_149, %swap3A_150] : memref<2048x16xf32, #tpu.memory_space<vmem>>, vector<256x16xf32>
    tpu.vector_store %arg7[%swap3A_149, %swap3A_150], %add3A_148 {strides = array<i32>} : memref<2048x16xf32, #tpu.memory_space<vmem>>, vector<256x16xf32>,
    %reduce_sum3A_152 = arith.constant dense<0.000000e+00> : vector<16xf32>
    %reduce_sum3A_153 = vector.multi_reduction <add>, %slice3A_144, %reduce_sum3A_152 [0] : vector<256x16xf32> to vector<16xf32>
    %broadcast_in_dim3A_154 = vector.shape_cast %reduce_sum3A_153 : vector<16xf32> to vector<1x16xf32>
    %add3A_155 = arith.addf %add3A_143, %broadcast_in_dim3A_154 : vector<1x16xf32>
    %convert_element_type3A_156 = arith.fptosi %add3A_155 : vector<1x16xf32> to vector<1x16xi32>
    %add3A_157 = arith.constant 287 : i32
    %add3A_158 = vector.broadcast %add3A_157 : i32 to vector<1x16xi32>
    %add3A_159 = arith.addi %convert_element_type3A_156, %add3A_158 : vector<1x16xi32>
    %jit3A_160 = arith.constant 288 : i32
    %div3A_161 = vector.broadcast %jit3A_160 : i32 to vector<1x16xi32>
    %div3A_162 = arith.divsi %add3A_159, %div3A_161 : vector<1x16xi32>
    %sign3A = arith.constant 0 : i32
    %sign3A_163 = vector.broadcast %sign3A : i32 to vector<1x16xi32>
    %sign3A_164 = arith.cmpi sgt, %add3A_159, %sign3A_163 : vector<1x16xi32>
    %sign3A_165 = arith.extui %sign3A_164 : vector<1x16xi1> to vector<1x16xi32>
    %sign3A_166 = arith.constant 0 : i32
    %sign3A_167 = vector.broadcast %sign3A_166 : i32 to vector<1x16xi32>
    %sign3A_168 = arith.cmpi slt, %add3A_159, %sign3A_167 : vector<1x16xi32>
    %sign3A_169 = arith.extui %sign3A_168 : vector<1x16xi1> to vector<1x16xi32>
    %sign3A_170 = arith.subi %sign3A_165, %sign3A_169 : vector<1x16xi32>
    %sign3A_171 = arith.constant 0 : i32
    %sign3A_172 = arith.cmpi sgt, %jit3A_160, %sign3A_171 : i32
    %sign3A_173 = arith.extui %sign3A_172 : i1 to i32
    %sign3A_174 = arith.constant 0 : i32
    %sign3A_175 = arith.cmpi slt, %jit3A_160, %sign3A_174 : i32
    %sign3A_176 = arith.extui %sign3A_175 : i1 to i32
    %sign3A_177 = arith.subi %sign3A_173, %sign3A_176 : i32
    %ne3A = vector.broadcast %sign3A_177 : i32 to vector<1x16xi32>
    %ne3A_178 = arith.cmpi ne, %sign3A_170, %ne3A : vector<1x16xi32>
    %rem3A = vector.broadcast %jit3A_160 : i32 to vector<1x16xi32>
    %rem3A_179 = arith.remsi %add3A_159, %rem3A : vector<1x16xi32>
    %ne3A_180 = arith.constant 0 : i32
    %ne3A_181 = vector.broadcast %ne3A_180 : i32 to vector<1x16xi32>
    %ne3A_182 = arith.cmpi ne, %rem3A_179, %ne3A_181 : vector<1x16xi32>
    %and3A = arith.andi %ne3A_178, %ne3A_182 : vector<1x16xi1>
    %sub3A_183 = arith.constant 1 : i32
    %sub3A_184 = vector.broadcast %sub3A_183 : i32 to vector<1x16xi32>
    %sub3A_185 = arith.subi %div3A_162, %sub3A_184 : vector<1x16xi32>
    %select_n3A_186 = arith.select %and3A, %sub3A_185, %div3A_162 : vector<1x16xi1>, vector<1x16xi32>
    %mul3A = arith.constant 288 : i32
    %mul3A_187 = vector.broadcast %mul3A : i32 to vector<1x16xi32>
    %mul3A_188 = arith.muli %select_n3A_186, %mul3A_187 : vector<1x16xi32>
    %convert_element_type3A_189 = arith.sitofp %mul3A_188 : vector<1x16xi32> to vector<1x16xf32>
    %iota3A_190 = tpu.iota {dimensions = array<i32: 0>} : vector<16x16xi32>
    %iota3A_191 = tpu.iota {dimensions = array<i32: 1>} : vector<16x16xi32>
    %lt3A = arith.cmpi slt, %iota3A_191, %iota3A_190 : vector<16x16xi32>
    %convert_element_type3A_192 = arith.extui %lt3A : vector<16x16xi1> to vector<16x16xi32>
    %convert_element_type3A_193 = arith.sitofp %convert_element_type3A_192 : vector<16x16xi32> to vector<16x16xf32>
    %dot_general3A_194 = arith.constant dense<0.000000e+00> : vector<1x16xf32>
    %dot_general3A_195 = tpu.matmul %convert_element_type3A_189, %convert_element_type3A_193, %dot_general3A_194 {dimension_numbers = #tpu.dot_dimension_numbers<[1], [1], [0], [0], [0, 0, 1, 0], [], []>, transpose_lhs_hint = false} : vector<1x16xf32>, vector<16x16xf32>, vector<1x16xf32> -> vector<1x16xf32>
    %convert_element_type3A_196 = arith.fptosi %dot_general3A_195 : vector<1x16xf32> to vector<1x16xi32>
    %add3A_197 = arith.addi %convert_element_type3A_196, %mul3A_188 : vector<1x16xi32>
    %reduce_sum3A_198 = arith.constant dense<0> : vector<1xi32>
    %reduce_sum3A_199 = vector.multi_reduction <add>, %mul3A_188, %reduce_sum3A_198 [1] : vector<1x16xi32> to vector<1xi32>
    %broadcast_in_dim3A_200 = vector.shape_cast %reduce_sum3A_199 : vector<1xi32> to vector<1x1xi32>
    %iota3A_201 = tpu.iota {dimensions = array<i32: 0>} : vector<31x16xi32>
    %mul3A_202 = arith.constant 288 : i32
    %mul3A_203 = vector.broadcast %mul3A_202 : i32 to vector<31x16xi32>
    %mul3A_204 = arith.muli %iota3A_201, %mul3A_203 : vector<31x16xi32>
    %broadcast_in_dim3A_205 = vector.shape_cast %add3A_197 : vector<1x16xi32> to vector<1x16xi32>
    %broadcast_in_dim3A_206 = vector.broadcast %broadcast_in_dim3A_205 : vector<1x16xi32> to vector<31x16xi32>
    %le3A = arith.cmpi sle, %broadcast_in_dim3A_206, %mul3A_204 : vector<31x16xi32>
    %convert_element_type3A_207 = arith.extui %le3A : vector<31x16xi1> to vector<31x16xi32>
    %reduce_sum3A_208 = arith.constant dense<0> : vector<31xi32>
    %reduce_sum3A_209 = vector.multi_reduction <add>, %convert_element_type3A_207, %reduce_sum3A_208 [1] : vector<31x16xi32> to vector<31xi32>
    %broadcast_in_dim3A_210 = vector.shape_cast %reduce_sum3A_209 : vector<31xi32> to vector<31x1xi32>
    %min3A = arith.constant 15 : i32
    %min3A_211 = vector.broadcast %min3A : i32 to vector<31x1xi32>
    %min3A_212 = arith.minsi %broadcast_in_dim3A_210, %min3A_211 : vector<31x1xi32>
    %swap3A_213 = arith.constant 0 : index
    %swap3A_214 = arith.constant 0 : index
    %swap3A_215 = vector.load %arg5[%swap3A_213, %swap3A_214] : memref<31x1xi32, #tpu.memory_space<vmem>>, vector<31x1xi32>
    tpu.vector_store %arg5[%swap3A_213, %swap3A_214], %min3A_212 {strides = array<i32>} : memref<31x1xi32, #tpu.memory_space<vmem>>, vector<31x1xi32>,
    %slice3A_216 = vector.extract_strided_slice %mul3A_204 {offsets = [0, 0], sizes = [31, 1], strides = [1, 1]} : vector<31x16xi32> to vector<31x1xi32>
    %lt3A_217 = vector.broadcast %broadcast_in_dim3A_200 : vector<1x1xi32> to vector<31x1xi32>
    %lt3A_218 = arith.cmpi slt, %slice3A_216, %lt3A_217 : vector<31x1xi32>
    %convert_element_type3A_219 = arith.extui %lt3A_218 : vector<31x1xi1> to vector<31x1xi32>
    %swap3A_220 = arith.constant 0 : index
    %swap3A_221 = arith.constant 0 : index
    %swap3A_222 = vector.load %arg6[%swap3A_220, %swap3A_221] : memref<31x1xi32, #tpu.memory_space<vmem>>, vector<31x1xi32>
    tpu.vector_store %arg6[%swap3A_220, %swap3A_221], %convert_element_type3A_219 {strides = array<i32>} : memref<31x1xi32, #tpu.memory_space<vmem>>, vector<31x1xi32>,
    %get3A_223 = arith.constant 0 : index
    %get3A_224 = arith.constant 0 : index
    %get3A_225 = vector.load %arg7[%get3A_223, %get3A_224] : memref<2048x16xf32, #tpu.memory_space<vmem>>, vector<256x16xf32>
    %slice3A_226 = vector.extract_strided_slice %convert_element_type3A_50 {offsets = [0, 0], sizes = [256, 16], strides = [1, 1]} : vector<2048x16xf32> to vector<256x16xf32>
    %slice3A_227 = vector.extract_strided_slice %convert_element_type3A_54 {offsets = [0, 0], sizes = [256, 16], strides = [1, 1]} : vector<2048x16xf32> to vector<256x16xf32>
    %mul3A_228 = vector.broadcast %dot_general3A_195 : vector<1x16xf32> to vector<256x16xf32>
    %mul3A_229 = arith.mulf %slice3A_226, %mul3A_228 : vector<256x16xf32>
    %reduce_sum3A_230 = arith.constant dense<0.000000e+00> : vector<256xf32>
    %reduce_sum3A_231 = vector.multi_reduction <add>, %mul3A_229, %reduce_sum3A_230 [1] : vector<256x16xf32> to vector<256xf32>
    %broadcast_in_dim3A_232 = vector.shape_cast %reduce_sum3A_231 : vector<256xf32> to vector<256x1xf32>
    %mul3A_233 = vector.broadcast %dot_general3A_195 : vector<1x16xf32> to vector<256x16xf32>
    %mul3A_234 = arith.mulf %slice3A_227, %mul3A_233 : vector<256x16xf32>
    %reduce_sum3A_235 = arith.constant dense<0.000000e+00> : vector<256xf32>
    %reduce_sum3A_236 = vector.multi_reduction <add>, %mul3A_234, %reduce_sum3A_235 [1] : vector<256x16xf32> to vector<256xf32>
    %broadcast_in_dim3A_237 = vector.shape_cast %reduce_sum3A_236 : vector<256xf32> to vector<256x1xf32>
    %mul3A_238 = arith.mulf %slice3A_226, %get3A_225 : vector<256x16xf32>
    %reduce_sum3A_239 = arith.constant dense<0.000000e+00> : vector<256xf32>
    %reduce_sum3A_240 = vector.multi_reduction <add>, %mul3A_238, %reduce_sum3A_239 [1] : vector<256x16xf32> to vector<256xf32>
    %broadcast_in_dim3A_241 = vector.shape_cast %reduce_sum3A_240 : vector<256xf32> to vector<256x1xf32>
    %mul3A_242 = arith.mulf %slice3A_227, %get3A_225 : vector<256x16xf32>
    %reduce_sum3A_243 = arith.constant dense<0.000000e+00> : vector<256xf32>
    %reduce_sum3A_244 = vector.multi_reduction <add>, %mul3A_242, %reduce_sum3A_243 [1] : vector<256x16xf32> to vector<256xf32>
    %broadcast_in_dim3A_245 = vector.shape_cast %reduce_sum3A_244 : vector<256xf32> to vector<256x1xf32>
    %add3A_246 = arith.addf %broadcast_in_dim3A_232, %broadcast_in_dim3A_241 : vector<256x1xf32>
    %convert_element_type3A_247 = arith.fptosi %add3A_246 : vector<256x1xf32> to vector<256x1xi32>
    %swap3A_248 = arith.constant 0 : index
    %swap3A_249 = arith.constant 0 : index
    %swap3A_250 = vector.load %arg3[%swap3A_248, %swap3A_249] : memref<4096x1xi32, #tpu.memory_space<vmem>>, vector<256x1xi32>
    tpu.vector_store %arg3[%swap3A_248, %swap3A_249], %convert_element_type3A_247 {strides = array<i32>} : memref<4096x1xi32, #tpu.memory_space<vmem>>, vector<256x1xi32>,
    %add3A_251 = arith.addf %broadcast_in_dim3A_237, %broadcast_in_dim3A_245 : vector<256x1xf32>
    %convert_element_type3A_252 = arith.fptosi %add3A_251 : vector<256x1xf32> to vector<256x1xi32>
    %swap3A_253 = arith.constant 2048 : index
    %swap3A_254 = arith.constant 0 : index
    %swap3A_255 = vector.load %arg3[%swap3A_253, %swap3A_254] : memref<4096x1xi32, #tpu.memory_space<vmem>>, vector<256x1xi32>
    tpu.vector_store %arg3[%swap3A_253, %swap3A_254], %convert_element_type3A_252 {strides = array<i32>} : memref<4096x1xi32, #tpu.memory_space<vmem>>, vector<256x1xi32>,
    %get3A_256 = arith.constant 256 : index
    %get3A_257 = arith.constant 0 : index
    %get3A_258 = vector.load %arg7[%get3A_256, %get3A_257] : memref<2048x16xf32, #tpu.memory_space<vmem>>, vector<256x16xf32>
    %slice3A_259 = vector.extract_strided_slice %convert_element_type3A_50 {offsets = [256, 0], sizes = [256, 16], strides = [1, 1]} : vector<2048x16xf32> to vector<256x16xf32>
    %slice3A_260 = vector.extract_strided_slice %convert_element_type3A_54 {offsets = [256, 0], sizes = [256, 16], strides = [1, 1]} : vector<2048x16xf32> to vector<256x16xf32>
    %mul3A_261 = vector.broadcast %dot_general3A_195 : vector<1x16xf32> to vector<256x16xf32>
    %mul3A_262 = arith.mulf %slice3A_259, %mul3A_261 : vector<256x16xf32>
    %reduce_sum3A_263 = arith.constant dense<0.000000e+00> : vector<256xf32>
    %reduce_sum3A_264 = vector.multi_reduction <add>, %mul3A_262, %reduce_sum3A_263 [1] : vector<256x16xf32> to vector<256xf32>
    %broadcast_in_dim3A_265 = vector.shape_cast %reduce_sum3A_264 : vector<256xf32> to vector<256x1xf32>
    %mul3A_266 = vector.broadcast %dot_general3A_195 : vector<1x16xf32> to vector<256x16xf32>
    %mul3A_267 = arith.mulf %slice3A_260, %mul3A_266 : vector<256x16xf32>
    %reduce_sum3A_268 = arith.constant dense<0.000000e+00> : vector<256xf32>
    %reduce_sum3A_269 = vector.multi_reduction <add>, %mul3A_267, %reduce_sum3A_268 [1] : vector<256x16xf32> to vector<256xf32>
    %broadcast_in_dim3A_270 = vector.shape_cast %reduce_sum3A_269 : vector<256xf32> to vector<256x1xf32>
    %mul3A_271 = arith.mulf %slice3A_259, %get3A_258 : vector<256x16xf32>
    %reduce_sum3A_272 = arith.constant dense<0.000000e+00> : vector<256xf32>
    %reduce_sum3A_273 = vector.multi_reduction <add>, %mul3A_271, %reduce_sum3A_272 [1] : vector<256x16xf32> to vector<256xf32>
    %broadcast_in_dim3A_274 = vector.shape_cast %reduce_sum3A_273 : vector<256xf32> to vector<256x1xf32>
    %mul3A_275 = arith.mulf %slice3A_260, %get3A_258 : vector<256x16xf32>
    %reduce_sum3A_276 = arith.constant dense<0.000000e+00> : vector<256xf32>
    %reduce_sum3A_277 = vector.multi_reduction <add>, %mul3A_275, %reduce_sum3A_276 [1] : vector<256x16xf32> to vector<256xf32>
    %broadcast_in_dim3A_278 = vector.shape_cast %reduce_sum3A_277 : vector<256xf32> to vector<256x1xf32>
    %add3A_279 = arith.addf %broadcast_in_dim3A_265, %broadcast_in_dim3A_274 : vector<256x1xf32>
    %convert_element_type3A_280 = arith.fptosi %add3A_279 : vector<256x1xf32> to vector<256x1xi32>
    %swap3A_281 = arith.constant 256 : index
    %swap3A_282 = arith.constant 0 : index
    %swap3A_283 = vector.load %arg3[%swap3A_281, %swap3A_282] : memref<4096x1xi32, #tpu.memory_space<vmem>>, vector<256x1xi32>
    tpu.vector_store %arg3[%swap3A_281, %swap3A_282], %convert_element_type3A_280 {strides = array<i32>} : memref<4096x1xi32, #tpu.memory_space<vmem>>, vector<256x1xi32>,
    %add3A_284 = arith.addf %broadcast_in_dim3A_270, %broadcast_in_dim3A_278 : vector<256x1xf32>
    %convert_element_type3A_285 = arith.fptosi %add3A_284 : vector<256x1xf32> to vector<256x1xi32>
    %swap3A_286 = arith.constant 2304 : index
    %swap3A_287 = arith.constant 0 : index
    %swap3A_288 = vector.load %arg3[%swap3A_286, %swap3A_287] : memref<4096x1xi32, #tpu.memory_space<vmem>>, vector<256x1xi32>
    tpu.vector_store %arg3[%swap3A_286, %swap3A_287], %convert_element_type3A_285 {strides = array<i32>} : memref<4096x1xi32, #tpu.memory_space<vmem>>, vector<256x1xi32>,
    %get3A_289 = arith.constant 512 : index
    %get3A_290 = arith.constant 0 : index
    %get3A_291 = vector.load %arg7[%get3A_289, %get3A_290] : memref<2048x16xf32, #tpu.memory_space<vmem>>, vector<256x16xf32>
    %slice3A_292 = vector.extract_strided_slice %convert_element_type3A_50 {offsets = [512, 0], sizes = [256, 16], strides = [1, 1]} : vector<2048x16xf32> to vector<256x16xf32>
    %slice3A_293 = vector.extract_strided_slice %convert_element_type3A_54 {offsets = [512, 0], sizes = [256, 16], strides = [1, 1]} : vector<2048x16xf32> to vector<256x16xf32>
    %mul3A_294 = vector.broadcast %dot_general3A_195 : vector<1x16xf32> to vector<256x16xf32>
    %mul3A_295 = arith.mulf %slice3A_292, %mul3A_294 : vector<256x16xf32>
    %reduce_sum3A_296 = arith.constant dense<0.000000e+00> : vector<256xf32>
    %reduce_sum3A_297 = vector.multi_reduction <add>, %mul3A_295, %reduce_sum3A_296 [1] : vector<256x16xf32> to vector<256xf32>
    %broadcast_in_dim3A_298 = vector.shape_cast %reduce_sum3A_297 : vector<256xf32> to vector<256x1xf32>
    %mul3A_299 = vector.broadcast %dot_general3A_195 : vector<1x16xf32> to vector<256x16xf32>
    %mul3A_300 = arith.mulf %slice3A_293, %mul3A_299 : vector<256x16xf32>
    %reduce_sum3A_301 = arith.constant dense<0.000000e+00> : vector<256xf32>
    %reduce_sum3A_302 = vector.multi_reduction <add>, %mul3A_300, %reduce_sum3A_301 [1] : vector<256x16xf32> to vector<256xf32>
    %broadcast_in_dim3A_303 = vector.shape_cast %reduce_sum3A_302 : vector<256xf32> to vector<256x1xf32>
    %mul3A_304 = arith.mulf %slice3A_292, %get3A_291 : vector<256x16xf32>
    %reduce_sum3A_305 = arith.constant dense<0.000000e+00> : vector<256xf32>
    %reduce_sum3A_306 = vector.multi_reduction <add>, %mul3A_304, %reduce_sum3A_305 [1] : vector<256x16xf32> to vector<256xf32>
    %broadcast_in_dim3A_307 = vector.shape_cast %reduce_sum3A_306 : vector<256xf32> to vector<256x1xf32>
    %mul3A_308 = arith.mulf %slice3A_293, %get3A_291 : vector<256x16xf32>
    %reduce_sum3A_309 = arith.constant dense<0.000000e+00> : vector<256xf32>
    %reduce_sum3A_310 = vector.multi_reduction <add>, %mul3A_308, %reduce_sum3A_309 [1] : vector<256x16xf32> to vector<256xf32>
    %broadcast_in_dim3A_311 = vector.shape_cast %reduce_sum3A_310 : vector<256xf32> to vector<256x1xf32>
    %add3A_312 = arith.addf %broadcast_in_dim3A_298, %broadcast_in_dim3A_307 : vector<256x1xf32>
    %convert_element_type3A_313 = arith.fptosi %add3A_312 : vector<256x1xf32> to vector<256x1xi32>
    %swap3A_314 = arith.constant 512 : index
    %swap3A_315 = arith.constant 0 : index
    %swap3A_316 = vector.load %arg3[%swap3A_314, %swap3A_315] : memref<4096x1xi32, #tpu.memory_space<vmem>>, vector<256x1xi32>
    tpu.vector_store %arg3[%swap3A_314, %swap3A_315], %convert_element_type3A_313 {strides = array<i32>} : memref<4096x1xi32, #tpu.memory_space<vmem>>, vector<256x1xi32>,
    %add3A_317 = arith.addf %broadcast_in_dim3A_303, %broadcast_in_dim3A_311 : vector<256x1xf32>
    %convert_element_type3A_318 = arith.fptosi %add3A_317 : vector<256x1xf32> to vector<256x1xi32>
    %swap3A_319 = arith.constant 2560 : index
    %swap3A_320 = arith.constant 0 : index
    %swap3A_321 = vector.load %arg3[%swap3A_319, %swap3A_320] : memref<4096x1xi32, #tpu.memory_space<vmem>>, vector<256x1xi32>
    tpu.vector_store %arg3[%swap3A_319, %swap3A_320], %convert_element_type3A_318 {strides = array<i32>} : memref<4096x1xi32, #tpu.memory_space<vmem>>, vector<256x1xi32>,
    %get3A_322 = arith.constant 768 : index
    %get3A_323 = arith.constant 0 : index
    %get3A_324 = vector.load %arg7[%get3A_322, %get3A_323] : memref<2048x16xf32, #tpu.memory_space<vmem>>, vector<256x16xf32>
    %slice3A_325 = vector.extract_strided_slice %convert_element_type3A_50 {offsets = [768, 0], sizes = [256, 16], strides = [1, 1]} : vector<2048x16xf32> to vector<256x16xf32>
    %slice3A_326 = vector.extract_strided_slice %convert_element_type3A_54 {offsets = [768, 0], sizes = [256, 16], strides = [1, 1]} : vector<2048x16xf32> to vector<256x16xf32>
    %mul3A_327 = vector.broadcast %dot_general3A_195 : vector<1x16xf32> to vector<256x16xf32>
    %mul3A_328 = arith.mulf %slice3A_325, %mul3A_327 : vector<256x16xf32>
    %reduce_sum3A_329 = arith.constant dense<0.000000e+00> : vector<256xf32>
    %reduce_sum3A_330 = vector.multi_reduction <add>, %mul3A_328, %reduce_sum3A_329 [1] : vector<256x16xf32> to vector<256xf32>
    %broadcast_in_dim3A_331 = vector.shape_cast %reduce_sum3A_330 : vector<256xf32> to vector<256x1xf32>
    %mul3A_332 = vector.broadcast %dot_general3A_195 : vector<1x16xf32> to vector<256x16xf32>
    %mul3A_333 = arith.mulf %slice3A_326, %mul3A_332 : vector<256x16xf32>
    %reduce_sum3A_334 = arith.constant dense<0.000000e+00> : vector<256xf32>
    %reduce_sum3A_335 = vector.multi_reduction <add>, %mul3A_333, %reduce_sum3A_334 [1] : vector<256x16xf32> to vector<256xf32>
    %broadcast_in_dim3A_336 = vector.shape_cast %reduce_sum3A_335 : vector<256xf32> to vector<256x1xf32>
    %mul3A_337 = arith.mulf %slice3A_325, %get3A_324 : vector<256x16xf32>
    %reduce_sum3A_338 = arith.constant dense<0.000000e+00> : vector<256xf32>
    %reduce_sum3A_339 = vector.multi_reduction <add>, %mul3A_337, %reduce_sum3A_338 [1] : vector<256x16xf32> to vector<256xf32>
    %broadcast_in_dim3A_340 = vector.shape_cast %reduce_sum3A_339 : vector<256xf32> to vector<256x1xf32>
    %mul3A_341 = arith.mulf %slice3A_326, %get3A_324 : vector<256x16xf32>
    %reduce_sum3A_342 = arith.constant dense<0.000000e+00> : vector<256xf32>
    %reduce_sum3A_343 = vector.multi_reduction <add>, %mul3A_341, %reduce_sum3A_342 [1] : vector<256x16xf32> to vector<256xf32>
    %broadcast_in_dim3A_344 = vector.shape_cast %reduce_sum3A_343 : vector<256xf32> to vector<256x1xf32>
    %add3A_345 = arith.addf %broadcast_in_dim3A_331, %broadcast_in_dim3A_340 : vector<256x1xf32>
    %convert_element_type3A_346 = arith.fptosi %add3A_345 : vector<256x1xf32> to vector<256x1xi32>
    %swap3A_347 = arith.constant 768 : index
    %swap3A_348 = arith.constant 0 : index
    %swap3A_349 = vector.load %arg3[%swap3A_347, %swap3A_348] : memref<4096x1xi32, #tpu.memory_space<vmem>>, vector<256x1xi32>
    tpu.vector_store %arg3[%swap3A_347, %swap3A_348], %convert_element_type3A_346 {strides = array<i32>} : memref<4096x1xi32, #tpu.memory_space<vmem>>, vector<256x1xi32>,
    %add3A_350 = arith.addf %broadcast_in_dim3A_336, %broadcast_in_dim3A_344 : vector<256x1xf32>
    %convert_element_type3A_351 = arith.fptosi %add3A_350 : vector<256x1xf32> to vector<256x1xi32>
    %swap3A_352 = arith.constant 2816 : index
    %swap3A_353 = arith.constant 0 : index
    %swap3A_354 = vector.load %arg3[%swap3A_352, %swap3A_353] : memref<4096x1xi32, #tpu.memory_space<vmem>>, vector<256x1xi32>
    tpu.vector_store %arg3[%swap3A_352, %swap3A_353], %convert_element_type3A_351 {strides = array<i32>} : memref<4096x1xi32, #tpu.memory_space<vmem>>, vector<256x1xi32>,
    %get3A_355 = arith.constant 1024 : index
    %get3A_356 = arith.constant 0 : index
    %get3A_357 = vector.load %arg7[%get3A_355, %get3A_356] : memref<2048x16xf32, #tpu.memory_space<vmem>>, vector<256x16xf32>
    %slice3A_358 = vector.extract_strided_slice %convert_element_type3A_50 {offsets = [1024, 0], sizes = [256, 16], strides = [1, 1]} : vector<2048x16xf32> to vector<256x16xf32>
    %slice3A_359 = vector.extract_strided_slice %convert_element_type3A_54 {offsets = [1024, 0], sizes = [256, 16], strides = [1, 1]} : vector<2048x16xf32> to vector<256x16xf32>
    %mul3A_360 = vector.broadcast %dot_general3A_195 : vector<1x16xf32> to vector<256x16xf32>
    %mul3A_361 = arith.mulf %slice3A_358, %mul3A_360 : vector<256x16xf32>
    %reduce_sum3A_362 = arith.constant dense<0.000000e+00> : vector<256xf32>
    %reduce_sum3A_363 = vector.multi_reduction <add>, %mul3A_361, %reduce_sum3A_362 [1] : vector<256x16xf32> to vector<256xf32>
    %broadcast_in_dim3A_364 = vector.shape_cast %reduce_sum3A_363 : vector<256xf32> to vector<256x1xf32>
    %mul3A_365 = vector.broadcast %dot_general3A_195 : vector<1x16xf32> to vector<256x16xf32>
    %mul3A_366 = arith.mulf %slice3A_359, %mul3A_365 : vector<256x16xf32>
    %reduce_sum3A_367 = arith.constant dense<0.000000e+00> : vector<256xf32>
    %reduce_sum3A_368 = vector.multi_reduction <add>, %mul3A_366, %reduce_sum3A_367 [1] : vector<256x16xf32> to vector<256xf32>
    %broadcast_in_dim3A_369 = vector.shape_cast %reduce_sum3A_368 : vector<256xf32> to vector<256x1xf32>
    %mul3A_370 = arith.mulf %slice3A_358, %get3A_357 : vector<256x16xf32>
    %reduce_sum3A_371 = arith.constant dense<0.000000e+00> : vector<256xf32>
    %reduce_sum3A_372 = vector.multi_reduction <add>, %mul3A_370, %reduce_sum3A_371 [1] : vector<256x16xf32> to vector<256xf32>
    %broadcast_in_dim3A_373 = vector.shape_cast %reduce_sum3A_372 : vector<256xf32> to vector<256x1xf32>
    %mul3A_374 = arith.mulf %slice3A_359, %get3A_357 : vector<256x16xf32>
    %reduce_sum3A_375 = arith.constant dense<0.000000e+00> : vector<256xf32>
    %reduce_sum3A_376 = vector.multi_reduction <add>, %mul3A_374, %reduce_sum3A_375 [1] : vector<256x16xf32> to vector<256xf32>
    %broadcast_in_dim3A_377 = vector.shape_cast %reduce_sum3A_376 : vector<256xf32> to vector<256x1xf32>
    %add3A_378 = arith.addf %broadcast_in_dim3A_364, %broadcast_in_dim3A_373 : vector<256x1xf32>
    %convert_element_type3A_379 = arith.fptosi %add3A_378 : vector<256x1xf32> to vector<256x1xi32>
    %swap3A_380 = arith.constant 1024 : index
    %swap3A_381 = arith.constant 0 : index
    %swap3A_382 = vector.load %arg3[%swap3A_380, %swap3A_381] : memref<4096x1xi32, #tpu.memory_space<vmem>>, vector<256x1xi32>
    tpu.vector_store %arg3[%swap3A_380, %swap3A_381], %convert_element_type3A_379 {strides = array<i32>} : memref<4096x1xi32, #tpu.memory_space<vmem>>, vector<256x1xi32>,
    %add3A_383 = arith.addf %broadcast_in_dim3A_369, %broadcast_in_dim3A_377 : vector<256x1xf32>
    %convert_element_type3A_384 = arith.fptosi %add3A_383 : vector<256x1xf32> to vector<256x1xi32>
    %swap3A_385 = arith.constant 3072 : index
    %swap3A_386 = arith.constant 0 : index
    %swap3A_387 = vector.load %arg3[%swap3A_385, %swap3A_386] : memref<4096x1xi32, #tpu.memory_space<vmem>>, vector<256x1xi32>
    tpu.vector_store %arg3[%swap3A_385, %swap3A_386], %convert_element_type3A_384 {strides = array<i32>} : memref<4096x1xi32, #tpu.memory_space<vmem>>, vector<256x1xi32>,
    %get3A_388 = arith.constant 1280 : index
    %get3A_389 = arith.constant 0 : index
    %get3A_390 = vector.load %arg7[%get3A_388, %get3A_389] : memref<2048x16xf32, #tpu.memory_space<vmem>>, vector<256x16xf32>
    %slice3A_391 = vector.extract_strided_slice %convert_element_type3A_50 {offsets = [1280, 0], sizes = [256, 16], strides = [1, 1]} : vector<2048x16xf32> to vector<256x16xf32>
    %slice3A_392 = vector.extract_strided_slice %convert_element_type3A_54 {offsets = [1280, 0], sizes = [256, 16], strides = [1, 1]} : vector<2048x16xf32> to vector<256x16xf32>
    %mul3A_393 = vector.broadcast %dot_general3A_195 : vector<1x16xf32> to vector<256x16xf32>
    %mul3A_394 = arith.mulf %slice3A_391, %mul3A_393 : vector<256x16xf32>
    %reduce_sum3A_395 = arith.constant dense<0.000000e+00> : vector<256xf32>
    %reduce_sum3A_396 = vector.multi_reduction <add>, %mul3A_394, %reduce_sum3A_395 [1] : vector<256x16xf32> to vector<256xf32>
    %broadcast_in_dim3A_397 = vector.shape_cast %reduce_sum3A_396 : vector<256xf32> to vector<256x1xf32>
    %mul3A_398 = vector.broadcast %dot_general3A_195 : vector<1x16xf32> to vector<256x16xf32>
    %mul3A_399 = arith.mulf %slice3A_392, %mul3A_398 : vector<256x16xf32>
    %reduce_sum3A_400 = arith.constant dense<0.000000e+00> : vector<256xf32>
    %reduce_sum3A_401 = vector.multi_reduction <add>, %mul3A_399, %reduce_sum3A_400 [1] : vector<256x16xf32> to vector<256xf32>
    %broadcast_in_dim3A_402 = vector.shape_cast %reduce_sum3A_401 : vector<256xf32> to vector<256x1xf32>
    %mul3A_403 = arith.mulf %slice3A_391, %get3A_390 : vector<256x16xf32>
    %reduce_sum3A_404 = arith.constant dense<0.000000e+00> : vector<256xf32>
    %reduce_sum3A_405 = vector.multi_reduction <add>, %mul3A_403, %reduce_sum3A_404 [1] : vector<256x16xf32> to vector<256xf32>
    %broadcast_in_dim3A_406 = vector.shape_cast %reduce_sum3A_405 : vector<256xf32> to vector<256x1xf32>
    %mul3A_407 = arith.mulf %slice3A_392, %get3A_390 : vector<256x16xf32>
    %reduce_sum3A_408 = arith.constant dense<0.000000e+00> : vector<256xf32>
    %reduce_sum3A_409 = vector.multi_reduction <add>, %mul3A_407, %reduce_sum3A_408 [1] : vector<256x16xf32> to vector<256xf32>
    %broadcast_in_dim3A_410 = vector.shape_cast %reduce_sum3A_409 : vector<256xf32> to vector<256x1xf32>
    %add3A_411 = arith.addf %broadcast_in_dim3A_397, %broadcast_in_dim3A_406 : vector<256x1xf32>
    %convert_element_type3A_412 = arith.fptosi %add3A_411 : vector<256x1xf32> to vector<256x1xi32>
    %swap3A_413 = arith.constant 1280 : index
    %swap3A_414 = arith.constant 0 : index
    %swap3A_415 = vector.load %arg3[%swap3A_413, %swap3A_414] : memref<4096x1xi32, #tpu.memory_space<vmem>>, vector<256x1xi32>
    tpu.vector_store %arg3[%swap3A_413, %swap3A_414], %convert_element_type3A_412 {strides = array<i32>} : memref<4096x1xi32, #tpu.memory_space<vmem>>, vector<256x1xi32>,
    %add3A_416 = arith.addf %broadcast_in_dim3A_402, %broadcast_in_dim3A_410 : vector<256x1xf32>
    %convert_element_type3A_417 = arith.fptosi %add3A_416 : vector<256x1xf32> to vector<256x1xi32>
    %swap3A_418 = arith.constant 3328 : index
    %swap3A_419 = arith.constant 0 : index
    %swap3A_420 = vector.load %arg3[%swap3A_418, %swap3A_419] : memref<4096x1xi32, #tpu.memory_space<vmem>>, vector<256x1xi32>
    tpu.vector_store %arg3[%swap3A_418, %swap3A_419], %convert_element_type3A_417 {strides = array<i32>} : memref<4096x1xi32, #tpu.memory_space<vmem>>, vector<256x1xi32>,
    %get3A_421 = arith.constant 1536 : index
    %get3A_422 = arith.constant 0 : index
    %get3A_423 = vector.load %arg7[%get3A_421, %get3A_422] : memref<2048x16xf32, #tpu.memory_space<vmem>>, vector<256x16xf32>
    %slice3A_424 = vector.extract_strided_slice %convert_element_type3A_50 {offsets = [1536, 0], sizes = [256, 16], strides = [1, 1]} : vector<2048x16xf32> to vector<256x16xf32>
    %slice3A_425 = vector.extract_strided_slice %convert_element_type3A_54 {offsets = [1536, 0], sizes = [256, 16], strides = [1, 1]} : vector<2048x16xf32> to vector<256x16xf32>
    %mul3A_426 = vector.broadcast %dot_general3A_195 : vector<1x16xf32> to vector<256x16xf32>
    %mul3A_427 = arith.mulf %slice3A_424, %mul3A_426 : vector<256x16xf32>
    %reduce_sum3A_428 = arith.constant dense<0.000000e+00> : vector<256xf32>
    %reduce_sum3A_429 = vector.multi_reduction <add>, %mul3A_427, %reduce_sum3A_428 [1] : vector<256x16xf32> to vector<256xf32>
    %broadcast_in_dim3A_430 = vector.shape_cast %reduce_sum3A_429 : vector<256xf32> to vector<256x1xf32>
    %mul3A_431 = vector.broadcast %dot_general3A_195 : vector<1x16xf32> to vector<256x16xf32>
    %mul3A_432 = arith.mulf %slice3A_425, %mul3A_431 : vector<256x16xf32>
    %reduce_sum3A_433 = arith.constant dense<0.000000e+00> : vector<256xf32>
    %reduce_sum3A_434 = vector.multi_reduction <add>, %mul3A_432, %reduce_sum3A_433 [1] : vector<256x16xf32> to vector<256xf32>
    %broadcast_in_dim3A_435 = vector.shape_cast %reduce_sum3A_434 : vector<256xf32> to vector<256x1xf32>
    %mul3A_436 = arith.mulf %slice3A_424, %get3A_423 : vector<256x16xf32>
    %reduce_sum3A_437 = arith.constant dense<0.000000e+00> : vector<256xf32>
    %reduce_sum3A_438 = vector.multi_reduction <add>, %mul3A_436, %reduce_sum3A_437 [1] : vector<256x16xf32> to vector<256xf32>
    %broadcast_in_dim3A_439 = vector.shape_cast %reduce_sum3A_438 : vector<256xf32> to vector<256x1xf32>
    %mul3A_440 = arith.mulf %slice3A_425, %get3A_423 : vector<256x16xf32>
    %reduce_sum3A_441 = arith.constant dense<0.000000e+00> : vector<256xf32>
    %reduce_sum3A_442 = vector.multi_reduction <add>, %mul3A_440, %reduce_sum3A_441 [1] : vector<256x16xf32> to vector<256xf32>
    %broadcast_in_dim3A_443 = vector.shape_cast %reduce_sum3A_442 : vector<256xf32> to vector<256x1xf32>
    %add3A_444 = arith.addf %broadcast_in_dim3A_430, %broadcast_in_dim3A_439 : vector<256x1xf32>
    %convert_element_type3A_445 = arith.fptosi %add3A_444 : vector<256x1xf32> to vector<256x1xi32>
    %swap3A_446 = arith.constant 1536 : index
    %swap3A_447 = arith.constant 0 : index
    %swap3A_448 = vector.load %arg3[%swap3A_446, %swap3A_447] : memref<4096x1xi32, #tpu.memory_space<vmem>>, vector<256x1xi32>
    tpu.vector_store %arg3[%swap3A_446, %swap3A_447], %convert_element_type3A_445 {strides = array<i32>} : memref<4096x1xi32, #tpu.memory_space<vmem>>, vector<256x1xi32>,
    %add3A_449 = arith.addf %broadcast_in_dim3A_435, %broadcast_in_dim3A_443 : vector<256x1xf32>
    %convert_element_type3A_450 = arith.fptosi %add3A_449 : vector<256x1xf32> to vector<256x1xi32>
    %swap3A_451 = arith.constant 3584 : index
    %swap3A_452 = arith.constant 0 : index
    %swap3A_453 = vector.load %arg3[%swap3A_451, %swap3A_452] : memref<4096x1xi32, #tpu.memory_space<vmem>>, vector<256x1xi32>
    tpu.vector_store %arg3[%swap3A_451, %swap3A_452], %convert_element_type3A_450 {strides = array<i32>} : memref<4096x1xi32, #tpu.memory_space<vmem>>, vector<256x1xi32>,
    %get3A_454 = arith.constant 1792 : index
    %get3A_455 = arith.constant 0 : index
    %get3A_456 = vector.load %arg7[%get3A_454, %get3A_455] : memref<2048x16xf32, #tpu.memory_space<vmem>>, vector<256x16xf32>
    %slice3A_457 = vector.extract_strided_slice %convert_element_type3A_50 {offsets = [1792, 0], sizes = [256, 16], strides = [1, 1]} : vector<2048x16xf32> to vector<256x16xf32>
    %slice3A_458 = vector.extract_strided_slice %convert_element_type3A_54 {offsets = [1792, 0], sizes = [256, 16], strides = [1, 1]} : vector<2048x16xf32> to vector<256x16xf32>
    %mul3A_459 = vector.broadcast %dot_general3A_195 : vector<1x16xf32> to vector<256x16xf32>
    %mul3A_460 = arith.mulf %slice3A_457, %mul3A_459 : vector<256x16xf32>
    %reduce_sum3A_461 = arith.constant dense<0.000000e+00> : vector<256xf32>
    %reduce_sum3A_462 = vector.multi_reduction <add>, %mul3A_460, %reduce_sum3A_461 [1] : vector<256x16xf32> to vector<256xf32>
    %broadcast_in_dim3A_463 = vector.shape_cast %reduce_sum3A_462 : vector<256xf32> to vector<256x1xf32>
    %mul3A_464 = vector.broadcast %dot_general3A_195 : vector<1x16xf32> to vector<256x16xf32>
    %mul3A_465 = arith.mulf %slice3A_458, %mul3A_464 : vector<256x16xf32>
    %reduce_sum3A_466 = arith.constant dense<0.000000e+00> : vector<256xf32>
    %reduce_sum3A_467 = vector.multi_reduction <add>, %mul3A_465, %reduce_sum3A_466 [1] : vector<256x16xf32> to vector<256xf32>
    %broadcast_in_dim3A_468 = vector.shape_cast %reduce_sum3A_467 : vector<256xf32> to vector<256x1xf32>
    %mul3A_469 = arith.mulf %slice3A_457, %get3A_456 : vector<256x16xf32>
    %reduce_sum3A_470 = arith.constant dense<0.000000e+00> : vector<256xf32>
    %reduce_sum3A_471 = vector.multi_reduction <add>, %mul3A_469, %reduce_sum3A_470 [1] : vector<256x16xf32> to vector<256xf32>
    %broadcast_in_dim3A_472 = vector.shape_cast %reduce_sum3A_471 : vector<256xf32> to vector<256x1xf32>
    %mul3A_473 = arith.mulf %slice3A_458, %get3A_456 : vector<256x16xf32>
    %reduce_sum3A_474 = arith.constant dense<0.000000e+00> : vector<256xf32>
    %reduce_sum3A_475 = vector.multi_reduction <add>, %mul3A_473, %reduce_sum3A_474 [1] : vector<256x16xf32> to vector<256xf32>
    %broadcast_in_dim3A_476 = vector.shape_cast %reduce_sum3A_475 : vector<256xf32> to vector<256x1xf32>
    %add3A_477 = arith.addf %broadcast_in_dim3A_463, %broadcast_in_dim3A_472 : vector<256x1xf32>
    %convert_element_type3A_478 = arith.fptosi %add3A_477 : vector<256x1xf32> to vector<256x1xi32>
    %swap3A_479 = arith.constant 1792 : index
    %swap3A_480 = arith.constant 0 : index
    %swap3A_481 = vector.load %arg3[%swap3A_479, %swap3A_480] : memref<4096x1xi32, #tpu.memory_space<vmem>>, vector<256x1xi32>
    tpu.vector_store %arg3[%swap3A_479, %swap3A_480], %convert_element_type3A_478 {strides = array<i32>} : memref<4096x1xi32, #tpu.memory_space<vmem>>, vector<256x1xi32>,
    %add3A_482 = arith.addf %broadcast_in_dim3A_468, %broadcast_in_dim3A_476 : vector<256x1xf32>
    %convert_element_type3A_483 = arith.fptosi %add3A_482 : vector<256x1xf32> to vector<256x1xi32>
    %swap3A_484 = arith.constant 3840 : index
    %swap3A_485 = arith.constant 0 : index
    %swap3A_486 = vector.load %arg3[%swap3A_484, %swap3A_485] : memref<4096x1xi32, #tpu.memory_space<vmem>>, vector<256x1xi32>
    tpu.vector_store %arg3[%swap3A_484, %swap3A_485], %convert_element_type3A_483 {strides = array<i32>} : memref<4096x1xi32, #tpu.memory_space<vmem>>, vector<256x1xi32>,
    return
  }
}

module attributes {stable_mosaic.version = 14 : i64} {
  func.func @_expert_body(%arg0: i32, %arg1: memref<31xi32, #tpu.memory_space<smem>>, %arg2: memref<31xi32, #tpu.memory_space<smem>>, %arg3: memref<288x768xf32, #tpu.memory_space<vmem>>, %arg4: memref<1x1024x768xf32, #tpu.memory_space<vmem>>, %arg5: memref<1x1x1024xf32, #tpu.memory_space<vmem>>, %arg6: memref<1x1024x768xf32, #tpu.memory_space<vmem>>, %arg7: memref<1x1x1024xf32, #tpu.memory_space<vmem>>, %arg8: memref<1x768x1024xf32, #tpu.memory_space<vmem>>, %arg9: memref<1x1x768xf32, #tpu.memory_space<vmem>>, %arg10: memref<288x768xf32, #tpu.memory_space<vmem>>) attributes {dimension_semantics = [#tpu.dimension_semantics<arbitrary>], iteration_bounds = array<i64: 31>, scalar_prefetch = 2 : i64, scratch_operands = 0 : i64, tpu.core_type = #tpu.core_type<tc>, window_params = [{transform_indices = @transform_0, window_bounds = array<i64: 288, 768>}, {transform_indices = @transform_1, window_bounds = array<i64: 1, 1024, 768>}, {transform_indices = @transform_2, window_bounds = array<i64: 1, 1, 1024>}, {transform_indices = @transform_3, window_bounds = array<i64: 1, 1024, 768>}, {transform_indices = @transform_4, window_bounds = array<i64: 1, 1, 1024>}, {transform_indices = @transform_5, window_bounds = array<i64: 1, 768, 1024>}, {transform_indices = @transform_6, window_bounds = array<i64: 1, 1, 768>}, {transform_indices = @transform_7, window_bounds = array<i64: 288, 768>}]} {
    %get3A = arith.index_cast %arg0 : i32 to index
    %get3A_0 = memref.load %arg2[%get3A] : memref<31xi32, #tpu.memory_space<smem>>
    %eq3A = arith.constant 1 : i32
    %eq3A_1 = arith.cmpi eq, %get3A_0, %eq3A : i32
    %convert_element_type3A = arith.extui %eq3A_1 : i1 to i32
    %cond3A = arith.constant 0 : i32
    %cond3A_2 = arith.cmpi ne, %convert_element_type3A, %cond3A : i32
    scf.if %cond3A_2 {
      %get3A_3 = arith.constant 0 : index
      %get3A_4 = arith.constant 0 : index
      %get3A_5 = vector.load %arg3[%get3A_3, %get3A_4] : memref<288x768xf32, #tpu.memory_space<vmem>>, vector<288x768xf32>
      %get3A_6 = arith.constant 0 : index
      %get3A_7 = arith.constant 0 : index
      %get3A_8 = arith.constant 0 : index
      %get3A_9 = vector.load %arg4[%get3A_6, %get3A_7, %get3A_8] : memref<1x1024x768xf32, #tpu.memory_space<vmem>>, vector<1x1024x768xf32>
      %get3A_10 = vector.shape_cast %get3A_9 : vector<1x1024x768xf32> to vector<1024x768xf32>
      %dot_general3A = arith.constant dense<0.000000e+00> : vector<288x1024xf32>
      %dot_general3A_11 = tpu.matmul %get3A_5, %get3A_10, %dot_general3A {dimension_numbers = #tpu.dot_dimension_numbers<[1], [1], [0], [0], [0, 0, 1, 0], [], []>, transpose_lhs_hint = false} : vector<288x768xf32>, vector<1024x768xf32>, vector<288x1024xf32> -> vector<288x1024xf32>
      %get3A_12 = arith.constant 0 : index
      %get3A_13 = arith.constant 0 : index
      %get3A_14 = arith.constant 0 : index
      %get3A_15 = vector.load %arg5[%get3A_12, %get3A_13, %get3A_14] : memref<1x1x1024xf32, #tpu.memory_space<vmem>>, vector<1x1x1024xf32>
      %get3A_16 = vector.shape_cast %get3A_15 : vector<1x1x1024xf32> to vector<1x1024xf32>
      %add3A = vector.broadcast %get3A_16 : vector<1x1024xf32> to vector<288x1024xf32>
      %add3A_17 = arith.addf %dot_general3A_11, %add3A : vector<288x1024xf32>
      %get3A_18 = arith.constant 0 : index
      %get3A_19 = arith.constant 0 : index
      %get3A_20 = arith.constant 0 : index
      %get3A_21 = vector.load %arg6[%get3A_18, %get3A_19, %get3A_20] : memref<1x1024x768xf32, #tpu.memory_space<vmem>>, vector<1x1024x768xf32>
      %get3A_22 = vector.shape_cast %get3A_21 : vector<1x1024x768xf32> to vector<1024x768xf32>
      %dot_general3A_23 = arith.constant dense<0.000000e+00> : vector<288x1024xf32>
      %dot_general3A_24 = tpu.matmul %get3A_5, %get3A_22, %dot_general3A_23 {dimension_numbers = #tpu.dot_dimension_numbers<[1], [1], [0], [0], [0, 0, 1, 0], [], []>, transpose_lhs_hint = false} : vector<288x768xf32>, vector<1024x768xf32>, vector<288x1024xf32> -> vector<288x1024xf32>
      %get3A_25 = arith.constant 0 : index
      %get3A_26 = arith.constant 0 : index
      %get3A_27 = arith.constant 0 : index
      %get3A_28 = vector.load %arg7[%get3A_25, %get3A_26, %get3A_27] : memref<1x1x1024xf32, #tpu.memory_space<vmem>>, vector<1x1x1024xf32>
      %get3A_29 = vector.shape_cast %get3A_28 : vector<1x1x1024xf32> to vector<1x1024xf32>
      %add3A_30 = vector.broadcast %get3A_29 : vector<1x1024xf32> to vector<288x1024xf32>
      %add3A_31 = arith.addf %dot_general3A_24, %add3A_30 : vector<288x1024xf32>
      %logistic3A = arith.negf %add3A_17 : vector<288x1024xf32>
      %logistic3A_32 = math.exp %logistic3A : vector<288x1024xf32>
      %logistic3A_33 = arith.constant 1.000000e+00 : f32
      %logistic3A_34 = vector.broadcast %logistic3A_33 : f32 to vector<288x1024xf32>
      %logistic3A_35 = arith.addf %logistic3A_34, %logistic3A_32 : vector<288x1024xf32>
      %logistic3A_36 = arith.divf %logistic3A_34, %logistic3A_35 : vector<288x1024xf32>
      %mul3A = arith.mulf %add3A_17, %logistic3A_36 : vector<288x1024xf32>
      %mul3A_37 = arith.mulf %mul3A, %add3A_31 : vector<288x1024xf32>
      %get3A_38 = arith.constant 0 : index
      %get3A_39 = arith.constant 0 : index
      %get3A_40 = arith.constant 0 : index
      %get3A_41 = vector.load %arg8[%get3A_38, %get3A_39, %get3A_40] : memref<1x768x1024xf32, #tpu.memory_space<vmem>>, vector<1x768x1024xf32>
      %get3A_42 = vector.shape_cast %get3A_41 : vector<1x768x1024xf32> to vector<768x1024xf32>
      %dot_general3A_43 = arith.constant dense<0.000000e+00> : vector<288x768xf32>
      %dot_general3A_44 = tpu.matmul %mul3A_37, %get3A_42, %dot_general3A_43 {dimension_numbers = #tpu.dot_dimension_numbers<[1], [1], [0], [0], [0, 0, 1, 0], [], []>, transpose_lhs_hint = false} : vector<288x1024xf32>, vector<768x1024xf32>, vector<288x768xf32> -> vector<288x768xf32>
      %get3A_45 = arith.constant 0 : index
      %get3A_46 = arith.constant 0 : index
      %get3A_47 = arith.constant 0 : index
      %get3A_48 = vector.load %arg9[%get3A_45, %get3A_46, %get3A_47] : memref<1x1x768xf32, #tpu.memory_space<vmem>>, vector<1x1x768xf32>
      %get3A_49 = vector.shape_cast %get3A_48 : vector<1x1x768xf32> to vector<1x768xf32>
      %add3A_50 = vector.broadcast %get3A_49 : vector<1x768xf32> to vector<288x768xf32>
      %add3A_51 = arith.addf %dot_general3A_44, %add3A_50 : vector<288x768xf32>
      %swap3A = arith.constant 0 : index
      %swap3A_52 = arith.constant 0 : index
      %swap3A_53 = vector.load %arg10[%swap3A, %swap3A_52] : memref<288x768xf32, #tpu.memory_space<vmem>>, vector<288x768xf32>
      tpu.vector_store %arg10[%swap3A, %swap3A_52], %add3A_51 {strides = array<i32>} : memref<288x768xf32, #tpu.memory_space<vmem>>, vector<288x768xf32>,
    } else {
    }
    return
  }
  func.func @transform_0(%arg0: i32, %arg1: memref<31xi32, #tpu.memory_space<smem>>, %arg2: memref<31xi32, #tpu.memory_space<smem>>) -> (i32, i32) {
    %get3A = arith.index_cast %arg0 : i32 to index
    %get3A_0 = memref.load %arg2[%get3A] : memref<31xi32, #tpu.memory_space<smem>>
    %mul3A = arith.muli %get3A_0, %arg0 : i32
    %c0_i32 = arith.constant 0 : i32
    %c0_i32_1 = arith.constant 0 : i32
    return %mul3A, %c0_i32 : i32, i32
  }
  func.func @transform_1(%arg0: i32, %arg1: memref<31xi32, #tpu.memory_space<smem>>, %arg2: memref<31xi32, #tpu.memory_space<smem>>) -> (i32, i32, i32) {
    %get3A = arith.index_cast %arg0 : i32 to index
    %get3A_0 = memref.load %arg1[%get3A] : memref<31xi32, #tpu.memory_space<smem>>
    %c0_i32 = arith.constant 0 : i32
    %c0_i32_1 = arith.constant 0 : i32
    %c0_i32_2 = arith.constant 0 : i32
    return %get3A_0, %c0_i32, %c0_i32_1 : i32, i32, i32
  }
  func.func @transform_2(%arg0: i32, %arg1: memref<31xi32, #tpu.memory_space<smem>>, %arg2: memref<31xi32, #tpu.memory_space<smem>>) -> (i32, i32, i32) {
    %get3A = arith.index_cast %arg0 : i32 to index
    %get3A_0 = memref.load %arg1[%get3A] : memref<31xi32, #tpu.memory_space<smem>>
    %c0_i32 = arith.constant 0 : i32
    %c0_i32_1 = arith.constant 0 : i32
    %c0_i32_2 = arith.constant 0 : i32
    return %get3A_0, %c0_i32, %c0_i32_1 : i32, i32, i32
  }
  func.func @transform_3(%arg0: i32, %arg1: memref<31xi32, #tpu.memory_space<smem>>, %arg2: memref<31xi32, #tpu.memory_space<smem>>) -> (i32, i32, i32) {
    %get3A = arith.index_cast %arg0 : i32 to index
    %get3A_0 = memref.load %arg1[%get3A] : memref<31xi32, #tpu.memory_space<smem>>
    %c0_i32 = arith.constant 0 : i32
    %c0_i32_1 = arith.constant 0 : i32
    %c0_i32_2 = arith.constant 0 : i32
    return %get3A_0, %c0_i32, %c0_i32_1 : i32, i32, i32
  }
  func.func @transform_4(%arg0: i32, %arg1: memref<31xi32, #tpu.memory_space<smem>>, %arg2: memref<31xi32, #tpu.memory_space<smem>>) -> (i32, i32, i32) {
    %get3A = arith.index_cast %arg0 : i32 to index
    %get3A_0 = memref.load %arg1[%get3A] : memref<31xi32, #tpu.memory_space<smem>>
    %c0_i32 = arith.constant 0 : i32
    %c0_i32_1 = arith.constant 0 : i32
    %c0_i32_2 = arith.constant 0 : i32
    return %get3A_0, %c0_i32, %c0_i32_1 : i32, i32, i32
  }
  func.func @transform_5(%arg0: i32, %arg1: memref<31xi32, #tpu.memory_space<smem>>, %arg2: memref<31xi32, #tpu.memory_space<smem>>) -> (i32, i32, i32) {
    %get3A = arith.index_cast %arg0 : i32 to index
    %get3A_0 = memref.load %arg1[%get3A] : memref<31xi32, #tpu.memory_space<smem>>
    %c0_i32 = arith.constant 0 : i32
    %c0_i32_1 = arith.constant 0 : i32
    %c0_i32_2 = arith.constant 0 : i32
    return %get3A_0, %c0_i32, %c0_i32_1 : i32, i32, i32
  }
  func.func @transform_6(%arg0: i32, %arg1: memref<31xi32, #tpu.memory_space<smem>>, %arg2: memref<31xi32, #tpu.memory_space<smem>>) -> (i32, i32, i32) {
    %get3A = arith.index_cast %arg0 : i32 to index
    %get3A_0 = memref.load %arg1[%get3A] : memref<31xi32, #tpu.memory_space<smem>>
    %c0_i32 = arith.constant 0 : i32
    %c0_i32_1 = arith.constant 0 : i32
    %c0_i32_2 = arith.constant 0 : i32
    return %get3A_0, %c0_i32, %c0_i32_1 : i32, i32, i32
  }
  func.func @transform_7(%arg0: i32, %arg1: memref<31xi32, #tpu.memory_space<smem>>, %arg2: memref<31xi32, #tpu.memory_space<smem>>) -> (i32, i32) {
    %get3A = arith.index_cast %arg0 : i32 to index
    %get3A_0 = memref.load %arg2[%get3A] : memref<31xi32, #tpu.memory_space<smem>>
    %mul3A = arith.muli %get3A_0, %arg0 : i32
    %get3A_1 = arith.index_cast %arg0 : i32 to index
    %get3A_2 = memref.load %arg2[%get3A_1] : memref<31xi32, #tpu.memory_space<smem>>
    %sub3A = arith.constant 1 : i32
    %sub3A_3 = arith.subi %sub3A, %get3A_2 : i32
    %mul3A_4 = arith.constant 31 : i32
    %mul3A_5 = arith.muli %sub3A_3, %mul3A_4 : i32
    %add3A = arith.addi %mul3A, %mul3A_5 : i32
    %c0_i32 = arith.constant 0 : i32
    %c0_i32_6 = arith.constant 0 : i32
    return %add3A, %c0_i32 : i32, i32
  }
}

</mosaic_0001>

<sc_bundles>
// kernel: kernel.6.cloned.1.call-start
scs
__scs_entry_jumppad:
0x0: {  	(pc) =	sbr.rel $0x88, $3  }
0x1: {  	(tag) =	ssettag $0x0;
	lr =	simm.s32 $0x1  }
0x2: {  	[smem:$0x3F98] =	sst lr;
	_ =	strace $0xD0000000  }
0x3: {  	_ = 	snop  }
0x4: {  	_ = 	snop  }
0x5: {  	_ = 	snop  }
0x6: {  	_ = 	snop  }
0x7: {  	_ = 	snop  }
__scs_overlays_trampoline_lowered:
0x8: {  	[smem:$0x3FA7] =	sst s0  }
0x9: {  	[smem:$0x3FA8] =	sst s1  }
0xa: {  	[smem:$0x3FA9] =	sst s2  }
0xb: {  	[smem:$0x3FAA] =	sst s3  }
0xc: {  	[smem:$0x3FAB] =	sst s4  }
0xd: {  	[smem:$0x3FAC] =	sst s5  }
0xe: {  	[smem:$0x3FAD] =	sst s6  }
0xf: {  	[smem:$0x3FAE] =	sst s7  }
0x10: {  	[smem:$0x3FAF] =	sst s8  }
0x11: {  	[smem:$0x3FB0] =	sst s9;
	s0 =	simm.s32 @!p0 $0x0  }
0x12: {  	s1 =	sld [smem:$0x3F96];
	s0 =	simm.s32 @p0 $0x1  }
0x13: {  	[smem:$0x3FB1] =	sst s0;
	s0 =	simm.s32 @!p1 $0x0  }
0x14: {  	s2 =	sld [smem:$0x3F95];
	s0 =	simm.s32 @p1 $0x1  }
0x15: {  	[smem:$0x3FB2] =	sst s0;
	s0 =	simm.s32 @!p2 $0x0  }
0x16: {  	s3 =	sld [smem:$0x3FDB];
	s0 =	simm.s32 @p2 $0x1  }
0x17: {  	s4 =	simm.s32 $0x1BF5;
	[smem:$0x3FB4] =	sst s0  }
0x18: {  	s0 =	sld [smem:$0x3F97];
	_ =	swait.ge [sflag:s4], $0x0  }
0x19: {  	s7 =	sld [smem:$0x3F98]  }
0x1a: {  	s8 =	sadd.s32 $0xFFFFE003, lr  }
0x1b: {  	s9 =	sadd.s32 $0xFFFFFEF7, lr;
	s5 =	simm.s32 $0xFFFFFFFF;
	p2 =	slt.u32 s8, $0xFFFFF086  }
0x1c: {  	p1 =	slt.u32 s9, $0xF7A;
	s5 =	simm.s32 @!p2 $0x0  }
0x1d: {  	s5 =	simm.s32 @p1 $0x1;
	p0 =	seq.s32 s7, s2  }
0x1e: {  	s7 =	smul.u32 @!p0 $0xF7A, s2;
	p2 =	seq.s32 @!p0 s5, $0x0  }
0x1f: {  	s9 =	smul.u32 $0xF7A, s1;
	s8 =	simm.s32 @!p0 $0x1BF5;
	p2 =	por !p2, p0  }
0x20: {  	[sflag:s8] =	ssyncset.s32 @!p0 $0xFFFFF086;
	s6 =	sadd.s32 @!p0 s3, s7;
	s7 =	simm.s32 @!p0 $0x108  }
0x21: {  	s3 =	sadd.s32 s3, s9;
	s6 =	sadd.s32 @!p0 $0x88, s6;
	s7 =	simm.s32 @p2 $0x1082  }
0x22: {  	[simem:s7], [sflag:s8] =	dma.local @!p0 [hbm:s6], $0xF7A  }
0x23: {  	s9 =	sor.u32 $0xD0000000, s2;
	s6 =	simm.s32 $0x108;
	_ =	swait.ge @!p0 [sflag:s8], $0x0  }
0x24: {  	s3 =	sadd.s32 $0x88, s3;
	s6 =	simm.s32 @!p1 $0x1082;
	[sflag:s4] =	ssyncset.s32 $0xFFFFF086  }
0x25: {  	[simem:s6], [sflag:s4] =	dma.local [hbm:s3], $0xF7A  }
0x26: {  	[smem:$0x3F98] =	sst s1;
	(tag) =	ssettag s2;
	_ =	strace s9  }
0x27: {  	s1 =	sld [smem:$0x3FA8]  }
0x28: {  	s2 =	sld [smem:$0x3FA9]  }
0x29: {  	s4 =	sld [smem:$0x3FAB]  }
0x2a: {  	p0 =	seq.s32 s5, $0x0;
	s5 =	sld [smem:$0x3FAC]  }
0x2b: {  	s6 =	sld [smem:$0x3FAD]  }
0x2c: {  	s7 =	sld [smem:$0x3FAE]  }
0x2d: {  	s3 =	simm.s32 $0x108;
	s8 =	sld [smem:$0x3FAF]  }
0x2e: {  	s3 =	simm.s32 @!p0 $0x1082;
	s9 =	sld [smem:$0x3FB0]  }
0x2f: {  	lr =	sadd.s32 s0, s3;
	s0 =	sld [smem:$0x3FA7]  }
0x30: {  	s3 =	sld [smem:$0x3FAA]  }
0x31: {  	[smem:$0x3FB3] =	sst s10  }
0x32: {  	s10 =	sld [smem:$0x3FB1];
	_ =	sdelay $0x3  }
0x33: {  	p0 =	seq.s32 s10, $0x1;
	s10 =	sld [smem:$0x3FB3];
	_ =	sdelay $0x3  }
0x34: {  	[smem:$0x3FB3] =	sst s10  }
0x35: {  	s10 =	sld [smem:$0x3FB2];
	_ =	sdelay $0x3  }
0x36: {  	p1 =	seq.s32 s10, $0x1;
	s10 =	sld [smem:$0x3FB3];
	_ =	sdelay $0x3  }
0x37: {  	[smem:$0x3FB3] =	sst s10  }
0x38: {  	s10 =	sld [smem:$0x3FB4]  }
0x39: {  	_ = 	snop;
	(pc) =	sbr.ind lr, $3  }
0x3a: {  	_ = 	snop  }
0x3b: {  	_ = 	snop  }
0x3c: {  	p2 =	seq.s32 s10, $0x1;
	s10 =	sld [smem:$0x3FB3]  }
0x3d: {  	_ =	shalt  }
0x3e: {  	_ =	shalt  }
0x3f: {  	_ =	shalt  }
0x40: {  	_ =	shalt  }
0x41: {  	_ =	shalt  }
0x42: {  	_ =	shalt  }
0x43: {  	_ =	shalt  }
0x44: {  	_ =	shalt  }
0x45: {  	_ =	shalt  }
0x46: {  	_ =	shalt  }
0x47: {  	_ =	shalt  }
0x48: {  	_ =	shalt  }
0x49: {  	_ =	shalt  }
0x4a: {  	_ =	shalt  }
0x4b: {  	_ =	shalt  }
0x4c: {  	_ =	shalt  }
0x4d: {  	_ =	shalt  }
0x4e: {  	_ =	shalt  }
0x4f: {  	_ =	shalt  }
0x50: {  	_ =	shalt  }
0x51: {  	_ =	shalt  }
0x52: {  	_ =	shalt  }
0x53: {  	_ =	shalt  }
0x54: {  	_ =	shalt  }
0x55: {  	_ =	shalt  }
0x56: {  	_ =	shalt  }
0x57: {  	_ =	shalt  }
0x58: {  	_ =	shalt  }
0x59: {  	_ =	shalt  }
0x5a: {  	_ =	shalt  }
0x5b: {  	_ =	shalt  }
0x5c: {  	_ =	shalt  }
0x5d: {  	_ =	shalt  }
0x5e: {  	_ =	shalt  }
0x5f: {  	_ =	shalt  }
0x60: {  	_ =	shalt  }
0x61: {  	_ =	shalt  }
0x62: {  	_ =	shalt  }
0x63: {  	_ =	shalt  }
0x64: {  	_ =	shalt  }
0x65: {  	_ =	shalt  }
0x66: {  	_ =	shalt  }
0x67: {  	_ =	shalt  }
0x68: {  	_ =	shalt  }
0x69: {  	_ =	shalt  }
0x6a: {  	_ =	shalt  }
0x6b: {  	_ =	shalt  }
0x6c: {  	_ =	shalt  }
0x6d: {  	_ =	shalt  }
0x6e: {  	_ =	shalt  }
0x6f: {  	_ =	shalt  }
0x70: {  	_ =	shalt  }
0x71: {  	_ =	shalt  }
0x72: {  	_ =	shalt  }
0x73: {  	_ =	shalt  }
0x74: {  	_ =	shalt  }
0x75: {  	_ =	shalt  }
0x76: {  	_ =	shalt  }
0x77: {  	_ =	shalt  }
0x78: {  	_ =	shalt  }
0x79: {  	_ =	shalt  }
0x7a: {  	_ =	shalt  }
0x7b: {  	_ =	shalt  }
0x7c: {  	_ =	shalt  }
0x7d: {  	_ =	shalt  }
0x7e: {  	_ =	shalt  }
0x7f: {  	_ =	shalt  }
0x80: {  	_ =	shalt  }
0x81: {  	_ =	shalt  }
0x82: {  	_ =	shalt  }
0x83: {  	_ =	shalt  }
0x84: {  	_ =	shalt  }
0x85: {  	_ =	shalt  }
0x86: {  	_ =	shalt  }
0x87: {  	_ =	shalt  }
.Lfunc_end0:
.L_simem_size_0:
called_computation_lowered:
.L_overlay_start_0:
0x88: {  	s2 =	sld [smem:$0x3FD9]  }
0x89: {  	s3 =	sld [smem:$0x3FFE];
	_ =	sdelay $0x1  }
0x8a: {  	s1 =	srdreg.scid  }
0x8b: {  	s0 =	sand.u32 $0x1, s1  }
0x8c: {  	s17 =	sshll.u32 s0, $0xA;
	s2 =	sadd.s32 s3, s2  }
0x8d: {  	s2 =	sadd.s32 s2, s17  }
0x8e: {  	[smem:$0x3FBF] =	sst s2  }
0x8f: {  	_ = 	snop  }
0x90: {  	s2 =	sld [smem:$0x3FC9];
	(tm) =	ssettm $0x1  }
0x91: {  	s18 =	sld [smem:$0x3FFB];
	_ =	sdelay $0x3  }
0x92: {  	_ =	strace s18  }
0x93: {  	s3 =	sld [smem:$0x3FFC];
	_ =	sdelay $0x3  }
0x94: {  	_ =	strace s3  }
0x95: {  	s3 =	sld [smem:$0x3FFD];
	_ =	sdelay $0x3  }
0x96: {  	_ =	strace s3  }
0x97: {  	_ =	strace $0x8FFFFFFF  }
0x98: {  	s19 =	sld [smem:$0x3FDB];
	_ =	sdelay $0x1  }
0x99: {  	s4 =	simm.s32 $_scs_section_size  }
0x9a: {  	s5 =	simm.s32 $_size__tile_overlayer_lowered;
	s6 =	simm.s32 $_tile_overlayer_lowered  }
0x9b: {  	s22 =	simm.s32 $0x1BFF;
	s21 =	sshll.u32 s6, $0x1;
	s3 =	sadd.s32 s4, s19  }
0x9c: {  	s7 =	simm.s32 $0x0;
	s20 =	sshll.u32 s5, $0x1;
	s5 =	sadd.s32 s21, s3  }
0x9d: {  	[timem:s7], [sflag:s22] =	dma.local [hbm:s5], s20  }
0x9e: {  	_ =	swait.ge [sflag:s22], s20  }
0x9f: {  	s4 =	ssub.s32 $0x0, s20;
	[sflag:s22] =	ssyncset.done $0x0  }
0xa0: {  	[sflag:s22] =	ssyncadd.s32 s4;
	_ =	sdelay $0x1  }
0xa1: {  	s23 =	simm.s32 $0x1B8B  }
0xa2: {  	_ =	swait.ge [sflag:s23], $0x1  }
0xa3: {  	[sflag:s23] =	ssyncset.done $0x0  }
0xa4: {  	s25 =	simm.s32 $0x1B8E;
	s24 =	sld [smem:$0x3FFE];
	[sflag:s23] =	ssyncadd.s32 $0xFFFFFFFF  }
0xa5: {  	s26 =	simm.s32 $execute0_lowered;
	[smem:$0x3FD2] =	sst s25  }
0xa6: {  	s5 =	sshll.u32 s26, $0x1;
	_ =	strace $0x80000046;
	[dreg:$0x1] =	wrdreg $0xFFFFFFFF  }
0xa7: {  	s28 =	simm.s32 $_size_execute0_lowered;
	s3 =	sadd.s32 s3, s5;
	[dreg:$0x0] =	wrdreg $0x0  }
0xa8: {  	s5 =	sshll.u32 s28, $0x1;
	[dreg:$0x2] =	wrdreg s3  }
0xa9: {  	[dreg:$0x3] =	wrdreg s5  }
0xaa: {  	[dreg:$0x4] =	wrdreg $0xC0  }
0xab: {  	_ =	task [dreg:s7], $0x5FFFF  }
0xac: {  	[dreg:$0x1] =	wrdreg $0xFFFFFFFF  }
0xad: {  	[dreg:$0x0] =	wrdreg $0x60  }
0xae: {  	[dreg:$0x2] =	wrdreg s2  }
0xaf: {  	[dreg:$0x3] =	wrdreg s24  }
0xb0: {  	[dreg:$0x4] =	wrdreg $0x9  }
0xb1: {  	_ =	task.clear_ibuf [dreg:s7], $0x5FFFF;
	_ =	strace $0x90000046  }
0xb2: {  	s29 =	simm.s32 $0x9;
	_ =	strace $0x80000048  }
0xb3: {  	_ =	swait.ge [sflag:s29], $0x1  }
0xb4: {  	[sflag:s29] =	ssyncadd.s32 $0xFFFFFFFF  }
0xb5: {  	_ =	strace $0x90000048  }
0xb6: {  	_ =	sfence  }
0xb7: {  	s30 =	sld [smem:$0x0];
	_ =	sdelay $0x2  }
0xb8: {  	s31 =	sshll.u32 s1, $0xD;
	s1 =	sshrl.u32 s1, $0x2  }
0xb9: {  	s3 =	sand.u32 $0x4000, s31;
	s1 =	sadd.s32 s1, s30  }
0xba: {  	s0 =	sor.u32 s3, s0;
	s1 =	sshll.u32 s1, $0x11  }
0xbb: {  	s0 =	sor.u32 s1, s0  }
0xbc: {  	s0 =	sadd.s32 $0x8F2B, s0  }
0xbd: {  	[sflag:s0] =	ssyncadd.remote.s32 $0x1  }
0xbe: {  	_ =	sfence.sel $0xFFFF  }
0xbf: {  	[dreg:$0x0] =	wrdreg $0xFFFFFFFF;
	(pc) =	sbr.abs _section_cstart, $3  }
0xc0: {  	[dreg:$0x1] =	wrdreg $0xFFFFFFFF  }
0xc1: {  	_ =	task.clear_ibuf [dreg:s7], $0x2FFFF;
	_ =	strace $0x9FFFFFFF  }
0xc2: {  	(tm) =	ssettm $0x7FFFFFFF  }
0xc3: {  	_ =	shalt  }
tec
execute0_lowered:
.L_overlay_start_1:
0x0: {  	(tag) =	ssettag $0x1  }
0x1: {  	s1 =	srdreg.scid  }
0x2: {  	s0 =	stileid.u32;
	s4 =	sand.u32 $0x1, s1  }
0x3: {  	s3 =	rddreg [dreg:$0x0];
	s2 =	sshll.u32 s0, $0x5;
	s5 =	sshll.u32 s4, $0x4  }
0x4: {  	s1 =	rddreg [dreg:$0x1];
	s5 =	sor.u32 s5, s2;
	s2 =	simm.s32 $0x0  }
0x5: {  	s22 =	simm.s32 $0x80;
	[smem:$0x7FF] =	sst s2  }
0x6: {  	s23 =	simm.s32 $0x900;
	_ =	strace $0x80000047;
	[dreg:$0x7] =	wrdreg s22  }
0x7: {  	s24 =	simm.s32 $0x1100;
	[dreg:$0x8] =	wrdreg s23  }
0x8: {  	s25 =	simm.s32 $0x1900;
	[dreg:$0x9] =	wrdreg s24  }
0x9: {  	s26 =	simm.s32 $0x2100;
	[dreg:$0xa] =	wrdreg s25  }
0xa: {  	s9 =	simm.s32 $0x5100;
	s0 =	simm.s32 $0x2900;
	[dreg:$0xb] =	wrdreg s26  }
0xb: {  	s10 =	simm.s32 $0x5900;
	s11 =	simm.s32 $0x6100;
	[dreg:$0xc] =	wrdreg s0  }
0xc: {  	s12 =	simm.s32 $0x6900;
	s13 =	simm.s32 $0x7100;
	[dreg:$0x11] =	wrdreg s9  }
0xd: {  	s14 =	simm.s32 $0x7900;
	s15 =	simm.s32 $0x8100;
	[dreg:$0x12] =	wrdreg s10  }
0xe: {  	s16 =	simm.s32 $0x8900;
	s17 =	simm.s32 $0x9100;
	[dreg:$0x13] =	wrdreg s11  }
0xf: {  	s18 =	simm.s32 $0x9900;
	s20 =	simm.s32 $0xA100;
	[dreg:$0x14] =	wrdreg s12  }
0x10: {  	s28 =	simm.s32 $0x16100;
	s29 =	simm.s32 $0x16900;
	[dreg:$0x15] =	wrdreg s13  }
0x11: {  	s30 =	simm.s32 $0x17100;
	s4 =	ssub.s32 $0x2, s4;
	[dreg:$0x16] =	wrdreg s14  }
0x12: {  	s31 =	simm.s32 $0x17900;
	s19 =	sshrl.u32 s4, $0x1;
	[dreg:$0x17] =	wrdreg s15  }
0x13: {  	s6 =	sand.u32 $0xF0, s5;
	s5 =	sadd.s32 s5, s1;
	[dreg:$0x18] =	wrdreg s16  }
0x14: {  	s7 =	smul.u32 $0x1800, s6;
	s8 =	sadd.s32 $0x10800, s5;
	[dreg:$0x19] =	wrdreg s17  }
0x15: {  	s6 =	smul.u32 $0x300, s6;
	s5 =	sadd.s32 $0x10808, s5;
	[dreg:$0x1a] =	wrdreg s18  }
0x16: {  	[dreg:$0x1b] =	wrdreg s20;
	s22 =	simm.s32 $0xB100;
	s23 =	simm.s32 $0xB900  }
0x17: {  	s24 =	simm.s32 $0xC900;
	s25 =	simm.s32 $0xD100;
	s26 =	simm.s32 $0xD900  }
0x18: {  	s9 =	simm.s32 $0xC100;
	s10 =	simm.s32 $0x1;
	[dreg:$0x3] =	wrdreg s8  }
0x19: {  	s12 =	simm.s32 $0xE900;
	s13 =	simm.s32 $0xF100;
	[dreg:$0x4] =	wrdreg s5  }
0x1a: {  	s14 =	simm.s32 $0xF900;
	s15 =	simm.s32 $0x10100;
	[dreg:$0x1d] =	wrdreg s22  }
0x1b: {  	s16 =	simm.s32 $0x10900;
	s17 =	simm.s32 $0x11100;
	[dreg:$0x1e] =	wrdreg s23  }
0x1c: {  	s18 =	simm.s32 $0x11900;
	s20 =	simm.s32 $0x12900;
	[dreg:$0x1f] =	wrdreg s24  }
0x1d: {  	s5 =	simm.s32 $0x3100;
	s8 =	simm.s32 $0x4900;
	[smem:$0x7FC] =	sst s25  }
0x1e: {  	[smem:$0x7FD] =	sst s26;
	s22 =	simm.s32 $0x13900;
	s23 =	simm.s32 $0x14100  }
0x1f: {  	s24 =	simm.s32 $0x14900;
	s25 =	simm.s32 $0x15100;
	s26 =	simm.s32 $0x15900  }
0x20: {  	s7 =	sshrl.u32 s7, $0x3;
	s21 =	sadd.s32 s3, s6;
	[dreg:$0xd] =	wrdreg s5  }
0x21: {  	s6 =	simm.s32 $0x3900;
	[dreg:$0x10] =	wrdreg s8;
	s5 =	sadd.s32 $0x10C00, s1  }
0x22: {  	s8 =	simm.s32 $0x100;
	s3 =	sadd.s32 s3, s7;
	[dreg:$0x5] =	wrdreg s21  }
0x23: {  	[dreg:$0xe] =	wrdreg s6;
	s7 =	simm.s32 $0x4100;
	s6 =	ssub.s32 s4, s19  }
0x24: {  	s21 =	simm.s32 $0xA900;
	s4 =	sadd.s32 $0x10B00, s1;
	[dreg:$0xf] =	wrdreg s7  }
0x25: {  	v2 =	vlaneseq.u32;
	s19 =	simm.s32 $0x12100;
	s3 =	sadd.s32 $0x1800, s3;
	[dreg:$0x1c] =	wrdreg s21  }
0x26: {  	vm0 =	vmmov $0xffff;
	v1 =	vshrl.u32 v2, $0x3;
	s6 =	smax.u32 s6, $0x1;
	s7 =	simm.s32 $0x3;
	s21 =	simm.s32 $0x13100  }
0x27: {  	v0 =	vand.u32 $0x7, v2;
	v2 =	vor.u32 $0x8, v2;
	v1 =	vmul.u32 $0x8, v1;
	[dreg:$0x6] =	wrdreg s3;
	s3 =	sadd.s32 $0x10A00, s1;
	s1 =	simm.s32 $0x2  }
.LBB2_1:
0x28: {  	s0 =	rddreg [dreg:$0x3]  }
0x29: {  	[tilespmem:s2], [sflag:$0x3] =	stream.linear.gather [hbm4b:s0+s2], $0x40, $0x38;
	[tilespmem:$0x18100] =	vst v63  }
0x2a: {  	_ =	swait.ge [sflag:s7], $0x40  }
0x2b: {  	s0 =	rddreg [dreg:$0x4];
	[sflag:s7] =	ssyncset.done $0x0  }
0x2c: {  	s11 =	rddreg [dreg:$0x7];
	[sflag:s7] =	ssyncadd.s32 $0xFFFFFFC0  }
0x2d: {  	[tilespmem:s11], [sflag:$0x3] =	stream.linear.gather [hbm4b:s0+s2], $0x40, $0x38;
	[tilespmem:$0x18100] =	vst v63  }
0x2e: {  	_ =	swait.ge [sflag:s7], $0x40  }
0x2f: {  	[sflag:s7] =	ssyncset.done $0x0  }
0x30: {  	s0 =	rddreg [dreg:$0x5];
	[sflag:s7] =	ssyncadd.s32 $0xFFFFFFC0  }
0x31: {  	[tilespmem:s8], [sflag:$0x1] =	stream.linear.gather [hbm4b:s0+s2], $0xC000, $0x38;
	[tilespmem:$0x18100] =	vst v63  }
0x32: {  	s11 =	rddreg [dreg:$0x6]  }
0x33: {  	[tilespmem:s9], [sflag:$0x1] =	stream.linear.gather [hbm4b:s11+s2], $0xC000, $0x38;
	[tilespmem:$0x18100] =	vst v63  }
0x34: {  	_ =	swait.ge [sflag:s10], $0xC000  }
0x35: {  	[sflag:s10] =	ssyncset.done $0x0  }
0x36: {  	[sflag:s10] =	ssyncadd.s32 $0xFFFF4000  }
0x37: {  	v3 =	vld [tilespmem:$0x0];
	_ =	sdelay $0x4  }
0x38: {  	v4 =	vshrl.u32 v3, $0x3  }
0x39: {  	v4 =	vmul.u32 $0x30, v4  }
0x3a: {  	v3 =	vand.u32 $0x7, v3  }
0x3b: {  	v3 =	vor.u32 v3, v4  }
0x3c: {  	v4 =	vperm.xlane v3, v0;
	_ =	sdelay $0x1  }
0x3d: {  	v4 =	vadd.s32 v1, v4;
	_ =	sdelay $0x3  }
0x3e: {  	v3 =	vperm.xlane v3, v2  }
0x3f: {  	[hbm4b:s3+s2] =	stream.indirect_vreg.scatter [tilespmem:s8], [sflag:$0x2], $0x80, v4, vm0, $0xb8;
	[tilespmem:$0x18100] =	vst v63  }
0x40: {  	s0 =	rddreg [dreg:$0x8];
	v3 =	vadd.s32 v1, v3  }
0x41: {  	[hbm4b:s4+s2] =	stream.indirect_vreg.scatter [tilespmem:s0], [sflag:$0x2], $0x80, v4, vm0, $0xb8;
	[tilespmem:$0x18100] =	vst v63  }
0x42: {  	s11 =	rddreg [dreg:$0x9]  }
0x43: {  	[hbm4b:s5+s2] =	stream.indirect_vreg.scatter [tilespmem:s11], [sflag:$0x2], $0x80, v4, vm0, $0xb8;
	[tilespmem:$0x18100] =	vst v63  }
0x44: {  	s0 =	rddreg [dreg:$0xa]  }
0x45: {  	[hbm4b:s3+s2] =	stream.indirect_vreg.scatter [tilespmem:s0], [sflag:$0x2], $0x80, v3, vm0, $0xb8;
	[tilespmem:$0x18100] =	vst v63  }
0x46: {  	s11 =	rddreg [dreg:$0xb]  }
0x47: {  	[hbm4b:s4+s2] =	stream.indirect_vreg.scatter [tilespmem:s11], [sflag:$0x2], $0x80, v3, vm0, $0xb8;
	[tilespmem:$0x18100] =	vst v63  }
0x48: {  	s0 =	rddreg [dreg:$0xc]  }
0x49: {  	[hbm4b:s5+s2] =	stream.indirect_vreg.scatter [tilespmem:s0], [sflag:$0x2], $0x80, v3, vm0, $0xb8;
	[tilespmem:$0x18100] =	vst v63  }
0x4a: {  	v3 =	vld [tilespmem:$0x10];
	_ =	sdelay $0x4  }
0x4b: {  	v57 =	vshrl.u32 v3, $0x3  }
0x4c: {  	v4 =	vmul.u32 $0x30, v57  }
0x4d: {  	v3 =	vand.u32 $0x7, v3  }
0x4e: {  	v3 =	vor.u32 v3, v4  }
0x4f: {  	v4 =	vperm.xlane v3, v0;
	_ =	sdelay $0x1  }
0x50: {  	v4 =	vadd.s32 v1, v4;
	_ =	sdelay $0x3  }
0x51: {  	s0 =	rddreg [dreg:$0xd];
	v3 =	vperm.xlane v3, v2  }
0x52: {  	[hbm4b:s3+s2] =	stream.indirect_vreg.scatter [tilespmem:s0], [sflag:$0x2], $0x80, v4, vm0, $0xb8;
	[tilespmem:$0x18100] =	vst v63  }
0x53: {  	s11 =	rddreg [dreg:$0xe];
	v3 =	vadd.s32 v1, v3  }
0x54: {  	[hbm4b:s4+s2] =	stream.indirect_vreg.scatter [tilespmem:s11], [sflag:$0x2], $0x80, v4, vm0, $0xb8;
	[tilespmem:$0x18100] =	vst v63  }
0x55: {  	s0 =	rddreg [dreg:$0xf]  }
0x56: {  	[hbm4b:s5+s2] =	stream.indirect_vreg.scatter [tilespmem:s0], [sflag:$0x2], $0x80, v4, vm0, $0xb8;
	[tilespmem:$0x18100] =	vst v63  }
0x57: {  	s11 =	rddreg [dreg:$0x10]  }
0x58: {  	[hbm4b:s3+s2] =	stream.indirect_vreg.scatter [tilespmem:s11], [sflag:$0x2], $0x80, v3, vm0, $0xb8;
	[tilespmem:$0x18100] =	vst v63  }
0x59: {  	s0 =	rddreg [dreg:$0x11]  }
0x5a: {  	[hbm4b:s4+s2] =	stream.indirect_vreg.scatter [tilespmem:s0], [sflag:$0x2], $0x80, v3, vm0, $0xb8;
	[tilespmem:$0x18100] =	vst v63  }
0x5b: {  	s11 =	rddreg [dreg:$0x12]  }
0x5c: {  	[hbm4b:s5+s2] =	stream.indirect_vreg.scatter [tilespmem:s11], [sflag:$0x2], $0x80, v3, vm0, $0xb8;
	[tilespmem:$0x18100] =	vst v63  }
0x5d: {  	v3 =	vld [tilespmem:$0x20];
	_ =	sdelay $0x4  }
0x5e: {  	v58 =	vshrl.u32 v3, $0x3  }
0x5f: {  	v4 =	vmul.u32 $0x30, v58  }
0x60: {  	v3 =	vand.u32 $0x7, v3  }
0x61: {  	v3 =	vor.u32 v3, v4  }
0x62: {  	v4 =	vperm.xlane v3, v0;
	_ =	sdelay $0x1  }
0x63: {  	v4 =	vadd.s32 v1, v4;
	_ =	sdelay $0x3  }
0x64: {  	s0 =	rddreg [dreg:$0x13];
	v3 =	vperm.xlane v3, v2  }
0x65: {  	[hbm4b:s3+s2] =	stream.indirect_vreg.scatter [tilespmem:s0], [sflag:$0x2], $0x80, v4, vm0, $0xb8;
	[tilespmem:$0x18100] =	vst v63  }
0x66: {  	s11 =	rddreg [dreg:$0x14];
	v3 =	vadd.s32 v1, v3  }
0x67: {  	[hbm4b:s4+s2] =	stream.indirect_vreg.scatter [tilespmem:s11], [sflag:$0x2], $0x80, v4, vm0, $0xb8;
	[tilespmem:$0x18100] =	vst v63  }
0x68: {  	s0 =	rddreg [dreg:$0x15]  }
0x69: {  	[hbm4b:s5+s2] =	stream.indirect_vreg.scatter [tilespmem:s0], [sflag:$0x2], $0x80, v4, vm0, $0xb8;
	[tilespmem:$0x18100] =	vst v63  }
0x6a: {  	s11 =	rddreg [dreg:$0x16]  }
0x6b: {  	[hbm4b:s3+s2] =	stream.indirect_vreg.scatter [tilespmem:s11], [sflag:$0x2], $0x80, v3, vm0, $0xb8;
	[tilespmem:$0x18100] =	vst v63  }
0x6c: {  	s0 =	rddreg [dreg:$0x17]  }
0x6d: {  	[hbm4b:s4+s2] =	stream.indirect_vreg.scatter [tilespmem:s0], [sflag:$0x2], $0x80, v3, vm0, $0xb8;
	[tilespmem:$0x18100] =	vst v63  }
0x6e: {  	s11 =	rddreg [dreg:$0x18]  }
0x6f: {  	[hbm4b:s5+s2] =	stream.indirect_vreg.scatter [tilespmem:s11], [sflag:$0x2], $0x80, v3, vm0, $0xb8;
	[tilespmem:$0x18100] =	vst v63  }
0x70: {  	v3 =	vld [tilespmem:$0x30];
	_ =	sdelay $0x4  }
0x71: {  	v59 =	vshrl.u32 v3, $0x3  }
0x72: {  	v4 =	vmul.u32 $0x30, v59  }
0x73: {  	v3 =	vand.u32 $0x7, v3  }
0x74: {  	v3 =	vor.u32 v3, v4  }
0x75: {  	v4 =	vperm.xlane v3, v0;
	_ =	sdelay $0x1  }
0x76: {  	v4 =	vadd.s32 v1, v4;
	_ =	sdelay $0x3  }
0x77: {  	s0 =	rddreg [dreg:$0x19];
	v3 =	vperm.xlane v3, v2  }
0x78: {  	[hbm4b:s3+s2] =	stream.indirect_vreg.scatter [tilespmem:s0], [sflag:$0x2], $0x80, v4, vm0, $0xb8;
	[tilespmem:$0x18100] =	vst v63  }
0x79: {  	s11 =	rddreg [dreg:$0x1a];
	v3 =	vadd.s32 v1, v3  }
0x7a: {  	[hbm4b:s4+s2] =	stream.indirect_vreg.scatter [tilespmem:s11], [sflag:$0x2], $0x80, v4, vm0, $0xb8;
	[tilespmem:$0x18100] =	vst v63  }
0x7b: {  	s0 =	rddreg [dreg:$0x1b]  }
0x7c: {  	[hbm4b:s5+s2] =	stream.indirect_vreg.scatter [tilespmem:s0], [sflag:$0x2], $0x80, v4, vm0, $0xb8;
	[tilespmem:$0x18100] =	vst v63  }
0x7d: {  	s11 =	rddreg [dreg:$0x1c]  }
0x7e: {  	[hbm4b:s3+s2] =	stream.indirect_vreg.scatter [tilespmem:s11], [sflag:$0x2], $0x80, v3, vm0, $0xb8;
	[tilespmem:$0x18100] =	vst v63  }
0x7f: {  	s0 =	rddreg [dreg:$0x1d]  }
0x80: {  	[hbm4b:s4+s2] =	stream.indirect_vreg.scatter [tilespmem:s0], [sflag:$0x2], $0x80, v3, vm0, $0xb8;
	[tilespmem:$0x18100] =	vst v63  }
0x81: {  	s11 =	rddreg [dreg:$0x1e]  }
0x82: {  	[hbm4b:s5+s2] =	stream.indirect_vreg.scatter [tilespmem:s11], [sflag:$0x2], $0x80, v3, vm0, $0xb8;
	[tilespmem:$0x18100] =	vst v63  }
0x83: {  	_ =	swait.ge [sflag:s10], $0xC000  }
0x84: {  	[sflag:s10] =	ssyncset.done $0x0  }
0x85: {  	[sflag:s10] =	ssyncadd.s32 $0xFFFF4000  }
0x86: {  	v3 =	vld [tilespmem:$0x80];
	_ =	sdelay $0x4  }
0x87: {  	v60 =	vshrl.u32 v3, $0x3  }
0x88: {  	v4 =	vmul.u32 $0x30, v60  }
0x89: {  	v3 =	vand.u32 $0x7, v3  }
0x8a: {  	v3 =	vor.u32 v3, v4  }
0x8b: {  	v4 =	vperm.xlane v3, v0;
	_ =	sdelay $0x1  }
0x8c: {  	v4 =	vadd.s32 v1, v4;
	_ =	sdelay $0x3  }
0x8d: {  	s0 =	rddreg [dreg:$0x1f];
	v3 =	vperm.xlane v3, v2  }
0x8e: {  	[hbm4b:s3+s2] =	stream.indirect_vreg.scatter [tilespmem:s9], [sflag:$0x2], $0x80, v4, vm0, $0xb8;
	[tilespmem:$0x18100] =	vst v63  }
0x8f: {  	s11 =	sld [smem:$0x7FC];
	v3 =	vadd.s32 v1, v3  }
0x90: {  	[hbm4b:s4+s2] =	stream.indirect_vreg.scatter [tilespmem:s0], [sflag:$0x2], $0x80, v4, vm0, $0xb8;
	[tilespmem:$0x18100] =	vst v63  }
0x91: {  	s0 =	sld [smem:$0x7FD]  }
0x92: {  	[hbm4b:s5+s2] =	stream.indirect_vreg.scatter [tilespmem:s11], [sflag:$0x2], $0x80, v4, vm0, $0xb8;
	[tilespmem:$0x18100] =	vst v63  }
0x93: {  	_ = 	snop  }
0x94: {  	[hbm4b:s3+s2] =	stream.indirect_vreg.scatter [tilespmem:s0], [sflag:$0x2], $0x80, v3, vm0, $0xb8;
	[tilespmem:$0x18100] =	vst v63  }
0x95: {  	s11 =	simm.s32 $0xE100  }
0x96: {  	[hbm4b:s4+s2] =	stream.indirect_vreg.scatter [tilespmem:s11], [sflag:$0x2], $0x80, v3, vm0, $0xb8;
	[tilespmem:$0x18100] =	vst v63  }
0x97: {  	_ = 	snop  }
0x98: {  	[hbm4b:s5+s2] =	stream.indirect_vreg.scatter [tilespmem:s12], [sflag:$0x2], $0x80, v3, vm0, $0xb8;
	[tilespmem:$0x18100] =	vst v63  }
0x99: {  	v3 =	vld [tilespmem:$0x90];
	_ =	sdelay $0x4  }
0x9a: {  	v61 =	vshrl.u32 v3, $0x3  }
0x9b: {  	v4 =	vmul.u32 $0x30, v61  }
0x9c: {  	v3 =	vand.u32 $0x7, v3  }
0x9d: {  	v3 =	vor.u32 v3, v4  }
0x9e: {  	v4 =	vperm.xlane v3, v0;
	_ =	sdelay $0x1  }
0x9f: {  	v4 =	vadd.s32 v1, v4;
	_ =	sdelay $0x3  }
0xa0: {  	v3 =	vperm.xlane v3, v2  }
0xa1: {  	[hbm4b:s3+s2] =	stream.indirect_vreg.scatter [tilespmem:s13], [sflag:$0x2], $0x80, v4, vm0, $0xb8;
	[tilespmem:$0x18100] =	vst v63  }
0xa2: {  	v3 =	vadd.s32 v1, v3  }
0xa3: {  	[hbm4b:s4+s2] =	stream.indirect_vreg.scatter [tilespmem:s14], [sflag:$0x2], $0x80, v4, vm0, $0xb8;
	[tilespmem:$0x18100] =	vst v63  }
0xa4: {  	_ = 	snop  }
0xa5: {  	[hbm4b:s5+s2] =	stream.indirect_vreg.scatter [tilespmem:s15], [sflag:$0x2], $0x80, v4, vm0, $0xb8;
	[tilespmem:$0x18100] =	vst v63  }
0xa6: {  	_ = 	snop  }
0xa7: {  	[hbm4b:s3+s2] =	stream.indirect_vreg.scatter [tilespmem:s16], [sflag:$0x2], $0x80, v3, vm0, $0xb8;
	[tilespmem:$0x18100] =	vst v63  }
0xa8: {  	_ = 	snop  }
0xa9: {  	[hbm4b:s4+s2] =	stream.indirect_vreg.scatter [tilespmem:s17], [sflag:$0x2], $0x80, v3, vm0, $0xb8;
	[tilespmem:$0x18100] =	vst v63  }
0xaa: {  	_ = 	snop  }
0xab: {  	[hbm4b:s5+s2] =	stream.indirect_vreg.scatter [tilespmem:s18], [sflag:$0x2], $0x80, v3, vm0, $0xb8;
	[tilespmem:$0x18100] =	vst v63  }
0xac: {  	v3 =	vld [tilespmem:$0xA0];
	_ =	sdelay $0x4  }
0xad: {  	v62 =	vshrl.u32 v3, $0x3  }
0xae: {  	v4 =	vmul.u32 $0x30, v62  }
0xaf: {  	v3 =	vand.u32 $0x7, v3  }
0xb0: {  	v3 =	vor.u32 v3, v4  }
0xb1: {  	v4 =	vperm.xlane v3, v0;
	_ =	sdelay $0x1  }
0xb2: {  	v4 =	vadd.s32 v1, v4;
	_ =	sdelay $0x3  }
0xb3: {  	v3 =	vperm.xlane v3, v2  }
0xb4: {  	[hbm4b:s3+s2] =	stream.indirect_vreg.scatter [tilespmem:s19], [sflag:$0x2], $0x80, v4, vm0, $0xb8;
	[tilespmem:$0x18100] =	vst v63  }
0xb5: {  	v3 =	vadd.s32 v1, v3  }
0xb6: {  	[hbm4b:s4+s2] =	stream.indirect_vreg.scatter [tilespmem:s20], [sflag:$0x2], $0x80, v4, vm0, $0xb8;
	[tilespmem:$0x18100] =	vst v63  }
0xb7: {  	_ = 	snop  }
0xb8: {  	[hbm4b:s5+s2] =	stream.indirect_vreg.scatter [tilespmem:s21], [sflag:$0x2], $0x80, v4, vm0, $0xb8;
	[tilespmem:$0x18100] =	vst v63  }
0xb9: {  	_ = 	snop  }
0xba: {  	[hbm4b:s3+s2] =	stream.indirect_vreg.scatter [tilespmem:s22], [sflag:$0x2], $0x80, v3, vm0, $0xb8;
	[tilespmem:$0x18100] =	vst v63  }
0xbb: {  	_ = 	snop  }
0xbc: {  	[hbm4b:s4+s2] =	stream.indirect_vreg.scatter [tilespmem:s23], [sflag:$0x2], $0x80, v3, vm0, $0xb8;
	[tilespmem:$0x18100] =	vst v63  }
0xbd: {  	_ = 	snop  }
0xbe: {  	[hbm4b:s5+s2] =	stream.indirect_vreg.scatter [tilespmem:s24], [sflag:$0x2], $0x80, v3, vm0, $0xb8;
	[tilespmem:$0x18100] =	vst v63  }
0xbf: {  	v3 =	vld [tilespmem:$0xB0];
	_ =	sdelay $0x4  }
0xc0: {  	v63 =	vshrl.u32 v3, $0x3  }
0xc1: {  	v4 =	vmul.u32 $0x30, v63  }
0xc2: {  	v3 =	vand.u32 $0x7, v3  }
0xc3: {  	v3 =	vor.u32 v3, v4  }
0xc4: {  	v4 =	vperm.xlane v3, v0;
	_ =	sdelay $0x1  }
0xc5: {  	v4 =	vadd.s32 v1, v4;
	_ =	sdelay $0x3  }
0xc6: {  	v3 =	vperm.xlane v3, v2  }
0xc7: {  	[hbm4b:s3+s2] =	stream.indirect_vreg.scatter [tilespmem:s25], [sflag:$0x2], $0x80, v4, vm0, $0xb8;
	[tilespmem:$0x18100] =	vst v63  }
0xc8: {  	v3 =	vadd.s32 v1, v3  }
0xc9: {  	[hbm4b:s4+s2] =	stream.indirect_vreg.scatter [tilespmem:s26], [sflag:$0x2], $0x80, v4, vm0, $0xb8;
	[tilespmem:$0x18100] =	vst v63  }
0xca: {  	_ = 	snop  }
0xcb: {  	[hbm4b:s5+s2] =	stream.indirect_vreg.scatter [tilespmem:s28], [sflag:$0x2], $0x80, v4, vm0, $0xb8;
	[tilespmem:$0x18100] =	vst v63  }
0xcc: {  	_ = 	snop  }
0xcd: {  	[hbm4b:s3+s2] =	stream.indirect_vreg.scatter [tilespmem:s29], [sflag:$0x2], $0x80, v3, vm0, $0xb8;
	[tilespmem:$0x18100] =	vst v63  }
0xce: {  	_ = 	snop  }
0xcf: {  	[hbm4b:s4+s2] =	stream.indirect_vreg.scatter [tilespmem:s30], [sflag:$0x2], $0x80, v3, vm0, $0xb8;
	[tilespmem:$0x18100] =	vst v63  }
0xd0: {  	_ = 	snop  }
0xd1: {  	[hbm4b:s5+s2] =	stream.indirect_vreg.scatter [tilespmem:s31], [sflag:$0x2], $0x80, v3, vm0, $0xb8;
	[tilespmem:$0x18100] =	vst v63  }
0xd2: {  	p0 =	sne.s32 s6, $0x1;
	_ =	swait.ge [sflag:s1], $0xC000  }
.Ltmp0:
0xd3: {  	[sflag:s1] =	ssyncset.done $0x0;
	(pc) =	sbr.rel @p0 .LBB2_1-.Ltmp0, $4  }
0xd4: {  	[sflag:s1] =	ssyncadd.s32 $0xFFFF4000  }
0xd5: {  	_ =	swait.ge [sflag:s1], $0xC000  }
0xd6: {  	[sflag:s1] =	ssyncset.done $0x0  }
0xd7: {  	s6 =	sadd.s32 $0xFFFFFFFF, s6;
	[sflag:s1] =	ssyncadd.s32 $0xFFFF4000  }
0xd8: {  	_ =	sfence.sel $0x180000  }
0xd9: {  	[bflag:$0x0] =	sbarrier.arrive $0xFFFF  }
0xda: {  	_ =	strace $0x90000047  }
0xdb: {  	s0 =	stileid.u32;
	[bflag:$0x2] =	sbarrier.arrive $0xFFFF  }
0xdc: {  	p0 =	sne.s32 s0, $0x0;
	s0 =	rddreg [dreg:$0x2]  }
0xdd: {  	s0 =	sadd.s32 @!p0 $0x100000, s0  }
0xde: {  	[sflag:s0] =	ssyncadd.tile.s32 @!p0 $0x1;
	_ =	shalt  }
.Lfunc_end2:
_tile_overlayer_lowered:
.L_overlay_start_2:
0xdf: {  	(tag) =	ssettag $0x2  }
0xe0: {  	s0 =	rddreg [dreg:$0x0];
	s2 =	stileid.u32  }
0xe1: {  	s1 =	rddreg [dreg:$0x1];
	p0 =	sne.s32 s2, $0x0  }
0xe2: {  	s3 =	rddreg [dreg:$0x2];
	[bflag:$0x3] =	sbarrier.arrive $0xFFFF;
	s2 =	simm.s32 @!p0 $0x1C03  }
0xe3: {  	[timem:s3], [sflag:s2] =	dma.local @!p0 [hbm:s0], s1  }
0xe4: {  	s0 =	simm.s32 @!p0 $0x3  }
0xe5: {  	_ =	swait.ge @!p0 [sflag:s0], s1  }
0xe6: {  	s1 =	ssub.s32 @!p0 $0x0, s1;
	[sflag:s0] =	ssyncset.done @!p0 $0x0  }
0xe7: {  	[sflag:s0] =	ssyncadd.s32 @!p0 s1  }
0xe8: {  	[bflag:$0x3] =	sbarrier.arrive $0xFFFF  }
0xe9: {  	_ =	shalt  }

// kernel: kernel.9.cloned.1.call-start
scs
__scs_entry_jumppad:
0x0: {  	(pc) =	sbr.rel $0x88, $3  }
0x1: {  	(tag) =	ssettag $0x0;
	lr =	simm.s32 $0x1  }
0x2: {  	[smem:$0x3F98] =	sst lr;
	_ =	strace $0xD0000000  }
0x3: {  	_ = 	snop  }
0x4: {  	_ = 	snop  }
0x5: {  	_ = 	snop  }
0x6: {  	_ = 	snop  }
0x7: {  	_ = 	snop  }
__scs_overlays_trampoline_lowered:
0x8: {  	[smem:$0x3FA7] =	sst s0  }
0x9: {  	[smem:$0x3FA8] =	sst s1  }
0xa: {  	[smem:$0x3FA9] =	sst s2  }
0xb: {  	[smem:$0x3FAA] =	sst s3  }
0xc: {  	[smem:$0x3FAB] =	sst s4  }
0xd: {  	[smem:$0x3FAC] =	sst s5  }
0xe: {  	[smem:$0x3FAD] =	sst s6  }
0xf: {  	[smem:$0x3FAE] =	sst s7  }
0x10: {  	[smem:$0x3FAF] =	sst s8  }
0x11: {  	[smem:$0x3FB0] =	sst s9;
	s0 =	simm.s32 @!p0 $0x0  }
0x12: {  	s1 =	sld [smem:$0x3F96];
	s0 =	simm.s32 @p0 $0x1  }
0x13: {  	[smem:$0x3FB1] =	sst s0;
	s0 =	simm.s32 @!p1 $0x0  }
0x14: {  	s2 =	sld [smem:$0x3F95];
	s0 =	simm.s32 @p1 $0x1  }
0x15: {  	[smem:$0x3FB2] =	sst s0;
	s0 =	simm.s32 @!p2 $0x0  }
0x16: {  	s3 =	sld [smem:$0x3FDB];
	s0 =	simm.s32 @p2 $0x1  }
0x17: {  	s4 =	simm.s32 $0x1BF5;
	[smem:$0x3FB4] =	sst s0  }
0x18: {  	s0 =	sld [smem:$0x3F97];
	_ =	swait.ge [sflag:s4], $0x0  }
0x19: {  	s7 =	sld [smem:$0x3F98]  }
0x1a: {  	s8 =	sadd.s32 $0xFFFFE003, lr  }
0x1b: {  	s9 =	sadd.s32 $0xFFFFFEF7, lr;
	s5 =	simm.s32 $0xFFFFFFFF;
	p2 =	slt.u32 s8, $0xFFFFF086  }
0x1c: {  	p1 =	slt.u32 s9, $0xF7A;
	s5 =	simm.s32 @!p2 $0x0  }
0x1d: {  	s5 =	simm.s32 @p1 $0x1;
	p0 =	seq.s32 s7, s2  }
0x1e: {  	s7 =	smul.u32 @!p0 $0xF7A, s2;
	p2 =	seq.s32 @!p0 s5, $0x0  }
0x1f: {  	s9 =	smul.u32 $0xF7A, s1;
	s8 =	simm.s32 @!p0 $0x1BF5;
	p2 =	por !p2, p0  }
0x20: {  	[sflag:s8] =	ssyncset.s32 @!p0 $0xFFFFF086;
	s6 =	sadd.s32 @!p0 s3, s7;
	s7 =	simm.s32 @!p0 $0x108  }
0x21: {  	s3 =	sadd.s32 s3, s9;
	s6 =	sadd.s32 @!p0 $0x88, s6;
	s7 =	simm.s32 @p2 $0x1082  }
0x22: {  	[simem:s7], [sflag:s8] =	dma.local @!p0 [hbm:s6], $0xF7A  }
0x23: {  	s9 =	sor.u32 $0xD0000000, s2;
	s6 =	simm.s32 $0x108;
	_ =	swait.ge @!p0 [sflag:s8], $0x0  }
0x24: {  	s3 =	sadd.s32 $0x88, s3;
	s6 =	simm.s32 @!p1 $0x1082;
	[sflag:s4] =	ssyncset.s32 $0xFFFFF086  }
0x25: {  	[simem:s6], [sflag:s4] =	dma.local [hbm:s3], $0xF7A  }
0x26: {  	[smem:$0x3F98] =	sst s1;
	(tag) =	ssettag s2;
	_ =	strace s9  }
0x27: {  	s1 =	sld [smem:$0x3FA8]  }
0x28: {  	s2 =	sld [smem:$0x3FA9]  }
0x29: {  	s4 =	sld [smem:$0x3FAB]  }
0x2a: {  	p0 =	seq.s32 s5, $0x0;
	s5 =	sld [smem:$0x3FAC]  }
0x2b: {  	s6 =	sld [smem:$0x3FAD]  }
0x2c: {  	s7 =	sld [smem:$0x3FAE]  }
0x2d: {  	s3 =	simm.s32 $0x108;
	s8 =	sld [smem:$0x3FAF]  }
0x2e: {  	s3 =	simm.s32 @!p0 $0x1082;
	s9 =	sld [smem:$0x3FB0]  }
0x2f: {  	lr =	sadd.s32 s0, s3;
	s0 =	sld [smem:$0x3FA7]  }
0x30: {  	s3 =	sld [smem:$0x3FAA]  }
0x31: {  	[smem:$0x3FB3] =	sst s10  }
0x32: {  	s10 =	sld [smem:$0x3FB1];
	_ =	sdelay $0x3  }
0x33: {  	p0 =	seq.s32 s10, $0x1;
	s10 =	sld [smem:$0x3FB3];
	_ =	sdelay $0x3  }
0x34: {  	[smem:$0x3FB3] =	sst s10  }
0x35: {  	s10 =	sld [smem:$0x3FB2];
	_ =	sdelay $0x3  }
0x36: {  	p1 =	seq.s32 s10, $0x1;
	s10 =	sld [smem:$0x3FB3];
	_ =	sdelay $0x3  }
0x37: {  	[smem:$0x3FB3] =	sst s10  }
0x38: {  	s10 =	sld [smem:$0x3FB4]  }
0x39: {  	_ = 	snop;
	(pc) =	sbr.ind lr, $3  }
0x3a: {  	_ = 	snop  }
0x3b: {  	_ = 	snop  }
0x3c: {  	p2 =	seq.s32 s10, $0x1;
	s10 =	sld [smem:$0x3FB3]  }
0x3d: {  	_ =	shalt  }
0x3e: {  	_ =	shalt  }
0x3f: {  	_ =	shalt  }
0x40: {  	_ =	shalt  }
0x41: {  	_ =	shalt  }
0x42: {  	_ =	shalt  }
0x43: {  	_ =	shalt  }
0x44: {  	_ =	shalt  }
0x45: {  	_ =	shalt  }
0x46: {  	_ =	shalt  }
0x47: {  	_ =	shalt  }
0x48: {  	_ =	shalt  }
0x49: {  	_ =	shalt  }
0x4a: {  	_ =	shalt  }
0x4b: {  	_ =	shalt  }
0x4c: {  	_ =	shalt  }
0x4d: {  	_ =	shalt  }
0x4e: {  	_ =	shalt  }
0x4f: {  	_ =	shalt  }
0x50: {  	_ =	shalt  }
0x51: {  	_ =	shalt  }
0x52: {  	_ =	shalt  }
0x53: {  	_ =	shalt  }
0x54: {  	_ =	shalt  }
0x55: {  	_ =	shalt  }
0x56: {  	_ =	shalt  }
0x57: {  	_ =	shalt  }
0x58: {  	_ =	shalt  }
0x59: {  	_ =	shalt  }
0x5a: {  	_ =	shalt  }
0x5b: {  	_ =	shalt  }
0x5c: {  	_ =	shalt  }
0x5d: {  	_ =	shalt  }
0x5e: {  	_ =	shalt  }
0x5f: {  	_ =	shalt  }
0x60: {  	_ =	shalt  }
0x61: {  	_ =	shalt  }
0x62: {  	_ =	shalt  }
0x63: {  	_ =	shalt  }
0x64: {  	_ =	shalt  }
0x65: {  	_ =	shalt  }
0x66: {  	_ =	shalt  }
0x67: {  	_ =	shalt  }
0x68: {  	_ =	shalt  }
0x69: {  	_ =	shalt  }
0x6a: {  	_ =	shalt  }
0x6b: {  	_ =	shalt  }
0x6c: {  	_ =	shalt  }
0x6d: {  	_ =	shalt  }
0x6e: {  	_ =	shalt  }
0x6f: {  	_ =	shalt  }
0x70: {  	_ =	shalt  }
0x71: {  	_ =	shalt  }
0x72: {  	_ =	shalt  }
0x73: {  	_ =	shalt  }
0x74: {  	_ =	shalt  }
0x75: {  	_ =	shalt  }
0x76: {  	_ =	shalt  }
0x77: {  	_ =	shalt  }
0x78: {  	_ =	shalt  }
0x79: {  	_ =	shalt  }
0x7a: {  	_ =	shalt  }
0x7b: {  	_ =	shalt  }
0x7c: {  	_ =	shalt  }
0x7d: {  	_ =	shalt  }
0x7e: {  	_ =	shalt  }
0x7f: {  	_ =	shalt  }
0x80: {  	_ =	shalt  }
0x81: {  	_ =	shalt  }
0x82: {  	_ =	shalt  }
0x83: {  	_ =	shalt  }
0x84: {  	_ =	shalt  }
0x85: {  	_ =	shalt  }
0x86: {  	_ =	shalt  }
0x87: {  	_ =	shalt  }
.Lfunc_end0:
.L_simem_size_0:
called_computation.1_lowered:
.L_overlay_start_0:
0x88: {  	s2 =	sld [smem:$0x3FD9]  }
0x89: {  	s3 =	sld [smem:$0x3FFE];
	_ =	sdelay $0x1  }
0x8a: {  	s1 =	srdreg.scid  }
0x8b: {  	s0 =	sand.u32 $0x1, s1  }
0x8c: {  	s17 =	sshll.u32 s0, $0xA;
	s2 =	sadd.s32 s3, s2  }
0x8d: {  	s2 =	sadd.s32 s2, s17  }
0x8e: {  	[smem:$0x3FBF] =	sst s2  }
0x8f: {  	_ = 	snop  }
0x90: {  	s2 =	sld [smem:$0x3FD0];
	(tm) =	ssettm $0x1  }
0x91: {  	s18 =	sld [smem:$0x3FFB];
	_ =	sdelay $0x3  }
0x92: {  	_ =	strace s18  }
0x93: {  	s3 =	sld [smem:$0x3FFC];
	_ =	sdelay $0x3  }
0x94: {  	_ =	strace s3  }
0x95: {  	s3 =	sld [smem:$0x3FFD];
	_ =	sdelay $0x3  }
0x96: {  	_ =	strace s3  }
0x97: {  	_ =	strace $0x8FFFFFFF  }
0x98: {  	s19 =	sld [smem:$0x3FDB];
	_ =	sdelay $0x1  }
0x99: {  	s4 =	simm.s32 $_scs_section_size  }
0x9a: {  	s5 =	simm.s32 $_size__tile_overlayer_lowered;
	s6 =	simm.s32 $_tile_overlayer_lowered  }
0x9b: {  	s22 =	simm.s32 $0x1BFF;
	s21 =	sshll.u32 s6, $0x1;
	s3 =	sadd.s32 s4, s19  }
0x9c: {  	s7 =	simm.s32 $0x0;
	s20 =	sshll.u32 s5, $0x1;
	s5 =	sadd.s32 s21, s3  }
0x9d: {  	[timem:s7], [sflag:s22] =	dma.local [hbm:s5], s20  }
0x9e: {  	_ =	swait.ge [sflag:s22], s20  }
0x9f: {  	s4 =	ssub.s32 $0x0, s20;
	[sflag:s22] =	ssyncset.done $0x0  }
0xa0: {  	[sflag:s22] =	ssyncadd.s32 s4;
	_ =	sdelay $0x1  }
0xa1: {  	s23 =	simm.s32 $0x1B8B  }
0xa2: {  	_ =	swait.ge [sflag:s23], $0x1  }
0xa3: {  	[sflag:s23] =	ssyncset.done $0x0  }
0xa4: {  	s25 =	simm.s32 $0x1B8E;
	s24 =	sld [smem:$0x3FFE];
	[sflag:s23] =	ssyncadd.s32 $0xFFFFFFFF  }
0xa5: {  	s26 =	simm.s32 $execute0_lowered;
	[smem:$0x3FD2] =	sst s25  }
0xa6: {  	s5 =	sshll.u32 s26, $0x1;
	_ =	strace $0x80000049;
	[dreg:$0x1] =	wrdreg $0xFFFFFFFF  }
0xa7: {  	s28 =	simm.s32 $_size_execute0_lowered;
	s3 =	sadd.s32 s3, s5;
	[dreg:$0x0] =	wrdreg $0x0  }
0xa8: {  	s5 =	sshll.u32 s28, $0x1;
	[dreg:$0x2] =	wrdreg s3  }
0xa9: {  	[dreg:$0x3] =	wrdreg s5  }
0xaa: {  	[dreg:$0x4] =	wrdreg $0xC0  }
0xab: {  	_ =	task [dreg:s7], $0x5FFFF  }
0xac: {  	[dreg:$0x1] =	wrdreg $0xFFFFFFFF  }
0xad: {  	[dreg:$0x0] =	wrdreg $0x60  }
0xae: {  	[dreg:$0x2] =	wrdreg s24  }
0xaf: {  	[dreg:$0x3] =	wrdreg s2  }
0xb0: {  	[dreg:$0x4] =	wrdreg $0x9  }
0xb1: {  	_ =	task.clear_ibuf [dreg:s7], $0x5FFFF;
	_ =	strace $0x90000049  }
0xb2: {  	s29 =	simm.s32 $0x9;
	_ =	strace $0x8000004B  }
0xb3: {  	_ =	swait.ge [sflag:s29], $0x1  }
0xb4: {  	[sflag:s29] =	ssyncadd.s32 $0xFFFFFFFF  }
0xb5: {  	_ =	strace $0x9000004B  }
0xb6: {  	_ =	sfence  }
0xb7: {  	s30 =	sld [smem:$0x0];
	_ =	sdelay $0x2  }
0xb8: {  	s31 =	sshll.u32 s1, $0xD;
	s1 =	sshrl.u32 s1, $0x2  }
0xb9: {  	s3 =	sand.u32 $0x4000, s31;
	s1 =	sadd.s32 s1, s30  }
0xba: {  	s0 =	sor.u32 s3, s0;
	s1 =	sshll.u32 s1, $0x11  }
0xbb: {  	s0 =	sor.u32 s1, s0  }
0xbc: {  	s0 =	sadd.s32 $0x8F2B, s0  }
0xbd: {  	[sflag:s0] =	ssyncadd.remote.s32 $0x1  }
0xbe: {  	_ =	sfence.sel $0xFFFF  }
0xbf: {  	[dreg:$0x0] =	wrdreg $0xFFFFFFFF;
	(pc) =	sbr.abs _section_cstart, $3  }
0xc0: {  	[dreg:$0x1] =	wrdreg $0xFFFFFFFF  }
0xc1: {  	_ =	task.clear_ibuf [dreg:s7], $0x2FFFF;
	_ =	strace $0x9FFFFFFF  }
0xc2: {  	(tm) =	ssettm $0x7FFFFFFF  }
0xc3: {  	_ =	shalt  }
tec
execute0_lowered:
.L_overlay_start_1:
0x0: {  	(tag) =	ssettag $0x1  }
0x1: {  	s0 =	rddreg [dreg:$0x0]  }
0x2: {  	s2 =	rddreg [dreg:$0x1];
	s1 =	simm.s32 $0x0;
	s4 =	srdreg.scid  }
0x3: {  	s6 =	stileid.u32;
	s19 =	simm.s32 $0x200;
	s28 =	simm.s32 $0x16A00  }
0x4: {  	s29 =	simm.s32 $0x17200;
	s30 =	simm.s32 $0x17A00;
	s31 =	simm.s32 $0x1  }
0x5: {  	[smem:$0x7FF] =	sst s1;
	s3 =	sadd.s32 $0xE3000, s0;
	s11 =	sadd.s32 $0x10800, s0  }
0x6: {  	s4 =	sand.u32 $0x1, s4;
	s6 =	sshll.u32 s6, $0x7;
	s13 =	sadd.s32 $0x800, s0  }
0x7: {  	s8 =	sadd.s32 $0xE3100, s0;
	s5 =	ssub.s32 $0x2, s4;
	s4 =	sshll.u32 s4, $0x6  }
0x8: {  	s9 =	sadd.s32 $0xE3200, s0;
	s7 =	sshrl.u32 s5, $0x1;
	s10 =	sor.u32 s4, s6  }
0x9: {  	_ =	strace $0x8000004A;
	s16 =	ssub.s32 s5, s7;
	s12 =	sshrl.u32 s10, $0x3  }
0xa: {  	s22 =	sor.u32 $0x800, s10;
	s6 =	sshll.u32 s10, $0x4;
	s14 =	sor.u32 $0x20, s10  }
0xb: {  	s15 =	sor.u32 $0x820, s10;
	s4 =	sadd.s32 s11, s12;
	s23 =	sshrl.u32 s22, $0x3  }
0xc: {  	s6 =	sadd.s32 s13, s6;
	s7 =	sshll.u32 s22, $0x4;
	s24 =	sshrl.u32 s14, $0x3  }
0xd: {  	s17 =	sshrl.u32 s15, $0x3;
	s18 =	smul.u32 $0x300, s12;
	s25 =	sshll.u32 s14, $0x4  }
0xe: {  	s26 =	sshll.u32 s15, $0x4;
	s16 =	smax.u32 s16, $0x1;
	s5 =	sadd.s32 s11, s23  }
0xf: {  	s7 =	sadd.s32 s13, s7;
	s10 =	sadd.s32 s11, s24;
	s0 =	smul.u32 $0x300, s24  }
0x10: {  	v2 =	vlaneseq.u32;
	s11 =	sadd.s32 s11, s17;
	s12 =	sadd.s32 s13, s25;
	s13 =	sadd.s32 s13, s26  }
0x11: {  	vm0 =	vmmov $0xffff;
	v1 =	vshrl.u32 v2, $0x3;
	s17 =	simm.s32 $0x3;
	s14 =	sadd.s32 s2, s18;
	s18 =	simm.s32 $0x6200  }
0x12: {  	v0 =	vand.u32 $0x7, v2;
	v2 =	vor.u32 $0x8, v2;
	v1 =	vmul.u32 $0x8, v1;
	s15 =	sadd.s32 s2, s0;
	s0 =	simm.s32 $0x2;
	s2 =	simm.s32 $0x0  }
.LBB2_1:
0x13: {  	[tilespmem:s1], [sflag:$0x3] =	stream.linear.gather [hbm4b:s4+s1], $0x20, $0x38;
	[tilespmem:$0x1C200] =	vst v63  }
0x14: {  	_ =	swait.ge [sflag:s17], $0x20  }
0x15: {  	[sflag:s17] =	ssyncset.done $0x0  }
0x16: {  	s20 =	simm.s32 $0x100;
	[sflag:s17] =	ssyncadd.s32 $0xFFFFFFE0  }
0x17: {  	[tilespmem:s20], [sflag:$0x3] =	stream.linear.gather [hbm4b:s5+s1], $0x20, $0x38;
	[tilespmem:$0x1C200] =	vst v63  }
0x18: {  	_ =	swait.ge [sflag:s17], $0x20  }
0x19: {  	[sflag:s17] =	ssyncset.done $0x0  }
0x1a: {  	s20 =	simm.s32 $0x18200;
	[sflag:s17] =	ssyncadd.s32 $0xFFFFFFE0  }
0x1b: {  	[tilespmem:s20], [sflag:$0x3] =	stream.linear.gather [hbm4b:s6+s1], $0x1000, $0x38;
	[tilespmem:$0x1C200] =	vst v63  }
0x1c: {  	_ =	swait.ge [sflag:s17], $0x1000  }
0x1d: {  	[sflag:s17] =	ssyncset.done $0x0  }
0x1e: {  	s21 =	simm.s32 $0x1A200;
	[sflag:s17] =	ssyncadd.s32 $0xFFFFF000  }
0x1f: {  	[tilespmem:s21], [sflag:$0x3] =	stream.linear.gather [hbm4b:s7+s1], $0x1000, $0x38;
	[tilespmem:$0x1C200] =	vst v63  }
0x20: {  	_ =	swait.ge [sflag:s17], $0x1000  }
0x21: {  	[sflag:s17] =	ssyncset.done $0x0  }
0x22: {  	[sflag:s17] =	ssyncadd.s32 $0xFFFFF000  }
0x23: {  	v3 =	vld [tilespmem:$0x0];
	_ =	sdelay $0x4  }
0x24: {  	v4 =	vshrl.u32 v3, $0x3  }
0x25: {  	v4 =	vmul.u32 $0x30, v4  }
0x26: {  	v3 =	vand.u32 $0x7, v3  }
0x27: {  	v3 =	vor.u32 v3, v4  }
0x28: {  	v4 =	vperm.xlane v3, v0;
	_ =	sdelay $0x1  }
0x29: {  	v4 =	vadd.s32 v1, v4;
	_ =	sdelay $0x3  }
0x2a: {  	v3 =	vperm.xlane v3, v2  }
0x2b: {  	[tilespmem:s19], [sflag:$0x1] =	stream.indirect_vreg.gather [hbm4b:s3+s1], $0x80, v4, vm0, $0xb8;
	[tilespmem:$0x1C200] =	vst v63  }
0x2c: {  	s22 =	simm.s32 $0xA00;
	v3 =	vadd.s32 v1, v3  }
0x2d: {  	[tilespmem:s22], [sflag:$0x1] =	stream.indirect_vreg.gather [hbm4b:s8+s1], $0x80, v4, vm0, $0xb8;
	[tilespmem:$0x1C200] =	vst v63  }
0x2e: {  	s23 =	simm.s32 $0x1200  }
0x2f: {  	[tilespmem:s23], [sflag:$0x1] =	stream.indirect_vreg.gather [hbm4b:s9+s1], $0x80, v4, vm0, $0xb8;
	[tilespmem:$0x1C200] =	vst v63  }
0x30: {  	s24 =	simm.s32 $0x1A00  }
0x31: {  	[tilespmem:s24], [sflag:$0x1] =	stream.indirect_vreg.gather [hbm4b:s3+s1], $0x80, v3, vm0, $0xb8;
	[tilespmem:$0x1C200] =	vst v63  }
0x32: {  	s25 =	simm.s32 $0x2200  }
0x33: {  	[tilespmem:s25], [sflag:$0x1] =	stream.indirect_vreg.gather [hbm4b:s8+s1], $0x80, v3, vm0, $0xb8;
	[tilespmem:$0x1C200] =	vst v63  }
0x34: {  	s26 =	simm.s32 $0x2A00  }
0x35: {  	[tilespmem:s26], [sflag:$0x1] =	stream.indirect_vreg.gather [hbm4b:s9+s1], $0x80, v3, vm0, $0xb8;
	[tilespmem:$0x1C200] =	vst v63  }
0x36: {  	v3 =	vld [tilespmem:$0x10];
	_ =	sdelay $0x4  }
0x37: {  	v4 =	vshrl.u32 v3, $0x3  }
0x38: {  	v4 =	vmul.u32 $0x30, v4  }
0x39: {  	v3 =	vand.u32 $0x7, v3  }
0x3a: {  	v3 =	vor.u32 v3, v4  }
0x3b: {  	v4 =	vperm.xlane v3, v0;
	_ =	sdelay $0x1  }
0x3c: {  	v4 =	vadd.s32 v1, v4;
	_ =	sdelay $0x3  }
0x3d: {  	s23 =	simm.s32 $0x3200;
	v3 =	vperm.xlane v3, v2  }
0x3e: {  	[tilespmem:s23], [sflag:$0x1] =	stream.indirect_vreg.gather [hbm4b:s3+s1], $0x80, v4, vm0, $0xb8;
	[tilespmem:$0x1C200] =	vst v63  }
0x3f: {  	s24 =	simm.s32 $0x3A00;
	v3 =	vadd.s32 v1, v3  }
0x40: {  	[tilespmem:s24], [sflag:$0x1] =	stream.indirect_vreg.gather [hbm4b:s8+s1], $0x80, v4, vm0, $0xb8;
	[tilespmem:$0x1C200] =	vst v63  }
0x41: {  	s25 =	simm.s32 $0x4200  }
0x42: {  	[tilespmem:s25], [sflag:$0x1] =	stream.indirect_vreg.gather [hbm4b:s9+s1], $0x80, v4, vm0, $0xb8;
	[tilespmem:$0x1C200] =	vst v63  }
0x43: {  	s26 =	simm.s32 $0x4A00  }
0x44: {  	[tilespmem:s26], [sflag:$0x1] =	stream.indirect_vreg.gather [hbm4b:s3+s1], $0x80, v3, vm0, $0xb8;
	[tilespmem:$0x1C200] =	vst v63  }
0x45: {  	s23 =	simm.s32 $0x5200  }
0x46: {  	[tilespmem:s23], [sflag:$0x1] =	stream.indirect_vreg.gather [hbm4b:s8+s1], $0x80, v3, vm0, $0xb8;
	[tilespmem:$0x1C200] =	vst v63  }
0x47: {  	s24 =	simm.s32 $0x5A00  }
0x48: {  	[tilespmem:s24], [sflag:$0x1] =	stream.indirect_vreg.gather [hbm4b:s9+s1], $0x80, v3, vm0, $0xb8;
	[tilespmem:$0x1C200] =	vst v63  }
0x49: {  	v3 =	vld [tilespmem:$0x100];
	_ =	sdelay $0x4  }
0x4a: {  	v4 =	vshrl.u32 v3, $0x3  }
0x4b: {  	v4 =	vmul.u32 $0x30, v4  }
0x4c: {  	v3 =	vand.u32 $0x7, v3  }
0x4d: {  	v3 =	vor.u32 v3, v4  }
0x4e: {  	v4 =	vperm.xlane v3, v0;
	_ =	sdelay $0x1  }
0x4f: {  	v4 =	vadd.s32 v1, v4;
	_ =	sdelay $0x3  }
0x50: {  	s25 =	simm.s32 $0xC200;
	v3 =	vperm.xlane v3, v2  }
0x51: {  	[tilespmem:s25], [sflag:$0x1] =	stream.indirect_vreg.gather [hbm4b:s3+s1], $0x80, v4, vm0, $0xb8;
	[tilespmem:$0x1C200] =	vst v63  }
0x52: {  	s26 =	simm.s32 $0xCA00;
	v3 =	vadd.s32 v1, v3  }
0x53: {  	[tilespmem:s26], [sflag:$0x1] =	stream.indirect_vreg.gather [hbm4b:s8+s1], $0x80, v4, vm0, $0xb8;
	[tilespmem:$0x1C200] =	vst v63  }
0x54: {  	s23 =	simm.s32 $0xD200  }
0x55: {  	[tilespmem:s23], [sflag:$0x1] =	stream.indirect_vreg.gather [hbm4b:s9+s1], $0x80, v4, vm0, $0xb8;
	[tilespmem:$0x1C200] =	vst v63  }
0x56: {  	s24 =	simm.s32 $0xDA00  }
0x57: {  	[tilespmem:s24], [sflag:$0x1] =	stream.indirect_vreg.gather [hbm4b:s3+s1], $0x80, v3, vm0, $0xb8;
	[tilespmem:$0x1C200] =	vst v63  }
0x58: {  	s25 =	simm.s32 $0xE200  }
0x59: {  	[tilespmem:s25], [sflag:$0x1] =	stream.indirect_vreg.gather [hbm4b:s8+s1], $0x80, v3, vm0, $0xb8;
	[tilespmem:$0x1C200] =	vst v63  }
0x5a: {  	s26 =	simm.s32 $0xEA00  }
0x5b: {  	[tilespmem:s26], [sflag:$0x1] =	stream.indirect_vreg.gather [hbm4b:s9+s1], $0x80, v3, vm0, $0xb8;
	[tilespmem:$0x1C200] =	vst v63  }
0x5c: {  	v3 =	vld [tilespmem:$0x110];
	_ =	sdelay $0x4  }
0x5d: {  	v4 =	vshrl.u32 v3, $0x3  }
0x5e: {  	v4 =	vmul.u32 $0x30, v4  }
0x5f: {  	v3 =	vand.u32 $0x7, v3  }
0x60: {  	v3 =	vor.u32 v3, v4  }
0x61: {  	v4 =	vperm.xlane v3, v0;
	_ =	sdelay $0x1  }
0x62: {  	v4 =	vadd.s32 v1, v4;
	_ =	sdelay $0x3  }
0x63: {  	s23 =	simm.s32 $0xF200;
	v3 =	vperm.xlane v3, v2  }
0x64: {  	[tilespmem:s23], [sflag:$0x1] =	stream.indirect_vreg.gather [hbm4b:s3+s1], $0x80, v4, vm0, $0xb8;
	[tilespmem:$0x1C200] =	vst v63  }
0x65: {  	s24 =	simm.s32 $0xFA00;
	v3 =	vadd.s32 v1, v3  }
0x66: {  	[tilespmem:s24], [sflag:$0x1] =	stream.indirect_vreg.gather [hbm4b:s8+s1], $0x80, v4, vm0, $0xb8;
	[tilespmem:$0x1C200] =	vst v63  }
0x67: {  	s25 =	simm.s32 $0x10200  }
0x68: {  	[tilespmem:s25], [sflag:$0x1] =	stream.indirect_vreg.gather [hbm4b:s9+s1], $0x80, v4, vm0, $0xb8;
	[tilespmem:$0x1C200] =	vst v63  }
0x69: {  	s26 =	simm.s32 $0x10A00  }
0x6a: {  	[tilespmem:s26], [sflag:$0x1] =	stream.indirect_vreg.gather [hbm4b:s3+s1], $0x80, v3, vm0, $0xb8;
	[tilespmem:$0x1C200] =	vst v63  }
0x6b: {  	s23 =	simm.s32 $0x11200  }
0x6c: {  	[tilespmem:s23], [sflag:$0x1] =	stream.indirect_vreg.gather [hbm4b:s8+s1], $0x80, v3, vm0, $0xb8;
	[tilespmem:$0x1C200] =	vst v63  }
0x6d: {  	s24 =	simm.s32 $0x11A00  }
0x6e: {  	[tilespmem:s24], [sflag:$0x1] =	stream.indirect_vreg.gather [hbm4b:s9+s1], $0x80, v3, vm0, $0xb8;
	[tilespmem:$0x1C200] =	vst v63  }
0x6f: {  	s25 =	simm.s32 $0x80  }
0x70: {  	[tilespmem:s25], [sflag:$0x3] =	stream.linear.gather [hbm4b:s10+s1], $0x20, $0x38;
	[tilespmem:$0x1C200] =	vst v63  }
0x71: {  	_ =	swait.ge [sflag:s17], $0x20  }
0x72: {  	[sflag:s17] =	ssyncset.done $0x0  }
0x73: {  	s26 =	simm.s32 $0x180;
	[sflag:s17] =	ssyncadd.s32 $0xFFFFFFE0  }
0x74: {  	[tilespmem:s26], [sflag:$0x3] =	stream.linear.gather [hbm4b:s11+s1], $0x20, $0x38;
	[tilespmem:$0x1C200] =	vst v63  }
0x75: {  	_ =	swait.ge [sflag:s17], $0x20  }
0x76: {  	[sflag:s17] =	ssyncset.done $0x0  }
0x77: {  	s23 =	simm.s32 $0x19200;
	[sflag:s17] =	ssyncadd.s32 $0xFFFFFFE0  }
0x78: {  	[tilespmem:s23], [sflag:$0x3] =	stream.linear.gather [hbm4b:s12+s1], $0x1000, $0x38;
	[tilespmem:$0x1C200] =	vst v63  }
0x79: {  	_ =	swait.ge [sflag:s17], $0x1000  }
0x7a: {  	[sflag:s17] =	ssyncset.done $0x0  }
0x7b: {  	s24 =	simm.s32 $0x1B200;
	[sflag:s17] =	ssyncadd.s32 $0xFFFFF000  }
0x7c: {  	[tilespmem:s24], [sflag:$0x3] =	stream.linear.gather [hbm4b:s13+s1], $0x1000, $0x38;
	[tilespmem:$0x1C200] =	vst v63  }
0x7d: {  	_ =	swait.ge [sflag:s17], $0x1000  }
0x7e: {  	[sflag:s17] =	ssyncset.done $0x0  }
0x7f: {  	[sflag:s17] =	ssyncadd.s32 $0xFFFFF000  }
0x80: {  	v3 =	vld [tilespmem:$0x80];
	_ =	sdelay $0x4  }
0x81: {  	v4 =	vshrl.u32 v3, $0x3  }
0x82: {  	v4 =	vmul.u32 $0x30, v4  }
0x83: {  	v3 =	vand.u32 $0x7, v3  }
0x84: {  	v3 =	vor.u32 v3, v4  }
0x85: {  	v4 =	vperm.xlane v3, v0;
	_ =	sdelay $0x1  }
0x86: {  	v4 =	vadd.s32 v1, v4;
	_ =	sdelay $0x3  }
0x87: {  	v3 =	vperm.xlane v3, v2  }
0x88: {  	[tilespmem:s18], [sflag:$0x1] =	stream.indirect_vreg.gather [hbm4b:s3+s1], $0x80, v4, vm0, $0xb8;
	[tilespmem:$0x1C200] =	vst v63  }
0x89: {  	s25 =	simm.s32 $0x6A00;
	v3 =	vadd.s32 v1, v3  }
0x8a: {  	[tilespmem:s25], [sflag:$0x1] =	stream.indirect_vreg.gather [hbm4b:s8+s1], $0x80, v4, vm0, $0xb8;
	[tilespmem:$0x1C200] =	vst v63  }
0x8b: {  	s26 =	simm.s32 $0x7200  }
0x8c: {  	[tilespmem:s26], [sflag:$0x1] =	stream.indirect_vreg.gather [hbm4b:s9+s1], $0x80, v4, vm0, $0xb8;
	[tilespmem:$0x1C200] =	vst v63  }
0x8d: {  	s23 =	simm.s32 $0x7A00  }
0x8e: {  	[tilespmem:s23], [sflag:$0x1] =	stream.indirect_vreg.gather [hbm4b:s3+s1], $0x80, v3, vm0, $0xb8;
	[tilespmem:$0x1C200] =	vst v63  }
0x8f: {  	s24 =	simm.s32 $0x8200  }
0x90: {  	[tilespmem:s24], [sflag:$0x1] =	stream.indirect_vreg.gather [hbm4b:s8+s1], $0x80, v3, vm0, $0xb8;
	[tilespmem:$0x1C200] =	vst v63  }
0x91: {  	s25 =	simm.s32 $0x8A00  }
0x92: {  	[tilespmem:s25], [sflag:$0x1] =	stream.indirect_vreg.gather [hbm4b:s9+s1], $0x80, v3, vm0, $0xb8;
	[tilespmem:$0x1C200] =	vst v63  }
0x93: {  	v3 =	vld [tilespmem:$0x90];
	_ =	sdelay $0x4  }
0x94: {  	v4 =	vshrl.u32 v3, $0x3  }
0x95: {  	v4 =	vmul.u32 $0x30, v4  }
0x96: {  	v3 =	vand.u32 $0x7, v3  }
0x97: {  	v3 =	vor.u32 v3, v4  }
0x98: {  	v4 =	vperm.xlane v3, v0;
	_ =	sdelay $0x1  }
0x99: {  	v4 =	vadd.s32 v1, v4;
	_ =	sdelay $0x3  }
0x9a: {  	s26 =	simm.s32 $0x9200;
	v3 =	vperm.xlane v3, v2  }
0x9b: {  	[tilespmem:s26], [sflag:$0x1] =	stream.indirect_vreg.gather [hbm4b:s3+s1], $0x80, v4, vm0, $0xb8;
	[tilespmem:$0x1C200] =	vst v63  }
0x9c: {  	s23 =	simm.s32 $0x9A00;
	v3 =	vadd.s32 v1, v3  }
0x9d: {  	[tilespmem:s23], [sflag:$0x1] =	stream.indirect_vreg.gather [hbm4b:s8+s1], $0x80, v4, vm0, $0xb8;
	[tilespmem:$0x1C200] =	vst v63  }
0x9e: {  	s24 =	simm.s32 $0xA200  }
0x9f: {  	[tilespmem:s24], [sflag:$0x1] =	stream.indirect_vreg.gather [hbm4b:s9+s1], $0x80, v4, vm0, $0xb8;
	[tilespmem:$0x1C200] =	vst v63  }
0xa0: {  	s25 =	simm.s32 $0xAA00  }
0xa1: {  	[tilespmem:s25], [sflag:$0x1] =	stream.indirect_vreg.gather [hbm4b:s3+s1], $0x80, v3, vm0, $0xb8;
	[tilespmem:$0x1C200] =	vst v63  }
0xa2: {  	s26 =	simm.s32 $0xB200  }
0xa3: {  	[tilespmem:s26], [sflag:$0x1] =	stream.indirect_vreg.gather [hbm4b:s8+s1], $0x80, v3, vm0, $0xb8;
	[tilespmem:$0x1C200] =	vst v63  }
0xa4: {  	s23 =	simm.s32 $0xBA00  }
0xa5: {  	[tilespmem:s23], [sflag:$0x1] =	stream.indirect_vreg.gather [hbm4b:s9+s1], $0x80, v3, vm0, $0xb8;
	[tilespmem:$0x1C200] =	vst v63  }
0xa6: {  	v3 =	vld [tilespmem:$0x180];
	_ =	sdelay $0x4  }
0xa7: {  	v4 =	vshrl.u32 v3, $0x3  }
0xa8: {  	v4 =	vmul.u32 $0x30, v4  }
0xa9: {  	v3 =	vand.u32 $0x7, v3  }
0xaa: {  	v3 =	vor.u32 v3, v4  }
0xab: {  	v4 =	vperm.xlane v3, v0;
	_ =	sdelay $0x1  }
0xac: {  	v4 =	vadd.s32 v1, v4;
	_ =	sdelay $0x3  }
0xad: {  	s24 =	simm.s32 $0x12200;
	v3 =	vperm.xlane v3, v2  }
0xae: {  	[tilespmem:s24], [sflag:$0x1] =	stream.indirect_vreg.gather [hbm4b:s3+s1], $0x80, v4, vm0, $0xb8;
	[tilespmem:$0x1C200] =	vst v63  }
0xaf: {  	s25 =	simm.s32 $0x12A00;
	v3 =	vadd.s32 v1, v3  }
0xb0: {  	[tilespmem:s25], [sflag:$0x1] =	stream.indirect_vreg.gather [hbm4b:s8+s1], $0x80, v4, vm0, $0xb8;
	[tilespmem:$0x1C200] =	vst v63  }
0xb1: {  	s26 =	simm.s32 $0x13200  }
0xb2: {  	[tilespmem:s26], [sflag:$0x1] =	stream.indirect_vreg.gather [hbm4b:s9+s1], $0x80, v4, vm0, $0xb8;
	[tilespmem:$0x1C200] =	vst v63  }
0xb3: {  	s23 =	simm.s32 $0x13A00  }
0xb4: {  	[tilespmem:s23], [sflag:$0x1] =	stream.indirect_vreg.gather [hbm4b:s3+s1], $0x80, v3, vm0, $0xb8;
	[tilespmem:$0x1C200] =	vst v63  }
0xb5: {  	s24 =	simm.s32 $0x14200  }
0xb6: {  	[tilespmem:s24], [sflag:$0x1] =	stream.indirect_vreg.gather [hbm4b:s8+s1], $0x80, v3, vm0, $0xb8;
	[tilespmem:$0x1C200] =	vst v63  }
0xb7: {  	s25 =	simm.s32 $0x14A00  }
0xb8: {  	[tilespmem:s25], [sflag:$0x1] =	stream.indirect_vreg.gather [hbm4b:s9+s1], $0x80, v3, vm0, $0xb8;
	[tilespmem:$0x1C200] =	vst v63  }
0xb9: {  	v3 =	vld [tilespmem:$0x190];
	_ =	sdelay $0x4  }
0xba: {  	v4 =	vshrl.u32 v3, $0x3  }
0xbb: {  	v4 =	vmul.u32 $0x30, v4  }
0xbc: {  	v3 =	vand.u32 $0x7, v3  }
0xbd: {  	v3 =	vor.u32 v3, v4  }
0xbe: {  	v4 =	vperm.xlane v3, v0;
	_ =	sdelay $0x1  }
0xbf: {  	v4 =	vadd.s32 v1, v4;
	_ =	sdelay $0x3  }
0xc0: {  	s26 =	simm.s32 $0x15200;
	v3 =	vperm.xlane v3, v2  }
0xc1: {  	[tilespmem:s26], [sflag:$0x1] =	stream.indirect_vreg.gather [hbm4b:s3+s1], $0x80, v4, vm0, $0xb8;
	[tilespmem:$0x1C200] =	vst v63  }
0xc2: {  	s23 =	simm.s32 $0x15A00;
	v3 =	vadd.s32 v1, v3  }
0xc3: {  	[tilespmem:s23], [sflag:$0x1] =	stream.indirect_vreg.gather [hbm4b:s8+s1], $0x80, v4, vm0, $0xb8;
	[tilespmem:$0x1C200] =	vst v63  }
0xc4: {  	s24 =	simm.s32 $0x16200  }
0xc5: {  	[tilespmem:s24], [sflag:$0x1] =	stream.indirect_vreg.gather [hbm4b:s9+s1], $0x80, v4, vm0, $0xb8;
	[tilespmem:$0x1C200] =	vst v63  }
0xc6: {  	_ = 	snop  }
0xc7: {  	[tilespmem:s28], [sflag:$0x1] =	stream.indirect_vreg.gather [hbm4b:s3+s1], $0x80, v3, vm0, $0xb8;
	[tilespmem:$0x1C200] =	vst v63  }
0xc8: {  	_ = 	snop  }
0xc9: {  	[tilespmem:s29], [sflag:$0x1] =	stream.indirect_vreg.gather [hbm4b:s8+s1], $0x80, v3, vm0, $0xb8;
	[tilespmem:$0x1C200] =	vst v63  }
0xca: {  	_ = 	snop  }
0xcb: {  	[tilespmem:s30], [sflag:$0x1] =	stream.indirect_vreg.gather [hbm4b:s9+s1], $0x80, v3, vm0, $0xb8;
	[tilespmem:$0x1C200] =	vst v63  }
0xcc: {  	_ =	swait.ge [sflag:s31], $0x6000  }
0xcd: {  	[sflag:s31] =	ssyncset.done $0x0  }
0xce: {  	s25 =	simm.s32 $0x0;
	[sflag:s31] =	ssyncadd.s32 $0xFFFFA000  }
0xcf: {  	s22 =	smul.u32 $0x1800, s25;
	_ =	swait.ge [sflag:s31], $0x6000  }
0xd0: {  	s23 =	sand.u32 $0x380, s1;
	[sflag:s31] =	ssyncset.done $0x0  }
0xd1: {  	s24 =	sor.u32 s23, s22;
	[sflag:s31] =	ssyncadd.s32 $0xFFFFA000  }
0xd2: {  	v4 =	vld [tilespmem:s24+$0x210]  }
0xd3: {  	v3 =	vld [tilespmem:s24+$0xC210]  }
0xd4: {  	v6 =	vld [tilespmem:s24+$0x220]  }
0xd5: {  	v5 =	vld [tilespmem:s24+$0xC220]  }
0xd6: {  	v10 =	vld [tilespmem:s24+$0x230]  }
0xd7: {  	v9 =	vld [tilespmem:s24+$0xC230]  }
0xd8: {  	v12 =	vld [tilespmem:s24+$0x240]  }
0xd9: {  	v11 =	vld [tilespmem:s24+$0xC240]  }
0xda: {  	v13 =	vld [tilespmem:s24+$0x260]  }
0xdb: {  	v14 =	vld [tilespmem:s24+$0x270]  }
0xdc: {  	v15 =	vld [tilespmem:s24+$0x600]  }
0xdd: {  	v16 =	vld [tilespmem:s24+$0x610]  }
0xde: {  	v17 =	vld [tilespmem:s24+$0x620]  }
0xdf: {  	v18 =	vld [tilespmem:s24+$0x630]  }
0xe0: {  	v19 =	vld [tilespmem:s24+$0x640]  }
0xe1: {  	v20 =	vld [tilespmem:s24+$0x650]  }
0xe2: {  	v21 =	vld [tilespmem:s24+$0x660]  }
0xe3: {  	v22 =	vld [tilespmem:s24+$0x670]  }
0xe4: {  	v23 =	vld [tilespmem:s24+$0xA00]  }
0xe5: {  	v24 =	vld [tilespmem:s24+$0xA10]  }
0xe6: {  	v25 =	vld [tilespmem:s24+$0xA20]  }
0xe7: {  	v26 =	vld [tilespmem:s24+$0xA30]  }
0xe8: {  	v27 =	vld [tilespmem:s24+$0xA40]  }
0xe9: {  	v28 =	vld [tilespmem:s24+$0xA50]  }
0xea: {  	v29 =	vld [tilespmem:s24+$0xA60]  }
0xeb: {  	v30 =	vld [tilespmem:s24+$0xA70]  }
0xec: {  	v31 =	vld [tilespmem:s24+$0xE00]  }
0xed: {  	v32 =	vld [tilespmem:s24+$0xE10]  }
0xee: {  	v33 =	vld [tilespmem:s24+$0xE20]  }
0xef: {  	v34 =	vld [tilespmem:s24+$0xE30]  }
0xf0: {  	v35 =	vld [tilespmem:s24+$0xE40]  }
0xf1: {  	v36 =	vld [tilespmem:s24+$0xE50]  }
0xf2: {  	v37 =	vld [tilespmem:s24+$0xE60]  }
0xf3: {  	v38 =	vld [tilespmem:s24+$0xE70]  }
0xf4: {  	v39 =	vld [tilespmem:s24+$0x1200]  }
0xf5: {  	v40 =	vld [tilespmem:s24+$0x1210]  }
0xf6: {  	v41 =	vld [tilespmem:s24+$0x1220]  }
0xf7: {  	v42 =	vld [tilespmem:s24+$0x1230]  }
0xf8: {  	v43 =	vld [tilespmem:s24+$0x1240]  }
0xf9: {  	v44 =	vld [tilespmem:s24+$0x1250]  }
0xfa: {  	v45 =	vld [tilespmem:s24+$0x1260]  }
0xfb: {  	v46 =	vld [tilespmem:s24+$0x1600]  }
0xfc: {  	v47 =	vld [tilespmem:s24+$0x1610]  }
0xfd: {  	v48 =	vld [tilespmem:s24+$0xD610]  }
0xfe: {  	v49 =	vld [tilespmem:s24+$0xD630]  }
0xff: {  	v50 =	vld [tilespmem:s24+$0x1630]  }
0x100: {  	v51 =	vld [tilespmem:s24+$0x1620]  }
0x101: {  	v7 =	vld [tilespmem:s20+$0x0]  }
0x102: {  	v8 =	vld [tilespmem:s21+$0x0]  }
0x103: {  	v52 =	vld [tilespmem:s24+$0xD620]  }
0x104: {  	v53 =	vld [tilespmem:s24+$0xD600]  }
0x105: {  	v54 =	vld [tilespmem:s24+$0x1270]  }
0x106: {  	v55 =	vld [tilespmem:s24+$0xD270];
	v50 =	vmul.f32 v50, v7  }
0x107: {  	v56 =	vld [tilespmem:s24+$0xD260];
	v49 =	vmul.f32 v49, v8;
	v51 =	vmul.f32 v51, v7  }
0x108: {  	v57 =	vld [tilespmem:s24+$0xD250];
	v52 =	vmul.f32 v52, v8;
	v47 =	vmul.f32 v47, v7  }
0x109: {  	v61 =	vld [tilespmem:s24+$0xD200];
	v48 =	vmul.f32 v48, v8;
	v46 =	vmul.f32 v46, v7  }
0x10a: {  	v58 =	vld [tilespmem:s24+$0xD240];
	v62 =	vmul.f32 v53, v8;
	v63 =	vmul.f32 v54, v7;
	v49 =	vadd.f32 v49, v50  }
0x10b: {  	v53 =	vld [tilespmem:s24+$0xD230];
	v59 =	vmul.f32 v55, v8;
	v45 =	vmul.f32 v45, v7;
	v51 =	vadd.f32 v52, v51  }
0x10c: {  	v60 =	vmul.f32 v56, v8;
	v44 =	vmul.f32 v44, v7;
	v56 =	vld [tilespmem:s24+$0xCE60];
	v47 =	vadd.f32 v48, v47;
	[tilespmem:s24+$0x1630] =	vst v49  }
0x10d: {  	v43 =	vmul.f32 v43, v7;
	v39 =	vmul.f32 v39, v7;
	v55 =	vld [tilespmem:s24+$0xCA70];
	v46 =	vadd.f32 v62, v46;
	[tilespmem:s24+$0x1620] =	vst v51  }
0x10e: {  	v61 =	vmul.f32 v61, v8;
	v12 =	vmul.f32 v12, v7;
	v48 =	vld [tilespmem:s24+$0xD220];
	v52 =	vadd.f32 v59, v63;
	[tilespmem:s24+$0x1610] =	vst v47  }
0x10f: {  	v11 =	vmul.f32 v11, v8;
	v63 =	vmul.f32 v58, v8;
	v45 =	vadd.f32 v60, v45;
	v58 =	vld [tilespmem:s24+$0xCE50];
	[tilespmem:s24+$0x1600] =	vst v46  }
0x110: {  	v42 =	vmul.f32 v42, v7;
	v62 =	vmul.f32 v57, v8;
	v59 =	vld [tilespmem:s24+$0xCE40];
	v39 =	vadd.f32 v61, v39;
	[tilespmem:s24+$0x1270] =	vst v52  }
0x111: {  	v41 =	vmul.f32 v41, v7;
	v40 =	vmul.f32 v40, v7;
	v60 =	vld [tilespmem:s24+$0xCE30];
	v11 =	vadd.f32 v11, v12;
	[tilespmem:s24+$0x1260] =	vst v45  }
0x112: {  	v38 =	vmul.f32 v38, v7;
	v61 =	vld [tilespmem:s24+$0xCA10];
	v44 =	vadd.f32 v62, v44;
	[tilespmem:s24+$0x1200] =	vst v39;
	v57 =	vmul.f32 v53, v8  }
0x113: {  	v37 =	vmul.f32 v37, v7;
	v49 =	vld [tilespmem:s24+$0xD210];
	v43 =	vadd.f32 v63, v43;
	[tilespmem:s24+$0x240] =	vst v11;
	v46 =	vmul.f32 v56, v8  }
0x114: {  	v36 =	vmul.f32 v36, v7;
	v47 =	vld [tilespmem:s24+$0xCE70];
	[tilespmem:s24+$0x1250] =	vst v44;
	v48 =	vmul.f32 v48, v8;
	v42 =	vadd.f32 v57, v42  }
0x115: {  	v35 =	vmul.f32 v35, v7;
	v62 =	vld [tilespmem:s24+$0xCE20];
	[tilespmem:s24+$0x1240] =	vst v43;
	v54 =	vmul.f32 v58, v8;
	v37 =	vadd.f32 v46, v37  }
0x116: {  	v34 =	vmul.f32 v34, v7;
	v63 =	vld [tilespmem:s24+$0xCE10];
	v45 =	vmul.f32 v59, v8;
	v41 =	vadd.f32 v48, v41;
	[tilespmem:s24+$0x1230] =	vst v42  }
0x117: {  	v33 =	vmul.f32 v33, v7;
	v56 =	vld [tilespmem:s24+$0xCA60];
	v44 =	vmul.f32 v60, v8;
	v36 =	vadd.f32 v54, v36;
	[tilespmem:s24+$0xE60] =	vst v37  }
0x118: {  	v32 =	vmul.f32 v32, v7;
	v53 =	vld [tilespmem:s24+$0xCE00];
	v49 =	vmul.f32 v49, v8;
	v35 =	vadd.f32 v45, v35;
	[tilespmem:s24+$0x1220] =	vst v41  }
0x119: {  	v6 =	vmul.f32 v6, v7;
	v12 =	vld [tilespmem:s24+$0x1660];
	v47 =	vmul.f32 v47, v8;
	v34 =	vadd.f32 v44, v34;
	[tilespmem:s24+$0xE50] =	vst v36  }
0x11a: {  	v5 =	vmul.f32 v5, v8;
	v58 =	vld [tilespmem:s24+$0xCA40];
	v43 =	vmul.f32 v62, v8;
	v40 =	vadd.f32 v49, v40;
	[tilespmem:s24+$0xE40] =	vst v35  }
0x11b: {  	v29 =	vmul.f32 v29, v7;
	v59 =	vld [tilespmem:s24+$0xCA30];
	v42 =	vmul.f32 v63, v8;
	v38 =	vadd.f32 v47, v38;
	[tilespmem:s24+$0xE30] =	vst v34  }
0x11c: {  	v5 =	vadd.f32 v5, v6;
	v6 =	vld [tilespmem:s24+$0x200];
	v39 =	vmul.f32 v56, v8;
	v33 =	vadd.f32 v43, v33;
	[tilespmem:s24+$0x1210] =	vst v40  }
0x11d: {  	v31 =	vmul.f32 v31, v7;
	v60 =	vld [tilespmem:s24+$0xCA20];
	v41 =	vmul.f32 v53, v8;
	v32 =	vadd.f32 v42, v32;
	[tilespmem:s24+$0xE70] =	vst v38  }
0x11e: {  	v24 =	vmul.f32 v24, v7;
	v57 =	vld [tilespmem:s24+$0xCA50];
	v34 =	vmul.f32 v61, v8;
	v29 =	vadd.f32 v39, v29;
	[tilespmem:s24+$0xE20] =	vst v33  }
0x11f: {  	v27 =	vmul.f32 v27, v7;
	v62 =	vld [tilespmem:s24+$0xCA00];
	v37 =	vmul.f32 v58, v8;
	v31 =	vadd.f32 v41, v31;
	[tilespmem:s24+$0xE10] =	vst v32  }
0x120: {  	v26 =	vmul.f32 v26, v7;
	v63 =	vld [tilespmem:s24+$0xC670];
	v36 =	vmul.f32 v59, v8;
	v24 =	vadd.f32 v34, v24;
	[tilespmem:s24+$0xA60] =	vst v29  }
0x121: {  	v30 =	vmul.f32 v30, v7;
	v40 =	vmul.f32 v55, v8;
	v27 =	vadd.f32 v37, v27;
	v29 =	vld [tilespmem:s24+$0xC640];
	[tilespmem:s24+$0xE00] =	vst v31  }
0x122: {  	v25 =	vmul.f32 v25, v7;
	v35 =	vmul.f32 v60, v8;
	v26 =	vadd.f32 v36, v26;
	v31 =	vld [tilespmem:s24+$0xC660];
	[tilespmem:s24+$0xA10] =	vst v24  }
0x123: {  	v28 =	vmul.f32 v28, v7;
	v38 =	vmul.f32 v57, v8;
	v30 =	vadd.f32 v40, v30;
	v24 =	vld [tilespmem:s24+$0xC270];
	[tilespmem:s24+$0xA40] =	vst v27  }
0x124: {  	v23 =	vmul.f32 v23, v7;
	v33 =	vmul.f32 v62, v8;
	v25 =	vadd.f32 v35, v25;
	v27 =	vld [tilespmem:s24+$0xC620];
	[tilespmem:s24+$0xA30] =	vst v26  }
0x125: {  	v22 =	vmul.f32 v22, v7;
	v32 =	vmul.f32 v63, v8;
	v28 =	vadd.f32 v38, v28;
	[tilespmem:s24+$0xA70] =	vst v30;
	v30 =	vld [tilespmem:s24+$0xC650]  }
0x126: {  	v19 =	vmul.f32 v19, v7;
	v23 =	vadd.f32 v33, v23;
	[tilespmem:s24+$0xA20] =	vst v25;
	v25 =	vld [tilespmem:s24+$0xC600];
	v29 =	vmul.f32 v29, v8  }
0x127: {  	v21 =	vmul.f32 v21, v7;
	v22 =	vadd.f32 v32, v22;
	[tilespmem:s24+$0xA50] =	vst v28;
	v28 =	vld [tilespmem:s24+$0xC630];
	v31 =	vmul.f32 v31, v8  }
0x128: {  	v14 =	vmul.f32 v14, v7;
	[tilespmem:s24+$0xA00] =	vst v23;
	v23 =	vld [tilespmem:s24+$0xC260];
	v24 =	vmul.f32 v24, v8;
	v19 =	vadd.f32 v29, v19  }
0x129: {  	v17 =	vmul.f32 v17, v7;
	v26 =	vld [tilespmem:s24+$0xC610];
	[tilespmem:s24+$0x670] =	vst v22;
	v27 =	vmul.f32 v27, v8;
	v21 =	vadd.f32 v31, v21  }
0x12a: {  	v20 =	vmul.f32 v20, v7;
	v22 =	vld [tilespmem:s24+$0x250];
	v30 =	vmul.f32 v30, v8;
	v14 =	vadd.f32 v24, v14;
	[tilespmem:s24+$0x640] =	vst v19  }
0x12b: {  	v15 =	vmul.f32 v15, v7;
	v25 =	vmul.f32 v25, v8;
	v17 =	vadd.f32 v27, v17;
	v19 =	vld [tilespmem:s24+$0xD650];
	[tilespmem:s24+$0x660] =	vst v21  }
0x12c: {  	v18 =	vmul.f32 v18, v7;
	v28 =	vmul.f32 v28, v8;
	v20 =	vadd.f32 v30, v20;
	v21 =	vld [tilespmem:s24+$0xC250];
	[tilespmem:s24+$0x270] =	vst v14  }
0x12d: {  	v13 =	vmul.f32 v13, v7;
	v23 =	vmul.f32 v23, v8;
	v15 =	vadd.f32 v25, v15;
	[tilespmem:s24+$0x620] =	vst v17;
	v17 =	vld [tilespmem:s24+$0x1640]  }
0x12e: {  	v16 =	vmul.f32 v16, v7;
	v26 =	vmul.f32 v26, v8;
	v18 =	vadd.f32 v28, v18;
	[tilespmem:s24+$0x650] =	vst v20;
	v20 =	vld [tilespmem:s24+$0xD640]  }
0x12f: {  	v10 =	vmul.f32 v10, v7;
	v9 =	vmul.f32 v9, v8;
	v13 =	vadd.f32 v23, v13;
	[tilespmem:s24+$0x600] =	vst v15;
	v15 =	vld [tilespmem:s24+$0x1650]  }
0x130: {  	v4 =	vmul.f32 v4, v7;
	v3 =	vmul.f32 v3, v8;
	v16 =	vadd.f32 v26, v16;
	[tilespmem:s24+$0x630] =	vst v18;
	v18 =	vld [tilespmem:s24+$0xD660]  }
0x131: {  	v9 =	vadd.f32 v9, v10;
	v10 =	vmul.f32 v22, v7;
	v14 =	vld [tilespmem:s24+$0x1670];
	[tilespmem:s24+$0x260] =	vst v13;
	v13 =	vmul.f32 v21, v8  }
0x132: {  	v3 =	vadd.f32 v3, v4;
	[tilespmem:s24+$0x610] =	vst v16;
	v16 =	vld [tilespmem:s24+$0xD670]  }
0x133: {  	s26 =	simm.s32 $0x0;
	[tilespmem:s24+$0x230] =	vst v9;
	v9 =	vld [tilespmem:s24+$0xC200];
	v11 =	vmul.f32 v17, v7;
	v17 =	vmul.f32 v20, v8;
	v4 =	vadd.f32 v13, v10  }
0x134: {  	s22 =	smul.u32 $0x1800, s26;
	s23 =	simm.s32 $0x80;
	[tilespmem:s24+$0x220] =	vst v5;
	v5 =	vmul.f32 v15, v7;
	v10 =	vmul.f32 v19, v8  }
0x135: {  	s25 =	sand.u32 $0x380, s23;
	v11 =	vadd.f32 v17, v11;
	[tilespmem:s24+$0x250] =	vst v4;
	v4 =	vmul.f32 v12, v7;
	v12 =	vmul.f32 v18, v8  }
0x136: {  	s22 =	sor.u32 s25, s22;
	[tilespmem:s24+$0x210] =	vst v3;
	v5 =	vadd.f32 v10, v5  }
0x137: {  	v3 =	vld [tilespmem:s22+$0x210];
	v10 =	vmul.f32 v14, v7;
	[tilespmem:s24+$0x1640] =	vst v11;
	v11 =	vmul.f32 v16, v8;
	v12 =	vadd.f32 v12, v4  }
0x138: {  	v7 =	vmul.f32 v6, v7;
	v8 =	vmul.f32 v9, v8;
	v4 =	vld [tilespmem:s22+$0xC210];
	[tilespmem:s24+$0x1650] =	vst v5  }
0x139: {  	v9 =	vadd.f32 v11, v10;
	v6 =	vld [tilespmem:s22+$0x220];
	[tilespmem:s24+$0x1660] =	vst v12  }
0x13a: {  	v7 =	vadd.f32 v8, v7;
	v5 =	vld [tilespmem:s22+$0xC220]  }
0x13b: {  	v8 =	vld [tilespmem:s22+$0x230];
	[tilespmem:s24+$0x1670] =	vst v9  }
0x13c: {  	v18 =	vld [tilespmem:s22+$0x630];
	[tilespmem:s24+$0x200] =	vst v7  }
0x13d: {  	v7 =	vld [tilespmem:s22+$0xC230]  }
0x13e: {  	v10 =	vld [tilespmem:s22+$0x240]  }
0x13f: {  	v9 =	vld [tilespmem:s22+$0xC240]  }
0x140: {  	v12 =	vld [tilespmem:s22+$0x250]  }
0x141: {  	v11 =	vld [tilespmem:s22+$0xC250]  }
0x142: {  	v13 =	vld [tilespmem:s22+$0x260]  }
0x143: {  	v14 =	vld [tilespmem:s22+$0x270]  }
0x144: {  	v15 =	vld [tilespmem:s22+$0x600]  }
0x145: {  	v16 =	vld [tilespmem:s22+$0x610]  }
0x146: {  	v17 =	vld [tilespmem:s22+$0x620]  }
0x147: {  	v19 =	vld [tilespmem:s22+$0x640]  }
0x148: {  	v20 =	vld [tilespmem:s22+$0x650]  }
0x149: {  	v21 =	vld [tilespmem:s22+$0x660]  }
0x14a: {  	v22 =	vld [tilespmem:s22+$0x670]  }
0x14b: {  	v23 =	vld [tilespmem:s22+$0xA00]  }
0x14c: {  	v24 =	vld [tilespmem:s22+$0xA10]  }
0x14d: {  	v25 =	vld [tilespmem:s22+$0xA20]  }
0x14e: {  	v26 =	vld [tilespmem:s22+$0xA30]  }
0x14f: {  	v27 =	vld [tilespmem:s22+$0xA40]  }
0x150: {  	v28 =	vld [tilespmem:s22+$0xA50]  }
0x151: {  	v29 =	vld [tilespmem:s22+$0xA60]  }
0x152: {  	v30 =	vld [tilespmem:s22+$0xA70]  }
0x153: {  	v31 =	vld [tilespmem:s22+$0xE00]  }
0x154: {  	v34 =	vld [tilespmem:s22+$0xE10]  }
0x155: {  	v35 =	vld [tilespmem:s22+$0xE20]  }
0x156: {  	v36 =	vld [tilespmem:s22+$0xE30]  }
0x157: {  	v37 =	vld [tilespmem:s22+$0xE40]  }
0x158: {  	v38 =	vld [tilespmem:s22+$0xE50]  }
0x159: {  	v39 =	vld [tilespmem:s22+$0xE60]  }
0x15a: {  	v40 =	vld [tilespmem:s22+$0xE70]  }
0x15b: {  	v41 =	vld [tilespmem:s22+$0x1200]  }
0x15c: {  	v42 =	vld [tilespmem:s22+$0x1210]  }
0x15d: {  	v43 =	vld [tilespmem:s22+$0x1220]  }
0x15e: {  	v44 =	vld [tilespmem:s22+$0x1230]  }
0x15f: {  	v45 =	vld [tilespmem:s22+$0x1240]  }
0x160: {  	v46 =	vld [tilespmem:s22+$0x1250]  }
0x161: {  	v47 =	vld [tilespmem:s22+$0x1260]  }
0x162: {  	v48 =	vld [tilespmem:s22+$0x1600]  }
0x163: {  	v50 =	vld [tilespmem:s22+$0x1610]  }
0x164: {  	v49 =	vld [tilespmem:s22+$0xD610]  }
0x165: {  	s24 =	simm.s32 $0x2;
	v51 =	vld [tilespmem:s22+$0xD630]  }
.LBB2_2:
0x166: {  	p0 =	sne.s32 s24, $0x1F;
	v52 =	vld [tilespmem:s22+$0x1630]  }
0x167: {  	s20 =	sadd.s32 $0x80, s20;
	v53 =	vld [tilespmem:s22+$0x1620]  }
0x168: {  	s21 =	sadd.s32 $0x80, s21;
	v33 =	vld [tilespmem:s20+$0x0]  }
0x169: {  	v32 =	vld [tilespmem:s21+$0x0]  }
0x16a: {  	v54 =	vld [tilespmem:s22+$0xD620]  }
0x16b: {  	v55 =	vld [tilespmem:s22+$0xD600]  }
0x16c: {  	v56 =	vld [tilespmem:s22+$0x1270]  }
0x16d: {  	v57 =	vld [tilespmem:s22+$0xD270];
	v50 =	vmul.f32 v50, v33;
	v53 =	vmul.f32 v53, v33  }
0x16e: {  	v52 =	vmul.f32 v52, v33;
	v58 =	vld [tilespmem:s22+$0xD260];
	v51 =	vmul.f32 v51, v32  }
0x16f: {  	v49 =	vmul.f32 v49, v32;
	v59 =	vld [tilespmem:s22+$0xD250];
	v54 =	vmul.f32 v54, v32  }
0x170: {  	v48 =	vmul.f32 v48, v33;
	v60 =	vld [tilespmem:s22+$0xD240];
	v55 =	vmul.f32 v55, v32;
	v51 =	vadd.f32 v51, v52  }
0x171: {  	v49 =	vadd.f32 v49, v50;
	v52 =	vld [tilespmem:s22+$0xD230];
	v56 =	vmul.f32 v56, v33;
	v50 =	vadd.f32 v54, v53  }
0x172: {  	v47 =	vmul.f32 v47, v33;
	v53 =	vld [tilespmem:s22+$0xD220];
	v54 =	vmul.f32 v57, v32;
	v48 =	vadd.f32 v55, v48;
	[tilespmem:s22+$0x1630] =	vst v51  }
0x173: {  	v46 =	vmul.f32 v46, v33;
	v51 =	vld [tilespmem:s22+$0xD210];
	v55 =	vmul.f32 v58, v32;
	[tilespmem:s22+$0x1620] =	vst v50  }
0x174: {  	v45 =	vmul.f32 v45, v33;
	v50 =	vld [tilespmem:s22+$0xD200];
	v57 =	vmul.f32 v59, v32;
	v54 =	vadd.f32 v54, v56;
	[tilespmem:s22+$0x1610] =	vst v49  }
0x175: {  	v44 =	vmul.f32 v44, v33;
	v49 =	vld [tilespmem:s22+$0xCE70];
	v56 =	vmul.f32 v60, v32;
	v47 =	vadd.f32 v55, v47;
	[tilespmem:s22+$0x1600] =	vst v48  }
0x176: {  	v43 =	vmul.f32 v43, v33;
	v48 =	vld [tilespmem:s22+$0xCE60];
	v52 =	vmul.f32 v52, v32;
	v46 =	vadd.f32 v57, v46;
	[tilespmem:s22+$0x1270] =	vst v54  }
0x177: {  	v42 =	vmul.f32 v42, v33;
	v54 =	vld [tilespmem:s22+$0xCE50];
	v53 =	vmul.f32 v53, v32;
	v45 =	vadd.f32 v56, v45;
	[tilespmem:s22+$0x1260] =	vst v47  }
0x178: {  	v41 =	vmul.f32 v41, v33;
	v47 =	vld [tilespmem:s22+$0xCE40];
	v51 =	vmul.f32 v51, v32;
	v44 =	vadd.f32 v52, v44;
	[tilespmem:s22+$0x1250] =	vst v46  }
0x179: {  	v40 =	vmul.f32 v40, v33;
	v46 =	vld [tilespmem:s22+$0xCE30];
	v50 =	vmul.f32 v50, v32;
	v43 =	vadd.f32 v53, v43;
	[tilespmem:s22+$0x1240] =	vst v45  }
0x17a: {  	v39 =	vmul.f32 v39, v33;
	v45 =	vld [tilespmem:s22+$0xCE20];
	v49 =	vmul.f32 v49, v32;
	v42 =	vadd.f32 v51, v42;
	[tilespmem:s22+$0x1230] =	vst v44  }
0x17b: {  	v38 =	vmul.f32 v38, v33;
	v44 =	vld [tilespmem:s22+$0xCE10];
	v48 =	vmul.f32 v48, v32;
	v41 =	vadd.f32 v50, v41;
	[tilespmem:s22+$0x1220] =	vst v43  }
0x17c: {  	v37 =	vmul.f32 v37, v33;
	v43 =	vld [tilespmem:s22+$0xCE00];
	v50 =	vmul.f32 v54, v32;
	v40 =	vadd.f32 v49, v40;
	[tilespmem:s22+$0x1210] =	vst v42  }
0x17d: {  	v36 =	vmul.f32 v36, v33;
	v42 =	vld [tilespmem:s22+$0xCA70];
	v47 =	vmul.f32 v47, v32;
	v39 =	vadd.f32 v48, v39;
	[tilespmem:s22+$0x1200] =	vst v41  }
0x17e: {  	v35 =	vmul.f32 v35, v33;
	v41 =	vld [tilespmem:s22+$0xCA60];
	v46 =	vmul.f32 v46, v32;
	v38 =	vadd.f32 v50, v38;
	[tilespmem:s22+$0xE70] =	vst v40  }
0x17f: {  	v34 =	vmul.f32 v34, v33;
	v40 =	vld [tilespmem:s22+$0xCA50];
	v45 =	vmul.f32 v45, v32;
	v37 =	vadd.f32 v47, v37;
	[tilespmem:s22+$0xE60] =	vst v39  }
0x180: {  	v31 =	vmul.f32 v31, v33;
	v39 =	vld [tilespmem:s22+$0xCA40];
	v44 =	vmul.f32 v44, v32;
	v36 =	vadd.f32 v46, v36;
	[tilespmem:s22+$0xE50] =	vst v38  }
0x181: {  	v30 =	vmul.f32 v30, v33;
	v38 =	vld [tilespmem:s22+$0xCA30];
	v43 =	vmul.f32 v43, v32;
	v35 =	vadd.f32 v45, v35;
	[tilespmem:s22+$0xE40] =	vst v37  }
0x182: {  	v29 =	vmul.f32 v29, v33;
	v37 =	vld [tilespmem:s22+$0xCA20];
	v42 =	vmul.f32 v42, v32;
	v34 =	vadd.f32 v44, v34;
	[tilespmem:s22+$0xE30] =	vst v36  }
0x183: {  	v28 =	vmul.f32 v28, v33;
	v36 =	vld [tilespmem:s22+$0xCA10];
	v41 =	vmul.f32 v41, v32;
	v31 =	vadd.f32 v43, v31;
	[tilespmem:s22+$0xE20] =	vst v35  }
0x184: {  	v27 =	vmul.f32 v27, v33;
	v35 =	vld [tilespmem:s22+$0xCA00];
	v40 =	vmul.f32 v40, v32;
	v30 =	vadd.f32 v42, v30;
	[tilespmem:s22+$0xE10] =	vst v34  }
0x185: {  	v26 =	vmul.f32 v26, v33;
	v34 =	vld [tilespmem:s22+$0xC670];
	v39 =	vmul.f32 v39, v32;
	v29 =	vadd.f32 v41, v29;
	[tilespmem:s22+$0xE00] =	vst v31  }
0x186: {  	v25 =	vmul.f32 v25, v33;
	v31 =	vld [tilespmem:s22+$0xC660];
	v38 =	vmul.f32 v38, v32;
	v28 =	vadd.f32 v40, v28;
	[tilespmem:s22+$0xA70] =	vst v30  }
0x187: {  	v24 =	vmul.f32 v24, v33;
	v30 =	vld [tilespmem:s22+$0xC650];
	v37 =	vmul.f32 v37, v32;
	v27 =	vadd.f32 v39, v27;
	[tilespmem:s22+$0xA60] =	vst v29  }
0x188: {  	v23 =	vmul.f32 v23, v33;
	v29 =	vld [tilespmem:s22+$0xC640];
	v36 =	vmul.f32 v36, v32;
	v26 =	vadd.f32 v38, v26;
	[tilespmem:s22+$0xA50] =	vst v28  }
0x189: {  	v22 =	vmul.f32 v22, v33;
	v28 =	vld [tilespmem:s22+$0xC630];
	v35 =	vmul.f32 v35, v32;
	v25 =	vadd.f32 v37, v25;
	[tilespmem:s22+$0xA40] =	vst v27  }
0x18a: {  	v21 =	vmul.f32 v21, v33;
	v27 =	vld [tilespmem:s22+$0xC620];
	v34 =	vmul.f32 v34, v32;
	v24 =	vadd.f32 v36, v24;
	[tilespmem:s22+$0xA30] =	vst v26  }
0x18b: {  	v20 =	vmul.f32 v20, v33;
	v26 =	vld [tilespmem:s22+$0xC610];
	v31 =	vmul.f32 v31, v32;
	v23 =	vadd.f32 v35, v23;
	[tilespmem:s22+$0xA20] =	vst v25  }
0x18c: {  	v19 =	vmul.f32 v19, v33;
	v25 =	vld [tilespmem:s22+$0xC600];
	v30 =	vmul.f32 v30, v32;
	v22 =	vadd.f32 v34, v22;
	[tilespmem:s22+$0xA10] =	vst v24  }
0x18d: {  	v18 =	vmul.f32 v18, v33;
	v24 =	vld [tilespmem:s22+$0xC270];
	v29 =	vmul.f32 v29, v32;
	v21 =	vadd.f32 v31, v21;
	[tilespmem:s22+$0xA00] =	vst v23  }
0x18e: {  	v17 =	vmul.f32 v17, v33;
	v23 =	vld [tilespmem:s22+$0xC260];
	v28 =	vmul.f32 v28, v32;
	v20 =	vadd.f32 v30, v20;
	[tilespmem:s22+$0x670] =	vst v22  }
0x18f: {  	v16 =	vmul.f32 v16, v33;
	v22 =	vmul.f32 v27, v32;
	v19 =	vadd.f32 v29, v19;
	[tilespmem:s22+$0x660] =	vst v21;
	v21 =	vld [tilespmem:s22+$0xD640]  }
0x190: {  	v15 =	vmul.f32 v15, v33;
	v26 =	vmul.f32 v26, v32;
	v18 =	vadd.f32 v28, v18;
	[tilespmem:s22+$0x650] =	vst v20;
	v20 =	vld [tilespmem:s22+$0xD650]  }
0x191: {  	v14 =	vmul.f32 v14, v33;
	v25 =	vmul.f32 v25, v32;
	v17 =	vadd.f32 v22, v17;
	[tilespmem:s22+$0x640] =	vst v19;
	v19 =	vld [tilespmem:s22+$0xD660]  }
0x192: {  	v13 =	vmul.f32 v13, v33;
	v22 =	vmul.f32 v24, v32;
	v16 =	vadd.f32 v26, v16;
	[tilespmem:s22+$0x630] =	vst v18;
	v18 =	vld [tilespmem:s22+$0xD670]  }
0x193: {  	v12 =	vmul.f32 v12, v33;
	v23 =	vmul.f32 v23, v32;
	v15 =	vadd.f32 v25, v15;
	[tilespmem:s22+$0x620] =	vst v17;
	v17 =	vld [tilespmem:s22+$0x1640]  }
0x194: {  	v10 =	vmul.f32 v10, v33;
	v11 =	vmul.f32 v11, v32;
	v14 =	vadd.f32 v22, v14;
	[tilespmem:s22+$0x610] =	vst v16;
	v16 =	vld [tilespmem:s22+$0x1650]  }
0x195: {  	v8 =	vmul.f32 v8, v33;
	v9 =	vmul.f32 v9, v32;
	v13 =	vadd.f32 v23, v13;
	[tilespmem:s22+$0x600] =	vst v15;
	v15 =	vld [tilespmem:s22+$0x1660]  }
0x196: {  	v6 =	vmul.f32 v6, v33;
	v7 =	vmul.f32 v7, v32;
	v11 =	vadd.f32 v11, v12;
	[tilespmem:s22+$0x270] =	vst v14;
	v12 =	vld [tilespmem:s22+$0x1670]  }
0x197: {  	v3 =	vmul.f32 v3, v33;
	v5 =	vmul.f32 v5, v32;
	v9 =	vadd.f32 v9, v10;
	v14 =	vld [tilespmem:s22+$0x200];
	[tilespmem:s22+$0x260] =	vst v13  }
0x198: {  	v4 =	vmul.f32 v4, v32;
	v7 =	vadd.f32 v7, v8;
	v10 =	vld [tilespmem:s22+$0xC200];
	[tilespmem:s22+$0x250] =	vst v11;
	v8 =	vmul.f32 v17, v33  }
0x199: {  	s25 =	sshrl.u32 s24, $0x3;
	v5 =	vadd.f32 v5, v6;
	v6 =	vmul.f32 v21, v32;
	[tilespmem:s22+$0x240] =	vst v9;
	v9 =	vmul.f32 v16, v33  }
0x19a: {  	s23 =	sadd.s32 $0x80, s23;
	s25 =	smul.u32 $0x1800, s25;
	v3 =	vadd.f32 v4, v3;
	v4 =	vmul.f32 v20, v32;
	[tilespmem:s22+$0x230] =	vst v7;
	v7 =	vmul.f32 v15, v33  }
0x19b: {  	s26 =	sand.u32 $0x380, s23;
	[tilespmem:s22+$0x220] =	vst v5;
	v5 =	vadd.f32 v6, v8;
	v6 =	vmul.f32 v19, v32;
	v8 =	vmul.f32 v12, v33  }
0x19c: {  	s25 =	sor.u32 s26, s25;
	v9 =	vadd.f32 v4, v9;
	v12 =	vmul.f32 v18, v32;
	v11 =	vmul.f32 v14, v33;
	[tilespmem:s22+$0x210] =	vst v3  }
0x19d: {  	v3 =	vld [tilespmem:s25+$0x210];
	v10 =	vmul.f32 v10, v32;
	[tilespmem:s22+$0x1640] =	vst v5;
	v5 =	vadd.f32 v6, v7  }
0x19e: {  	v7 =	vadd.f32 v12, v8;
	v4 =	vld [tilespmem:s25+$0xC210];
	[tilespmem:s22+$0x1650] =	vst v9  }
0x19f: {  	v6 =	vld [tilespmem:s25+$0x220];
	v9 =	vadd.f32 v10, v11;
	[tilespmem:s22+$0x1660] =	vst v5  }
0x1a0: {  	v5 =	vld [tilespmem:s25+$0xC220];
	[tilespmem:s22+$0x1670] =	vst v7  }
0x1a1: {  	v8 =	vld [tilespmem:s25+$0x230];
	[tilespmem:s22+$0x200] =	vst v9;
	s22 =	smov.u32 s25  }
0x1a2: {  	v7 =	vld [tilespmem:s22+$0xC230]  }
0x1a3: {  	v10 =	vld [tilespmem:s22+$0x240]  }
0x1a4: {  	v9 =	vld [tilespmem:s22+$0xC240]  }
0x1a5: {  	v12 =	vld [tilespmem:s22+$0x250]  }
0x1a6: {  	v11 =	vld [tilespmem:s22+$0xC250]  }
0x1a7: {  	v13 =	vld [tilespmem:s22+$0x260]  }
0x1a8: {  	v14 =	vld [tilespmem:s22+$0x270]  }
0x1a9: {  	v15 =	vld [tilespmem:s22+$0x600]  }
0x1aa: {  	v16 =	vld [tilespmem:s22+$0x610]  }
0x1ab: {  	v17 =	vld [tilespmem:s22+$0x620]  }
0x1ac: {  	v18 =	vld [tilespmem:s22+$0x630]  }
0x1ad: {  	v19 =	vld [tilespmem:s22+$0x640]  }
0x1ae: {  	v20 =	vld [tilespmem:s22+$0x650]  }
0x1af: {  	v21 =	vld [tilespmem:s22+$0x660]  }
0x1b0: {  	v22 =	vld [tilespmem:s22+$0x670]  }
0x1b1: {  	v23 =	vld [tilespmem:s22+$0xA00]  }
0x1b2: {  	v24 =	vld [tilespmem:s22+$0xA10]  }
0x1b3: {  	v25 =	vld [tilespmem:s22+$0xA20]  }
0x1b4: {  	v26 =	vld [tilespmem:s22+$0xA30]  }
0x1b5: {  	v27 =	vld [tilespmem:s22+$0xA40]  }
0x1b6: {  	v28 =	vld [tilespmem:s22+$0xA50]  }
0x1b7: {  	v29 =	vld [tilespmem:s22+$0xA60]  }
0x1b8: {  	v30 =	vld [tilespmem:s22+$0xA70]  }
0x1b9: {  	v31 =	vld [tilespmem:s22+$0xE00]  }
0x1ba: {  	v34 =	vld [tilespmem:s22+$0xE10]  }
0x1bb: {  	v35 =	vld [tilespmem:s22+$0xE20]  }
0x1bc: {  	v36 =	vld [tilespmem:s22+$0xE30]  }
0x1bd: {  	v37 =	vld [tilespmem:s22+$0xE40]  }
0x1be: {  	v38 =	vld [tilespmem:s22+$0xE50]  }
0x1bf: {  	v39 =	vld [tilespmem:s22+$0xE60]  }
0x1c0: {  	v40 =	vld [tilespmem:s22+$0xE70]  }
0x1c1: {  	v41 =	vld [tilespmem:s22+$0x1200]  }
0x1c2: {  	v42 =	vld [tilespmem:s22+$0x1210]  }
0x1c3: {  	v43 =	vld [tilespmem:s22+$0x1220]  }
0x1c4: {  	v44 =	vld [tilespmem:s22+$0x1230]  }
0x1c5: {  	v45 =	vld [tilespmem:s22+$0x1240]  }
0x1c6: {  	v46 =	vld [tilespmem:s22+$0x1250]  }
.Ltmp0:
0x1c7: {  	v47 =	vld [tilespmem:s22+$0x1260];
	(pc) =	sbr.rel @p0 .LBB2_2-.Ltmp0, $4  }
0x1c8: {  	v48 =	vld [tilespmem:s22+$0x1600]  }
0x1c9: {  	v50 =	vld [tilespmem:s22+$0x1610]  }
0x1ca: {  	v49 =	vld [tilespmem:s22+$0xD610]  }
0x1cb: {  	s24 =	sadd.s32 $0x1, s24;
	v51 =	vld [tilespmem:s22+$0xD630]  }
0x1cc: {  	v52 =	vld [tilespmem:s22+$0x1630]  }
0x1cd: {  	v53 =	vld [tilespmem:s22+$0x1620];
	s20 =	sadd.s32 $0x80, s20  }
0x1ce: {  	s23 =	sadd.s32 $0x80, s21;
	v32 =	vld [tilespmem:s20+$0x0]  }
0x1cf: {  	v33 =	vld [tilespmem:s23+$0x0]  }
0x1d0: {  	v54 =	vld [tilespmem:s22+$0xD620]  }
0x1d1: {  	v55 =	vld [tilespmem:s22+$0xD600]  }
0x1d2: {  	v56 =	vld [tilespmem:s22+$0x1270]  }
0x1d3: {  	v57 =	vld [tilespmem:s22+$0xD270]  }
0x1d4: {  	v58 =	vld [tilespmem:s22+$0xD260];
	v52 =	vmul.f32 v52, v32;
	v51 =	vmul.f32 v51, v33  }
0x1d5: {  	v53 =	vmul.f32 v53, v32;
	v54 =	vmul.f32 v54, v33  }
0x1d6: {  	v59 =	vld [tilespmem:s22+$0xD250];
	v50 =	vmul.f32 v50, v32;
	v49 =	vmul.f32 v49, v33  }
0x1d7: {  	v61 =	vld [tilespmem:s22+$0xD220];
	v48 =	vmul.f32 v48, v32;
	v62 =	vmul.f32 v55, v33;
	v51 =	vadd.f32 v51, v52  }
0x1d8: {  	v60 =	vld [tilespmem:s22+$0xD240];
	v63 =	vmul.f32 v56, v32;
	v57 =	vmul.f32 v57, v33;
	v53 =	vadd.f32 v54, v53  }
0x1d9: {  	v47 =	vmul.f32 v47, v32;
	v58 =	vmul.f32 v58, v33;
	v52 =	vld [tilespmem:s22+$0xD230];
	v49 =	vadd.f32 v49, v50;
	[tilespmem:s22+$0x1630] =	vst v51  }
0x1da: {  	v46 =	vmul.f32 v46, v32;
	v45 =	vmul.f32 v45, v32;
	v50 =	vld [tilespmem:s22+$0xD200];
	v48 =	vadd.f32 v62, v48;
	[tilespmem:s22+$0x1620] =	vst v53  }
0x1db: {  	v44 =	vmul.f32 v44, v32;
	v62 =	vmul.f32 v59, v33;
	v47 =	vadd.f32 v58, v47;
	v58 =	vld [tilespmem:s22+$0xCE30];
	[tilespmem:s22+$0x1610] =	vst v49  }
0x1dc: {  	v43 =	vmul.f32 v43, v32;
	v59 =	vmul.f32 v61, v33;
	v51 =	vld [tilespmem:s22+$0xD210];
	v53 =	vadd.f32 v57, v63;
	[tilespmem:s22+$0x1600] =	vst v48  }
0x1dd: {  	v42 =	vmul.f32 v42, v32;
	v49 =	vld [tilespmem:s22+$0xCE70];
	v63 =	vmul.f32 v60, v33;
	v46 =	vadd.f32 v62, v46;
	[tilespmem:s22+$0x1260] =	vst v47  }
0x1de: {  	v41 =	vmul.f32 v41, v32;
	v48 =	vld [tilespmem:s22+$0xCE60];
	v43 =	vadd.f32 v59, v43;
	[tilespmem:s22+$0x1270] =	vst v53;
	v52 =	vmul.f32 v52, v33  }
0x1df: {  	v40 =	vmul.f32 v40, v32;
	v57 =	vld [tilespmem:s22+$0xCE40];
	v45 =	vadd.f32 v63, v45;
	[tilespmem:s22+$0x1250] =	vst v46;
	v50 =	vmul.f32 v50, v33  }
0x1e0: {  	v36 =	vmul.f32 v36, v32;
	v60 =	vld [tilespmem:s22+$0xCE20];
	[tilespmem:s22+$0x1220] =	vst v43;
	v46 =	vmul.f32 v58, v33;
	v44 =	vadd.f32 v52, v44  }
0x1e1: {  	v39 =	vmul.f32 v39, v32;
	v62 =	vld [tilespmem:s22+$0xCE00];
	[tilespmem:s22+$0x1240] =	vst v45;
	v51 =	vmul.f32 v51, v33;
	v41 =	vadd.f32 v50, v41  }
0x1e2: {  	v38 =	vmul.f32 v38, v32;
	v53 =	vld [tilespmem:s22+$0xCE50];
	v49 =	vmul.f32 v49, v33;
	v36 =	vadd.f32 v46, v36;
	[tilespmem:s22+$0x1230] =	vst v44  }
0x1e3: {  	v37 =	vmul.f32 v37, v32;
	v61 =	vld [tilespmem:s22+$0xCE10];
	v48 =	vmul.f32 v48, v33;
	v42 =	vadd.f32 v51, v42;
	[tilespmem:s22+$0x1200] =	vst v41  }
0x1e4: {  	v35 =	vmul.f32 v35, v32;
	v59 =	vld [tilespmem:s22+$0xCA10];
	v47 =	vmul.f32 v57, v33;
	v40 =	vadd.f32 v49, v40;
	[tilespmem:s22+$0xE30] =	vst v36  }
0x1e5: {  	v34 =	vmul.f32 v34, v32;
	v63 =	vld [tilespmem:s22+$0xCA70];
	v45 =	vmul.f32 v60, v33;
	v39 =	vadd.f32 v48, v39;
	[tilespmem:s22+$0x1210] =	vst v42  }
0x1e6: {  	v55 =	vld [tilespmem:s22+$0xCA50];
	v31 =	vmul.f32 v31, v32;
	v43 =	vmul.f32 v62, v33;
	v37 =	vadd.f32 v47, v37;
	[tilespmem:s22+$0xE70] =	vst v40  }
0x1e7: {  	v30 =	vmul.f32 v30, v32;
	v52 =	vld [tilespmem:s22+$0xCA60];
	v54 =	vmul.f32 v53, v33;
	v35 =	vadd.f32 v45, v35;
	[tilespmem:s22+$0xE60] =	vst v39  }
0x1e8: {  	v56 =	vld [tilespmem:s22+$0xCA40];
	v29 =	vmul.f32 v29, v32;
	v44 =	vmul.f32 v61, v33;
	v31 =	vadd.f32 v43, v31;
	[tilespmem:s22+$0xE40] =	vst v37  }
0x1e9: {  	v24 =	vmul.f32 v24, v32;
	v58 =	vld [tilespmem:s22+$0xCA20];
	v36 =	vmul.f32 v59, v33;
	v38 =	vadd.f32 v54, v38;
	[tilespmem:s22+$0xE20] =	vst v35  }
0x1ea: {  	v28 =	vmul.f32 v28, v32;
	v60 =	vld [tilespmem:s22+$0xCA00];
	v34 =	vadd.f32 v44, v34;
	v42 =	vmul.f32 v63, v33;
	[tilespmem:s22+$0xE00] =	vst v31  }
0x1eb: {  	v27 =	vmul.f32 v27, v32;
	v57 =	vld [tilespmem:s22+$0xCA30];
	v40 =	vmul.f32 v55, v33;
	v24 =	vadd.f32 v36, v24;
	[tilespmem:s22+$0xE50] =	vst v38  }
0x1ec: {  	v26 =	vmul.f32 v26, v32;
	v61 =	vld [tilespmem:s22+$0xC670];
	v41 =	vmul.f32 v52, v33;
	[tilespmem:s22+$0xE10] =	vst v34;
	v30 =	vadd.f32 v42, v30  }
0x1ed: {  	v25 =	vmul.f32 v25, v32;
	v39 =	vmul.f32 v56, v33;
	v28 =	vadd.f32 v40, v28;
	[tilespmem:s22+$0xA10] =	vst v24  }
0x1ee: {  	v23 =	vmul.f32 v23, v32;
	v31 =	vld [tilespmem:s22+$0xC660];
	v37 =	vmul.f32 v58, v33;
	v29 =	vadd.f32 v41, v29;
	[tilespmem:s22+$0xA70] =	vst v30  }
0x1ef: {  	v22 =	vmul.f32 v22, v32;
	v35 =	vmul.f32 v60, v33;
	v27 =	vadd.f32 v39, v27;
	v30 =	vld [tilespmem:s22+$0xC650];
	[tilespmem:s22+$0xA50] =	vst v28  }
0x1f0: {  	v10 =	vmul.f32 v10, v32;
	v38 =	vmul.f32 v57, v33;
	v25 =	vadd.f32 v37, v25;
	[tilespmem:s22+$0xA60] =	vst v29;
	v29 =	vld [tilespmem:s22+$0xC640]  }
0x1f1: {  	v9 =	vmul.f32 v9, v33;
	v34 =	vmul.f32 v61, v33;
	v23 =	vadd.f32 v35, v23;
	v28 =	vld [tilespmem:s22+$0xC630];
	[tilespmem:s22+$0xA40] =	vst v27  }
0x1f2: {  	v21 =	vmul.f32 v21, v32;
	v26 =	vadd.f32 v38, v26;
	v27 =	vld [tilespmem:s22+$0xC620];
	[tilespmem:s22+$0xA20] =	vst v25  }
0x1f3: {  	v9 =	vadd.f32 v9, v10;
	v10 =	vld [tilespmem:s22+$0xC200];
	v24 =	vmul.f32 v31, v33;
	v22 =	vadd.f32 v34, v22;
	[tilespmem:s22+$0xA00] =	vst v23  }
0x1f4: {  	v20 =	vmul.f32 v20, v32;
	[tilespmem:s22+$0xA30] =	vst v26;
	v26 =	vld [tilespmem:s22+$0xC610];
	v23 =	vmul.f32 v30, v33  }
0x1f5: {  	v19 =	vmul.f32 v19, v32;
	v25 =	vld [tilespmem:s22+$0xC600];
	v21 =	vadd.f32 v24, v21;
	[tilespmem:s22+$0x670] =	vst v22;
	v22 =	vmul.f32 v29, v33  }
0x1f6: {  	v18 =	vmul.f32 v18, v32;
	v31 =	vld [tilespmem:s22+$0xC270];
	v20 =	vadd.f32 v23, v20;
	v23 =	vmul.f32 v28, v33  }
0x1f7: {  	v17 =	vmul.f32 v17, v32;
	v24 =	vld [tilespmem:s22+$0xC260];
	[tilespmem:s22+$0x660] =	vst v21;
	v19 =	vadd.f32 v22, v19;
	v22 =	vmul.f32 v27, v33  }
0x1f8: {  	v12 =	vmul.f32 v12, v32;
	v11 =	vmul.f32 v11, v33;
	v21 =	vld [tilespmem:s22+$0xD640];
	[tilespmem:s22+$0x650] =	vst v20;
	v18 =	vadd.f32 v23, v18  }
0x1f9: {  	v16 =	vmul.f32 v16, v32;
	v20 =	vld [tilespmem:s22+$0xD650];
	v23 =	vmul.f32 v26, v33;
	[tilespmem:s22+$0x640] =	vst v19;
	v17 =	vadd.f32 v22, v17  }
0x1fa: {  	v15 =	vmul.f32 v15, v32;
	v11 =	vadd.f32 v11, v12;
	v19 =	vld [tilespmem:s22+$0xD660];
	[tilespmem:s22+$0x630] =	vst v18;
	v18 =	vmul.f32 v25, v33  }
0x1fb: {  	v14 =	vmul.f32 v14, v32;
	v22 =	vld [tilespmem:s22+$0xD670];
	v16 =	vadd.f32 v23, v16;
	[tilespmem:s22+$0x620] =	vst v17;
	v17 =	vmul.f32 v31, v33  }
0x1fc: {  	[tilespmem:s22+$0x250] =	vst v11;
	v15 =	vadd.f32 v18, v15;
	v18 =	vld [tilespmem:s22+$0x1640]  }
0x1fd: {  	v8 =	vmul.f32 v8, v32;
	v7 =	vmul.f32 v7, v33;
	[tilespmem:s22+$0x610] =	vst v16;
	v16 =	vld [tilespmem:s22+$0x1650];
	v14 =	vadd.f32 v17, v14  }
0x1fe: {  	v6 =	vmul.f32 v6, v32;
	v5 =	vmul.f32 v5, v33;
	[tilespmem:s22+$0x600] =	vst v15;
	v15 =	vld [tilespmem:s22+$0x1660]  }
0x1ff: {  	v3 =	vmul.f32 v3, v32;
	v4 =	vmul.f32 v4, v33;
	v7 =	vadd.f32 v7, v8;
	[tilespmem:s22+$0x270] =	vst v14;
	v14 =	vld [tilespmem:s22+$0x1670]  }
0x200: {  	v13 =	vmul.f32 v13, v32;
	v12 =	vld [tilespmem:s22+$0x200];
	v5 =	vadd.f32 v5, v6;
	[tilespmem:s22+$0x240] =	vst v9;
	v23 =	vmul.f32 v24, v33  }
0x201: {  	v3 =	vadd.f32 v4, v3;
	[tilespmem:s22+$0x230] =	vst v7;
	v6 =	vmul.f32 v21, v33;
	v8 =	vmul.f32 v18, v32  }
0x202: {  	[tilespmem:s22+$0x220] =	vst v5;
	v13 =	vadd.f32 v23, v13;
	v4 =	vmul.f32 v20, v33;
	v9 =	vmul.f32 v16, v32  }
0x203: {  	[tilespmem:s22+$0x210] =	vst v3;
	v7 =	vmul.f32 v15, v32;
	v5 =	vadd.f32 v6, v8;
	v6 =	vmul.f32 v19, v33  }
0x204: {  	[tilespmem:s22+$0x260] =	vst v13;
	v3 =	vadd.f32 v4, v9;
	v4 =	vmul.f32 v22, v33;
	v8 =	vmul.f32 v14, v32  }
0x205: {  	v10 =	vmul.f32 v10, v33;
	v9 =	vmul.f32 v12, v32;
	[tilespmem:s22+$0x1640] =	vst v5;
	v5 =	vadd.f32 v6, v7  }
0x206: {  	[tilespmem:s22+$0x1650] =	vst v3;
	v3 =	vadd.f32 v4, v8  }
0x207: {  	v4 =	vadd.f32 v10, v9;
	[tilespmem:s22+$0x1660] =	vst v5  }
0x208: {  	[tilespmem:s22+$0x1670] =	vst v3  }
0x209: {  	s24 =	simm.s32 $0x0;
	[tilespmem:s22+$0x200] =	vst v4  }
0x20a: {  	[hbm4b:s14+s24] =	stream.linear.scatter [tilespmem:s19], [sflag:$0x2], $0x6000, $0x38;
	[tilespmem:$0x1C200] =	vst v63  }
0x20b: {  	_ =	swait.ge [sflag:s31], $0x6000  }
0x20c: {  	[sflag:s31] =	ssyncset.done $0x0  }
0x20d: {  	s25 =	simm.s32 $0x0;
	[sflag:s31] =	ssyncadd.s32 $0xFFFFA000  }
0x20e: {  	s21 =	smul.u32 $0x1800, s25;
	_ =	swait.ge [sflag:s31], $0x6000  }
0x20f: {  	s20 =	sand.u32 $0x380, s24;
	[sflag:s31] =	ssyncset.done $0x0  }
0x210: {  	s24 =	sor.u32 s20, s21;
	[sflag:s31] =	ssyncadd.s32 $0xFFFFA000  }
0x211: {  	v4 =	vld [tilespmem:s24+$0x6210]  }
0x212: {  	v3 =	vld [tilespmem:s24+$0x12210]  }
0x213: {  	v6 =	vld [tilespmem:s24+$0x6220]  }
0x214: {  	v5 =	vld [tilespmem:s24+$0x12220]  }
0x215: {  	v10 =	vld [tilespmem:s24+$0x6230]  }
0x216: {  	v7 =	vld [tilespmem:s24+$0x12230]  }
0x217: {  	v12 =	vld [tilespmem:s24+$0x6240]  }
0x218: {  	v11 =	vld [tilespmem:s24+$0x12240]  }
0x219: {  	v13 =	vld [tilespmem:s24+$0x6260]  }
0x21a: {  	v14 =	vld [tilespmem:s24+$0x6270]  }
0x21b: {  	v15 =	vld [tilespmem:s24+$0x6600]  }
0x21c: {  	v16 =	vld [tilespmem:s24+$0x6610]  }
0x21d: {  	v17 =	vld [tilespmem:s24+$0x6620]  }
0x21e: {  	v18 =	vld [tilespmem:s24+$0x6630]  }
0x21f: {  	v19 =	vld [tilespmem:s24+$0x6640]  }
0x220: {  	v20 =	vld [tilespmem:s24+$0x6650]  }
0x221: {  	v21 =	vld [tilespmem:s24+$0x6660]  }
0x222: {  	v22 =	vld [tilespmem:s24+$0x6670]  }
0x223: {  	v23 =	vld [tilespmem:s24+$0x6A00]  }
0x224: {  	v24 =	vld [tilespmem:s24+$0x6A10]  }
0x225: {  	v25 =	vld [tilespmem:s24+$0x6A20]  }
0x226: {  	v26 =	vld [tilespmem:s24+$0x6A30]  }
0x227: {  	v27 =	vld [tilespmem:s24+$0x6A40]  }
0x228: {  	v28 =	vld [tilespmem:s24+$0x6A50]  }
0x229: {  	v29 =	vld [tilespmem:s24+$0x6A60]  }
0x22a: {  	v30 =	vld [tilespmem:s24+$0x6A70]  }
0x22b: {  	v31 =	vld [tilespmem:s24+$0x6E00]  }
0x22c: {  	v32 =	vld [tilespmem:s24+$0x6E10]  }
0x22d: {  	v33 =	vld [tilespmem:s24+$0x6E20]  }
0x22e: {  	v34 =	vld [tilespmem:s24+$0x6E30]  }
0x22f: {  	v35 =	vld [tilespmem:s24+$0x6E40]  }
0x230: {  	v36 =	vld [tilespmem:s24+$0x6E50]  }
0x231: {  	v37 =	vld [tilespmem:s24+$0x6E60]  }
0x232: {  	v38 =	vld [tilespmem:s24+$0x6E70]  }
0x233: {  	v39 =	vld [tilespmem:s24+$0x7200]  }
0x234: {  	v40 =	vld [tilespmem:s24+$0x7210]  }
0x235: {  	v41 =	vld [tilespmem:s24+$0x7220]  }
0x236: {  	v42 =	vld [tilespmem:s24+$0x7230]  }
0x237: {  	v43 =	vld [tilespmem:s24+$0x7240]  }
0x238: {  	v44 =	vld [tilespmem:s24+$0x7250]  }
0x239: {  	v45 =	vld [tilespmem:s24+$0x7260]  }
0x23a: {  	v46 =	vld [tilespmem:s24+$0x7600]  }
0x23b: {  	v47 =	vld [tilespmem:s24+$0x7610]  }
0x23c: {  	v48 =	vld [tilespmem:s24+$0x13610]  }
0x23d: {  	v49 =	vld [tilespmem:s24+$0x13630]  }
0x23e: {  	v50 =	vld [tilespmem:s24+$0x7630]  }
0x23f: {  	s21 =	simm.s32 $0x19200;
	v51 =	vld [tilespmem:s24+$0x7620]  }
0x240: {  	s22 =	simm.s32 $0x1B200;
	v8 =	vld [tilespmem:s21+$0x0]  }
0x241: {  	v9 =	vld [tilespmem:s22+$0x0]  }
0x242: {  	v52 =	vld [tilespmem:s24+$0x13620]  }
0x243: {  	v62 =	vld [tilespmem:s24+$0x13600]  }
0x244: {  	v63 =	vld [tilespmem:s24+$0x7270]  }
0x245: {  	v60 =	vld [tilespmem:s24+$0x13270];
	v50 =	vmul.f32 v50, v8  }
0x246: {  	v61 =	vld [tilespmem:s24+$0x13260];
	v49 =	vmul.f32 v49, v9;
	v51 =	vmul.f32 v51, v8  }
0x247: {  	v57 =	vld [tilespmem:s24+$0x13250];
	v52 =	vmul.f32 v52, v9;
	v47 =	vmul.f32 v47, v8  }
0x248: {  	v58 =	vld [tilespmem:s24+$0x13240];
	v48 =	vmul.f32 v48, v9;
	v46 =	vmul.f32 v46, v8;
	v49 =	vadd.f32 v49, v50  }
0x249: {  	v53 =	vld [tilespmem:s24+$0x13230];
	v62 =	vmul.f32 v62, v9;
	v63 =	vmul.f32 v63, v8;
	v51 =	vadd.f32 v52, v51  }
0x24a: {  	v56 =	vld [tilespmem:s24+$0x12E60];
	v59 =	vmul.f32 v60, v9;
	v45 =	vmul.f32 v45, v8;
	v47 =	vadd.f32 v48, v47;
	[tilespmem:s24+$0x7630] =	vst v49  }
0x24b: {  	v55 =	vld [tilespmem:s24+$0x12A70];
	v60 =	vmul.f32 v61, v9;
	v44 =	vmul.f32 v44, v8;
	v46 =	vadd.f32 v62, v46;
	[tilespmem:s24+$0x7620] =	vst v51  }
0x24c: {  	v61 =	vld [tilespmem:s24+$0x13200];
	v12 =	vmul.f32 v12, v8;
	v11 =	vmul.f32 v11, v9;
	v52 =	vadd.f32 v59, v63;
	[tilespmem:s24+$0x7610] =	vst v47  }
0x24d: {  	v10 =	vmul.f32 v10, v8;
	v7 =	vmul.f32 v7, v9;
	v48 =	vld [tilespmem:s24+$0x13220];
	v45 =	vadd.f32 v60, v45;
	[tilespmem:s24+$0x7600] =	vst v46  }
0x24e: {  	v62 =	vmul.f32 v57, v9;
	v63 =	vmul.f32 v58, v9;
	v58 =	vld [tilespmem:s24+$0x12E50];
	v11 =	vadd.f32 v11, v12;
	[tilespmem:s24+$0x7270] =	vst v52  }
0x24f: {  	v43 =	vmul.f32 v43, v8;
	v59 =	vld [tilespmem:s24+$0x12E40];
	v7 =	vadd.f32 v7, v10;
	[tilespmem:s24+$0x7260] =	vst v45  }
0x250: {  	v42 =	vmul.f32 v42, v8;
	v57 =	vmul.f32 v53, v9;
	v60 =	vld [tilespmem:s24+$0x12E30];
	v44 =	vadd.f32 v62, v44;
	[tilespmem:s24+$0x6240] =	vst v11  }
0x251: {  	v37 =	vmul.f32 v37, v8;
	v53 =	vld [tilespmem:s24+$0x12E00];
	v43 =	vadd.f32 v63, v43;
	v46 =	vmul.f32 v56, v9;
	[tilespmem:s24+$0x6230] =	vst v7  }
0x252: {  	v39 =	vmul.f32 v39, v8;
	v49 =	vld [tilespmem:s24+$0x13210];
	v42 =	vadd.f32 v57, v42;
	v61 =	vmul.f32 v61, v9;
	[tilespmem:s24+$0x7250] =	vst v44  }
0x253: {  	v41 =	vmul.f32 v41, v8;
	v47 =	vld [tilespmem:s24+$0x12E70];
	[tilespmem:s24+$0x7240] =	vst v43;
	v37 =	vadd.f32 v46, v37;
	v48 =	vmul.f32 v48, v9  }
0x254: {  	v36 =	vmul.f32 v36, v8;
	v62 =	vld [tilespmem:s24+$0x12E20];
	[tilespmem:s24+$0x7230] =	vst v42;
	v39 =	vadd.f32 v61, v39;
	v54 =	vmul.f32 v58, v9  }
0x255: {  	v35 =	vmul.f32 v35, v8;
	v63 =	vld [tilespmem:s24+$0x12E10];
	v45 =	vmul.f32 v59, v9;
	[tilespmem:s24+$0x6E60] =	vst v37;
	v41 =	vadd.f32 v48, v41  }
0x256: {  	v34 =	vmul.f32 v34, v8;
	v56 =	vld [tilespmem:s24+$0x12A60];
	v44 =	vmul.f32 v60, v9;
	[tilespmem:s24+$0x7200] =	vst v39;
	v36 =	vadd.f32 v54, v36  }
0x257: {  	v40 =	vmul.f32 v40, v8;
	v12 =	vld [tilespmem:s24+$0x7660];
	v49 =	vmul.f32 v49, v9;
	v35 =	vadd.f32 v45, v35;
	[tilespmem:s24+$0x7220] =	vst v41  }
0x258: {  	v38 =	vmul.f32 v38, v8;
	v58 =	vld [tilespmem:s24+$0x12A40];
	v47 =	vmul.f32 v47, v9;
	v34 =	vadd.f32 v44, v34;
	[tilespmem:s24+$0x6E50] =	vst v36  }
0x259: {  	v33 =	vmul.f32 v33, v8;
	v59 =	vld [tilespmem:s24+$0x12A30];
	v43 =	vmul.f32 v62, v9;
	v40 =	vadd.f32 v49, v40;
	[tilespmem:s24+$0x6E40] =	vst v35  }
0x25a: {  	v32 =	vmul.f32 v32, v8;
	v57 =	vld [tilespmem:s24+$0x12A50];
	v42 =	vmul.f32 v63, v9;
	v38 =	vadd.f32 v47, v38;
	[tilespmem:s24+$0x6E30] =	vst v34  }
0x25b: {  	v29 =	vmul.f32 v29, v8;
	v60 =	vld [tilespmem:s24+$0x12A20];
	v39 =	vmul.f32 v56, v9;
	v33 =	vadd.f32 v43, v33;
	[tilespmem:s24+$0x7210] =	vst v40  }
0x25c: {  	v31 =	vmul.f32 v31, v8;
	v61 =	vld [tilespmem:s24+$0x12A10];
	v41 =	vmul.f32 v53, v9;
	v32 =	vadd.f32 v42, v32;
	[tilespmem:s24+$0x6E70] =	vst v38  }
0x25d: {  	v27 =	vmul.f32 v27, v8;
	v62 =	vld [tilespmem:s24+$0x12A00];
	v29 =	vadd.f32 v39, v29;
	v37 =	vmul.f32 v58, v9;
	[tilespmem:s24+$0x6E20] =	vst v33  }
0x25e: {  	v26 =	vmul.f32 v26, v8;
	v63 =	vld [tilespmem:s24+$0x12670];
	v36 =	vmul.f32 v59, v9;
	v31 =	vadd.f32 v41, v31;
	[tilespmem:s24+$0x6E10] =	vst v32  }
0x25f: {  	v30 =	vmul.f32 v30, v8;
	v40 =	vmul.f32 v55, v9;
	[tilespmem:s24+$0x6A60] =	vst v29;
	v29 =	vld [tilespmem:s24+$0x12640];
	v27 =	vadd.f32 v37, v27  }
0x260: {  	v25 =	vmul.f32 v25, v8;
	v35 =	vmul.f32 v60, v9;
	v26 =	vadd.f32 v36, v26;
	[tilespmem:s24+$0x6E00] =	vst v31;
	v31 =	vld [tilespmem:s24+$0x12660]  }
0x261: {  	v28 =	vmul.f32 v28, v8;
	v38 =	vmul.f32 v57, v9;
	v30 =	vadd.f32 v40, v30;
	[tilespmem:s24+$0x6A40] =	vst v27;
	v27 =	vld [tilespmem:s24+$0x12620]  }
0x262: {  	v23 =	vmul.f32 v23, v8;
	v33 =	vmul.f32 v62, v9;
	v25 =	vadd.f32 v35, v25;
	[tilespmem:s24+$0x6A30] =	vst v26;
	v26 =	vld [tilespmem:s24+$0x12610]  }
0x263: {  	v24 =	vmul.f32 v24, v8;
	v34 =	vmul.f32 v61, v9;
	v28 =	vadd.f32 v38, v28;
	[tilespmem:s24+$0x6A70] =	vst v30;
	v30 =	vld [tilespmem:s24+$0x12650]  }
0x264: {  	v22 =	vmul.f32 v22, v8;
	v32 =	vmul.f32 v63, v9;
	v23 =	vadd.f32 v33, v23;
	[tilespmem:s24+$0x6A20] =	vst v25;
	v25 =	vld [tilespmem:s24+$0x12600]  }
0x265: {  	v19 =	vmul.f32 v19, v8;
	v24 =	vadd.f32 v34, v24;
	[tilespmem:s24+$0x6A50] =	vst v28;
	v28 =	vld [tilespmem:s24+$0x12630];
	v29 =	vmul.f32 v29, v9  }
0x266: {  	v21 =	vmul.f32 v21, v8;
	v22 =	vadd.f32 v32, v22;
	[tilespmem:s24+$0x6A00] =	vst v23;
	v23 =	vld [tilespmem:s24+$0x12260];
	v31 =	vmul.f32 v31, v9  }
0x267: {  	v17 =	vmul.f32 v17, v8;
	[tilespmem:s24+$0x6A10] =	vst v24;
	v24 =	vld [tilespmem:s24+$0x12270];
	v19 =	vadd.f32 v29, v19;
	v27 =	vmul.f32 v27, v9  }
0x268: {  	v20 =	vmul.f32 v20, v8;
	[tilespmem:s24+$0x6670] =	vst v22;
	v22 =	vld [tilespmem:s24+$0x6250];
	v30 =	vmul.f32 v30, v9;
	v21 =	vadd.f32 v31, v21  }
0x269: {  	v15 =	vmul.f32 v15, v8;
	v25 =	vmul.f32 v25, v9;
	[tilespmem:s24+$0x6640] =	vst v19;
	v19 =	vld [tilespmem:s24+$0x13650];
	v17 =	vadd.f32 v27, v17  }
0x26a: {  	v18 =	vmul.f32 v18, v8;
	v28 =	vmul.f32 v28, v9;
	v20 =	vadd.f32 v30, v20;
	[tilespmem:s24+$0x6660] =	vst v21;
	v21 =	vld [tilespmem:s24+$0x12250]  }
0x26b: {  	v13 =	vmul.f32 v13, v8;
	v23 =	vmul.f32 v23, v9;
	v15 =	vadd.f32 v25, v15;
	[tilespmem:s24+$0x6620] =	vst v17;
	v17 =	vld [tilespmem:s24+$0x7640]  }
0x26c: {  	v6 =	vmul.f32 v6, v8;
	v5 =	vmul.f32 v5, v9;
	v18 =	vadd.f32 v28, v18;
	[tilespmem:s24+$0x6650] =	vst v20;
	v20 =	vld [tilespmem:s24+$0x13640]  }
0x26d: {  	v14 =	vmul.f32 v14, v8;
	v24 =	vmul.f32 v24, v9;
	v13 =	vadd.f32 v23, v13;
	[tilespmem:s24+$0x6600] =	vst v15;
	v15 =	vld [tilespmem:s24+$0x7650]  }
0x26e: {  	v4 =	vmul.f32 v4, v8;
	v3 =	vmul.f32 v3, v9;
	v5 =	vadd.f32 v5, v6;
	[tilespmem:s24+$0x6630] =	vst v18;
	v18 =	vld [tilespmem:s24+$0x13660]  }
0x26f: {  	v6 =	vld [tilespmem:s24+$0x6200];
	v14 =	vadd.f32 v24, v14;
	v10 =	vmul.f32 v22, v8;
	[tilespmem:s24+$0x6260] =	vst v13;
	v13 =	vmul.f32 v21, v9  }
0x270: {  	s26 =	simm.s32 $0x0;
	v16 =	vmul.f32 v16, v8;
	v3 =	vadd.f32 v3, v4;
	v7 =	vld [tilespmem:s24+$0x12200];
	[tilespmem:s24+$0x6220] =	vst v5;
	v26 =	vmul.f32 v26, v9  }
0x271: {  	s23 =	simm.s32 $0x80;
	s20 =	smul.u32 $0x1800, s26;
	[tilespmem:s24+$0x6270] =	vst v14;
	v14 =	vld [tilespmem:s24+$0x7670];
	v11 =	vmul.f32 v17, v8;
	v17 =	vmul.f32 v20, v9;
	v4 =	vadd.f32 v13, v10  }
0x272: {  	s25 =	sand.u32 $0x380, s23;
	[tilespmem:s24+$0x6210] =	vst v3;
	v16 =	vadd.f32 v26, v16;
	v5 =	vmul.f32 v15, v8;
	v10 =	vmul.f32 v19, v9  }
0x273: {  	s20 =	sor.u32 s25, s20;
	v11 =	vadd.f32 v17, v11;
	[tilespmem:s24+$0x6250] =	vst v4;
	v4 =	vmul.f32 v12, v8;
	v12 =	vmul.f32 v18, v9  }
0x274: {  	v3 =	vld [tilespmem:s20+$0x6210];
	[tilespmem:s24+$0x6610] =	vst v16;
	v5 =	vadd.f32 v10, v5  }
0x275: {  	v7 =	vmul.f32 v7, v9;
	v16 =	vld [tilespmem:s24+$0x13670];
	[tilespmem:s24+$0x7640] =	vst v11;
	v12 =	vadd.f32 v12, v4  }
0x276: {  	v10 =	vmul.f32 v14, v8;
	v8 =	vmul.f32 v6, v8;
	v4 =	vld [tilespmem:s20+$0x12210];
	[tilespmem:s24+$0x7650] =	vst v5  }
0x277: {  	v6 =	vld [tilespmem:s20+$0x6220];
	[tilespmem:s24+$0x7660] =	vst v12  }
0x278: {  	v7 =	vadd.f32 v7, v8;
	v5 =	vld [tilespmem:s20+$0x12220]  }
0x279: {  	v8 =	vld [tilespmem:s20+$0x6230]  }
0x27a: {  	[tilespmem:s24+$0x6200] =	vst v7;
	v18 =	vld [tilespmem:s20+$0x6630]  }
0x27b: {  	v11 =	vmul.f32 v16, v9;
	v26 =	vld [tilespmem:s20+$0x6A30]  }
0x27c: {  	v36 =	vld [tilespmem:s20+$0x6E30]  }
0x27d: {  	v9 =	vadd.f32 v11, v10;
	v44 =	vld [tilespmem:s20+$0x7230]  }
0x27e: {  	v48 =	vld [tilespmem:s20+$0x7600]  }
0x27f: {  	[tilespmem:s24+$0x7670] =	vst v9;
	v50 =	vld [tilespmem:s20+$0x7610]  }
0x280: {  	v7 =	vld [tilespmem:s20+$0x12230]  }
0x281: {  	v10 =	vld [tilespmem:s20+$0x6240]  }
0x282: {  	v9 =	vld [tilespmem:s20+$0x12240]  }
0x283: {  	v12 =	vld [tilespmem:s20+$0x6250]  }
0x284: {  	v11 =	vld [tilespmem:s20+$0x12250]  }
0x285: {  	v13 =	vld [tilespmem:s20+$0x6260]  }
0x286: {  	v14 =	vld [tilespmem:s20+$0x6270]  }
0x287: {  	v15 =	vld [tilespmem:s20+$0x6600]  }
0x288: {  	v16 =	vld [tilespmem:s20+$0x6610]  }
0x289: {  	v17 =	vld [tilespmem:s20+$0x6620]  }
0x28a: {  	v19 =	vld [tilespmem:s20+$0x6640]  }
0x28b: {  	v20 =	vld [tilespmem:s20+$0x6650]  }
0x28c: {  	v21 =	vld [tilespmem:s20+$0x6660]  }
0x28d: {  	v22 =	vld [tilespmem:s20+$0x6670]  }
0x28e: {  	v23 =	vld [tilespmem:s20+$0x6A00]  }
0x28f: {  	v24 =	vld [tilespmem:s20+$0x6A10]  }
0x290: {  	v25 =	vld [tilespmem:s20+$0x6A20]  }
0x291: {  	v27 =	vld [tilespmem:s20+$0x6A40]  }
0x292: {  	v28 =	vld [tilespmem:s20+$0x6A50]  }
0x293: {  	v29 =	vld [tilespmem:s20+$0x6A60]  }
0x294: {  	v30 =	vld [tilespmem:s20+$0x6A70]  }
0x295: {  	v31 =	vld [tilespmem:s20+$0x6E00]  }
0x296: {  	v34 =	vld [tilespmem:s20+$0x6E10]  }
0x297: {  	v35 =	vld [tilespmem:s20+$0x6E20]  }
0x298: {  	v37 =	vld [tilespmem:s20+$0x6E40]  }
0x299: {  	v38 =	vld [tilespmem:s20+$0x6E50]  }
0x29a: {  	v39 =	vld [tilespmem:s20+$0x6E60]  }
0x29b: {  	v40 =	vld [tilespmem:s20+$0x6E70]  }
0x29c: {  	v41 =	vld [tilespmem:s20+$0x7200]  }
0x29d: {  	v42 =	vld [tilespmem:s20+$0x7210]  }
0x29e: {  	v43 =	vld [tilespmem:s20+$0x7220]  }
0x29f: {  	v45 =	vld [tilespmem:s20+$0x7240]  }
0x2a0: {  	v46 =	vld [tilespmem:s20+$0x7250]  }
0x2a1: {  	v47 =	vld [tilespmem:s20+$0x7260]  }
0x2a2: {  	v49 =	vld [tilespmem:s20+$0x13610]  }
0x2a3: {  	s24 =	simm.s32 $0x2;
	v51 =	vld [tilespmem:s20+$0x13630]  }
.LBB2_4:
0x2a4: {  	p0 =	sne.s32 s24, $0x1F;
	v52 =	vld [tilespmem:s20+$0x7630]  }
0x2a5: {  	s21 =	sadd.s32 $0x80, s21;
	v53 =	vld [tilespmem:s20+$0x7620]  }
0x2a6: {  	s22 =	sadd.s32 $0x80, s22;
	v33 =	vld [tilespmem:s21+$0x0]  }
0x2a7: {  	v32 =	vld [tilespmem:s22+$0x0]  }
0x2a8: {  	v54 =	vld [tilespmem:s20+$0x13620]  }
0x2a9: {  	v55 =	vld [tilespmem:s20+$0x13600]  }
0x2aa: {  	v56 =	vld [tilespmem:s20+$0x7270]  }
0x2ab: {  	v57 =	vld [tilespmem:s20+$0x13270];
	v50 =	vmul.f32 v50, v33;
	v53 =	vmul.f32 v53, v33  }
0x2ac: {  	v52 =	vmul.f32 v52, v33;
	v58 =	vld [tilespmem:s20+$0x13260];
	v51 =	vmul.f32 v51, v32  }
0x2ad: {  	v49 =	vmul.f32 v49, v32;
	v59 =	vld [tilespmem:s20+$0x13250];
	v54 =	vmul.f32 v54, v32  }
0x2ae: {  	v48 =	vmul.f32 v48, v33;
	v60 =	vld [tilespmem:s20+$0x13240];
	v55 =	vmul.f32 v55, v32;
	v51 =	vadd.f32 v51, v52  }
0x2af: {  	v49 =	vadd.f32 v49, v50;
	v52 =	vld [tilespmem:s20+$0x13230];
	v56 =	vmul.f32 v56, v33;
	v50 =	vadd.f32 v54, v53  }
0x2b0: {  	v47 =	vmul.f32 v47, v33;
	v53 =	vld [tilespmem:s20+$0x13220];
	v54 =	vmul.f32 v57, v32;
	v48 =	vadd.f32 v55, v48;
	[tilespmem:s20+$0x7630] =	vst v51  }
0x2b1: {  	v46 =	vmul.f32 v46, v33;
	v51 =	vld [tilespmem:s20+$0x13210];
	v55 =	vmul.f32 v58, v32;
	[tilespmem:s20+$0x7620] =	vst v50  }
0x2b2: {  	v45 =	vmul.f32 v45, v33;
	v50 =	vld [tilespmem:s20+$0x13200];
	v57 =	vmul.f32 v59, v32;
	v54 =	vadd.f32 v54, v56;
	[tilespmem:s20+$0x7610] =	vst v49  }
0x2b3: {  	v44 =	vmul.f32 v44, v33;
	v49 =	vld [tilespmem:s20+$0x12E70];
	v56 =	vmul.f32 v60, v32;
	v47 =	vadd.f32 v55, v47;
	[tilespmem:s20+$0x7600] =	vst v48  }
0x2b4: {  	v43 =	vmul.f32 v43, v33;
	v48 =	vld [tilespmem:s20+$0x12E60];
	v52 =	vmul.f32 v52, v32;
	v46 =	vadd.f32 v57, v46;
	[tilespmem:s20+$0x7270] =	vst v54  }
0x2b5: {  	v42 =	vmul.f32 v42, v33;
	v54 =	vld [tilespmem:s20+$0x12E50];
	v53 =	vmul.f32 v53, v32;
	v45 =	vadd.f32 v56, v45;
	[tilespmem:s20+$0x7260] =	vst v47  }
0x2b6: {  	v41 =	vmul.f32 v41, v33;
	v47 =	vld [tilespmem:s20+$0x12E40];
	v51 =	vmul.f32 v51, v32;
	v44 =	vadd.f32 v52, v44;
	[tilespmem:s20+$0x7250] =	vst v46  }
0x2b7: {  	v40 =	vmul.f32 v40, v33;
	v46 =	vld [tilespmem:s20+$0x12E30];
	v50 =	vmul.f32 v50, v32;
	v43 =	vadd.f32 v53, v43;
	[tilespmem:s20+$0x7240] =	vst v45  }
0x2b8: {  	v39 =	vmul.f32 v39, v33;
	v45 =	vld [tilespmem:s20+$0x12E20];
	v49 =	vmul.f32 v49, v32;
	v42 =	vadd.f32 v51, v42;
	[tilespmem:s20+$0x7230] =	vst v44  }
0x2b9: {  	v38 =	vmul.f32 v38, v33;
	v44 =	vld [tilespmem:s20+$0x12E10];
	v48 =	vmul.f32 v48, v32;
	v41 =	vadd.f32 v50, v41;
	[tilespmem:s20+$0x7220] =	vst v43  }
0x2ba: {  	v37 =	vmul.f32 v37, v33;
	v43 =	vld [tilespmem:s20+$0x12E00];
	v50 =	vmul.f32 v54, v32;
	v40 =	vadd.f32 v49, v40;
	[tilespmem:s20+$0x7210] =	vst v42  }
0x2bb: {  	v36 =	vmul.f32 v36, v33;
	v42 =	vld [tilespmem:s20+$0x12A70];
	v47 =	vmul.f32 v47, v32;
	v39 =	vadd.f32 v48, v39;
	[tilespmem:s20+$0x7200] =	vst v41  }
0x2bc: {  	v35 =	vmul.f32 v35, v33;
	v41 =	vld [tilespmem:s20+$0x12A60];
	v46 =	vmul.f32 v46, v32;
	v38 =	vadd.f32 v50, v38;
	[tilespmem:s20+$0x6E70] =	vst v40  }
0x2bd: {  	v34 =	vmul.f32 v34, v33;
	v40 =	vld [tilespmem:s20+$0x12A50];
	v45 =	vmul.f32 v45, v32;
	v37 =	vadd.f32 v47, v37;
	[tilespmem:s20+$0x6E60] =	vst v39  }
0x2be: {  	v31 =	vmul.f32 v31, v33;
	v39 =	vld [tilespmem:s20+$0x12A40];
	v44 =	vmul.f32 v44, v32;
	v36 =	vadd.f32 v46, v36;
	[tilespmem:s20+$0x6E50] =	vst v38  }
0x2bf: {  	v30 =	vmul.f32 v30, v33;
	v38 =	vld [tilespmem:s20+$0x12A30];
	v43 =	vmul.f32 v43, v32;
	v35 =	vadd.f32 v45, v35;
	[tilespmem:s20+$0x6E40] =	vst v37  }
0x2c0: {  	v29 =	vmul.f32 v29, v33;
	v37 =	vld [tilespmem:s20+$0x12A20];
	v42 =	vmul.f32 v42, v32;
	v34 =	vadd.f32 v44, v34;
	[tilespmem:s20+$0x6E30] =	vst v36  }
0x2c1: {  	v28 =	vmul.f32 v28, v33;
	v36 =	vld [tilespmem:s20+$0x12A10];
	v41 =	vmul.f32 v41, v32;
	v31 =	vadd.f32 v43, v31;
	[tilespmem:s20+$0x6E20] =	vst v35  }
0x2c2: {  	v27 =	vmul.f32 v27, v33;
	v35 =	vld [tilespmem:s20+$0x12A00];
	v40 =	vmul.f32 v40, v32;
	v30 =	vadd.f32 v42, v30;
	[tilespmem:s20+$0x6E10] =	vst v34  }
0x2c3: {  	v26 =	vmul.f32 v26, v33;
	v34 =	vld [tilespmem:s20+$0x12670];
	v39 =	vmul.f32 v39, v32;
	v29 =	vadd.f32 v41, v29;
	[tilespmem:s20+$0x6E00] =	vst v31  }
0x2c4: {  	v25 =	vmul.f32 v25, v33;
	v31 =	vld [tilespmem:s20+$0x12660];
	v38 =	vmul.f32 v38, v32;
	v28 =	vadd.f32 v40, v28;
	[tilespmem:s20+$0x6A70] =	vst v30  }
0x2c5: {  	v24 =	vmul.f32 v24, v33;
	v30 =	vld [tilespmem:s20+$0x12650];
	v37 =	vmul.f32 v37, v32;
	v27 =	vadd.f32 v39, v27;
	[tilespmem:s20+$0x6A60] =	vst v29  }
0x2c6: {  	v23 =	vmul.f32 v23, v33;
	v29 =	vld [tilespmem:s20+$0x12640];
	v36 =	vmul.f32 v36, v32;
	v26 =	vadd.f32 v38, v26;
	[tilespmem:s20+$0x6A50] =	vst v28  }
0x2c7: {  	v22 =	vmul.f32 v22, v33;
	v28 =	vld [tilespmem:s20+$0x12630];
	v35 =	vmul.f32 v35, v32;
	v25 =	vadd.f32 v37, v25;
	[tilespmem:s20+$0x6A40] =	vst v27  }
0x2c8: {  	v21 =	vmul.f32 v21, v33;
	v27 =	vld [tilespmem:s20+$0x12620];
	v34 =	vmul.f32 v34, v32;
	v24 =	vadd.f32 v36, v24;
	[tilespmem:s20+$0x6A30] =	vst v26  }
0x2c9: {  	v20 =	vmul.f32 v20, v33;
	v26 =	vld [tilespmem:s20+$0x12610];
	v31 =	vmul.f32 v31, v32;
	v23 =	vadd.f32 v35, v23;
	[tilespmem:s20+$0x6A20] =	vst v25  }
0x2ca: {  	v19 =	vmul.f32 v19, v33;
	v25 =	vld [tilespmem:s20+$0x12600];
	v30 =	vmul.f32 v30, v32;
	v22 =	vadd.f32 v34, v22;
	[tilespmem:s20+$0x6A10] =	vst v24  }
0x2cb: {  	v18 =	vmul.f32 v18, v33;
	v24 =	vld [tilespmem:s20+$0x12270];
	v29 =	vmul.f32 v29, v32;
	v21 =	vadd.f32 v31, v21;
	[tilespmem:s20+$0x6A00] =	vst v23  }
0x2cc: {  	v17 =	vmul.f32 v17, v33;
	v23 =	vld [tilespmem:s20+$0x12260];
	v28 =	vmul.f32 v28, v32;
	v20 =	vadd.f32 v30, v20;
	[tilespmem:s20+$0x6670] =	vst v22  }
0x2cd: {  	v16 =	vmul.f32 v16, v33;
	v22 =	vmul.f32 v27, v32;
	v19 =	vadd.f32 v29, v19;
	[tilespmem:s20+$0x6660] =	vst v21;
	v21 =	vld [tilespmem:s20+$0x13640]  }
0x2ce: {  	v15 =	vmul.f32 v15, v33;
	v26 =	vmul.f32 v26, v32;
	v18 =	vadd.f32 v28, v18;
	[tilespmem:s20+$0x6650] =	vst v20;
	v20 =	vld [tilespmem:s20+$0x13650]  }
0x2cf: {  	v14 =	vmul.f32 v14, v33;
	v25 =	vmul.f32 v25, v32;
	v17 =	vadd.f32 v22, v17;
	[tilespmem:s20+$0x6640] =	vst v19;
	v19 =	vld [tilespmem:s20+$0x13660]  }
0x2d0: {  	v13 =	vmul.f32 v13, v33;
	v22 =	vmul.f32 v24, v32;
	v16 =	vadd.f32 v26, v16;
	[tilespmem:s20+$0x6630] =	vst v18;
	v18 =	vld [tilespmem:s20+$0x13670]  }
0x2d1: {  	v12 =	vmul.f32 v12, v33;
	v23 =	vmul.f32 v23, v32;
	v15 =	vadd.f32 v25, v15;
	[tilespmem:s20+$0x6620] =	vst v17;
	v17 =	vld [tilespmem:s20+$0x7640]  }
0x2d2: {  	v10 =	vmul.f32 v10, v33;
	v11 =	vmul.f32 v11, v32;
	v14 =	vadd.f32 v22, v14;
	[tilespmem:s20+$0x6610] =	vst v16;
	v16 =	vld [tilespmem:s20+$0x7650]  }
0x2d3: {  	v8 =	vmul.f32 v8, v33;
	v9 =	vmul.f32 v9, v32;
	v13 =	vadd.f32 v23, v13;
	[tilespmem:s20+$0x6600] =	vst v15;
	v15 =	vld [tilespmem:s20+$0x7660]  }
0x2d4: {  	v6 =	vmul.f32 v6, v33;
	v7 =	vmul.f32 v7, v32;
	v11 =	vadd.f32 v11, v12;
	[tilespmem:s20+$0x6270] =	vst v14;
	v12 =	vld [tilespmem:s20+$0x7670]  }
0x2d5: {  	v3 =	vmul.f32 v3, v33;
	v5 =	vmul.f32 v5, v32;
	v9 =	vadd.f32 v9, v10;
	v14 =	vld [tilespmem:s20+$0x6200];
	[tilespmem:s20+$0x6260] =	vst v13  }
0x2d6: {  	v4 =	vmul.f32 v4, v32;
	v7 =	vadd.f32 v7, v8;
	v10 =	vld [tilespmem:s20+$0x12200];
	[tilespmem:s20+$0x6250] =	vst v11;
	v8 =	vmul.f32 v17, v33  }
0x2d7: {  	s25 =	sshrl.u32 s24, $0x3;
	v5 =	vadd.f32 v5, v6;
	v6 =	vmul.f32 v21, v32;
	[tilespmem:s20+$0x6240] =	vst v9;
	v9 =	vmul.f32 v16, v33  }
0x2d8: {  	s23 =	sadd.s32 $0x80, s23;
	s25 =	smul.u32 $0x1800, s25;
	v3 =	vadd.f32 v4, v3;
	v4 =	vmul.f32 v20, v32;
	[tilespmem:s20+$0x6230] =	vst v7;
	v7 =	vmul.f32 v15, v33  }
0x2d9: {  	s26 =	sand.u32 $0x380, s23;
	[tilespmem:s20+$0x6220] =	vst v5;
	v5 =	vadd.f32 v6, v8;
	v6 =	vmul.f32 v19, v32;
	v8 =	vmul.f32 v12, v33  }
0x2da: {  	s25 =	sor.u32 s26, s25;
	v9 =	vadd.f32 v4, v9;
	v12 =	vmul.f32 v18, v32;
	v11 =	vmul.f32 v14, v33;
	[tilespmem:s20+$0x6210] =	vst v3  }
0x2db: {  	v3 =	vld [tilespmem:s25+$0x6210];
	v10 =	vmul.f32 v10, v32;
	[tilespmem:s20+$0x7640] =	vst v5;
	v5 =	vadd.f32 v6, v7  }
0x2dc: {  	v7 =	vadd.f32 v12, v8;
	v4 =	vld [tilespmem:s25+$0x12210];
	[tilespmem:s20+$0x7650] =	vst v9  }
0x2dd: {  	v6 =	vld [tilespmem:s25+$0x6220];
	v9 =	vadd.f32 v10, v11;
	[tilespmem:s20+$0x7660] =	vst v5  }
0x2de: {  	v5 =	vld [tilespmem:s25+$0x12220];
	[tilespmem:s20+$0x7670] =	vst v7  }
0x2df: {  	v8 =	vld [tilespmem:s25+$0x6230];
	[tilespmem:s20+$0x6200] =	vst v9;
	s20 =	smov.u32 s25  }
0x2e0: {  	v7 =	vld [tilespmem:s20+$0x12230]  }
0x2e1: {  	v10 =	vld [tilespmem:s20+$0x6240]  }
0x2e2: {  	v9 =	vld [tilespmem:s20+$0x12240]  }
0x2e3: {  	v12 =	vld [tilespmem:s20+$0x6250]  }
0x2e4: {  	v11 =	vld [tilespmem:s20+$0x12250]  }
0x2e5: {  	v13 =	vld [tilespmem:s20+$0x6260]  }
0x2e6: {  	v14 =	vld [tilespmem:s20+$0x6270]  }
0x2e7: {  	v15 =	vld [tilespmem:s20+$0x6600]  }
0x2e8: {  	v16 =	vld [tilespmem:s20+$0x6610]  }
0x2e9: {  	v17 =	vld [tilespmem:s20+$0x6620]  }
0x2ea: {  	v18 =	vld [tilespmem:s20+$0x6630]  }
0x2eb: {  	v19 =	vld [tilespmem:s20+$0x6640]  }
0x2ec: {  	v20 =	vld [tilespmem:s20+$0x6650]  }
0x2ed: {  	v21 =	vld [tilespmem:s20+$0x6660]  }
0x2ee: {  	v22 =	vld [tilespmem:s20+$0x6670]  }
0x2ef: {  	v23 =	vld [tilespmem:s20+$0x6A00]  }
0x2f0: {  	v24 =	vld [tilespmem:s20+$0x6A10]  }
0x2f1: {  	v25 =	vld [tilespmem:s20+$0x6A20]  }
0x2f2: {  	v26 =	vld [tilespmem:s20+$0x6A30]  }
0x2f3: {  	v27 =	vld [tilespmem:s20+$0x6A40]  }
0x2f4: {  	v28 =	vld [tilespmem:s20+$0x6A50]  }
0x2f5: {  	v29 =	vld [tilespmem:s20+$0x6A60]  }
0x2f6: {  	v30 =	vld [tilespmem:s20+$0x6A70]  }
0x2f7: {  	v31 =	vld [tilespmem:s20+$0x6E00]  }
0x2f8: {  	v34 =	vld [tilespmem:s20+$0x6E10]  }
0x2f9: {  	v35 =	vld [tilespmem:s20+$0x6E20]  }
0x2fa: {  	v36 =	vld [tilespmem:s20+$0x6E30]  }
0x2fb: {  	v37 =	vld [tilespmem:s20+$0x6E40]  }
0x2fc: {  	v38 =	vld [tilespmem:s20+$0x6E50]  }
0x2fd: {  	v39 =	vld [tilespmem:s20+$0x6E60]  }
0x2fe: {  	v40 =	vld [tilespmem:s20+$0x6E70]  }
0x2ff: {  	v41 =	vld [tilespmem:s20+$0x7200]  }
0x300: {  	v42 =	vld [tilespmem:s20+$0x7210]  }
0x301: {  	v43 =	vld [tilespmem:s20+$0x7220]  }
0x302: {  	v44 =	vld [tilespmem:s20+$0x7230]  }
0x303: {  	v45 =	vld [tilespmem:s20+$0x7240]  }
0x304: {  	v46 =	vld [tilespmem:s20+$0x7250]  }
.Ltmp1:
0x305: {  	v47 =	vld [tilespmem:s20+$0x7260];
	(pc) =	sbr.rel @p0 .LBB2_4-.Ltmp1, $4  }
0x306: {  	v48 =	vld [tilespmem:s20+$0x7600]  }
0x307: {  	v50 =	vld [tilespmem:s20+$0x7610]  }
0x308: {  	v49 =	vld [tilespmem:s20+$0x13610]  }
0x309: {  	s24 =	sadd.s32 $0x1, s24;
	v51 =	vld [tilespmem:s20+$0x13630]  }
0x30a: {  	v52 =	vld [tilespmem:s20+$0x7630]  }
0x30b: {  	v53 =	vld [tilespmem:s20+$0x7620];
	s21 =	sadd.s32 $0x80, s21  }
0x30c: {  	s26 =	sadd.s32 $0x80, s22;
	v32 =	vld [tilespmem:s21+$0x0]  }
0x30d: {  	v33 =	vld [tilespmem:s26+$0x0]  }
0x30e: {  	v54 =	vld [tilespmem:s20+$0x13620];
	_ =	sdelay $0x1  }
0x30f: {  	v55 =	vld [tilespmem:s20+$0x13600]  }
0x310: {  	v56 =	vld [tilespmem:s20+$0x7270]  }
0x311: {  	v58 =	vld [tilespmem:s20+$0x13260];
	v52 =	vmul.f32 v52, v32;
	v51 =	vmul.f32 v51, v33  }
0x312: {  	v57 =	vld [tilespmem:s20+$0x13270];
	v53 =	vmul.f32 v53, v32;
	v54 =	vmul.f32 v54, v33  }
0x313: {  	v59 =	vld [tilespmem:s20+$0x13250];
	v50 =	vmul.f32 v50, v32;
	v49 =	vmul.f32 v49, v33  }
0x314: {  	v60 =	vld [tilespmem:s20+$0x13240];
	v48 =	vmul.f32 v48, v32;
	v62 =	vmul.f32 v55, v33;
	v51 =	vadd.f32 v51, v52  }
0x315: {  	v61 =	vld [tilespmem:s20+$0x13220];
	v63 =	vmul.f32 v56, v32;
	v47 =	vmul.f32 v47, v32;
	v53 =	vadd.f32 v54, v53  }
0x316: {  	v58 =	vmul.f32 v58, v33;
	v55 =	vld [tilespmem:s20+$0x12660];
	v12 =	vmul.f32 v12, v32;
	v49 =	vadd.f32 v49, v50;
	[tilespmem:s20+$0x7630] =	vst v51  }
0x317: {  	v56 =	vld [tilespmem:s20+$0x12650];
	v11 =	vmul.f32 v11, v33;
	v10 =	vmul.f32 v10, v32;
	v48 =	vadd.f32 v62, v48;
	[tilespmem:s20+$0x7620] =	vst v53  }
0x318: {  	v9 =	vmul.f32 v9, v33;
	v8 =	vmul.f32 v8, v32;
	v52 =	vld [tilespmem:s20+$0x13230];
	v47 =	vadd.f32 v58, v47;
	[tilespmem:s20+$0x7610] =	vst v49  }
0x319: {  	v7 =	vmul.f32 v7, v33;
	v6 =	vmul.f32 v6, v32;
	v50 =	vld [tilespmem:s20+$0x13200];
	v11 =	vadd.f32 v11, v12;
	[tilespmem:s20+$0x7600] =	vst v48  }
0x31a: {  	v5 =	vmul.f32 v5, v33;
	v3 =	vmul.f32 v3, v32;
	v58 =	vld [tilespmem:s20+$0x12E20];
	v9 =	vadd.f32 v9, v10;
	[tilespmem:s20+$0x7260] =	vst v47  }
0x31b: {  	v4 =	vmul.f32 v4, v33;
	v62 =	vmul.f32 v59, v33;
	v59 =	vld [tilespmem:s20+$0x12E10];
	v7 =	vadd.f32 v7, v8;
	[tilespmem:s20+$0x6250] =	vst v11  }
0x31c: {  	v57 =	vmul.f32 v57, v33;
	v54 =	vld [tilespmem:s20+$0x12670];
	v5 =	vadd.f32 v5, v6;
	[tilespmem:s20+$0x6240] =	vst v9  }
0x31d: {  	v46 =	vmul.f32 v46, v32;
	v3 =	vadd.f32 v4, v3;
	v51 =	vld [tilespmem:s20+$0x13210];
	[tilespmem:s20+$0x6230] =	vst v7  }
0x31e: {  	v45 =	vmul.f32 v45, v32;
	v49 =	vld [tilespmem:s20+$0x12E70];
	v53 =	vadd.f32 v57, v63;
	v63 =	vmul.f32 v60, v33;
	[tilespmem:s20+$0x6220] =	vst v5  }
0x31f: {  	v43 =	vmul.f32 v43, v32;
	v48 =	vld [tilespmem:s20+$0x12E60];
	v46 =	vadd.f32 v62, v46;
	v57 =	vmul.f32 v61, v33;
	[tilespmem:s20+$0x6210] =	vst v3  }
0x320: {  	v44 =	vmul.f32 v44, v32;
	v47 =	vld [tilespmem:s20+$0x12E40];
	[tilespmem:s20+$0x7270] =	vst v53;
	v45 =	vadd.f32 v63, v45;
	v52 =	vmul.f32 v52, v33  }
0x321: {  	v41 =	vmul.f32 v41, v32;
	v60 =	vld [tilespmem:s20+$0x12E00];
	[tilespmem:s20+$0x7250] =	vst v46;
	v43 =	vadd.f32 v57, v43;
	v50 =	vmul.f32 v50, v33  }
0x322: {  	v35 =	vmul.f32 v35, v32;
	v61 =	vld [tilespmem:s20+$0x12A70];
	[tilespmem:s20+$0x7240] =	vst v45;
	v45 =	vmul.f32 v58, v33;
	v44 =	vadd.f32 v52, v44  }
0x323: {  	v42 =	vmul.f32 v42, v32;
	v53 =	vld [tilespmem:s20+$0x12E50];
	[tilespmem:s20+$0x7220] =	vst v43;
	v51 =	vmul.f32 v51, v33;
	v41 =	vadd.f32 v50, v41  }
0x324: {  	v40 =	vmul.f32 v40, v32;
	v46 =	vld [tilespmem:s20+$0x12E30];
	v49 =	vmul.f32 v49, v33;
	v35 =	vadd.f32 v45, v35;
	[tilespmem:s20+$0x7230] =	vst v44  }
0x325: {  	v39 =	vmul.f32 v39, v32;
	v62 =	vld [tilespmem:s20+$0x12A60];
	v48 =	vmul.f32 v48, v33;
	v42 =	vadd.f32 v51, v42;
	[tilespmem:s20+$0x7200] =	vst v41  }
0x326: {  	v37 =	vmul.f32 v37, v32;
	v57 =	vld [tilespmem:s20+$0x12640];
	v47 =	vmul.f32 v47, v33;
	v40 =	vadd.f32 v49, v40;
	[tilespmem:s20+$0x6E20] =	vst v35  }
0x327: {  	v31 =	vmul.f32 v31, v32;
	v58 =	vld [tilespmem:s20+$0x12630];
	v43 =	vmul.f32 v60, v33;
	v39 =	vadd.f32 v48, v39;
	[tilespmem:s20+$0x7210] =	vst v42  }
0x328: {  	v38 =	vmul.f32 v38, v32;
	v50 =	vld [tilespmem:s20+$0x12A30];
	v63 =	vmul.f32 v53, v33;
	v37 =	vadd.f32 v47, v37;
	[tilespmem:s20+$0x6E70] =	vst v40  }
0x329: {  	v36 =	vmul.f32 v36, v32;
	v60 =	vld [tilespmem:s20+$0x12610];
	v46 =	vmul.f32 v46, v33;
	v31 =	vadd.f32 v43, v31;
	[tilespmem:s20+$0x6E60] =	vst v39  }
0x32a: {  	v34 =	vmul.f32 v34, v32;
	v52 =	vld [tilespmem:s20+$0x12A10];
	v44 =	vmul.f32 v59, v33;
	v38 =	vadd.f32 v63, v38;
	[tilespmem:s20+$0x6E40] =	vst v37  }
0x32b: {  	v29 =	vmul.f32 v29, v32;
	v45 =	vld [tilespmem:s20+$0x7640];
	v41 =	vmul.f32 v62, v33;
	v36 =	vadd.f32 v46, v36;
	[tilespmem:s20+$0x6E00] =	vst v31  }
0x32c: {  	v21 =	vmul.f32 v21, v32;
	v48 =	vld [tilespmem:s20+$0x12A50];
	v62 =	vmul.f32 v55, v33;
	v34 =	vadd.f32 v44, v34;
	[tilespmem:s20+$0x6E50] =	vst v38  }
0x32d: {  	v30 =	vmul.f32 v30, v32;
	v49 =	vld [tilespmem:s20+$0x12A40];
	v42 =	vmul.f32 v61, v33;
	v29 =	vadd.f32 v41, v29;
	[tilespmem:s20+$0x6E30] =	vst v36  }
0x32e: {  	v16 =	vmul.f32 v16, v32;
	v51 =	vld [tilespmem:s20+$0x12A20];
	v21 =	vadd.f32 v62, v21;
	v41 =	vmul.f32 v60, v33;
	[tilespmem:s20+$0x6E10] =	vst v34  }
0x32f: {  	v26 =	vmul.f32 v26, v32;
	v53 =	vld [tilespmem:s20+$0x12A00];
	v30 =	vadd.f32 v42, v30;
	[tilespmem:s20+$0x6A60] =	vst v29;
	v38 =	vmul.f32 v50, v33  }
0x330: {  	v24 =	vmul.f32 v24, v32;
	v59 =	vld [tilespmem:s20+$0x12620];
	v36 =	vmul.f32 v52, v33;
	[tilespmem:s20+$0x6660] =	vst v21;
	v16 =	vadd.f32 v41, v16  }
0x331: {  	v22 =	vmul.f32 v22, v32;
	v43 =	vld [tilespmem:s20+$0x13670];
	v34 =	vmul.f32 v54, v33;
	[tilespmem:s20+$0x6A70] =	vst v30;
	v26 =	vadd.f32 v38, v26  }
0x332: {  	v28 =	vmul.f32 v28, v32;
	v61 =	vld [tilespmem:s20+$0x12600];
	v40 =	vmul.f32 v48, v33;
	v24 =	vadd.f32 v36, v24;
	[tilespmem:s20+$0x6610] =	vst v16  }
0x333: {  	v27 =	vmul.f32 v27, v32;
	v63 =	vld [tilespmem:s20+$0x12270];
	v39 =	vmul.f32 v49, v33;
	v22 =	vadd.f32 v34, v22;
	[tilespmem:s20+$0x6A30] =	vst v26  }
0x334: {  	v25 =	vmul.f32 v25, v32;
	v46 =	vld [tilespmem:s20+$0x7650];
	v37 =	vmul.f32 v51, v33;
	v28 =	vadd.f32 v40, v28;
	[tilespmem:s20+$0x6A10] =	vst v24  }
0x335: {  	v23 =	vmul.f32 v23, v32;
	v50 =	vld [tilespmem:s20+$0x12200];
	v35 =	vmul.f32 v53, v33;
	v27 =	vadd.f32 v39, v27;
	[tilespmem:s20+$0x6670] =	vst v22  }
0x336: {  	v20 =	vmul.f32 v20, v32;
	v48 =	vld [tilespmem:s20+$0x7660];
	v30 =	vmul.f32 v56, v33;
	v25 =	vadd.f32 v37, v25;
	[tilespmem:s20+$0x6A50] =	vst v28  }
0x337: {  	v19 =	vmul.f32 v19, v32;
	v51 =	vld [tilespmem:s20+$0x6200];
	v23 =	vadd.f32 v35, v23;
	v35 =	vmul.f32 v57, v33;
	[tilespmem:s20+$0x6A40] =	vst v27  }
0x338: {  	v18 =	vmul.f32 v18, v32;
	v34 =	vld [tilespmem:s20+$0x12260];
	v37 =	vmul.f32 v58, v33;
	v20 =	vadd.f32 v30, v20;
	[tilespmem:s20+$0x6A20] =	vst v25  }
0x339: {  	v17 =	vmul.f32 v17, v32;
	v36 =	vld [tilespmem:s20+$0x13640];
	v39 =	vmul.f32 v59, v33;
	[tilespmem:s20+$0x6A00] =	vst v23;
	v19 =	vadd.f32 v35, v19  }
0x33a: {  	v15 =	vmul.f32 v15, v32;
	v38 =	vld [tilespmem:s20+$0x13650];
	v42 =	vmul.f32 v61, v33;
	v18 =	vadd.f32 v37, v18;
	[tilespmem:s20+$0x6650] =	vst v20  }
0x33b: {  	v14 =	vmul.f32 v14, v32;
	v40 =	vld [tilespmem:s20+$0x13660];
	v44 =	vmul.f32 v63, v33;
	v17 =	vadd.f32 v39, v17;
	[tilespmem:s20+$0x6640] =	vst v19  }
0x33c: {  	v49 =	vld [tilespmem:s20+$0x7670];
	v15 =	vadd.f32 v42, v15;
	v10 =	vmul.f32 v50, v33;
	v61 =	vmul.f32 v51, v32;
	[tilespmem:s20+$0x6630] =	vst v18  }
0x33d: {  	v13 =	vmul.f32 v13, v32;
	v14 =	vadd.f32 v44, v14;
	[tilespmem:s20+$0x6620] =	vst v17;
	v47 =	vmul.f32 v34, v33  }
0x33e: {  	v52 =	vmul.f32 v45, v32;
	[tilespmem:s20+$0x6600] =	vst v15;
	v53 =	vmul.f32 v36, v33;
	v63 =	vadd.f32 v10, v61  }
0x33f: {  	v54 =	vmul.f32 v46, v32;
	[tilespmem:s20+$0x6270] =	vst v14;
	v55 =	vmul.f32 v38, v33;
	v13 =	vadd.f32 v47, v13  }
0x340: {  	v56 =	vmul.f32 v48, v32;
	v58 =	vmul.f32 v40, v33;
	v57 =	vadd.f32 v53, v52;
	[tilespmem:s20+$0x6200] =	vst v63  }
0x341: {  	v60 =	vmul.f32 v43, v33;
	v59 =	vmul.f32 v49, v32;
	v3 =	vadd.f32 v55, v54;
	[tilespmem:s20+$0x6260] =	vst v13  }
0x342: {  	v62 =	vadd.f32 v58, v56;
	[tilespmem:s20+$0x7640] =	vst v57  }
0x343: {  	[tilespmem:s20+$0x7650] =	vst v3;
	v3 =	vadd.f32 v60, v59  }
0x344: {  	[tilespmem:s20+$0x7660] =	vst v62  }
0x345: {  	[tilespmem:s20+$0x7670] =	vst v3  }
0x346: {  	s2 =	sadd.s32 $0x1, s2;
	_ =	swait.ge [sflag:s0], $0x6000  }
0x347: {  	p0 =	sne.s32 s2, s16;
	[sflag:s0] =	ssyncset.done $0x0  }
.Ltmp2:
0x348: {  	[sflag:s0] =	ssyncadd.s32 $0xFFFFA000;
	(pc) =	sbr.rel @p0 .LBB2_1-.Ltmp2, $4  }
0x349: {  	[hbm4b:s15+s1] =	stream.linear.scatter [tilespmem:s18], [sflag:$0x2], $0x6000, $0x38;
	[tilespmem:$0x1C200] =	vst v63  }
0x34a: {  	_ =	swait.ge [sflag:s0], $0x6000  }
0x34b: {  	[sflag:s0] =	ssyncset.done $0x0  }
0x34c: {  	[sflag:s0] =	ssyncadd.s32 $0xFFFFA000  }
0x34d: {  	_ =	sfence.sel $0x180000  }
0x34e: {  	[bflag:$0x0] =	sbarrier.arrive $0xFFFF  }
0x34f: {  	_ =	strace $0x9000004A  }
0x350: {  	s0 =	stileid.u32;
	[bflag:$0x2] =	sbarrier.arrive $0xFFFF  }
0x351: {  	p0 =	sne.s32 s0, $0x0;
	s0 =	rddreg [dreg:$0x2]  }
0x352: {  	s0 =	sadd.s32 @!p0 $0x100000, s0  }
0x353: {  	[sflag:s0] =	ssyncadd.tile.s32 @!p0 $0x1;
	_ =	shalt  }
.Lfunc_end2:
_tile_overlayer_lowered:
.L_overlay_start_2:
0x354: {  	(tag) =	ssettag $0x2  }
0x355: {  	s0 =	rddreg [dreg:$0x0];
	s2 =	stileid.u32  }
0x356: {  	s1 =	rddreg [dreg:$0x1];
	p0 =	sne.s32 s2, $0x0  }
0x357: {  	s3 =	rddreg [dreg:$0x2];
	[bflag:$0x3] =	sbarrier.arrive $0xFFFF;
	s2 =	simm.s32 @!p0 $0x1C03  }
0x358: {  	[timem:s3], [sflag:s2] =	dma.local @!p0 [hbm:s0], s1  }
0x359: {  	s0 =	simm.s32 @!p0 $0x3  }
0x35a: {  	_ =	swait.ge @!p0 [sflag:s0], s1  }
0x35b: {  	s1 =	ssub.s32 @!p0 $0x0, s1;
	[sflag:s0] =	ssyncset.done @!p0 $0x0  }
0x35c: {  	[sflag:s0] =	ssyncadd.s32 @!p0 s1  }
0x35d: {  	[bflag:$0x3] =	sbarrier.arrive $0xFFFF  }
0x35e: {  	_ =	shalt  }

</sc_bundles>
